<compile_context>
chip_gen: v7x
topology: tpu7x:2x2x1
jax: 0.10.2.dev20260603
libtpu: 0.0.44.dev20260713+nightly
codegen_flags: <defaults>
</compile_context>

<pallas_src>
import functools

import jax
import jax.numpy as jnp
from jax import lax
from jax.experimental import pallas as pl
from jax.experimental.pallas import tpu as pltpu
from jax.experimental.pallas import tpu_sc as plsc

B = 16384

try:
    _info = plsc.get_sparse_core_info()
    NC, NS, L = _info.num_cores, _info.num_subcores, _info.num_lanes
except Exception:
    NC, NS, L = 2, 16, 16
NW = NC * NS
CPW = B // NW
HALF = CPW // 2
NCHUNK_H = HALF // L

_ERR = 0.09
_THR2 = 0.03


def _ranks(v):
    one = jnp.ones(v[0].shape, jnp.int32)
    zero = jnp.zeros(v[0].shape, jnp.int32)
    c = {}
    for a in range(4):
        for b in range(a + 1, 4):
            c[(a, b)] = jnp.where(v[a] <= v[b], one, zero)
    r0 = (one + one + one) - c[(0, 1)] - c[(0, 2)] - c[(0, 3)]
    r1 = (one + one) + c[(0, 1)] - c[(1, 2)] - c[(1, 3)]
    r2 = one + c[(0, 2)] + c[(1, 2)] - c[(2, 3)]
    r3 = c[(0, 3)] + c[(1, 3)] + c[(2, 3)]
    return [r0, r1, r2, r3]


def _group_body(p, t):
    shape = p[0].shape
    m = jnp.maximum(jnp.maximum(p[0], p[1]), jnp.maximum(p[2], p[3]))
    u = [jnp.exp(pk - m) for pk in p]
    s = u[0] + u[1] + u[2] + u[3]
    r3s = jnp.float32(3.0) / s
    o = [uk * r3s for uk in u]

    close4 = ((jnp.abs(o[0] - t[0]) <= _ERR) & (jnp.abs(o[1] - t[1]) <= _ERR)
              & (jnp.abs(o[2] - t[2]) <= _ERR) & (jnp.abs(o[3] - t[3]) <= _ERR))

    a0 = jnp.minimum(t[0], t[1]); a1 = jnp.maximum(t[0], t[1])
    b2 = jnp.minimum(t[2], t[3]); b3 = jnp.maximum(t[2], t[3])
    s0 = jnp.minimum(a0, b2); c2 = jnp.maximum(a0, b2)
    c1 = jnp.minimum(a1, b3)
    s1 = jnp.minimum(c1, c2); s2 = jnp.maximum(c1, c2)
    diff1 = jnp.abs(s0 - s1)
    diff2 = jnp.abs(s2 - s1)

    rt = _ranks(t)
    ro = _ranks(o)
    e = [ro[i] == rt[i] for i in range(4)]

    lt1 = diff1 < _THR2
    lt2 = diff2 < _THR2
    jump = close4 & ((lt1 & lt2) | (lt1 & e[2]) | (lt2 & e[0]))

    ione = jnp.ones(shape, jnp.int32)
    izero = jnp.zeros(shape, jnp.int32)

    iz = [jnp.where(t[k] == 0.0, ione, izero) for k in range(4)]
    judge0 = iz[0] + iz[1] + iz[2] + iz[3]
    eq_all = e[0] & e[2] & e[3]

    cnt = izero
    for i in range(4):
        cnt = cnt + jnp.where(e[i] & (ro[i] >= 2), ione, izero)
    cond_j2 = cnt == 2
    cond_j3 = ro[3] == 3

    one = jnp.full(shape, 1.0, jnp.float32)
    zero = jnp.full(shape, 0.0, jnp.float32)
    branch23 = jnp.where(judge0 == 2, jnp.where(cond_j2, one, zero),
                         jnp.where(judge0 == 3, jnp.where(cond_j3, one, zero), zero))
    j_lt2 = judge0 < 2
    calc = jnp.where(jump | j_lt2, one, branch23)
    acc = jnp.where(jump, one,
                    jnp.where(j_lt2, jnp.where(eq_all, one, zero), branch23))
    return calc, acc


def _contrib_valid(calc_num, acc_sum):
    one = jnp.full(calc_num.shape, 1.0, jnp.float32)
    zero = jnp.full(calc_num.shape, 0.0, jnp.float32)
    nz = calc_num != zero
    contrib = jnp.where(nz, acc_sum / jnp.maximum(calc_num, one), zero)
    valid = jnp.where(nz, one, zero)
    return contrib, valid


def _make_kernel():
    mesh = plsc.VectorSubcoreMesh(core_axis_name="c", subcore_axis_name="s")

    @functools.partial(
        pl.kernel,
        mesh=mesh,
        out_type=jax.ShapeDtypeStruct((NW, 2, L), jnp.float32),
        scratch_types=[
            pltpu.VMEM((48, CPW), jnp.float32),
            pltpu.VMEM((2, L), jnp.float32),
            pltpu.SemaphoreType.DMA,
            pltpu.SemaphoreType.DMA,
        ],
    )
    def recall_sc(x_hbm, out_hbm, x_v, acc_v, sem_a, sem_b):
        wid = lax.axis_index("s") * NC + lax.axis_index("c")
        cp_a = pltpu.async_copy(x_hbm.at[wid, :, pl.ds(0, HALF)],
                                x_v.at[:, pl.ds(0, HALF)], sem_a)
        cp_b = pltpu.async_copy(x_hbm.at[wid, :, pl.ds(HALF, HALF)],
                                x_v.at[:, pl.ds(HALF, HALF)], sem_b)

        def chunk(ci, carry):
            contrib_acc, valid_acc = carry
            base = pl.multiple_of(ci * L, L)
            calc_num = jnp.zeros((L,), jnp.float32)
            acc_sum = jnp.zeros((L,), jnp.float32)
            for g in range(6):
                p = [x_v[4 * g + k, pl.ds(base, L)] for k in range(4)]
                t = [x_v[24 + 4 * g + k, pl.ds(base, L)] for k in range(4)]
                calc, acc = _group_body(p, t)
                calc_num = calc_num + calc
                acc_sum = acc_sum + acc
            contrib, valid = _contrib_valid(calc_num, acc_sum)
            return contrib_acc + contrib, valid_acc + valid

        zeros = (jnp.zeros((L,), jnp.float32), jnp.zeros((L,), jnp.float32))
        cp_a.wait()

        mid = plsc.parallel_loop(0, NCHUNK_H, carry=zeros)(chunk)
        cp_b.wait()
        contrib_acc, valid_acc = plsc.parallel_loop(
            NCHUNK_H, 2 * NCHUNK_H, carry=mid)(chunk)
        acc_v[0, :] = contrib_acc
        acc_v[1, :] = valid_acc
        pltpu.sync_copy(acc_v, out_hbm.at[wid])

    return recall_sc


_recall_sc_cache = []


def kernel(pre, tar):
    if not _recall_sc_cache:
        _recall_sc_cache.append(_make_kernel())
    x = jnp.concatenate([pre[:, :24], tar[:, :24]], axis=1)
    x_r = x.T.reshape(48, NW, CPW).transpose(1, 0, 2)
    parts = _recall_sc_cache[0](x_r)
    contrib_total = jnp.sum(parts[:, 0, :])
    valid_total = jnp.sum(parts[:, 1, :])
    return jnp.where(valid_total == 0.0, jnp.float32(0.0),
                     contrib_total / jnp.maximum(valid_total, 1.0))

# --- scband reference (transcript-rebuilt; emitter-appended) ---
"""Pipeline reference for scband-test-recall-5935644803608 (READ-ONLY COPY).

The authoritative reference and input builder live on the scoring server;
editing this copy changes nothing except your own understanding.
"""

import jax, jax.numpy as jnp
import numpy as np

B = 16384


def setup_inputs(seed: int = 0) -> dict:
    key = jax.random.key(seed)
    k1, k2 = jax.random.split(key)
    pre = jax.random.normal(k1, (B, 25), dtype=jnp.float32)
    tar = jax.random.uniform(k2, (B, 25), dtype=jnp.float32)
    return {"pre": pre, "tar": tar}


def _loss(pre, tar):
    expand = 1
    allv = 3.0 * expand
    pre_g = pre[:, :24].reshape(-1, 6, 4)
    tar_g = tar[:, :24].reshape(-1, 6, 4)
    out = allv * jax.nn.softmax(pre_g, axis=-1)
    _out24 = jax.nn.relu(pre[:, 24])  # computed in original forward, unused by loss
    error = allv * 0.03
    thr2 = allv * 0.01
    # judge_reall, vectorized over [B, 6] groups
    close4 = jnp.sum(jnp.abs(out - tar_g) <= error, axis=-1) == 4
    sort_tar = jnp.sort(tar_g, axis=-1)
    tagtar = jnp.argsort(tar_g, axis=-1)
    tagout = jnp.argsort(out, axis=-1)
    diff1 = jnp.abs(sort_tar[..., 0] - sort_tar[..., 1])
    diff2 = jnp.abs(sort_tar[..., 2] - sort_tar[..., 1])
    # position of original index 2 / 0 in the sorted order (nonzero(tag == c).squeeze())
    pos2_out = jnp.argmax(tagout == 2, axis=-1)
    pos2_tar = jnp.argmax(tagtar == 2, axis=-1)
    pos0_out = jnp.argmax(tagout == 0, axis=-1)
    pos0_tar = jnp.argmax(tagtar == 0, axis=-1)
    cond_a = (diff1 < thr2) & (diff2 < thr2)
    cond_b = (diff1 < thr2) & (pos2_out == pos2_tar)
    cond_c = (diff2 < thr2) & (pos0_out == pos0_tar)
    jump = close4 & (cond_a | cond_b | cond_c)
    judge0 = jnp.sum(tar_g == 0, axis=-1)
    eq_all = jnp.all(tagout == tagtar, axis=-1)
    cond_j2 = (tagout[..., 2] == tagtar[..., 2]) & (tagout[..., 3] == tagtar[..., 3])
    cond_j3 = tagout[..., 3].astype(jnp.float32) >= allv * 0.9
    one = jnp.float32(1.0)
    zero = jnp.float32(0.0)
    branch23 = jnp.where(judge0 == 2, jnp.where(cond_j2, one, zero),
                         jnp.where(judge0 == 3, jnp.where(cond_j3, one, zero), zero))
    calc = jnp.where(jump, one, jnp.where(judge0 < 2, one, branch23))
    acc = jnp.where(jump, one, jnp.where(judge0 < 2, jnp.where(eq_all, one, zero), branch23))
    calc_num = jnp.sum(calc, axis=1)
    acc_sum = jnp.sum(acc, axis=1)
    contrib = jnp.where(calc_num != 0, acc_sum / jnp.maximum(calc_num, one), zero)
    valid = jnp.sum(jnp.where(calc_num != 0, one, zero))
    loss = jnp.where(valid == 0, zero, jnp.sum(contrib) / jnp.maximum(valid, one))
    return loss


def reference(pre, tar):
    return _loss(pre, tar)

if __name__ == "__main__":
    import jax
    _d = setup_inputs()
    print(jax.jit(kernel)(*tuple(_d.values())))

</pallas_src>

<mosaic_0001>
#map = affine_map<(d0, d1) -> (0, 0, 0)>
module attributes {stable_mosaic.version = 14 : i64} {
  func.func @recall_sc(%arg0: i32, %arg1: i32, %arg2: memref<32x48x512xf32, #tpu.memory_space<hbm>>, %arg3: memref<32x2x16xf32, #tpu.memory_space<hbm>>, %arg4: memref<48x512xf32, #tpu.memory_space<vmem>>, %arg5: memref<2x16xf32, #tpu.memory_space<vmem>>, %arg6: memref<!tpu.dma_semaphore, #tpu.memory_space<semaphore_mem>>, %arg7: memref<!tpu.dma_semaphore, #tpu.memory_space<semaphore_mem>>) attributes {dimension_semantics = [#tpu.dimension_semantics<core_parallel>, #tpu.dimension_semantics<subcore_parallel>], iteration_bounds = array<i64: 2, 16>, scalar_prefetch = 0 : i64, scratch_operands = 4 : i64, tpu.core_type = #tpu.core_type<sc_vector_subcore>, window_params = [{transform_indices = #map}, {transform_indices = #map}]} {
    %mul3A = arith.constant 2 : i32
    %mul3A_0 = arith.muli %arg1, %mul3A : i32
    %add3A = arith.addi %mul3A_0, %arg0 : i32
    %dma_start3A = arith.constant 0 : i32
    %dma_start3A_1 = arith.constant 0 : i32
    %dma_start3A_2 = tpu.memref_slice %arg4[%dma_start3A, %dma_start3A_1] : memref<48x512xf32, #tpu.memory_space<vmem>> -> memref<48x256xf32, #tpu.memory_space<vmem>>
    %dma_start3A_3 = arith.constant 0 : i32
    %dma_start3A_4 = arith.constant 0 : i32
    %dma_start3A_5 = tpu.memref_slice %arg2[%add3A, %dma_start3A_3, %dma_start3A_4] : memref<32x48x512xf32, #tpu.memory_space<hbm>> -> memref<1x48x256xf32, #tpu.memory_space<hbm>>
    %dma_start3A_6 = tpu.memref_squeeze %dma_start3A_5 : memref<1x48x256xf32, #tpu.memory_space<hbm>> -> memref<48x256xf32, #tpu.memory_space<hbm>>
    %dma_start3A_7 = arith.constant 0 : i32
    %dma_start3A_8 = arith.constant 0 : i32
    %dma_start3A_9 = tpu.memref_slice %arg4[%dma_start3A_7, %dma_start3A_8] : memref<48x512xf32, #tpu.memory_space<vmem>> -> memref<48x256xf32, #tpu.memory_space<vmem>>
    %dma_start3A_10 = arith.constant 0 : i32
    %dma_start3A_11 = arith.constant 0 : i32
    %dma_start3A_12 = tpu.memref_slice %arg2[%add3A, %dma_start3A_10, %dma_start3A_11] : memref<32x48x512xf32, #tpu.memory_space<hbm>> -> memref<1x48x256xf32, #tpu.memory_space<hbm>>
    %dma_start3A_13 = tpu.memref_squeeze %dma_start3A_12 : memref<1x48x256xf32, #tpu.memory_space<hbm>> -> memref<48x256xf32, #tpu.memory_space<hbm>>
    tpu.enqueue_dma source(%dma_start3A_13 : memref<48x256xf32, #tpu.memory_space<hbm>>) target(%dma_start3A_9 : memref<48x256xf32, #tpu.memory_space<vmem>>) target_semaphore(%arg6 : memref<!tpu.dma_semaphore, #tpu.memory_space<semaphore_mem>>)
    %dma_start3A_14 = arith.constant 0 : i32
    %dma_start3A_15 = arith.constant 256 : i32
    %dma_start3A_16 = tpu.memref_slice %arg4[%dma_start3A_14, %dma_start3A_15] : memref<48x512xf32, #tpu.memory_space<vmem>> -> memref<48x256xf32, #tpu.memory_space<vmem>>
    %dma_start3A_17 = arith.constant 0 : i32
    %dma_start3A_18 = arith.constant 256 : i32
    %dma_start3A_19 = tpu.memref_slice %arg2[%add3A, %dma_start3A_17, %dma_start3A_18] : memref<32x48x512xf32, #tpu.memory_space<hbm>> -> memref<1x48x256xf32, #tpu.memory_space<hbm>>
    %dma_start3A_20 = tpu.memref_squeeze %dma_start3A_19 : memref<1x48x256xf32, #tpu.memory_space<hbm>> -> memref<48x256xf32, #tpu.memory_space<hbm>>
    %dma_start3A_21 = arith.constant 0 : i32
    %dma_start3A_22 = arith.constant 256 : i32
    %dma_start3A_23 = tpu.memref_slice %arg4[%dma_start3A_21, %dma_start3A_22] : memref<48x512xf32, #tpu.memory_space<vmem>> -> memref<48x256xf32, #tpu.memory_space<vmem>>
    %dma_start3A_24 = arith.constant 0 : i32
    %dma_start3A_25 = arith.constant 256 : i32
    %dma_start3A_26 = tpu.memref_slice %arg2[%add3A, %dma_start3A_24, %dma_start3A_25] : memref<32x48x512xf32, #tpu.memory_space<hbm>> -> memref<1x48x256xf32, #tpu.memory_space<hbm>>
    %dma_start3A_27 = tpu.memref_squeeze %dma_start3A_26 : memref<1x48x256xf32, #tpu.memory_space<hbm>> -> memref<48x256xf32, #tpu.memory_space<hbm>>
    tpu.enqueue_dma source(%dma_start3A_27 : memref<48x256xf32, #tpu.memory_space<hbm>>) target(%dma_start3A_23 : memref<48x256xf32, #tpu.memory_space<vmem>>) target_semaphore(%arg7 : memref<!tpu.dma_semaphore, #tpu.memory_space<semaphore_mem>>)
    %broadcast_in_dim3A = arith.constant 0.000000e+00 : f32
    %broadcast_in_dim3A_28 = vector.broadcast %broadcast_in_dim3A : f32 to vector<16xf32>
    %broadcast_in_dim3A_29 = arith.constant 0.000000e+00 : f32
    %broadcast_in_dim3A_30 = vector.broadcast %broadcast_in_dim3A_29 : f32 to vector<16xf32>
    %dma_wait3A = arith.constant 0 : i32
    %dma_wait3A_31 = arith.constant 0 : i32
    %dma_wait3A_32 = tpu.memref_slice %arg4[%dma_wait3A, %dma_wait3A_31] : memref<48x512xf32, #tpu.memory_space<vmem>> -> memref<48x256xf32, #tpu.memory_space<vmem>>
    %dma_wait3A_33 = arith.constant 0 : i32
    %dma_wait3A_34 = arith.constant 0 : i32
    %dma_wait3A_35 = tpu.memref_slice %arg2[%add3A, %dma_wait3A_33, %dma_wait3A_34] : memref<32x48x512xf32, #tpu.memory_space<hbm>> -> memref<1x48x256xf32, #tpu.memory_space<hbm>>
    %dma_wait3A_36 = tpu.memref_squeeze %dma_wait3A_35 : memref<1x48x256xf32, #tpu.memory_space<hbm>> -> memref<48x256xf32, #tpu.memory_space<hbm>>
    %dma_wait3A_37 = arith.constant 0 : i32
    %dma_wait3A_38 = arith.constant 0 : i32
    %dma_wait3A_39 = tpu.memref_slice %arg4[%dma_wait3A_37, %dma_wait3A_38] : memref<48x512xf32, #tpu.memory_space<vmem>> -> memref<48x256xf32, #tpu.memory_space<vmem>>
    %dma_wait3A_40 = arith.constant 0 : i32
    %dma_wait3A_41 = arith.constant 0 : i32
    %dma_wait3A_42 = tpu.memref_slice %arg2[%add3A, %dma_wait3A_40, %dma_wait3A_41] : memref<32x48x512xf32, #tpu.memory_space<hbm>> -> memref<1x48x256xf32, #tpu.memory_space<hbm>>
    %dma_wait3A_43 = tpu.memref_squeeze %dma_wait3A_42 : memref<1x48x256xf32, #tpu.memory_space<hbm>> -> memref<48x256xf32, #tpu.memory_space<hbm>>
    tpu.wait_dma2 semaphore(%arg6 : memref<!tpu.dma_semaphore, #tpu.memory_space<semaphore_mem>>) src(%dma_wait3A_43 : memref<48x256xf32, #tpu.memory_space<hbm>>) dst(%dma_wait3A_39 : memref<48x256xf32, #tpu.memory_space<vmem>>)
    %parallel_loop3A = arith.constant 0 : i32
    %parallel_loop3A_44 = arith.constant 16 : i32
    %parallel_loop3A_45 = arith.constant 1 : i32
    %parallel_loop3A_46:2 = scf.for %parallel_loop3A_76 = %parallel_loop3A to %parallel_loop3A_44 step %parallel_loop3A_45 iter_args(%parallel_loop3A_77 = %broadcast_in_dim3A_28, %parallel_loop3A_78 = %broadcast_in_dim3A_30) -> (vector<16xf32>, vector<16xf32>)  : i32 {
      %parallel_loop3A_79 = arith.constant 16 : i32
      %parallel_loop3A_80 = arith.muli %parallel_loop3A_76, %parallel_loop3A_79 : i32
      %parallel_loop3A_81 = tpu.assume_multiple %parallel_loop3A_80, 16 : i32
      %parallel_loop3A_82 = arith.constant 0.000000e+00 : f32
      %parallel_loop3A_83 = vector.broadcast %parallel_loop3A_82 : f32 to vector<16xf32>
      %parallel_loop3A_84 = arith.constant 0.000000e+00 : f32
      %parallel_loop3A_85 = vector.broadcast %parallel_loop3A_84 : f32 to vector<16xf32>
      %parallel_loop3A_86 = arith.constant 0 : i32
      %parallel_loop3A_87 = arith.index_cast %parallel_loop3A_86 : i32 to index
      %parallel_loop3A_88 = arith.index_cast %parallel_loop3A_81 : i32 to index
      %parallel_loop3A_89 = tpu.vector_load %arg4[%parallel_loop3A_87, %parallel_loop3A_88] {strides = array<i32>} : memref<48x512xf32, #tpu.memory_space<vmem>>, vector<1x16xf32>,
      %parallel_loop3A_90 = vector.shape_cast %parallel_loop3A_89 : vector<1x16xf32> to vector<16xf32>
      %parallel_loop3A_91 = arith.constant 1 : i32
      %parallel_loop3A_92 = arith.index_cast %parallel_loop3A_91 : i32 to index
      %parallel_loop3A_93 = arith.index_cast %parallel_loop3A_81 : i32 to index
      %parallel_loop3A_94 = tpu.vector_load %arg4[%parallel_loop3A_92, %parallel_loop3A_93] {strides = array<i32>} : memref<48x512xf32, #tpu.memory_space<vmem>>, vector<1x16xf32>,
      %parallel_loop3A_95 = vector.shape_cast %parallel_loop3A_94 : vector<1x16xf32> to vector<16xf32>
      %parallel_loop3A_96 = arith.constant 2 : i32
      %parallel_loop3A_97 = arith.index_cast %parallel_loop3A_96 : i32 to index
      %parallel_loop3A_98 = arith.index_cast %parallel_loop3A_81 : i32 to index
      %parallel_loop3A_99 = tpu.vector_load %arg4[%parallel_loop3A_97, %parallel_loop3A_98] {strides = array<i32>} : memref<48x512xf32, #tpu.memory_space<vmem>>, vector<1x16xf32>,
      %parallel_loop3A_100 = vector.shape_cast %parallel_loop3A_99 : vector<1x16xf32> to vector<16xf32>
      %parallel_loop3A_101 = arith.constant 3 : i32
      %parallel_loop3A_102 = arith.index_cast %parallel_loop3A_101 : i32 to index
      %parallel_loop3A_103 = arith.index_cast %parallel_loop3A_81 : i32 to index
      %parallel_loop3A_104 = tpu.vector_load %arg4[%parallel_loop3A_102, %parallel_loop3A_103] {strides = array<i32>} : memref<48x512xf32, #tpu.memory_space<vmem>>, vector<1x16xf32>,
      %parallel_loop3A_105 = vector.shape_cast %parallel_loop3A_104 : vector<1x16xf32> to vector<16xf32>
      %parallel_loop3A_106 = arith.constant 24 : i32
      %parallel_loop3A_107 = arith.index_cast %parallel_loop3A_106 : i32 to index
      %parallel_loop3A_108 = arith.index_cast %parallel_loop3A_81 : i32 to index
      %parallel_loop3A_109 = tpu.vector_load %arg4[%parallel_loop3A_107, %parallel_loop3A_108] {strides = array<i32>} : memref<48x512xf32, #tpu.memory_space<vmem>>, vector<1x16xf32>,
      %parallel_loop3A_110 = vector.shape_cast %parallel_loop3A_109 : vector<1x16xf32> to vector<16xf32>
      %parallel_loop3A_111 = arith.constant 25 : i32
      %parallel_loop3A_112 = arith.index_cast %parallel_loop3A_111 : i32 to index
      %parallel_loop3A_113 = arith.index_cast %parallel_loop3A_81 : i32 to index
      %parallel_loop3A_114 = tpu.vector_load %arg4[%parallel_loop3A_112, %parallel_loop3A_113] {strides = array<i32>} : memref<48x512xf32, #tpu.memory_space<vmem>>, vector<1x16xf32>,
      %parallel_loop3A_115 = vector.shape_cast %parallel_loop3A_114 : vector<1x16xf32> to vector<16xf32>
      %parallel_loop3A_116 = arith.constant 26 : i32
      %parallel_loop3A_117 = arith.index_cast %parallel_loop3A_116 : i32 to index
      %parallel_loop3A_118 = arith.index_cast %parallel_loop3A_81 : i32 to index
      %parallel_loop3A_119 = tpu.vector_load %arg4[%parallel_loop3A_117, %parallel_loop3A_118] {strides = array<i32>} : memref<48x512xf32, #tpu.memory_space<vmem>>, vector<1x16xf32>,
      %parallel_loop3A_120 = vector.shape_cast %parallel_loop3A_119 : vector<1x16xf32> to vector<16xf32>
      %parallel_loop3A_121 = arith.constant 27 : i32
      %parallel_loop3A_122 = arith.index_cast %parallel_loop3A_121 : i32 to index
      %parallel_loop3A_123 = arith.index_cast %parallel_loop3A_81 : i32 to index
      %parallel_loop3A_124 = tpu.vector_load %arg4[%parallel_loop3A_122, %parallel_loop3A_123] {strides = array<i32>} : memref<48x512xf32, #tpu.memory_space<vmem>>, vector<1x16xf32>,
      %parallel_loop3A_125 = vector.shape_cast %parallel_loop3A_124 : vector<1x16xf32> to vector<16xf32>
      %parallel_loop3A_126 = arith.maximumf %parallel_loop3A_90, %parallel_loop3A_95 : vector<16xf32>
      %parallel_loop3A_127 = arith.maximumf %parallel_loop3A_100, %parallel_loop3A_105 : vector<16xf32>
      %parallel_loop3A_128 = arith.maximumf %parallel_loop3A_126, %parallel_loop3A_127 : vector<16xf32>
      %parallel_loop3A_129 = arith.subf %parallel_loop3A_90, %parallel_loop3A_128 : vector<16xf32>
      %parallel_loop3A_130 = math.exp %parallel_loop3A_129 : vector<16xf32>
      %parallel_loop3A_131 = arith.subf %parallel_loop3A_95, %parallel_loop3A_128 : vector<16xf32>
      %parallel_loop3A_132 = math.exp %parallel_loop3A_131 : vector<16xf32>
      %parallel_loop3A_133 = arith.subf %parallel_loop3A_100, %parallel_loop3A_128 : vector<16xf32>
      %parallel_loop3A_134 = math.exp %parallel_loop3A_133 : vector<16xf32>
      %parallel_loop3A_135 = arith.subf %parallel_loop3A_105, %parallel_loop3A_128 : vector<16xf32>
      %parallel_loop3A_136 = math.exp %parallel_loop3A_135 : vector<16xf32>
      %parallel_loop3A_137 = arith.addf %parallel_loop3A_130, %parallel_loop3A_132 : vector<16xf32>
      %parallel_loop3A_138 = arith.addf %parallel_loop3A_137, %parallel_loop3A_134 : vector<16xf32>
      %parallel_loop3A_139 = arith.addf %parallel_loop3A_138, %parallel_loop3A_136 : vector<16xf32>
      %parallel_loop3A_140 = arith.constant 3.000000e+00 : f32
      %parallel_loop3A_141 = vector.broadcast %parallel_loop3A_140 : f32 to vector<16xf32>
      %parallel_loop3A_142 = arith.divf %parallel_loop3A_141, %parallel_loop3A_139 : vector<16xf32>
      %parallel_loop3A_143 = arith.mulf %parallel_loop3A_130, %parallel_loop3A_142 : vector<16xf32>
      %parallel_loop3A_144 = arith.mulf %parallel_loop3A_132, %parallel_loop3A_142 : vector<16xf32>
      %parallel_loop3A_145 = arith.mulf %parallel_loop3A_134, %parallel_loop3A_142 : vector<16xf32>
      %parallel_loop3A_146 = arith.mulf %parallel_loop3A_136, %parallel_loop3A_142 : vector<16xf32>
      %parallel_loop3A_147 = arith.subf %parallel_loop3A_143, %parallel_loop3A_110 : vector<16xf32>
      %parallel_loop3A_148 = math.absf %parallel_loop3A_147 : vector<16xf32>
      %parallel_loop3A_149 = arith.constant 9.000000e-02 : f32
      %parallel_loop3A_150 = vector.broadcast %parallel_loop3A_149 : f32 to vector<16xf32>
      %parallel_loop3A_151 = arith.cmpf ole, %parallel_loop3A_148, %parallel_loop3A_150 : vector<16xf32>
      %parallel_loop3A_152 = arith.subf %parallel_loop3A_144, %parallel_loop3A_115 : vector<16xf32>
      %parallel_loop3A_153 = math.absf %parallel_loop3A_152 : vector<16xf32>
      %parallel_loop3A_154 = arith.constant 9.000000e-02 : f32
      %parallel_loop3A_155 = vector.broadcast %parallel_loop3A_154 : f32 to vector<16xf32>
      %parallel_loop3A_156 = arith.cmpf ole, %parallel_loop3A_153, %parallel_loop3A_155 : vector<16xf32>
      %parallel_loop3A_157 = arith.andi %parallel_loop3A_151, %parallel_loop3A_156 : vector<16xi1>
      %parallel_loop3A_158 = arith.subf %parallel_loop3A_145, %parallel_loop3A_120 : vector<16xf32>
      %parallel_loop3A_159 = math.absf %parallel_loop3A_158 : vector<16xf32>
      %parallel_loop3A_160 = arith.constant 9.000000e-02 : f32
      %parallel_loop3A_161 = vector.broadcast %parallel_loop3A_160 : f32 to vector<16xf32>
      %parallel_loop3A_162 = arith.cmpf ole, %parallel_loop3A_159, %parallel_loop3A_161 : vector<16xf32>
      %parallel_loop3A_163 = arith.andi %parallel_loop3A_157, %parallel_loop3A_162 : vector<16xi1>
      %parallel_loop3A_164 = arith.subf %parallel_loop3A_146, %parallel_loop3A_125 : vector<16xf32>
      %parallel_loop3A_165 = math.absf %parallel_loop3A_164 : vector<16xf32>
      %parallel_loop3A_166 = arith.constant 9.000000e-02 : f32
      %parallel_loop3A_167 = vector.broadcast %parallel_loop3A_166 : f32 to vector<16xf32>
      %parallel_loop3A_168 = arith.cmpf ole, %parallel_loop3A_165, %parallel_loop3A_167 : vector<16xf32>
      %parallel_loop3A_169 = arith.andi %parallel_loop3A_163, %parallel_loop3A_168 : vector<16xi1>
      %parallel_loop3A_170 = arith.minimumf %parallel_loop3A_110, %parallel_loop3A_115 : vector<16xf32>
      %parallel_loop3A_171 = arith.maximumf %parallel_loop3A_110, %parallel_loop3A_115 : vector<16xf32>
      %parallel_loop3A_172 = arith.minimumf %parallel_loop3A_120, %parallel_loop3A_125 : vector<16xf32>
      %parallel_loop3A_173 = arith.maximumf %parallel_loop3A_120, %parallel_loop3A_125 : vector<16xf32>
      %parallel_loop3A_174 = arith.minimumf %parallel_loop3A_170, %parallel_loop3A_172 : vector<16xf32>
      %parallel_loop3A_175 = arith.maximumf %parallel_loop3A_170, %parallel_loop3A_172 : vector<16xf32>
      %parallel_loop3A_176 = arith.minimumf %parallel_loop3A_171, %parallel_loop3A_173 : vector<16xf32>
      %parallel_loop3A_177 = arith.minimumf %parallel_loop3A_176, %parallel_loop3A_175 : vector<16xf32>
      %parallel_loop3A_178 = arith.maximumf %parallel_loop3A_176, %parallel_loop3A_175 : vector<16xf32>
      %parallel_loop3A_179 = arith.subf %parallel_loop3A_174, %parallel_loop3A_177 : vector<16xf32>
      %parallel_loop3A_180 = math.absf %parallel_loop3A_179 : vector<16xf32>
      %parallel_loop3A_181 = arith.subf %parallel_loop3A_178, %parallel_loop3A_177 : vector<16xf32>
      %parallel_loop3A_182 = math.absf %parallel_loop3A_181 : vector<16xf32>
      %parallel_loop3A_183 = arith.constant 1 : i32
      %parallel_loop3A_184 = vector.broadcast %parallel_loop3A_183 : i32 to vector<16xi32>
      %parallel_loop3A_185 = arith.constant 0 : i32
      %parallel_loop3A_186 = vector.broadcast %parallel_loop3A_185 : i32 to vector<16xi32>
      %parallel_loop3A_187 = arith.cmpf ole, %parallel_loop3A_110, %parallel_loop3A_115 : vector<16xf32>
      %parallel_loop3A_188 = arith.select %parallel_loop3A_187, %parallel_loop3A_184, %parallel_loop3A_186 : vector<16xi1>, vector<16xi32>
      %parallel_loop3A_189 = arith.cmpf ole, %parallel_loop3A_110, %parallel_loop3A_120 : vector<16xf32>
      %parallel_loop3A_190 = arith.select %parallel_loop3A_189, %parallel_loop3A_184, %parallel_loop3A_186 : vector<16xi1>, vector<16xi32>
      %parallel_loop3A_191 = arith.cmpf ole, %parallel_loop3A_110, %parallel_loop3A_125 : vector<16xf32>
      %parallel_loop3A_192 = arith.select %parallel_loop3A_191, %parallel_loop3A_184, %parallel_loop3A_186 : vector<16xi1>, vector<16xi32>
      %parallel_loop3A_193 = arith.cmpf ole, %parallel_loop3A_115, %parallel_loop3A_120 : vector<16xf32>
      %parallel_loop3A_194 = arith.select %parallel_loop3A_193, %parallel_loop3A_184, %parallel_loop3A_186 : vector<16xi1>, vector<16xi32>
      %parallel_loop3A_195 = arith.cmpf ole, %parallel_loop3A_115, %parallel_loop3A_125 : vector<16xf32>
      %parallel_loop3A_196 = arith.select %parallel_loop3A_195, %parallel_loop3A_184, %parallel_loop3A_186 : vector<16xi1>, vector<16xi32>
      %parallel_loop3A_197 = arith.cmpf ole, %parallel_loop3A_120, %parallel_loop3A_125 : vector<16xf32>
      %parallel_loop3A_198 = arith.select %parallel_loop3A_197, %parallel_loop3A_184, %parallel_loop3A_186 : vector<16xi1>, vector<16xi32>
      %parallel_loop3A_199 = arith.addi %parallel_loop3A_184, %parallel_loop3A_184 : vector<16xi32>
      %parallel_loop3A_200 = arith.addi %parallel_loop3A_199, %parallel_loop3A_184 : vector<16xi32>
      %parallel_loop3A_201 = arith.subi %parallel_loop3A_200, %parallel_loop3A_188 : vector<16xi32>
      %parallel_loop3A_202 = arith.subi %parallel_loop3A_201, %parallel_loop3A_190 : vector<16xi32>
      %parallel_loop3A_203 = arith.subi %parallel_loop3A_202, %parallel_loop3A_192 : vector<16xi32>
      %parallel_loop3A_204 = arith.addi %parallel_loop3A_184, %parallel_loop3A_184 : vector<16xi32>
      %parallel_loop3A_205 = arith.addi %parallel_loop3A_204, %parallel_loop3A_188 : vector<16xi32>
      %parallel_loop3A_206 = arith.subi %parallel_loop3A_205, %parallel_loop3A_194 : vector<16xi32>
      %parallel_loop3A_207 = arith.subi %parallel_loop3A_206, %parallel_loop3A_196 : vector<16xi32>
      %parallel_loop3A_208 = arith.addi %parallel_loop3A_184, %parallel_loop3A_190 : vector<16xi32>
      %parallel_loop3A_209 = arith.addi %parallel_loop3A_208, %parallel_loop3A_194 : vector<16xi32>
      %parallel_loop3A_210 = arith.subi %parallel_loop3A_209, %parallel_loop3A_198 : vector<16xi32>
      %parallel_loop3A_211 = arith.addi %parallel_loop3A_192, %parallel_loop3A_196 : vector<16xi32>
      %parallel_loop3A_212 = arith.addi %parallel_loop3A_211, %parallel_loop3A_198 : vector<16xi32>
      %parallel_loop3A_213 = arith.constant 1 : i32
      %parallel_loop3A_214 = vector.broadcast %parallel_loop3A_213 : i32 to vector<16xi32>
      %parallel_loop3A_215 = arith.constant 0 : i32
      %parallel_loop3A_216 = vector.broadcast %parallel_loop3A_215 : i32 to vector<16xi32>
      %parallel_loop3A_217 = arith.cmpf ole, %parallel_loop3A_143, %parallel_loop3A_144 : vector<16xf32>
      %parallel_loop3A_218 = arith.select %parallel_loop3A_217, %parallel_loop3A_214, %parallel_loop3A_216 : vector<16xi1>, vector<16xi32>
      %parallel_loop3A_219 = arith.cmpf ole, %parallel_loop3A_143, %parallel_loop3A_145 : vector<16xf32>
      %parallel_loop3A_220 = arith.select %parallel_loop3A_219, %parallel_loop3A_214, %parallel_loop3A_216 : vector<16xi1>, vector<16xi32>
      %parallel_loop3A_221 = arith.cmpf ole, %parallel_loop3A_143, %parallel_loop3A_146 : vector<16xf32>
      %parallel_loop3A_222 = arith.select %parallel_loop3A_221, %parallel_loop3A_214, %parallel_loop3A_216 : vector<16xi1>, vector<16xi32>
      %parallel_loop3A_223 = arith.cmpf ole, %parallel_loop3A_144, %parallel_loop3A_145 : vector<16xf32>
      %parallel_loop3A_224 = arith.select %parallel_loop3A_223, %parallel_loop3A_214, %parallel_loop3A_216 : vector<16xi1>, vector<16xi32>
      %parallel_loop3A_225 = arith.cmpf ole, %parallel_loop3A_144, %parallel_loop3A_146 : vector<16xf32>
      %parallel_loop3A_226 = arith.select %parallel_loop3A_225, %parallel_loop3A_214, %parallel_loop3A_216 : vector<16xi1>, vector<16xi32>
      %parallel_loop3A_227 = arith.cmpf ole, %parallel_loop3A_145, %parallel_loop3A_146 : vector<16xf32>
      %parallel_loop3A_228 = arith.select %parallel_loop3A_227, %parallel_loop3A_214, %parallel_loop3A_216 : vector<16xi1>, vector<16xi32>
      %parallel_loop3A_229 = arith.addi %parallel_loop3A_214, %parallel_loop3A_214 : vector<16xi32>
      %parallel_loop3A_230 = arith.addi %parallel_loop3A_229, %parallel_loop3A_214 : vector<16xi32>
      %parallel_loop3A_231 = arith.subi %parallel_loop3A_230, %parallel_loop3A_218 : vector<16xi32>
      %parallel_loop3A_232 = arith.subi %parallel_loop3A_231, %parallel_loop3A_220 : vector<16xi32>
      %parallel_loop3A_233 = arith.subi %parallel_loop3A_232, %parallel_loop3A_222 : vector<16xi32>
      %parallel_loop3A_234 = arith.addi %parallel_loop3A_214, %parallel_loop3A_214 : vector<16xi32>
      %parallel_loop3A_235 = arith.addi %parallel_loop3A_234, %parallel_loop3A_218 : vector<16xi32>
      %parallel_loop3A_236 = arith.subi %parallel_loop3A_235, %parallel_loop3A_224 : vector<16xi32>
      %parallel_loop3A_237 = arith.subi %parallel_loop3A_236, %parallel_loop3A_226 : vector<16xi32>
      %parallel_loop3A_238 = arith.addi %parallel_loop3A_214, %parallel_loop3A_220 : vector<16xi32>
      %parallel_loop3A_239 = arith.addi %parallel_loop3A_238, %parallel_loop3A_224 : vector<16xi32>
      %parallel_loop3A_240 = arith.subi %parallel_loop3A_239, %parallel_loop3A_228 : vector<16xi32>
      %parallel_loop3A_241 = arith.addi %parallel_loop3A_222, %parallel_loop3A_226 : vector<16xi32>
      %parallel_loop3A_242 = arith.addi %parallel_loop3A_241, %parallel_loop3A_228 : vector<16xi32>
      %parallel_loop3A_243 = arith.cmpi eq, %parallel_loop3A_233, %parallel_loop3A_203 : vector<16xi32>
      %parallel_loop3A_244 = arith.cmpi eq, %parallel_loop3A_237, %parallel_loop3A_207 : vector<16xi32>
      %parallel_loop3A_245 = arith.cmpi eq, %parallel_loop3A_240, %parallel_loop3A_210 : vector<16xi32>
      %parallel_loop3A_246 = arith.cmpi eq, %parallel_loop3A_242, %parallel_loop3A_212 : vector<16xi32>
      %parallel_loop3A_247 = arith.constant 3.000000e-02 : f32
      %parallel_loop3A_248 = vector.broadcast %parallel_loop3A_247 : f32 to vector<16xf32>
      %parallel_loop3A_249 = arith.cmpf olt, %parallel_loop3A_180, %parallel_loop3A_248 : vector<16xf32>
      %parallel_loop3A_250 = arith.constant 3.000000e-02 : f32
      %parallel_loop3A_251 = vector.broadcast %parallel_loop3A_250 : f32 to vector<16xf32>
      %parallel_loop3A_252 = arith.cmpf olt, %parallel_loop3A_182, %parallel_loop3A_251 : vector<16xf32>
      %parallel_loop3A_253 = arith.andi %parallel_loop3A_249, %parallel_loop3A_252 : vector<16xi1>
      %parallel_loop3A_254 = arith.andi %parallel_loop3A_249, %parallel_loop3A_245 : vector<16xi1>
      %parallel_loop3A_255 = arith.ori %parallel_loop3A_253, %parallel_loop3A_254 : vector<16xi1>
      %parallel_loop3A_256 = arith.andi %parallel_loop3A_252, %parallel_loop3A_243 : vector<16xi1>
      %parallel_loop3A_257 = arith.ori %parallel_loop3A_255, %parallel_loop3A_256 : vector<16xi1>
      %parallel_loop3A_258 = arith.andi %parallel_loop3A_169, %parallel_loop3A_257 : vector<16xi1>
      %parallel_loop3A_259 = arith.constant 1 : i32
      %parallel_loop3A_260 = vector.broadcast %parallel_loop3A_259 : i32 to vector<16xi32>
      %parallel_loop3A_261 = arith.constant 0 : i32
      %parallel_loop3A_262 = vector.broadcast %parallel_loop3A_261 : i32 to vector<16xi32>
      %parallel_loop3A_263 = arith.constant 0.000000e+00 : f32
      %parallel_loop3A_264 = vector.broadcast %parallel_loop3A_263 : f32 to vector<16xf32>
      %parallel_loop3A_265 = arith.cmpf oeq, %parallel_loop3A_110, %parallel_loop3A_264 : vector<16xf32>
      %parallel_loop3A_266 = arith.select %parallel_loop3A_265, %parallel_loop3A_260, %parallel_loop3A_262 : vector<16xi1>, vector<16xi32>
      %parallel_loop3A_267 = arith.constant 0.000000e+00 : f32
      %parallel_loop3A_268 = vector.broadcast %parallel_loop3A_267 : f32 to vector<16xf32>
      %parallel_loop3A_269 = arith.cmpf oeq, %parallel_loop3A_115, %parallel_loop3A_268 : vector<16xf32>
      %parallel_loop3A_270 = arith.select %parallel_loop3A_269, %parallel_loop3A_260, %parallel_loop3A_262 : vector<16xi1>, vector<16xi32>
      %parallel_loop3A_271 = arith.constant 0.000000e+00 : f32
      %parallel_loop3A_272 = vector.broadcast %parallel_loop3A_271 : f32 to vector<16xf32>
      %parallel_loop3A_273 = arith.cmpf oeq, %parallel_loop3A_120, %parallel_loop3A_272 : vector<16xf32>
      %parallel_loop3A_274 = arith.select %parallel_loop3A_273, %parallel_loop3A_260, %parallel_loop3A_262 : vector<16xi1>, vector<16xi32>
      %parallel_loop3A_275 = arith.constant 0.000000e+00 : f32
      %parallel_loop3A_276 = vector.broadcast %parallel_loop3A_275 : f32 to vector<16xf32>
      %parallel_loop3A_277 = arith.cmpf oeq, %parallel_loop3A_125, %parallel_loop3A_276 : vector<16xf32>
      %parallel_loop3A_278 = arith.select %parallel_loop3A_277, %parallel_loop3A_260, %parallel_loop3A_262 : vector<16xi1>, vector<16xi32>
      %parallel_loop3A_279 = arith.addi %parallel_loop3A_266, %parallel_loop3A_270 : vector<16xi32>
      %parallel_loop3A_280 = arith.addi %parallel_loop3A_279, %parallel_loop3A_274 : vector<16xi32>
      %parallel_loop3A_281 = arith.addi %parallel_loop3A_280, %parallel_loop3A_278 : vector<16xi32>
      %parallel_loop3A_282 = arith.andi %parallel_loop3A_243, %parallel_loop3A_245 : vector<16xi1>
      %parallel_loop3A_283 = arith.andi %parallel_loop3A_282, %parallel_loop3A_246 : vector<16xi1>
      %parallel_loop3A_284 = arith.constant 2 : i32
      %parallel_loop3A_285 = vector.broadcast %parallel_loop3A_284 : i32 to vector<16xi32>
      %parallel_loop3A_286 = arith.cmpi sge, %parallel_loop3A_233, %parallel_loop3A_285 : vector<16xi32>
      %parallel_loop3A_287 = arith.andi %parallel_loop3A_243, %parallel_loop3A_286 : vector<16xi1>
      %parallel_loop3A_288 = arith.select %parallel_loop3A_287, %parallel_loop3A_260, %parallel_loop3A_262 : vector<16xi1>, vector<16xi32>
      %parallel_loop3A_289 = arith.addi %parallel_loop3A_262, %parallel_loop3A_288 : vector<16xi32>
      %parallel_loop3A_290 = arith.constant 2 : i32
      %parallel_loop3A_291 = vector.broadcast %parallel_loop3A_290 : i32 to vector<16xi32>
      %parallel_loop3A_292 = arith.cmpi sge, %parallel_loop3A_237, %parallel_loop3A_291 : vector<16xi32>
      %parallel_loop3A_293 = arith.andi %parallel_loop3A_244, %parallel_loop3A_292 : vector<16xi1>
      %parallel_loop3A_294 = arith.select %parallel_loop3A_293, %parallel_loop3A_260, %parallel_loop3A_262 : vector<16xi1>, vector<16xi32>
      %parallel_loop3A_295 = arith.addi %parallel_loop3A_289, %parallel_loop3A_294 : vector<16xi32>
      %parallel_loop3A_296 = arith.constant 2 : i32
      %parallel_loop3A_297 = vector.broadcast %parallel_loop3A_296 : i32 to vector<16xi32>
      %parallel_loop3A_298 = arith.cmpi sge, %parallel_loop3A_240, %parallel_loop3A_297 : vector<16xi32>
      %parallel_loop3A_299 = arith.andi %parallel_loop3A_245, %parallel_loop3A_298 : vector<16xi1>
      %parallel_loop3A_300 = arith.select %parallel_loop3A_299, %parallel_loop3A_260, %parallel_loop3A_262 : vector<16xi1>, vector<16xi32>
      %parallel_loop3A_301 = arith.addi %parallel_loop3A_295, %parallel_loop3A_300 : vector<16xi32>
      %parallel_loop3A_302 = arith.constant 2 : i32
      %parallel_loop3A_303 = vector.broadcast %parallel_loop3A_302 : i32 to vector<16xi32>
      %parallel_loop3A_304 = arith.cmpi sge, %parallel_loop3A_242, %parallel_loop3A_303 : vector<16xi32>
      %parallel_loop3A_305 = arith.andi %parallel_loop3A_246, %parallel_loop3A_304 : vector<16xi1>
      %parallel_loop3A_306 = arith.select %parallel_loop3A_305, %parallel_loop3A_260, %parallel_loop3A_262 : vector<16xi1>, vector<16xi32>
      %parallel_loop3A_307 = arith.addi %parallel_loop3A_301, %parallel_loop3A_306 : vector<16xi32>
      %parallel_loop3A_308 = arith.constant 2 : i32
      %parallel_loop3A_309 = vector.broadcast %parallel_loop3A_308 : i32 to vector<16xi32>
      %parallel_loop3A_310 = arith.cmpi eq, %parallel_loop3A_307, %parallel_loop3A_309 : vector<16xi32>
      %parallel_loop3A_311 = arith.constant 3 : i32
      %parallel_loop3A_312 = vector.broadcast %parallel_loop3A_311 : i32 to vector<16xi32>
      %parallel_loop3A_313 = arith.cmpi eq, %parallel_loop3A_242, %parallel_loop3A_312 : vector<16xi32>
      %parallel_loop3A_314 = arith.constant 1.000000e+00 : f32
      %parallel_loop3A_315 = vector.broadcast %parallel_loop3A_314 : f32 to vector<16xf32>
      %parallel_loop3A_316 = arith.constant 0.000000e+00 : f32
      %parallel_loop3A_317 = vector.broadcast %parallel_loop3A_316 : f32 to vector<16xf32>
      %parallel_loop3A_318 = arith.constant 2 : i32
      %parallel_loop3A_319 = vector.broadcast %parallel_loop3A_318 : i32 to vector<16xi32>
      %parallel_loop3A_320 = arith.cmpi eq, %parallel_loop3A_281, %parallel_loop3A_319 : vector<16xi32>
      %parallel_loop3A_321 = arith.select %parallel_loop3A_310, %parallel_loop3A_315, %parallel_loop3A_317 : vector<16xi1>, vector<16xf32>
      %parallel_loop3A_322 = arith.constant 3 : i32
      %parallel_loop3A_323 = vector.broadcast %parallel_loop3A_322 : i32 to vector<16xi32>
      %parallel_loop3A_324 = arith.cmpi eq, %parallel_loop3A_281, %parallel_loop3A_323 : vector<16xi32>
      %parallel_loop3A_325 = arith.select %parallel_loop3A_313, %parallel_loop3A_315, %parallel_loop3A_317 : vector<16xi1>, vector<16xf32>
      %parallel_loop3A_326 = arith.select %parallel_loop3A_324, %parallel_loop3A_325, %parallel_loop3A_317 : vector<16xi1>, vector<16xf32>
      %parallel_loop3A_327 = arith.select %parallel_loop3A_320, %parallel_loop3A_321, %parallel_loop3A_326 : vector<16xi1>, vector<16xf32>
      %parallel_loop3A_328 = arith.constant 2 : i32
      %parallel_loop3A_329 = vector.broadcast %parallel_loop3A_328 : i32 to vector<16xi32>
      %parallel_loop3A_330 = arith.cmpi slt, %parallel_loop3A_281, %parallel_loop3A_329 : vector<16xi32>
      %parallel_loop3A_331 = arith.ori %parallel_loop3A_258, %parallel_loop3A_330 : vector<16xi1>
      %parallel_loop3A_332 = arith.select %parallel_loop3A_331, %parallel_loop3A_315, %parallel_loop3A_327 : vector<16xi1>, vector<16xf32>
      %parallel_loop3A_333 = arith.select %parallel_loop3A_283, %parallel_loop3A_315, %parallel_loop3A_317 : vector<16xi1>, vector<16xf32>
      %parallel_loop3A_334 = arith.select %parallel_loop3A_330, %parallel_loop3A_333, %parallel_loop3A_327 : vector<16xi1>, vector<16xf32>
      %parallel_loop3A_335 = arith.select %parallel_loop3A_258, %parallel_loop3A_315, %parallel_loop3A_334 : vector<16xi1>, vector<16xf32>
      %parallel_loop3A_336 = arith.addf %parallel_loop3A_83, %parallel_loop3A_332 : vector<16xf32>
      %parallel_loop3A_337 = arith.addf %parallel_loop3A_85, %parallel_loop3A_335 : vector<16xf32>
      %parallel_loop3A_338 = arith.constant 4 : i32
      %parallel_loop3A_339 = arith.index_cast %parallel_loop3A_338 : i32 to index
      %parallel_loop3A_340 = arith.index_cast %parallel_loop3A_81 : i32 to index
      %parallel_loop3A_341 = tpu.vector_load %arg4[%parallel_loop3A_339, %parallel_loop3A_340] {strides = array<i32>} : memref<48x512xf32, #tpu.memory_space<vmem>>, vector<1x16xf32>,
      %parallel_loop3A_342 = vector.shape_cast %parallel_loop3A_341 : vector<1x16xf32> to vector<16xf32>
      %parallel_loop3A_343 = arith.constant 5 : i32
      %parallel_loop3A_344 = arith.index_cast %parallel_loop3A_343 : i32 to index
      %parallel_loop3A_345 = arith.index_cast %parallel_loop3A_81 : i32 to index
      %parallel_loop3A_346 = tpu.vector_load %arg4[%parallel_loop3A_344, %parallel_loop3A_345] {strides = array<i32>} : memref<48x512xf32, #tpu.memory_space<vmem>>, vector<1x16xf32>,
      %parallel_loop3A_347 = vector.shape_cast %parallel_loop3A_346 : vector<1x16xf32> to vector<16xf32>
      %parallel_loop3A_348 = arith.constant 6 : i32
      %parallel_loop3A_349 = arith.index_cast %parallel_loop3A_348 : i32 to index
      %parallel_loop3A_350 = arith.index_cast %parallel_loop3A_81 : i32 to index
      %parallel_loop3A_351 = tpu.vector_load %arg4[%parallel_loop3A_349, %parallel_loop3A_350] {strides = array<i32>} : memref<48x512xf32, #tpu.memory_space<vmem>>, vector<1x16xf32>,
      %parallel_loop3A_352 = vector.shape_cast %parallel_loop3A_351 : vector<1x16xf32> to vector<16xf32>
      %parallel_loop3A_353 = arith.constant 7 : i32
      %parallel_loop3A_354 = arith.index_cast %parallel_loop3A_353 : i32 to index
      %parallel_loop3A_355 = arith.index_cast %parallel_loop3A_81 : i32 to index
      %parallel_loop3A_356 = tpu.vector_load %arg4[%parallel_loop3A_354, %parallel_loop3A_355] {strides = array<i32>} : memref<48x512xf32, #tpu.memory_space<vmem>>, vector<1x16xf32>,
      %parallel_loop3A_357 = vector.shape_cast %parallel_loop3A_356 : vector<1x16xf32> to vector<16xf32>
      %parallel_loop3A_358 = arith.constant 28 : i32
      %parallel_loop3A_359 = arith.index_cast %parallel_loop3A_358 : i32 to index
      %parallel_loop3A_360 = arith.index_cast %parallel_loop3A_81 : i32 to index
      %parallel_loop3A_361 = tpu.vector_load %arg4[%parallel_loop3A_359, %parallel_loop3A_360] {strides = array<i32>} : memref<48x512xf32, #tpu.memory_space<vmem>>, vector<1x16xf32>,
      %parallel_loop3A_362 = vector.shape_cast %parallel_loop3A_361 : vector<1x16xf32> to vector<16xf32>
      %parallel_loop3A_363 = arith.constant 29 : i32
      %parallel_loop3A_364 = arith.index_cast %parallel_loop3A_363 : i32 to index
      %parallel_loop3A_365 = arith.index_cast %parallel_loop3A_81 : i32 to index
      %parallel_loop3A_366 = tpu.vector_load %arg4[%parallel_loop3A_364, %parallel_loop3A_365] {strides = array<i32>} : memref<48x512xf32, #tpu.memory_space<vmem>>, vector<1x16xf32>,
      %parallel_loop3A_367 = vector.shape_cast %parallel_loop3A_366 : vector<1x16xf32> to vector<16xf32>
      %parallel_loop3A_368 = arith.constant 30 : i32
      %parallel_loop3A_369 = arith.index_cast %parallel_loop3A_368 : i32 to index
      %parallel_loop3A_370 = arith.index_cast %parallel_loop3A_81 : i32 to index
      %parallel_loop3A_371 = tpu.vector_load %arg4[%parallel_loop3A_369, %parallel_loop3A_370] {strides = array<i32>} : memref<48x512xf32, #tpu.memory_space<vmem>>, vector<1x16xf32>,
      %parallel_loop3A_372 = vector.shape_cast %parallel_loop3A_371 : vector<1x16xf32> to vector<16xf32>
      %parallel_loop3A_373 = arith.constant 31 : i32
      %parallel_loop3A_374 = arith.index_cast %parallel_loop3A_373 : i32 to index
      %parallel_loop3A_375 = arith.index_cast %parallel_loop3A_81 : i32 to index
      %parallel_loop3A_376 = tpu.vector_load %arg4[%parallel_loop3A_374, %parallel_loop3A_375] {strides = array<i32>} : memref<48x512xf32, #tpu.memory_space<vmem>>, vector<1x16xf32>,
      %parallel_loop3A_377 = vector.shape_cast %parallel_loop3A_376 : vector<1x16xf32> to vector<16xf32>
      %parallel_loop3A_378 = arith.maximumf %parallel_loop3A_342, %parallel_loop3A_347 : vector<16xf32>
      %parallel_loop3A_379 = arith.maximumf %parallel_loop3A_352, %parallel_loop3A_357 : vector<16xf32>
      %parallel_loop3A_380 = arith.maximumf %parallel_loop3A_378, %parallel_loop3A_379 : vector<16xf32>
      %parallel_loop3A_381 = arith.subf %parallel_loop3A_342, %parallel_loop3A_380 : vector<16xf32>
      %parallel_loop3A_382 = math.exp %parallel_loop3A_381 : vector<16xf32>
      %parallel_loop3A_383 = arith.subf %parallel_loop3A_347, %parallel_loop3A_380 : vector<16xf32>
      %parallel_loop3A_384 = math.exp %parallel_loop3A_383 : vector<16xf32>
      %parallel_loop3A_385 = arith.subf %parallel_loop3A_352, %parallel_loop3A_380 : vector<16xf32>
      %parallel_loop3A_386 = math.exp %parallel_loop3A_385 : vector<16xf32>
      %parallel_loop3A_387 = arith.subf %parallel_loop3A_357, %parallel_loop3A_380 : vector<16xf32>
      %parallel_loop3A_388 = math.exp %parallel_loop3A_387 : vector<16xf32>
      %parallel_loop3A_389 = arith.addf %parallel_loop3A_382, %parallel_loop3A_384 : vector<16xf32>
      %parallel_loop3A_390 = arith.addf %parallel_loop3A_389, %parallel_loop3A_386 : vector<16xf32>
      %parallel_loop3A_391 = arith.addf %parallel_loop3A_390, %parallel_loop3A_388 : vector<16xf32>
      %parallel_loop3A_392 = arith.constant 3.000000e+00 : f32
      %parallel_loop3A_393 = vector.broadcast %parallel_loop3A_392 : f32 to vector<16xf32>
      %parallel_loop3A_394 = arith.divf %parallel_loop3A_393, %parallel_loop3A_391 : vector<16xf32>
      %parallel_loop3A_395 = arith.mulf %parallel_loop3A_382, %parallel_loop3A_394 : vector<16xf32>
      %parallel_loop3A_396 = arith.mulf %parallel_loop3A_384, %parallel_loop3A_394 : vector<16xf32>
      %parallel_loop3A_397 = arith.mulf %parallel_loop3A_386, %parallel_loop3A_394 : vector<16xf32>
      %parallel_loop3A_398 = arith.mulf %parallel_loop3A_388, %parallel_loop3A_394 : vector<16xf32>
      %parallel_loop3A_399 = arith.subf %parallel_loop3A_395, %parallel_loop3A_362 : vector<16xf32>
      %parallel_loop3A_400 = math.absf %parallel_loop3A_399 : vector<16xf32>
      %parallel_loop3A_401 = arith.constant 9.000000e-02 : f32
      %parallel_loop3A_402 = vector.broadcast %parallel_loop3A_401 : f32 to vector<16xf32>
      %parallel_loop3A_403 = arith.cmpf ole, %parallel_loop3A_400, %parallel_loop3A_402 : vector<16xf32>
      %parallel_loop3A_404 = arith.subf %parallel_loop3A_396, %parallel_loop3A_367 : vector<16xf32>
      %parallel_loop3A_405 = math.absf %parallel_loop3A_404 : vector<16xf32>
      %parallel_loop3A_406 = arith.constant 9.000000e-02 : f32
      %parallel_loop3A_407 = vector.broadcast %parallel_loop3A_406 : f32 to vector<16xf32>
      %parallel_loop3A_408 = arith.cmpf ole, %parallel_loop3A_405, %parallel_loop3A_407 : vector<16xf32>
      %parallel_loop3A_409 = arith.andi %parallel_loop3A_403, %parallel_loop3A_408 : vector<16xi1>
      %parallel_loop3A_410 = arith.subf %parallel_loop3A_397, %parallel_loop3A_372 : vector<16xf32>
      %parallel_loop3A_411 = math.absf %parallel_loop3A_410 : vector<16xf32>
      %parallel_loop3A_412 = arith.constant 9.000000e-02 : f32
      %parallel_loop3A_413 = vector.broadcast %parallel_loop3A_412 : f32 to vector<16xf32>
      %parallel_loop3A_414 = arith.cmpf ole, %parallel_loop3A_411, %parallel_loop3A_413 : vector<16xf32>
      %parallel_loop3A_415 = arith.andi %parallel_loop3A_409, %parallel_loop3A_414 : vector<16xi1>
      %parallel_loop3A_416 = arith.subf %parallel_loop3A_398, %parallel_loop3A_377 : vector<16xf32>
      %parallel_loop3A_417 = math.absf %parallel_loop3A_416 : vector<16xf32>
      %parallel_loop3A_418 = arith.constant 9.000000e-02 : f32
      %parallel_loop3A_419 = vector.broadcast %parallel_loop3A_418 : f32 to vector<16xf32>
      %parallel_loop3A_420 = arith.cmpf ole, %parallel_loop3A_417, %parallel_loop3A_419 : vector<16xf32>
      %parallel_loop3A_421 = arith.andi %parallel_loop3A_415, %parallel_loop3A_420 : vector<16xi1>
      %parallel_loop3A_422 = arith.minimumf %parallel_loop3A_362, %parallel_loop3A_367 : vector<16xf32>
      %parallel_loop3A_423 = arith.maximumf %parallel_loop3A_362, %parallel_loop3A_367 : vector<16xf32>
      %parallel_loop3A_424 = arith.minimumf %parallel_loop3A_372, %parallel_loop3A_377 : vector<16xf32>
      %parallel_loop3A_425 = arith.maximumf %parallel_loop3A_372, %parallel_loop3A_377 : vector<16xf32>
      %parallel_loop3A_426 = arith.minimumf %parallel_loop3A_422, %parallel_loop3A_424 : vector<16xf32>
      %parallel_loop3A_427 = arith.maximumf %parallel_loop3A_422, %parallel_loop3A_424 : vector<16xf32>
      %parallel_loop3A_428 = arith.minimumf %parallel_loop3A_423, %parallel_loop3A_425 : vector<16xf32>
      %parallel_loop3A_429 = arith.minimumf %parallel_loop3A_428, %parallel_loop3A_427 : vector<16xf32>
      %parallel_loop3A_430 = arith.maximumf %parallel_loop3A_428, %parallel_loop3A_427 : vector<16xf32>
      %parallel_loop3A_431 = arith.subf %parallel_loop3A_426, %parallel_loop3A_429 : vector<16xf32>
      %parallel_loop3A_432 = math.absf %parallel_loop3A_431 : vector<16xf32>
      %parallel_loop3A_433 = arith.subf %parallel_loop3A_430, %parallel_loop3A_429 : vector<16xf32>
      %parallel_loop3A_434 = math.absf %parallel_loop3A_433 : vector<16xf32>
      %parallel_loop3A_435 = arith.constant 1 : i32
      %parallel_loop3A_436 = vector.broadcast %parallel_loop3A_435 : i32 to vector<16xi32>
      %parallel_loop3A_437 = arith.constant 0 : i32
      %parallel_loop3A_438 = vector.broadcast %parallel_loop3A_437 : i32 to vector<16xi32>
      %parallel_loop3A_439 = arith.cmpf ole, %parallel_loop3A_362, %parallel_loop3A_367 : vector<16xf32>
      %parallel_loop3A_440 = arith.select %parallel_loop3A_439, %parallel_loop3A_436, %parallel_loop3A_438 : vector<16xi1>, vector<16xi32>
      %parallel_loop3A_441 = arith.cmpf ole, %parallel_loop3A_362, %parallel_loop3A_372 : vector<16xf32>
      %parallel_loop3A_442 = arith.select %parallel_loop3A_441, %parallel_loop3A_436, %parallel_loop3A_438 : vector<16xi1>, vector<16xi32>
      %parallel_loop3A_443 = arith.cmpf ole, %parallel_loop3A_362, %parallel_loop3A_377 : vector<16xf32>
      %parallel_loop3A_444 = arith.select %parallel_loop3A_443, %parallel_loop3A_436, %parallel_loop3A_438 : vector<16xi1>, vector<16xi32>
      %parallel_loop3A_445 = arith.cmpf ole, %parallel_loop3A_367, %parallel_loop3A_372 : vector<16xf32>
      %parallel_loop3A_446 = arith.select %parallel_loop3A_445, %parallel_loop3A_436, %parallel_loop3A_438 : vector<16xi1>, vector<16xi32>
      %parallel_loop3A_447 = arith.cmpf ole, %parallel_loop3A_367, %parallel_loop3A_377 : vector<16xf32>
      %parallel_loop3A_448 = arith.select %parallel_loop3A_447, %parallel_loop3A_436, %parallel_loop3A_438 : vector<16xi1>, vector<16xi32>
      %parallel_loop3A_449 = arith.cmpf ole, %parallel_loop3A_372, %parallel_loop3A_377 : vector<16xf32>
      %parallel_loop3A_450 = arith.select %parallel_loop3A_449, %parallel_loop3A_436, %parallel_loop3A_438 : vector<16xi1>, vector<16xi32>
      %parallel_loop3A_451 = arith.addi %parallel_loop3A_436, %parallel_loop3A_436 : vector<16xi32>
      %parallel_loop3A_452 = arith.addi %parallel_loop3A_451, %parallel_loop3A_436 : vector<16xi32>
      %parallel_loop3A_453 = arith.subi %parallel_loop3A_452, %parallel_loop3A_440 : vector<16xi32>
      %parallel_loop3A_454 = arith.subi %parallel_loop3A_453, %parallel_loop3A_442 : vector<16xi32>
      %parallel_loop3A_455 = arith.subi %parallel_loop3A_454, %parallel_loop3A_444 : vector<16xi32>
      %parallel_loop3A_456 = arith.addi %parallel_loop3A_436, %parallel_loop3A_436 : vector<16xi32>
      %parallel_loop3A_457 = arith.addi %parallel_loop3A_456, %parallel_loop3A_440 : vector<16xi32>
      %parallel_loop3A_458 = arith.subi %parallel_loop3A_457, %parallel_loop3A_446 : vector<16xi32>
      %parallel_loop3A_459 = arith.subi %parallel_loop3A_458, %parallel_loop3A_448 : vector<16xi32>
      %parallel_loop3A_460 = arith.addi %parallel_loop3A_436, %parallel_loop3A_442 : vector<16xi32>
      %parallel_loop3A_461 = arith.addi %parallel_loop3A_460, %parallel_loop3A_446 : vector<16xi32>
      %parallel_loop3A_462 = arith.subi %parallel_loop3A_461, %parallel_loop3A_450 : vector<16xi32>
      %parallel_loop3A_463 = arith.addi %parallel_loop3A_444, %parallel_loop3A_448 : vector<16xi32>
      %parallel_loop3A_464 = arith.addi %parallel_loop3A_463, %parallel_loop3A_450 : vector<16xi32>
      %parallel_loop3A_465 = arith.constant 1 : i32
      %parallel_loop3A_466 = vector.broadcast %parallel_loop3A_465 : i32 to vector<16xi32>
      %parallel_loop3A_467 = arith.constant 0 : i32
      %parallel_loop3A_468 = vector.broadcast %parallel_loop3A_467 : i32 to vector<16xi32>
      %parallel_loop3A_469 = arith.cmpf ole, %parallel_loop3A_395, %parallel_loop3A_396 : vector<16xf32>
      %parallel_loop3A_470 = arith.select %parallel_loop3A_469, %parallel_loop3A_466, %parallel_loop3A_468 : vector<16xi1>, vector<16xi32>
      %parallel_loop3A_471 = arith.cmpf ole, %parallel_loop3A_395, %parallel_loop3A_397 : vector<16xf32>
      %parallel_loop3A_472 = arith.select %parallel_loop3A_471, %parallel_loop3A_466, %parallel_loop3A_468 : vector<16xi1>, vector<16xi32>
      %parallel_loop3A_473 = arith.cmpf ole, %parallel_loop3A_395, %parallel_loop3A_398 : vector<16xf32>
      %parallel_loop3A_474 = arith.select %parallel_loop3A_473, %parallel_loop3A_466, %parallel_loop3A_468 : vector<16xi1>, vector<16xi32>
      %parallel_loop3A_475 = arith.cmpf ole, %parallel_loop3A_396, %parallel_loop3A_397 : vector<16xf32>
      %parallel_loop3A_476 = arith.select %parallel_loop3A_475, %parallel_loop3A_466, %parallel_loop3A_468 : vector<16xi1>, vector<16xi32>
      %parallel_loop3A_477 = arith.cmpf ole, %parallel_loop3A_396, %parallel_loop3A_398 : vector<16xf32>
      %parallel_loop3A_478 = arith.select %parallel_loop3A_477, %parallel_loop3A_466, %parallel_loop3A_468 : vector<16xi1>, vector<16xi32>
      %parallel_loop3A_479 = arith.cmpf ole, %parallel_loop3A_397, %parallel_loop3A_398 : vector<16xf32>
      %parallel_loop3A_480 = arith.select %parallel_loop3A_479, %parallel_loop3A_466, %parallel_loop3A_468 : vector<16xi1>, vector<16xi32>
      %parallel_loop3A_481 = arith.addi %parallel_loop3A_466, %parallel_loop3A_466 : vector<16xi32>
      %parallel_loop3A_482 = arith.addi %parallel_loop3A_481, %parallel_loop3A_466 : vector<16xi32>
      %parallel_loop3A_483 = arith.subi %parallel_loop3A_482, %parallel_loop3A_470 : vector<16xi32>
      %parallel_loop3A_484 = arith.subi %parallel_loop3A_483, %parallel_loop3A_472 : vector<16xi32>
      %parallel_loop3A_485 = arith.subi %parallel_loop3A_484, %parallel_loop3A_474 : vector<16xi32>
      %parallel_loop3A_486 = arith.addi %parallel_loop3A_466, %parallel_loop3A_466 : vector<16xi32>
      %parallel_loop3A_487 = arith.addi %parallel_loop3A_486, %parallel_loop3A_470 : vector<16xi32>
      %parallel_loop3A_488 = arith.subi %parallel_loop3A_487, %parallel_loop3A_476 : vector<16xi32>
      %parallel_loop3A_489 = arith.subi %parallel_loop3A_488, %parallel_loop3A_478 : vector<16xi32>
      %parallel_loop3A_490 = arith.addi %parallel_loop3A_466, %parallel_loop3A_472 : vector<16xi32>
      %parallel_loop3A_491 = arith.addi %parallel_loop3A_490, %parallel_loop3A_476 : vector<16xi32>
      %parallel_loop3A_492 = arith.subi %parallel_loop3A_491, %parallel_loop3A_480 : vector<16xi32>
      %parallel_loop3A_493 = arith.addi %parallel_loop3A_474, %parallel_loop3A_478 : vector<16xi32>
      %parallel_loop3A_494 = arith.addi %parallel_loop3A_493, %parallel_loop3A_480 : vector<16xi32>
      %parallel_loop3A_495 = arith.cmpi eq, %parallel_loop3A_485, %parallel_loop3A_455 : vector<16xi32>
      %parallel_loop3A_496 = arith.cmpi eq, %parallel_loop3A_489, %parallel_loop3A_459 : vector<16xi32>
      %parallel_loop3A_497 = arith.cmpi eq, %parallel_loop3A_492, %parallel_loop3A_462 : vector<16xi32>
      %parallel_loop3A_498 = arith.cmpi eq, %parallel_loop3A_494, %parallel_loop3A_464 : vector<16xi32>
      %parallel_loop3A_499 = arith.constant 3.000000e-02 : f32
      %parallel_loop3A_500 = vector.broadcast %parallel_loop3A_499 : f32 to vector<16xf32>
      %parallel_loop3A_501 = arith.cmpf olt, %parallel_loop3A_432, %parallel_loop3A_500 : vector<16xf32>
      %parallel_loop3A_502 = arith.constant 3.000000e-02 : f32
      %parallel_loop3A_503 = vector.broadcast %parallel_loop3A_502 : f32 to vector<16xf32>
      %parallel_loop3A_504 = arith.cmpf olt, %parallel_loop3A_434, %parallel_loop3A_503 : vector<16xf32>
      %parallel_loop3A_505 = arith.andi %parallel_loop3A_501, %parallel_loop3A_504 : vector<16xi1>
      %parallel_loop3A_506 = arith.andi %parallel_loop3A_501, %parallel_loop3A_497 : vector<16xi1>
      %parallel_loop3A_507 = arith.ori %parallel_loop3A_505, %parallel_loop3A_506 : vector<16xi1>
      %parallel_loop3A_508 = arith.andi %parallel_loop3A_504, %parallel_loop3A_495 : vector<16xi1>
      %parallel_loop3A_509 = arith.ori %parallel_loop3A_507, %parallel_loop3A_508 : vector<16xi1>
      %parallel_loop3A_510 = arith.andi %parallel_loop3A_421, %parallel_loop3A_509 : vector<16xi1>
      %parallel_loop3A_511 = arith.constant 1 : i32
      %parallel_loop3A_512 = vector.broadcast %parallel_loop3A_511 : i32 to vector<16xi32>
      %parallel_loop3A_513 = arith.constant 0 : i32
      %parallel_loop3A_514 = vector.broadcast %parallel_loop3A_513 : i32 to vector<16xi32>
      %parallel_loop3A_515 = arith.constant 0.000000e+00 : f32
      %parallel_loop3A_516 = vector.broadcast %parallel_loop3A_515 : f32 to vector<16xf32>
      %parallel_loop3A_517 = arith.cmpf oeq, %parallel_loop3A_362, %parallel_loop3A_516 : vector<16xf32>
      %parallel_loop3A_518 = arith.select %parallel_loop3A_517, %parallel_loop3A_512, %parallel_loop3A_514 : vector<16xi1>, vector<16xi32>
      %parallel_loop3A_519 = arith.constant 0.000000e+00 : f32
      %parallel_loop3A_520 = vector.broadcast %parallel_loop3A_519 : f32 to vector<16xf32>
      %parallel_loop3A_521 = arith.cmpf oeq, %parallel_loop3A_367, %parallel_loop3A_520 : vector<16xf32>
      %parallel_loop3A_522 = arith.select %parallel_loop3A_521, %parallel_loop3A_512, %parallel_loop3A_514 : vector<16xi1>, vector<16xi32>
      %parallel_loop3A_523 = arith.constant 0.000000e+00 : f32
      %parallel_loop3A_524 = vector.broadcast %parallel_loop3A_523 : f32 to vector<16xf32>
      %parallel_loop3A_525 = arith.cmpf oeq, %parallel_loop3A_372, %parallel_loop3A_524 : vector<16xf32>
      %parallel_loop3A_526 = arith.select %parallel_loop3A_525, %parallel_loop3A_512, %parallel_loop3A_514 : vector<16xi1>, vector<16xi32>
      %parallel_loop3A_527 = arith.constant 0.000000e+00 : f32
      %parallel_loop3A_528 = vector.broadcast %parallel_loop3A_527 : f32 to vector<16xf32>
      %parallel_loop3A_529 = arith.cmpf oeq, %parallel_loop3A_377, %parallel_loop3A_528 : vector<16xf32>
      %parallel_loop3A_530 = arith.select %parallel_loop3A_529, %parallel_loop3A_512, %parallel_loop3A_514 : vector<16xi1>, vector<16xi32>
      %parallel_loop3A_531 = arith.addi %parallel_loop3A_518, %parallel_loop3A_522 : vector<16xi32>
      %parallel_loop3A_532 = arith.addi %parallel_loop3A_531, %parallel_loop3A_526 : vector<16xi32>
      %parallel_loop3A_533 = arith.addi %parallel_loop3A_532, %parallel_loop3A_530 : vector<16xi32>
      %parallel_loop3A_534 = arith.andi %parallel_loop3A_495, %parallel_loop3A_497 : vector<16xi1>
      %parallel_loop3A_535 = arith.andi %parallel_loop3A_534, %parallel_loop3A_498 : vector<16xi1>
      %parallel_loop3A_536 = arith.constant 2 : i32
      %parallel_loop3A_537 = vector.broadcast %parallel_loop3A_536 : i32 to vector<16xi32>
      %parallel_loop3A_538 = arith.cmpi sge, %parallel_loop3A_485, %parallel_loop3A_537 : vector<16xi32>
      %parallel_loop3A_539 = arith.andi %parallel_loop3A_495, %parallel_loop3A_538 : vector<16xi1>
      %parallel_loop3A_540 = arith.select %parallel_loop3A_539, %parallel_loop3A_512, %parallel_loop3A_514 : vector<16xi1>, vector<16xi32>
      %parallel_loop3A_541 = arith.addi %parallel_loop3A_514, %parallel_loop3A_540 : vector<16xi32>
      %parallel_loop3A_542 = arith.constant 2 : i32
      %parallel_loop3A_543 = vector.broadcast %parallel_loop3A_542 : i32 to vector<16xi32>
      %parallel_loop3A_544 = arith.cmpi sge, %parallel_loop3A_489, %parallel_loop3A_543 : vector<16xi32>
      %parallel_loop3A_545 = arith.andi %parallel_loop3A_496, %parallel_loop3A_544 : vector<16xi1>
      %parallel_loop3A_546 = arith.select %parallel_loop3A_545, %parallel_loop3A_512, %parallel_loop3A_514 : vector<16xi1>, vector<16xi32>
      %parallel_loop3A_547 = arith.addi %parallel_loop3A_541, %parallel_loop3A_546 : vector<16xi32>
      %parallel_loop3A_548 = arith.constant 2 : i32
      %parallel_loop3A_549 = vector.broadcast %parallel_loop3A_548 : i32 to vector<16xi32>
      %parallel_loop3A_550 = arith.cmpi sge, %parallel_loop3A_492, %parallel_loop3A_549 : vector<16xi32>
      %parallel_loop3A_551 = arith.andi %parallel_loop3A_497, %parallel_loop3A_550 : vector<16xi1>
      %parallel_loop3A_552 = arith.select %parallel_loop3A_551, %parallel_loop3A_512, %parallel_loop3A_514 : vector<16xi1>, vector<16xi32>
      %parallel_loop3A_553 = arith.addi %parallel_loop3A_547, %parallel_loop3A_552 : vector<16xi32>
      %parallel_loop3A_554 = arith.constant 2 : i32
      %parallel_loop3A_555 = vector.broadcast %parallel_loop3A_554 : i32 to vector<16xi32>
      %parallel_loop3A_556 = arith.cmpi sge, %parallel_loop3A_494, %parallel_loop3A_555 : vector<16xi32>
      %parallel_loop3A_557 = arith.andi %parallel_loop3A_498, %parallel_loop3A_556 : vector<16xi1>
      %parallel_loop3A_558 = arith.select %parallel_loop3A_557, %parallel_loop3A_512, %parallel_loop3A_514 : vector<16xi1>, vector<16xi32>
      %parallel_loop3A_559 = arith.addi %parallel_loop3A_553, %parallel_loop3A_558 : vector<16xi32>
      %parallel_loop3A_560 = arith.constant 2 : i32
      %parallel_loop3A_561 = vector.broadcast %parallel_loop3A_560 : i32 to vector<16xi32>
      %parallel_loop3A_562 = arith.cmpi eq, %parallel_loop3A_559, %parallel_loop3A_561 : vector<16xi32>
      %parallel_loop3A_563 = arith.constant 3 : i32
      %parallel_loop3A_564 = vector.broadcast %parallel_loop3A_563 : i32 to vector<16xi32>
      %parallel_loop3A_565 = arith.cmpi eq, %parallel_loop3A_494, %parallel_loop3A_564 : vector<16xi32>
      %parallel_loop3A_566 = arith.constant 1.000000e+00 : f32
      %parallel_loop3A_567 = vector.broadcast %parallel_loop3A_566 : f32 to vector<16xf32>
      %parallel_loop3A_568 = arith.constant 0.000000e+00 : f32
      %parallel_loop3A_569 = vector.broadcast %parallel_loop3A_568 : f32 to vector<16xf32>
      %parallel_loop3A_570 = arith.constant 2 : i32
      %parallel_loop3A_571 = vector.broadcast %parallel_loop3A_570 : i32 to vector<16xi32>
      %parallel_loop3A_572 = arith.cmpi eq, %parallel_loop3A_533, %parallel_loop3A_571 : vector<16xi32>
      %parallel_loop3A_573 = arith.select %parallel_loop3A_562, %parallel_loop3A_567, %parallel_loop3A_569 : vector<16xi1>, vector<16xf32>
      %parallel_loop3A_574 = arith.constant 3 : i32
      %parallel_loop3A_575 = vector.broadcast %parallel_loop3A_574 : i32 to vector<16xi32>
      %parallel_loop3A_576 = arith.cmpi eq, %parallel_loop3A_533, %parallel_loop3A_575 : vector<16xi32>
      %parallel_loop3A_577 = arith.select %parallel_loop3A_565, %parallel_loop3A_567, %parallel_loop3A_569 : vector<16xi1>, vector<16xf32>
      %parallel_loop3A_578 = arith.select %parallel_loop3A_576, %parallel_loop3A_577, %parallel_loop3A_569 : vector<16xi1>, vector<16xf32>
      %parallel_loop3A_579 = arith.select %parallel_loop3A_572, %parallel_loop3A_573, %parallel_loop3A_578 : vector<16xi1>, vector<16xf32>
      %parallel_loop3A_580 = arith.constant 2 : i32
      %parallel_loop3A_581 = vector.broadcast %parallel_loop3A_580 : i32 to vector<16xi32>
      %parallel_loop3A_582 = arith.cmpi slt, %parallel_loop3A_533, %parallel_loop3A_581 : vector<16xi32>
      %parallel_loop3A_583 = arith.ori %parallel_loop3A_510, %parallel_loop3A_582 : vector<16xi1>
      %parallel_loop3A_584 = arith.select %parallel_loop3A_583, %parallel_loop3A_567, %parallel_loop3A_579 : vector<16xi1>, vector<16xf32>
      %parallel_loop3A_585 = arith.select %parallel_loop3A_535, %parallel_loop3A_567, %parallel_loop3A_569 : vector<16xi1>, vector<16xf32>
      %parallel_loop3A_586 = arith.select %parallel_loop3A_582, %parallel_loop3A_585, %parallel_loop3A_579 : vector<16xi1>, vector<16xf32>
      %parallel_loop3A_587 = arith.select %parallel_loop3A_510, %parallel_loop3A_567, %parallel_loop3A_586 : vector<16xi1>, vector<16xf32>
      %parallel_loop3A_588 = arith.addf %parallel_loop3A_336, %parallel_loop3A_584 : vector<16xf32>
      %parallel_loop3A_589 = arith.addf %parallel_loop3A_337, %parallel_loop3A_587 : vector<16xf32>
      %parallel_loop3A_590 = arith.constant 8 : i32
      %parallel_loop3A_591 = arith.index_cast %parallel_loop3A_590 : i32 to index
      %parallel_loop3A_592 = arith.index_cast %parallel_loop3A_81 : i32 to index
      %parallel_loop3A_593 = tpu.vector_load %arg4[%parallel_loop3A_591, %parallel_loop3A_592] {strides = array<i32>} : memref<48x512xf32, #tpu.memory_space<vmem>>, vector<1x16xf32>,
      %parallel_loop3A_594 = vector.shape_cast %parallel_loop3A_593 : vector<1x16xf32> to vector<16xf32>
      %parallel_loop3A_595 = arith.constant 9 : i32
      %parallel_loop3A_596 = arith.index_cast %parallel_loop3A_595 : i32 to index
      %parallel_loop3A_597 = arith.index_cast %parallel_loop3A_81 : i32 to index
      %parallel_loop3A_598 = tpu.vector_load %arg4[%parallel_loop3A_596, %parallel_loop3A_597] {strides = array<i32>} : memref<48x512xf32, #tpu.memory_space<vmem>>, vector<1x16xf32>,
      %parallel_loop3A_599 = vector.shape_cast %parallel_loop3A_598 : vector<1x16xf32> to vector<16xf32>
      %parallel_loop3A_600 = arith.constant 10 : i32
      %parallel_loop3A_601 = arith.index_cast %parallel_loop3A_600 : i32 to index
      %parallel_loop3A_602 = arith.index_cast %parallel_loop3A_81 : i32 to index
      %parallel_loop3A_603 = tpu.vector_load %arg4[%parallel_loop3A_601, %parallel_loop3A_602] {strides = array<i32>} : memref<48x512xf32, #tpu.memory_space<vmem>>, vector<1x16xf32>,
      %parallel_loop3A_604 = vector.shape_cast %parallel_loop3A_603 : vector<1x16xf32> to vector<16xf32>
      %parallel_loop3A_605 = arith.constant 11 : i32
      %parallel_loop3A_606 = arith.index_cast %parallel_loop3A_605 : i32 to index
      %parallel_loop3A_607 = arith.index_cast %parallel_loop3A_81 : i32 to index
      %parallel_loop3A_608 = tpu.vector_load %arg4[%parallel_loop3A_606, %parallel_loop3A_607] {strides = array<i32>} : memref<48x512xf32, #tpu.memory_space<vmem>>, vector<1x16xf32>,
      %parallel_loop3A_609 = vector.shape_cast %parallel_loop3A_608 : vector<1x16xf32> to vector<16xf32>
      %parallel_loop3A_610 = arith.constant 32 : i32
      %parallel_loop3A_611 = arith.index_cast %parallel_loop3A_610 : i32 to index
      %parallel_loop3A_612 = arith.index_cast %parallel_loop3A_81 : i32 to index
      %parallel_loop3A_613 = tpu.vector_load %arg4[%parallel_loop3A_611, %parallel_loop3A_612] {strides = array<i32>} : memref<48x512xf32, #tpu.memory_space<vmem>>, vector<1x16xf32>,
      %parallel_loop3A_614 = vector.shape_cast %parallel_loop3A_613 : vector<1x16xf32> to vector<16xf32>
      %parallel_loop3A_615 = arith.constant 33 : i32
      %parallel_loop3A_616 = arith.index_cast %parallel_loop3A_615 : i32 to index
      %parallel_loop3A_617 = arith.index_cast %parallel_loop3A_81 : i32 to index
      %parallel_loop3A_618 = tpu.vector_load %arg4[%parallel_loop3A_616, %parallel_loop3A_617] {strides = array<i32>} : memref<48x512xf32, #tpu.memory_space<vmem>>, vector<1x16xf32>,
      %parallel_loop3A_619 = vector.shape_cast %parallel_loop3A_618 : vector<1x16xf32> to vector<16xf32>
      %parallel_loop3A_620 = arith.constant 34 : i32
      %parallel_loop3A_621 = arith.index_cast %parallel_loop3A_620 : i32 to index
      %parallel_loop3A_622 = arith.index_cast %parallel_loop3A_81 : i32 to index
      %parallel_loop3A_623 = tpu.vector_load %arg4[%parallel_loop3A_621, %parallel_loop3A_622] {strides = array<i32>} : memref<48x512xf32, #tpu.memory_space<vmem>>, vector<1x16xf32>,
      %parallel_loop3A_624 = vector.shape_cast %parallel_loop3A_623 : vector<1x16xf32> to vector<16xf32>
      %parallel_loop3A_625 = arith.constant 35 : i32
      %parallel_loop3A_626 = arith.index_cast %parallel_loop3A_625 : i32 to index
      %parallel_loop3A_627 = arith.index_cast %parallel_loop3A_81 : i32 to index
      %parallel_loop3A_628 = tpu.vector_load %arg4[%parallel_loop3A_626, %parallel_loop3A_627] {strides = array<i32>} : memref<48x512xf32, #tpu.memory_space<vmem>>, vector<1x16xf32>,
      %parallel_loop3A_629 = vector.shape_cast %parallel_loop3A_628 : vector<1x16xf32> to vector<16xf32>
      %parallel_loop3A_630 = arith.maximumf %parallel_loop3A_594, %parallel_loop3A_599 : vector<16xf32>
      %parallel_loop3A_631 = arith.maximumf %parallel_loop3A_604, %parallel_loop3A_609 : vector<16xf32>
      %parallel_loop3A_632 = arith.maximumf %parallel_loop3A_630, %parallel_loop3A_631 : vector<16xf32>
      %parallel_loop3A_633 = arith.subf %parallel_loop3A_594, %parallel_loop3A_632 : vector<16xf32>
      %parallel_loop3A_634 = math.exp %parallel_loop3A_633 : vector<16xf32>
      %parallel_loop3A_635 = arith.subf %parallel_loop3A_599, %parallel_loop3A_632 : vector<16xf32>
      %parallel_loop3A_636 = math.exp %parallel_loop3A_635 : vector<16xf32>
      %parallel_loop3A_637 = arith.subf %parallel_loop3A_604, %parallel_loop3A_632 : vector<16xf32>
      %parallel_loop3A_638 = math.exp %parallel_loop3A_637 : vector<16xf32>
      %parallel_loop3A_639 = arith.subf %parallel_loop3A_609, %parallel_loop3A_632 : vector<16xf32>
      %parallel_loop3A_640 = math.exp %parallel_loop3A_639 : vector<16xf32>
      %parallel_loop3A_641 = arith.addf %parallel_loop3A_634, %parallel_loop3A_636 : vector<16xf32>
      %parallel_loop3A_642 = arith.addf %parallel_loop3A_641, %parallel_loop3A_638 : vector<16xf32>
      %parallel_loop3A_643 = arith.addf %parallel_loop3A_642, %parallel_loop3A_640 : vector<16xf32>
      %parallel_loop3A_644 = arith.constant 3.000000e+00 : f32
      %parallel_loop3A_645 = vector.broadcast %parallel_loop3A_644 : f32 to vector<16xf32>
      %parallel_loop3A_646 = arith.divf %parallel_loop3A_645, %parallel_loop3A_643 : vector<16xf32>
      %parallel_loop3A_647 = arith.mulf %parallel_loop3A_634, %parallel_loop3A_646 : vector<16xf32>
      %parallel_loop3A_648 = arith.mulf %parallel_loop3A_636, %parallel_loop3A_646 : vector<16xf32>
      %parallel_loop3A_649 = arith.mulf %parallel_loop3A_638, %parallel_loop3A_646 : vector<16xf32>
      %parallel_loop3A_650 = arith.mulf %parallel_loop3A_640, %parallel_loop3A_646 : vector<16xf32>
      %parallel_loop3A_651 = arith.subf %parallel_loop3A_647, %parallel_loop3A_614 : vector<16xf32>
      %parallel_loop3A_652 = math.absf %parallel_loop3A_651 : vector<16xf32>
      %parallel_loop3A_653 = arith.constant 9.000000e-02 : f32
      %parallel_loop3A_654 = vector.broadcast %parallel_loop3A_653 : f32 to vector<16xf32>
      %parallel_loop3A_655 = arith.cmpf ole, %parallel_loop3A_652, %parallel_loop3A_654 : vector<16xf32>
      %parallel_loop3A_656 = arith.subf %parallel_loop3A_648, %parallel_loop3A_619 : vector<16xf32>
      %parallel_loop3A_657 = math.absf %parallel_loop3A_656 : vector<16xf32>
      %parallel_loop3A_658 = arith.constant 9.000000e-02 : f32
      %parallel_loop3A_659 = vector.broadcast %parallel_loop3A_658 : f32 to vector<16xf32>
      %parallel_loop3A_660 = arith.cmpf ole, %parallel_loop3A_657, %parallel_loop3A_659 : vector<16xf32>
      %parallel_loop3A_661 = arith.andi %parallel_loop3A_655, %parallel_loop3A_660 : vector<16xi1>
      %parallel_loop3A_662 = arith.subf %parallel_loop3A_649, %parallel_loop3A_624 : vector<16xf32>
      %parallel_loop3A_663 = math.absf %parallel_loop3A_662 : vector<16xf32>
      %parallel_loop3A_664 = arith.constant 9.000000e-02 : f32
      %parallel_loop3A_665 = vector.broadcast %parallel_loop3A_664 : f32 to vector<16xf32>
      %parallel_loop3A_666 = arith.cmpf ole, %parallel_loop3A_663, %parallel_loop3A_665 : vector<16xf32>
      %parallel_loop3A_667 = arith.andi %parallel_loop3A_661, %parallel_loop3A_666 : vector<16xi1>
      %parallel_loop3A_668 = arith.subf %parallel_loop3A_650, %parallel_loop3A_629 : vector<16xf32>
      %parallel_loop3A_669 = math.absf %parallel_loop3A_668 : vector<16xf32>
      %parallel_loop3A_670 = arith.constant 9.000000e-02 : f32
      %parallel_loop3A_671 = vector.broadcast %parallel_loop3A_670 : f32 to vector<16xf32>
      %parallel_loop3A_672 = arith.cmpf ole, %parallel_loop3A_669, %parallel_loop3A_671 : vector<16xf32>
      %parallel_loop3A_673 = arith.andi %parallel_loop3A_667, %parallel_loop3A_672 : vector<16xi1>
      %parallel_loop3A_674 = arith.minimumf %parallel_loop3A_614, %parallel_loop3A_619 : vector<16xf32>
      %parallel_loop3A_675 = arith.maximumf %parallel_loop3A_614, %parallel_loop3A_619 : vector<16xf32>
      %parallel_loop3A_676 = arith.minimumf %parallel_loop3A_624, %parallel_loop3A_629 : vector<16xf32>
      %parallel_loop3A_677 = arith.maximumf %parallel_loop3A_624, %parallel_loop3A_629 : vector<16xf32>
      %parallel_loop3A_678 = arith.minimumf %parallel_loop3A_674, %parallel_loop3A_676 : vector<16xf32>
      %parallel_loop3A_679 = arith.maximumf %parallel_loop3A_674, %parallel_loop3A_676 : vector<16xf32>
      %parallel_loop3A_680 = arith.minimumf %parallel_loop3A_675, %parallel_loop3A_677 : vector<16xf32>
      %parallel_loop3A_681 = arith.minimumf %parallel_loop3A_680, %parallel_loop3A_679 : vector<16xf32>
      %parallel_loop3A_682 = arith.maximumf %parallel_loop3A_680, %parallel_loop3A_679 : vector<16xf32>
      %parallel_loop3A_683 = arith.subf %parallel_loop3A_678, %parallel_loop3A_681 : vector<16xf32>
      %parallel_loop3A_684 = math.absf %parallel_loop3A_683 : vector<16xf32>
      %parallel_loop3A_685 = arith.subf %parallel_loop3A_682, %parallel_loop3A_681 : vector<16xf32>
      %parallel_loop3A_686 = math.absf %parallel_loop3A_685 : vector<16xf32>
      %parallel_loop3A_687 = arith.constant 1 : i32
      %parallel_loop3A_688 = vector.broadcast %parallel_loop3A_687 : i32 to vector<16xi32>
      %parallel_loop3A_689 = arith.constant 0 : i32
      %parallel_loop3A_690 = vector.broadcast %parallel_loop3A_689 : i32 to vector<16xi32>
      %parallel_loop3A_691 = arith.cmpf ole, %parallel_loop3A_614, %parallel_loop3A_619 : vector<16xf32>
      %parallel_loop3A_692 = arith.select %parallel_loop3A_691, %parallel_loop3A_688, %parallel_loop3A_690 : vector<16xi1>, vector<16xi32>
      %parallel_loop3A_693 = arith.cmpf ole, %parallel_loop3A_614, %parallel_loop3A_624 : vector<16xf32>
      %parallel_loop3A_694 = arith.select %parallel_loop3A_693, %parallel_loop3A_688, %parallel_loop3A_690 : vector<16xi1>, vector<16xi32>
      %parallel_loop3A_695 = arith.cmpf ole, %parallel_loop3A_614, %parallel_loop3A_629 : vector<16xf32>
      %parallel_loop3A_696 = arith.select %parallel_loop3A_695, %parallel_loop3A_688, %parallel_loop3A_690 : vector<16xi1>, vector<16xi32>
      %parallel_loop3A_697 = arith.cmpf ole, %parallel_loop3A_619, %parallel_loop3A_624 : vector<16xf32>
      %parallel_loop3A_698 = arith.select %parallel_loop3A_697, %parallel_loop3A_688, %parallel_loop3A_690 : vector<16xi1>, vector<16xi32>
      %parallel_loop3A_699 = arith.cmpf ole, %parallel_loop3A_619, %parallel_loop3A_629 : vector<16xf32>
      %parallel_loop3A_700 = arith.select %parallel_loop3A_699, %parallel_loop3A_688, %parallel_loop3A_690 : vector<16xi1>, vector<16xi32>
      %parallel_loop3A_701 = arith.cmpf ole, %parallel_loop3A_624, %parallel_loop3A_629 : vector<16xf32>
      %parallel_loop3A_702 = arith.select %parallel_loop3A_701, %parallel_loop3A_688, %parallel_loop3A_690 : vector<16xi1>, vector<16xi32>
      %parallel_loop3A_703 = arith.addi %parallel_loop3A_688, %parallel_loop3A_688 : vector<16xi32>
      %parallel_loop3A_704 = arith.addi %parallel_loop3A_703, %parallel_loop3A_688 : vector<16xi32>
      %parallel_loop3A_705 = arith.subi %parallel_loop3A_704, %parallel_loop3A_692 : vector<16xi32>
      %parallel_loop3A_706 = arith.subi %parallel_loop3A_705, %parallel_loop3A_694 : vector<16xi32>
      %parallel_loop3A_707 = arith.subi %parallel_loop3A_706, %parallel_loop3A_696 : vector<16xi32>
      %parallel_loop3A_708 = arith.addi %parallel_loop3A_688, %parallel_loop3A_688 : vector<16xi32>
      %parallel_loop3A_709 = arith.addi %parallel_loop3A_708, %parallel_loop3A_692 : vector<16xi32>
      %parallel_loop3A_710 = arith.subi %parallel_loop3A_709, %parallel_loop3A_698 : vector<16xi32>
      %parallel_loop3A_711 = arith.subi %parallel_loop3A_710, %parallel_loop3A_700 : vector<16xi32>
      %parallel_loop3A_712 = arith.addi %parallel_loop3A_688, %parallel_loop3A_694 : vector<16xi32>
      %parallel_loop3A_713 = arith.addi %parallel_loop3A_712, %parallel_loop3A_698 : vector<16xi32>
      %parallel_loop3A_714 = arith.subi %parallel_loop3A_713, %parallel_loop3A_702 : vector<16xi32>
      %parallel_loop3A_715 = arith.addi %parallel_loop3A_696, %parallel_loop3A_700 : vector<16xi32>
      %parallel_loop3A_716 = arith.addi %parallel_loop3A_715, %parallel_loop3A_702 : vector<16xi32>
      %parallel_loop3A_717 = arith.constant 1 : i32
      %parallel_loop3A_718 = vector.broadcast %parallel_loop3A_717 : i32 to vector<16xi32>
      %parallel_loop3A_719 = arith.constant 0 : i32
      %parallel_loop3A_720 = vector.broadcast %parallel_loop3A_719 : i32 to vector<16xi32>
      %parallel_loop3A_721 = arith.cmpf ole, %parallel_loop3A_647, %parallel_loop3A_648 : vector<16xf32>
      %parallel_loop3A_722 = arith.select %parallel_loop3A_721, %parallel_loop3A_718, %parallel_loop3A_720 : vector<16xi1>, vector<16xi32>
      %parallel_loop3A_723 = arith.cmpf ole, %parallel_loop3A_647, %parallel_loop3A_649 : vector<16xf32>
      %parallel_loop3A_724 = arith.select %parallel_loop3A_723, %parallel_loop3A_718, %parallel_loop3A_720 : vector<16xi1>, vector<16xi32>
      %parallel_loop3A_725 = arith.cmpf ole, %parallel_loop3A_647, %parallel_loop3A_650 : vector<16xf32>
      %parallel_loop3A_726 = arith.select %parallel_loop3A_725, %parallel_loop3A_718, %parallel_loop3A_720 : vector<16xi1>, vector<16xi32>
      %parallel_loop3A_727 = arith.cmpf ole, %parallel_loop3A_648, %parallel_loop3A_649 : vector<16xf32>
      %parallel_loop3A_728 = arith.select %parallel_loop3A_727, %parallel_loop3A_718, %parallel_loop3A_720 : vector<16xi1>, vector<16xi32>
      %parallel_loop3A_729 = arith.cmpf ole, %parallel_loop3A_648, %parallel_loop3A_650 : vector<16xf32>
      %parallel_loop3A_730 = arith.select %parallel_loop3A_729, %parallel_loop3A_718, %parallel_loop3A_720 : vector<16xi1>, vector<16xi32>
      %parallel_loop3A_731 = arith.cmpf ole, %parallel_loop3A_649, %parallel_loop3A_650 : vector<16xf32>
      %parallel_loop3A_732 = arith.select %parallel_loop3A_731, %parallel_loop3A_718, %parallel_loop3A_720 : vector<16xi1>, vector<16xi32>
      %parallel_loop3A_733 = arith.addi %parallel_loop3A_718, %parallel_loop3A_718 : vector<16xi32>
      %parallel_loop3A_734 = arith.addi %parallel_loop3A_733, %parallel_loop3A_718 : vector<16xi32>
      %parallel_loop3A_735 = arith.subi %parallel_loop3A_734, %parallel_loop3A_722 : vector<16xi32>
      %parallel_loop3A_736 = arith.subi %parallel_loop3A_735, %parallel_loop3A_724 : vector<16xi32>
      %parallel_loop3A_737 = arith.subi %parallel_loop3A_736, %parallel_loop3A_726 : vector<16xi32>
      %parallel_loop3A_738 = arith.addi %parallel_loop3A_718, %parallel_loop3A_718 : vector<16xi32>
      %parallel_loop3A_739 = arith.addi %parallel_loop3A_738, %parallel_loop3A_722 : vector<16xi32>
      %parallel_loop3A_740 = arith.subi %parallel_loop3A_739, %parallel_loop3A_728 : vector<16xi32>
      %parallel_loop3A_741 = arith.subi %parallel_loop3A_740, %parallel_loop3A_730 : vector<16xi32>
      %parallel_loop3A_742 = arith.addi %parallel_loop3A_718, %parallel_loop3A_724 : vector<16xi32>
      %parallel_loop3A_743 = arith.addi %parallel_loop3A_742, %parallel_loop3A_728 : vector<16xi32>
      %parallel_loop3A_744 = arith.subi %parallel_loop3A_743, %parallel_loop3A_732 : vector<16xi32>
      %parallel_loop3A_745 = arith.addi %parallel_loop3A_726, %parallel_loop3A_730 : vector<16xi32>
      %parallel_loop3A_746 = arith.addi %parallel_loop3A_745, %parallel_loop3A_732 : vector<16xi32>
      %parallel_loop3A_747 = arith.cmpi eq, %parallel_loop3A_737, %parallel_loop3A_707 : vector<16xi32>
      %parallel_loop3A_748 = arith.cmpi eq, %parallel_loop3A_741, %parallel_loop3A_711 : vector<16xi32>
      %parallel_loop3A_749 = arith.cmpi eq, %parallel_loop3A_744, %parallel_loop3A_714 : vector<16xi32>
      %parallel_loop3A_750 = arith.cmpi eq, %parallel_loop3A_746, %parallel_loop3A_716 : vector<16xi32>
      %parallel_loop3A_751 = arith.constant 3.000000e-02 : f32
      %parallel_loop3A_752 = vector.broadcast %parallel_loop3A_751 : f32 to vector<16xf32>
      %parallel_loop3A_753 = arith.cmpf olt, %parallel_loop3A_684, %parallel_loop3A_752 : vector<16xf32>
      %parallel_loop3A_754 = arith.constant 3.000000e-02 : f32
      %parallel_loop3A_755 = vector.broadcast %parallel_loop3A_754 : f32 to vector<16xf32>
      %parallel_loop3A_756 = arith.cmpf olt, %parallel_loop3A_686, %parallel_loop3A_755 : vector<16xf32>
      %parallel_loop3A_757 = arith.andi %parallel_loop3A_753, %parallel_loop3A_756 : vector<16xi1>
      %parallel_loop3A_758 = arith.andi %parallel_loop3A_753, %parallel_loop3A_749 : vector<16xi1>
      %parallel_loop3A_759 = arith.ori %parallel_loop3A_757, %parallel_loop3A_758 : vector<16xi1>
      %parallel_loop3A_760 = arith.andi %parallel_loop3A_756, %parallel_loop3A_747 : vector<16xi1>
      %parallel_loop3A_761 = arith.ori %parallel_loop3A_759, %parallel_loop3A_760 : vector<16xi1>
      %parallel_loop3A_762 = arith.andi %parallel_loop3A_673, %parallel_loop3A_761 : vector<16xi1>
      %parallel_loop3A_763 = arith.constant 1 : i32
      %parallel_loop3A_764 = vector.broadcast %parallel_loop3A_763 : i32 to vector<16xi32>
      %parallel_loop3A_765 = arith.constant 0 : i32
      %parallel_loop3A_766 = vector.broadcast %parallel_loop3A_765 : i32 to vector<16xi32>
      %parallel_loop3A_767 = arith.constant 0.000000e+00 : f32
      %parallel_loop3A_768 = vector.broadcast %parallel_loop3A_767 : f32 to vector<16xf32>
      %parallel_loop3A_769 = arith.cmpf oeq, %parallel_loop3A_614, %parallel_loop3A_768 : vector<16xf32>
      %parallel_loop3A_770 = arith.select %parallel_loop3A_769, %parallel_loop3A_764, %parallel_loop3A_766 : vector<16xi1>, vector<16xi32>
      %parallel_loop3A_771 = arith.constant 0.000000e+00 : f32
      %parallel_loop3A_772 = vector.broadcast %parallel_loop3A_771 : f32 to vector<16xf32>
      %parallel_loop3A_773 = arith.cmpf oeq, %parallel_loop3A_619, %parallel_loop3A_772 : vector<16xf32>
      %parallel_loop3A_774 = arith.select %parallel_loop3A_773, %parallel_loop3A_764, %parallel_loop3A_766 : vector<16xi1>, vector<16xi32>
      %parallel_loop3A_775 = arith.constant 0.000000e+00 : f32
      %parallel_loop3A_776 = vector.broadcast %parallel_loop3A_775 : f32 to vector<16xf32>
      %parallel_loop3A_777 = arith.cmpf oeq, %parallel_loop3A_624, %parallel_loop3A_776 : vector<16xf32>
      %parallel_loop3A_778 = arith.select %parallel_loop3A_777, %parallel_loop3A_764, %parallel_loop3A_766 : vector<16xi1>, vector<16xi32>
      %parallel_loop3A_779 = arith.constant 0.000000e+00 : f32
      %parallel_loop3A_780 = vector.broadcast %parallel_loop3A_779 : f32 to vector<16xf32>
      %parallel_loop3A_781 = arith.cmpf oeq, %parallel_loop3A_629, %parallel_loop3A_780 : vector<16xf32>
      %parallel_loop3A_782 = arith.select %parallel_loop3A_781, %parallel_loop3A_764, %parallel_loop3A_766 : vector<16xi1>, vector<16xi32>
      %parallel_loop3A_783 = arith.addi %parallel_loop3A_770, %parallel_loop3A_774 : vector<16xi32>
      %parallel_loop3A_784 = arith.addi %parallel_loop3A_783, %parallel_loop3A_778 : vector<16xi32>
      %parallel_loop3A_785 = arith.addi %parallel_loop3A_784, %parallel_loop3A_782 : vector<16xi32>
      %parallel_loop3A_786 = arith.andi %parallel_loop3A_747, %parallel_loop3A_749 : vector<16xi1>
      %parallel_loop3A_787 = arith.andi %parallel_loop3A_786, %parallel_loop3A_750 : vector<16xi1>
      %parallel_loop3A_788 = arith.constant 2 : i32
      %parallel_loop3A_789 = vector.broadcast %parallel_loop3A_788 : i32 to vector<16xi32>
      %parallel_loop3A_790 = arith.cmpi sge, %parallel_loop3A_737, %parallel_loop3A_789 : vector<16xi32>
      %parallel_loop3A_791 = arith.andi %parallel_loop3A_747, %parallel_loop3A_790 : vector<16xi1>
      %parallel_loop3A_792 = arith.select %parallel_loop3A_791, %parallel_loop3A_764, %parallel_loop3A_766 : vector<16xi1>, vector<16xi32>
      %parallel_loop3A_793 = arith.addi %parallel_loop3A_766, %parallel_loop3A_792 : vector<16xi32>
      %parallel_loop3A_794 = arith.constant 2 : i32
      %parallel_loop3A_795 = vector.broadcast %parallel_loop3A_794 : i32 to vector<16xi32>
      %parallel_loop3A_796 = arith.cmpi sge, %parallel_loop3A_741, %parallel_loop3A_795 : vector<16xi32>
      %parallel_loop3A_797 = arith.andi %parallel_loop3A_748, %parallel_loop3A_796 : vector<16xi1>
      %parallel_loop3A_798 = arith.select %parallel_loop3A_797, %parallel_loop3A_764, %parallel_loop3A_766 : vector<16xi1>, vector<16xi32>
      %parallel_loop3A_799 = arith.addi %parallel_loop3A_793, %parallel_loop3A_798 : vector<16xi32>
      %parallel_loop3A_800 = arith.constant 2 : i32
      %parallel_loop3A_801 = vector.broadcast %parallel_loop3A_800 : i32 to vector<16xi32>
      %parallel_loop3A_802 = arith.cmpi sge, %parallel_loop3A_744, %parallel_loop3A_801 : vector<16xi32>
      %parallel_loop3A_803 = arith.andi %parallel_loop3A_749, %parallel_loop3A_802 : vector<16xi1>
      %parallel_loop3A_804 = arith.select %parallel_loop3A_803, %parallel_loop3A_764, %parallel_loop3A_766 : vector<16xi1>, vector<16xi32>
      %parallel_loop3A_805 = arith.addi %parallel_loop3A_799, %parallel_loop3A_804 : vector<16xi32>
      %parallel_loop3A_806 = arith.constant 2 : i32
      %parallel_loop3A_807 = vector.broadcast %parallel_loop3A_806 : i32 to vector<16xi32>
      %parallel_loop3A_808 = arith.cmpi sge, %parallel_loop3A_746, %parallel_loop3A_807 : vector<16xi32>
      %parallel_loop3A_809 = arith.andi %parallel_loop3A_750, %parallel_loop3A_808 : vector<16xi1>
      %parallel_loop3A_810 = arith.select %parallel_loop3A_809, %parallel_loop3A_764, %parallel_loop3A_766 : vector<16xi1>, vector<16xi32>
      %parallel_loop3A_811 = arith.addi %parallel_loop3A_805, %parallel_loop3A_810 : vector<16xi32>
      %parallel_loop3A_812 = arith.constant 2 : i32
      %parallel_loop3A_813 = vector.broadcast %parallel_loop3A_812 : i32 to vector<16xi32>
      %parallel_loop3A_814 = arith.cmpi eq, %parallel_loop3A_811, %parallel_loop3A_813 : vector<16xi32>
      %parallel_loop3A_815 = arith.constant 3 : i32
      %parallel_loop3A_816 = vector.broadcast %parallel_loop3A_815 : i32 to vector<16xi32>
      %parallel_loop3A_817 = arith.cmpi eq, %parallel_loop3A_746, %parallel_loop3A_816 : vector<16xi32>
      %parallel_loop3A_818 = arith.constant 1.000000e+00 : f32
      %parallel_loop3A_819 = vector.broadcast %parallel_loop3A_818 : f32 to vector<16xf32>
      %parallel_loop3A_820 = arith.constant 0.000000e+00 : f32
      %parallel_loop3A_821 = vector.broadcast %parallel_loop3A_820 : f32 to vector<16xf32>
      %parallel_loop3A_822 = arith.constant 2 : i32
      %parallel_loop3A_823 = vector.broadcast %parallel_loop3A_822 : i32 to vector<16xi32>
      %parallel_loop3A_824 = arith.cmpi eq, %parallel_loop3A_785, %parallel_loop3A_823 : vector<16xi32>
      %parallel_loop3A_825 = arith.select %parallel_loop3A_814, %parallel_loop3A_819, %parallel_loop3A_821 : vector<16xi1>, vector<16xf32>
      %parallel_loop3A_826 = arith.constant 3 : i32
      %parallel_loop3A_827 = vector.broadcast %parallel_loop3A_826 : i32 to vector<16xi32>
      %parallel_loop3A_828 = arith.cmpi eq, %parallel_loop3A_785, %parallel_loop3A_827 : vector<16xi32>
      %parallel_loop3A_829 = arith.select %parallel_loop3A_817, %parallel_loop3A_819, %parallel_loop3A_821 : vector<16xi1>, vector<16xf32>
      %parallel_loop3A_830 = arith.select %parallel_loop3A_828, %parallel_loop3A_829, %parallel_loop3A_821 : vector<16xi1>, vector<16xf32>
      %parallel_loop3A_831 = arith.select %parallel_loop3A_824, %parallel_loop3A_825, %parallel_loop3A_830 : vector<16xi1>, vector<16xf32>
      %parallel_loop3A_832 = arith.constant 2 : i32
      %parallel_loop3A_833 = vector.broadcast %parallel_loop3A_832 : i32 to vector<16xi32>
      %parallel_loop3A_834 = arith.cmpi slt, %parallel_loop3A_785, %parallel_loop3A_833 : vector<16xi32>
      %parallel_loop3A_835 = arith.ori %parallel_loop3A_762, %parallel_loop3A_834 : vector<16xi1>
      %parallel_loop3A_836 = arith.select %parallel_loop3A_835, %parallel_loop3A_819, %parallel_loop3A_831 : vector<16xi1>, vector<16xf32>
      %parallel_loop3A_837 = arith.select %parallel_loop3A_787, %parallel_loop3A_819, %parallel_loop3A_821 : vector<16xi1>, vector<16xf32>
      %parallel_loop3A_838 = arith.select %parallel_loop3A_834, %parallel_loop3A_837, %parallel_loop3A_831 : vector<16xi1>, vector<16xf32>
      %parallel_loop3A_839 = arith.select %parallel_loop3A_762, %parallel_loop3A_819, %parallel_loop3A_838 : vector<16xi1>, vector<16xf32>
      %parallel_loop3A_840 = arith.addf %parallel_loop3A_588, %parallel_loop3A_836 : vector<16xf32>
      %parallel_loop3A_841 = arith.addf %parallel_loop3A_589, %parallel_loop3A_839 : vector<16xf32>
      %parallel_loop3A_842 = arith.constant 12 : i32
      %parallel_loop3A_843 = arith.index_cast %parallel_loop3A_842 : i32 to index
      %parallel_loop3A_844 = arith.index_cast %parallel_loop3A_81 : i32 to index
      %parallel_loop3A_845 = tpu.vector_load %arg4[%parallel_loop3A_843, %parallel_loop3A_844] {strides = array<i32>} : memref<48x512xf32, #tpu.memory_space<vmem>>, vector<1x16xf32>,
      %parallel_loop3A_846 = vector.shape_cast %parallel_loop3A_845 : vector<1x16xf32> to vector<16xf32>
      %parallel_loop3A_847 = arith.constant 13 : i32
      %parallel_loop3A_848 = arith.index_cast %parallel_loop3A_847 : i32 to index
      %parallel_loop3A_849 = arith.index_cast %parallel_loop3A_81 : i32 to index
      %parallel_loop3A_850 = tpu.vector_load %arg4[%parallel_loop3A_848, %parallel_loop3A_849] {strides = array<i32>} : memref<48x512xf32, #tpu.memory_space<vmem>>, vector<1x16xf32>,
      %parallel_loop3A_851 = vector.shape_cast %parallel_loop3A_850 : vector<1x16xf32> to vector<16xf32>
      %parallel_loop3A_852 = arith.constant 14 : i32
      %parallel_loop3A_853 = arith.index_cast %parallel_loop3A_852 : i32 to index
      %parallel_loop3A_854 = arith.index_cast %parallel_loop3A_81 : i32 to index
      %parallel_loop3A_855 = tpu.vector_load %arg4[%parallel_loop3A_853, %parallel_loop3A_854] {strides = array<i32>} : memref<48x512xf32, #tpu.memory_space<vmem>>, vector<1x16xf32>,
      %parallel_loop3A_856 = vector.shape_cast %parallel_loop3A_855 : vector<1x16xf32> to vector<16xf32>
      %parallel_loop3A_857 = arith.constant 15 : i32
      %parallel_loop3A_858 = arith.index_cast %parallel_loop3A_857 : i32 to index
      %parallel_loop3A_859 = arith.index_cast %parallel_loop3A_81 : i32 to index
      %parallel_loop3A_860 = tpu.vector_load %arg4[%parallel_loop3A_858, %parallel_loop3A_859] {strides = array<i32>} : memref<48x512xf32, #tpu.memory_space<vmem>>, vector<1x16xf32>,
      %parallel_loop3A_861 = vector.shape_cast %parallel_loop3A_860 : vector<1x16xf32> to vector<16xf32>
      %parallel_loop3A_862 = arith.constant 36 : i32
      %parallel_loop3A_863 = arith.index_cast %parallel_loop3A_862 : i32 to index
      %parallel_loop3A_864 = arith.index_cast %parallel_loop3A_81 : i32 to index
      %parallel_loop3A_865 = tpu.vector_load %arg4[%parallel_loop3A_863, %parallel_loop3A_864] {strides = array<i32>} : memref<48x512xf32, #tpu.memory_space<vmem>>, vector<1x16xf32>,
      %parallel_loop3A_866 = vector.shape_cast %parallel_loop3A_865 : vector<1x16xf32> to vector<16xf32>
      %parallel_loop3A_867 = arith.constant 37 : i32
      %parallel_loop3A_868 = arith.index_cast %parallel_loop3A_867 : i32 to index
      %parallel_loop3A_869 = arith.index_cast %parallel_loop3A_81 : i32 to index
      %parallel_loop3A_870 = tpu.vector_load %arg4[%parallel_loop3A_868, %parallel_loop3A_869] {strides = array<i32>} : memref<48x512xf32, #tpu.memory_space<vmem>>, vector<1x16xf32>,
      %parallel_loop3A_871 = vector.shape_cast %parallel_loop3A_870 : vector<1x16xf32> to vector<16xf32>
      %parallel_loop3A_872 = arith.constant 38 : i32
      %parallel_loop3A_873 = arith.index_cast %parallel_loop3A_872 : i32 to index
      %parallel_loop3A_874 = arith.index_cast %parallel_loop3A_81 : i32 to index
      %parallel_loop3A_875 = tpu.vector_load %arg4[%parallel_loop3A_873, %parallel_loop3A_874] {strides = array<i32>} : memref<48x512xf32, #tpu.memory_space<vmem>>, vector<1x16xf32>,
      %parallel_loop3A_876 = vector.shape_cast %parallel_loop3A_875 : vector<1x16xf32> to vector<16xf32>
      %parallel_loop3A_877 = arith.constant 39 : i32
      %parallel_loop3A_878 = arith.index_cast %parallel_loop3A_877 : i32 to index
      %parallel_loop3A_879 = arith.index_cast %parallel_loop3A_81 : i32 to index
      %parallel_loop3A_880 = tpu.vector_load %arg4[%parallel_loop3A_878, %parallel_loop3A_879] {strides = array<i32>} : memref<48x512xf32, #tpu.memory_space<vmem>>, vector<1x16xf32>,
      %parallel_loop3A_881 = vector.shape_cast %parallel_loop3A_880 : vector<1x16xf32> to vector<16xf32>
      %parallel_loop3A_882 = arith.maximumf %parallel_loop3A_846, %parallel_loop3A_851 : vector<16xf32>
      %parallel_loop3A_883 = arith.maximumf %parallel_loop3A_856, %parallel_loop3A_861 : vector<16xf32>
      %parallel_loop3A_884 = arith.maximumf %parallel_loop3A_882, %parallel_loop3A_883 : vector<16xf32>
      %parallel_loop3A_885 = arith.subf %parallel_loop3A_846, %parallel_loop3A_884 : vector<16xf32>
      %parallel_loop3A_886 = math.exp %parallel_loop3A_885 : vector<16xf32>
      %parallel_loop3A_887 = arith.subf %parallel_loop3A_851, %parallel_loop3A_884 : vector<16xf32>
      %parallel_loop3A_888 = math.exp %parallel_loop3A_887 : vector<16xf32>
      %parallel_loop3A_889 = arith.subf %parallel_loop3A_856, %parallel_loop3A_884 : vector<16xf32>
      %parallel_loop3A_890 = math.exp %parallel_loop3A_889 : vector<16xf32>
      %parallel_loop3A_891 = arith.subf %parallel_loop3A_861, %parallel_loop3A_884 : vector<16xf32>
      %parallel_loop3A_892 = math.exp %parallel_loop3A_891 : vector<16xf32>
      %parallel_loop3A_893 = arith.addf %parallel_loop3A_886, %parallel_loop3A_888 : vector<16xf32>
      %parallel_loop3A_894 = arith.addf %parallel_loop3A_893, %parallel_loop3A_890 : vector<16xf32>
      %parallel_loop3A_895 = arith.addf %parallel_loop3A_894, %parallel_loop3A_892 : vector<16xf32>
      %parallel_loop3A_896 = arith.constant 3.000000e+00 : f32
      %parallel_loop3A_897 = vector.broadcast %parallel_loop3A_896 : f32 to vector<16xf32>
      %parallel_loop3A_898 = arith.divf %parallel_loop3A_897, %parallel_loop3A_895 : vector<16xf32>
      %parallel_loop3A_899 = arith.mulf %parallel_loop3A_886, %parallel_loop3A_898 : vector<16xf32>
      %parallel_loop3A_900 = arith.mulf %parallel_loop3A_888, %parallel_loop3A_898 : vector<16xf32>
      %parallel_loop3A_901 = arith.mulf %parallel_loop3A_890, %parallel_loop3A_898 : vector<16xf32>
      %parallel_loop3A_902 = arith.mulf %parallel_loop3A_892, %parallel_loop3A_898 : vector<16xf32>
      %parallel_loop3A_903 = arith.subf %parallel_loop3A_899, %parallel_loop3A_866 : vector<16xf32>
      %parallel_loop3A_904 = math.absf %parallel_loop3A_903 : vector<16xf32>
      %parallel_loop3A_905 = arith.constant 9.000000e-02 : f32
      %parallel_loop3A_906 = vector.broadcast %parallel_loop3A_905 : f32 to vector<16xf32>
      %parallel_loop3A_907 = arith.cmpf ole, %parallel_loop3A_904, %parallel_loop3A_906 : vector<16xf32>
      %parallel_loop3A_908 = arith.subf %parallel_loop3A_900, %parallel_loop3A_871 : vector<16xf32>
      %parallel_loop3A_909 = math.absf %parallel_loop3A_908 : vector<16xf32>
      %parallel_loop3A_910 = arith.constant 9.000000e-02 : f32
      %parallel_loop3A_911 = vector.broadcast %parallel_loop3A_910 : f32 to vector<16xf32>
      %parallel_loop3A_912 = arith.cmpf ole, %parallel_loop3A_909, %parallel_loop3A_911 : vector<16xf32>
      %parallel_loop3A_913 = arith.andi %parallel_loop3A_907, %parallel_loop3A_912 : vector<16xi1>
      %parallel_loop3A_914 = arith.subf %parallel_loop3A_901, %parallel_loop3A_876 : vector<16xf32>
      %parallel_loop3A_915 = math.absf %parallel_loop3A_914 : vector<16xf32>
      %parallel_loop3A_916 = arith.constant 9.000000e-02 : f32
      %parallel_loop3A_917 = vector.broadcast %parallel_loop3A_916 : f32 to vector<16xf32>
      %parallel_loop3A_918 = arith.cmpf ole, %parallel_loop3A_915, %parallel_loop3A_917 : vector<16xf32>
      %parallel_loop3A_919 = arith.andi %parallel_loop3A_913, %parallel_loop3A_918 : vector<16xi1>
      %parallel_loop3A_920 = arith.subf %parallel_loop3A_902, %parallel_loop3A_881 : vector<16xf32>
      %parallel_loop3A_921 = math.absf %parallel_loop3A_920 : vector<16xf32>
      %parallel_loop3A_922 = arith.constant 9.000000e-02 : f32
      %parallel_loop3A_923 = vector.broadcast %parallel_loop3A_922 : f32 to vector<16xf32>
      %parallel_loop3A_924 = arith.cmpf ole, %parallel_loop3A_921, %parallel_loop3A_923 : vector<16xf32>
      %parallel_loop3A_925 = arith.andi %parallel_loop3A_919, %parallel_loop3A_924 : vector<16xi1>
      %parallel_loop3A_926 = arith.minimumf %parallel_loop3A_866, %parallel_loop3A_871 : vector<16xf32>
      %parallel_loop3A_927 = arith.maximumf %parallel_loop3A_866, %parallel_loop3A_871 : vector<16xf32>
      %parallel_loop3A_928 = arith.minimumf %parallel_loop3A_876, %parallel_loop3A_881 : vector<16xf32>
      %parallel_loop3A_929 = arith.maximumf %parallel_loop3A_876, %parallel_loop3A_881 : vector<16xf32>
      %parallel_loop3A_930 = arith.minimumf %parallel_loop3A_926, %parallel_loop3A_928 : vector<16xf32>
      %parallel_loop3A_931 = arith.maximumf %parallel_loop3A_926, %parallel_loop3A_928 : vector<16xf32>
      %parallel_loop3A_932 = arith.minimumf %parallel_loop3A_927, %parallel_loop3A_929 : vector<16xf32>
      %parallel_loop3A_933 = arith.minimumf %parallel_loop3A_932, %parallel_loop3A_931 : vector<16xf32>
      %parallel_loop3A_934 = arith.maximumf %parallel_loop3A_932, %parallel_loop3A_931 : vector<16xf32>
      %parallel_loop3A_935 = arith.subf %parallel_loop3A_930, %parallel_loop3A_933 : vector<16xf32>
      %parallel_loop3A_936 = math.absf %parallel_loop3A_935 : vector<16xf32>
      %parallel_loop3A_937 = arith.subf %parallel_loop3A_934, %parallel_loop3A_933 : vector<16xf32>
      %parallel_loop3A_938 = math.absf %parallel_loop3A_937 : vector<16xf32>
      %parallel_loop3A_939 = arith.constant 1 : i32
      %parallel_loop3A_940 = vector.broadcast %parallel_loop3A_939 : i32 to vector<16xi32>
      %parallel_loop3A_941 = arith.constant 0 : i32
      %parallel_loop3A_942 = vector.broadcast %parallel_loop3A_941 : i32 to vector<16xi32>
      %parallel_loop3A_943 = arith.cmpf ole, %parallel_loop3A_866, %parallel_loop3A_871 : vector<16xf32>
      %parallel_loop3A_944 = arith.select %parallel_loop3A_943, %parallel_loop3A_940, %parallel_loop3A_942 : vector<16xi1>, vector<16xi32>
      %parallel_loop3A_945 = arith.cmpf ole, %parallel_loop3A_866, %parallel_loop3A_876 : vector<16xf32>
      %parallel_loop3A_946 = arith.select %parallel_loop3A_945, %parallel_loop3A_940, %parallel_loop3A_942 : vector<16xi1>, vector<16xi32>
      %parallel_loop3A_947 = arith.cmpf ole, %parallel_loop3A_866, %parallel_loop3A_881 : vector<16xf32>
      %parallel_loop3A_948 = arith.select %parallel_loop3A_947, %parallel_loop3A_940, %parallel_loop3A_942 : vector<16xi1>, vector<16xi32>
      %parallel_loop3A_949 = arith.cmpf ole, %parallel_loop3A_871, %parallel_loop3A_876 : vector<16xf32>
      %parallel_loop3A_950 = arith.select %parallel_loop3A_949, %parallel_loop3A_940, %parallel_loop3A_942 : vector<16xi1>, vector<16xi32>
      %parallel_loop3A_951 = arith.cmpf ole, %parallel_loop3A_871, %parallel_loop3A_881 : vector<16xf32>
      %parallel_loop3A_952 = arith.select %parallel_loop3A_951, %parallel_loop3A_940, %parallel_loop3A_942 : vector<16xi1>, vector<16xi32>
      %parallel_loop3A_953 = arith.cmpf ole, %parallel_loop3A_876, %parallel_loop3A_881 : vector<16xf32>
      %parallel_loop3A_954 = arith.select %parallel_loop3A_953, %parallel_loop3A_940, %parallel_loop3A_942 : vector<16xi1>, vector<16xi32>
      %parallel_loop3A_955 = arith.addi %parallel_loop3A_940, %parallel_loop3A_940 : vector<16xi32>
      %parallel_loop3A_956 = arith.addi %parallel_loop3A_955, %parallel_loop3A_940 : vector<16xi32>
      %parallel_loop3A_957 = arith.subi %parallel_loop3A_956, %parallel_loop3A_944 : vector<16xi32>
      %parallel_loop3A_958 = arith.subi %parallel_loop3A_957, %parallel_loop3A_946 : vector<16xi32>
      %parallel_loop3A_959 = arith.subi %parallel_loop3A_958, %parallel_loop3A_948 : vector<16xi32>
      %parallel_loop3A_960 = arith.addi %parallel_loop3A_940, %parallel_loop3A_940 : vector<16xi32>
      %parallel_loop3A_961 = arith.addi %parallel_loop3A_960, %parallel_loop3A_944 : vector<16xi32>
      %parallel_loop3A_962 = arith.subi %parallel_loop3A_961, %parallel_loop3A_950 : vector<16xi32>
      %parallel_loop3A_963 = arith.subi %parallel_loop3A_962, %parallel_loop3A_952 : vector<16xi32>
      %parallel_loop3A_964 = arith.addi %parallel_loop3A_940, %parallel_loop3A_946 : vector<16xi32>
      %parallel_loop3A_965 = arith.addi %parallel_loop3A_964, %parallel_loop3A_950 : vector<16xi32>
      %parallel_loop3A_966 = arith.subi %parallel_loop3A_965, %parallel_loop3A_954 : vector<16xi32>
      %parallel_loop3A_967 = arith.addi %parallel_loop3A_948, %parallel_loop3A_952 : vector<16xi32>
      %parallel_loop3A_968 = arith.addi %parallel_loop3A_967, %parallel_loop3A_954 : vector<16xi32>
      %parallel_loop3A_969 = arith.constant 1 : i32
      %parallel_loop3A_970 = vector.broadcast %parallel_loop3A_969 : i32 to vector<16xi32>
      %parallel_loop3A_971 = arith.constant 0 : i32
      %parallel_loop3A_972 = vector.broadcast %parallel_loop3A_971 : i32 to vector<16xi32>
      %parallel_loop3A_973 = arith.cmpf ole, %parallel_loop3A_899, %parallel_loop3A_900 : vector<16xf32>
      %parallel_loop3A_974 = arith.select %parallel_loop3A_973, %parallel_loop3A_970, %parallel_loop3A_972 : vector<16xi1>, vector<16xi32>
      %parallel_loop3A_975 = arith.cmpf ole, %parallel_loop3A_899, %parallel_loop3A_901 : vector<16xf32>
      %parallel_loop3A_976 = arith.select %parallel_loop3A_975, %parallel_loop3A_970, %parallel_loop3A_972 : vector<16xi1>, vector<16xi32>
      %parallel_loop3A_977 = arith.cmpf ole, %parallel_loop3A_899, %parallel_loop3A_902 : vector<16xf32>
      %parallel_loop3A_978 = arith.select %parallel_loop3A_977, %parallel_loop3A_970, %parallel_loop3A_972 : vector<16xi1>, vector<16xi32>
      %parallel_loop3A_979 = arith.cmpf ole, %parallel_loop3A_900, %parallel_loop3A_901 : vector<16xf32>
      %parallel_loop3A_980 = arith.select %parallel_loop3A_979, %parallel_loop3A_970, %parallel_loop3A_972 : vector<16xi1>, vector<16xi32>
      %parallel_loop3A_981 = arith.cmpf ole, %parallel_loop3A_900, %parallel_loop3A_902 : vector<16xf32>
      %parallel_loop3A_982 = arith.select %parallel_loop3A_981, %parallel_loop3A_970, %parallel_loop3A_972 : vector<16xi1>, vector<16xi32>
      %parallel_loop3A_983 = arith.cmpf ole, %parallel_loop3A_901, %parallel_loop3A_902 : vector<16xf32>
      %parallel_loop3A_984 = arith.select %parallel_loop3A_983, %parallel_loop3A_970, %parallel_loop3A_972 : vector<16xi1>, vector<16xi32>
      %parallel_loop3A_985 = arith.addi %parallel_loop3A_970, %parallel_loop3A_970 : vector<16xi32>
      %parallel_loop3A_986 = arith.addi %parallel_loop3A_985, %parallel_loop3A_970 : vector<16xi32>
      %parallel_loop3A_987 = arith.subi %parallel_loop3A_986, %parallel_loop3A_974 : vector<16xi32>
      %parallel_loop3A_988 = arith.subi %parallel_loop3A_987, %parallel_loop3A_976 : vector<16xi32>
      %parallel_loop3A_989 = arith.subi %parallel_loop3A_988, %parallel_loop3A_978 : vector<16xi32>
      %parallel_loop3A_990 = arith.addi %parallel_loop3A_970, %parallel_loop3A_970 : vector<16xi32>
      %parallel_loop3A_991 = arith.addi %parallel_loop3A_990, %parallel_loop3A_974 : vector<16xi32>
      %parallel_loop3A_992 = arith.subi %parallel_loop3A_991, %parallel_loop3A_980 : vector<16xi32>
      %parallel_loop3A_993 = arith.subi %parallel_loop3A_992, %parallel_loop3A_982 : vector<16xi32>
      %parallel_loop3A_994 = arith.addi %parallel_loop3A_970, %parallel_loop3A_976 : vector<16xi32>
      %parallel_loop3A_995 = arith.addi %parallel_loop3A_994, %parallel_loop3A_980 : vector<16xi32>
      %parallel_loop3A_996 = arith.subi %parallel_loop3A_995, %parallel_loop3A_984 : vector<16xi32>
      %parallel_loop3A_997 = arith.addi %parallel_loop3A_978, %parallel_loop3A_982 : vector<16xi32>
      %parallel_loop3A_998 = arith.addi %parallel_loop3A_997, %parallel_loop3A_984 : vector<16xi32>
      %parallel_loop3A_999 = arith.cmpi eq, %parallel_loop3A_989, %parallel_loop3A_959 : vector<16xi32>
      %parallel_loop3A_1000 = arith.cmpi eq, %parallel_loop3A_993, %parallel_loop3A_963 : vector<16xi32>
      %parallel_loop3A_1001 = arith.cmpi eq, %parallel_loop3A_996, %parallel_loop3A_966 : vector<16xi32>
      %parallel_loop3A_1002 = arith.cmpi eq, %parallel_loop3A_998, %parallel_loop3A_968 : vector<16xi32>
      %parallel_loop3A_1003 = arith.constant 3.000000e-02 : f32
      %parallel_loop3A_1004 = vector.broadcast %parallel_loop3A_1003 : f32 to vector<16xf32>
      %parallel_loop3A_1005 = arith.cmpf olt, %parallel_loop3A_936, %parallel_loop3A_1004 : vector<16xf32>
      %parallel_loop3A_1006 = arith.constant 3.000000e-02 : f32
      %parallel_loop3A_1007 = vector.broadcast %parallel_loop3A_1006 : f32 to vector<16xf32>
      %parallel_loop3A_1008 = arith.cmpf olt, %parallel_loop3A_938, %parallel_loop3A_1007 : vector<16xf32>
      %parallel_loop3A_1009 = arith.andi %parallel_loop3A_1005, %parallel_loop3A_1008 : vector<16xi1>
      %parallel_loop3A_1010 = arith.andi %parallel_loop3A_1005, %parallel_loop3A_1001 : vector<16xi1>
      %parallel_loop3A_1011 = arith.ori %parallel_loop3A_1009, %parallel_loop3A_1010 : vector<16xi1>
      %parallel_loop3A_1012 = arith.andi %parallel_loop3A_1008, %parallel_loop3A_999 : vector<16xi1>
      %parallel_loop3A_1013 = arith.ori %parallel_loop3A_1011, %parallel_loop3A_1012 : vector<16xi1>
      %parallel_loop3A_1014 = arith.andi %parallel_loop3A_925, %parallel_loop3A_1013 : vector<16xi1>
      %parallel_loop3A_1015 = arith.constant 1 : i32
      %parallel_loop3A_1016 = vector.broadcast %parallel_loop3A_1015 : i32 to vector<16xi32>
      %parallel_loop3A_1017 = arith.constant 0 : i32
      %parallel_loop3A_1018 = vector.broadcast %parallel_loop3A_1017 : i32 to vector<16xi32>
      %parallel_loop3A_1019 = arith.constant 0.000000e+00 : f32
      %parallel_loop3A_1020 = vector.broadcast %parallel_loop3A_1019 : f32 to vector<16xf32>
      %parallel_loop3A_1021 = arith.cmpf oeq, %parallel_loop3A_866, %parallel_loop3A_1020 : vector<16xf32>
      %parallel_loop3A_1022 = arith.select %parallel_loop3A_1021, %parallel_loop3A_1016, %parallel_loop3A_1018 : vector<16xi1>, vector<16xi32>
      %parallel_loop3A_1023 = arith.constant 0.000000e+00 : f32
      %parallel_loop3A_1024 = vector.broadcast %parallel_loop3A_1023 : f32 to vector<16xf32>
      %parallel_loop3A_1025 = arith.cmpf oeq, %parallel_loop3A_871, %parallel_loop3A_1024 : vector<16xf32>
      %parallel_loop3A_1026 = arith.select %parallel_loop3A_1025, %parallel_loop3A_1016, %parallel_loop3A_1018 : vector<16xi1>, vector<16xi32>
      %parallel_loop3A_1027 = arith.constant 0.000000e+00 : f32
      %parallel_loop3A_1028 = vector.broadcast %parallel_loop3A_1027 : f32 to vector<16xf32>
      %parallel_loop3A_1029 = arith.cmpf oeq, %parallel_loop3A_876, %parallel_loop3A_1028 : vector<16xf32>
      %parallel_loop3A_1030 = arith.select %parallel_loop3A_1029, %parallel_loop3A_1016, %parallel_loop3A_1018 : vector<16xi1>, vector<16xi32>
      %parallel_loop3A_1031 = arith.constant 0.000000e+00 : f32
      %parallel_loop3A_1032 = vector.broadcast %parallel_loop3A_1031 : f32 to vector<16xf32>
      %parallel_loop3A_1033 = arith.cmpf oeq, %parallel_loop3A_881, %parallel_loop3A_1032 : vector<16xf32>
      %parallel_loop3A_1034 = arith.select %parallel_loop3A_1033, %parallel_loop3A_1016, %parallel_loop3A_1018 : vector<16xi1>, vector<16xi32>
      %parallel_loop3A_1035 = arith.addi %parallel_loop3A_1022, %parallel_loop3A_1026 : vector<16xi32>
      %parallel_loop3A_1036 = arith.addi %parallel_loop3A_1035, %parallel_loop3A_1030 : vector<16xi32>
      %parallel_loop3A_1037 = arith.addi %parallel_loop3A_1036, %parallel_loop3A_1034 : vector<16xi32>
      %parallel_loop3A_1038 = arith.andi %parallel_loop3A_999, %parallel_loop3A_1001 : vector<16xi1>
      %parallel_loop3A_1039 = arith.andi %parallel_loop3A_1038, %parallel_loop3A_1002 : vector<16xi1>
      %parallel_loop3A_1040 = arith.constant 2 : i32
      %parallel_loop3A_1041 = vector.broadcast %parallel_loop3A_1040 : i32 to vector<16xi32>
      %parallel_loop3A_1042 = arith.cmpi sge, %parallel_loop3A_989, %parallel_loop3A_1041 : vector<16xi32>
      %parallel_loop3A_1043 = arith.andi %parallel_loop3A_999, %parallel_loop3A_1042 : vector<16xi1>
      %parallel_loop3A_1044 = arith.select %parallel_loop3A_1043, %parallel_loop3A_1016, %parallel_loop3A_1018 : vector<16xi1>, vector<16xi32>
      %parallel_loop3A_1045 = arith.addi %parallel_loop3A_1018, %parallel_loop3A_1044 : vector<16xi32>
      %parallel_loop3A_1046 = arith.constant 2 : i32
      %parallel_loop3A_1047 = vector.broadcast %parallel_loop3A_1046 : i32 to vector<16xi32>
      %parallel_loop3A_1048 = arith.cmpi sge, %parallel_loop3A_993, %parallel_loop3A_1047 : vector<16xi32>
      %parallel_loop3A_1049 = arith.andi %parallel_loop3A_1000, %parallel_loop3A_1048 : vector<16xi1>
      %parallel_loop3A_1050 = arith.select %parallel_loop3A_1049, %parallel_loop3A_1016, %parallel_loop3A_1018 : vector<16xi1>, vector<16xi32>
      %parallel_loop3A_1051 = arith.addi %parallel_loop3A_1045, %parallel_loop3A_1050 : vector<16xi32>
      %parallel_loop3A_1052 = arith.constant 2 : i32
      %parallel_loop3A_1053 = vector.broadcast %parallel_loop3A_1052 : i32 to vector<16xi32>
      %parallel_loop3A_1054 = arith.cmpi sge, %parallel_loop3A_996, %parallel_loop3A_1053 : vector<16xi32>
      %parallel_loop3A_1055 = arith.andi %parallel_loop3A_1001, %parallel_loop3A_1054 : vector<16xi1>
      %parallel_loop3A_1056 = arith.select %parallel_loop3A_1055, %parallel_loop3A_1016, %parallel_loop3A_1018 : vector<16xi1>, vector<16xi32>
      %parallel_loop3A_1057 = arith.addi %parallel_loop3A_1051, %parallel_loop3A_1056 : vector<16xi32>
      %parallel_loop3A_1058 = arith.constant 2 : i32
      %parallel_loop3A_1059 = vector.broadcast %parallel_loop3A_1058 : i32 to vector<16xi32>
      %parallel_loop3A_1060 = arith.cmpi sge, %parallel_loop3A_998, %parallel_loop3A_1059 : vector<16xi32>
      %parallel_loop3A_1061 = arith.andi %parallel_loop3A_1002, %parallel_loop3A_1060 : vector<16xi1>
      %parallel_loop3A_1062 = arith.select %parallel_loop3A_1061, %parallel_loop3A_1016, %parallel_loop3A_1018 : vector<16xi1>, vector<16xi32>
      %parallel_loop3A_1063 = arith.addi %parallel_loop3A_1057, %parallel_loop3A_1062 : vector<16xi32>
      %parallel_loop3A_1064 = arith.constant 2 : i32
      %parallel_loop3A_1065 = vector.broadcast %parallel_loop3A_1064 : i32 to vector<16xi32>
      %parallel_loop3A_1066 = arith.cmpi eq, %parallel_loop3A_1063, %parallel_loop3A_1065 : vector<16xi32>
      %parallel_loop3A_1067 = arith.constant 3 : i32
      %parallel_loop3A_1068 = vector.broadcast %parallel_loop3A_1067 : i32 to vector<16xi32>
      %parallel_loop3A_1069 = arith.cmpi eq, %parallel_loop3A_998, %parallel_loop3A_1068 : vector<16xi32>
      %parallel_loop3A_1070 = arith.constant 1.000000e+00 : f32
      %parallel_loop3A_1071 = vector.broadcast %parallel_loop3A_1070 : f32 to vector<16xf32>
      %parallel_loop3A_1072 = arith.constant 0.000000e+00 : f32
      %parallel_loop3A_1073 = vector.broadcast %parallel_loop3A_1072 : f32 to vector<16xf32>
      %parallel_loop3A_1074 = arith.constant 2 : i32
      %parallel_loop3A_1075 = vector.broadcast %parallel_loop3A_1074 : i32 to vector<16xi32>
      %parallel_loop3A_1076 = arith.cmpi eq, %parallel_loop3A_1037, %parallel_loop3A_1075 : vector<16xi32>
      %parallel_loop3A_1077 = arith.select %parallel_loop3A_1066, %parallel_loop3A_1071, %parallel_loop3A_1073 : vector<16xi1>, vector<16xf32>
      %parallel_loop3A_1078 = arith.constant 3 : i32
      %parallel_loop3A_1079 = vector.broadcast %parallel_loop3A_1078 : i32 to vector<16xi32>
      %parallel_loop3A_1080 = arith.cmpi eq, %parallel_loop3A_1037, %parallel_loop3A_1079 : vector<16xi32>
      %parallel_loop3A_1081 = arith.select %parallel_loop3A_1069, %parallel_loop3A_1071, %parallel_loop3A_1073 : vector<16xi1>, vector<16xf32>
      %parallel_loop3A_1082 = arith.select %parallel_loop3A_1080, %parallel_loop3A_1081, %parallel_loop3A_1073 : vector<16xi1>, vector<16xf32>
      %parallel_loop3A_1083 = arith.select %parallel_loop3A_1076, %parallel_loop3A_1077, %parallel_loop3A_1082 : vector<16xi1>, vector<16xf32>
      %parallel_loop3A_1084 = arith.constant 2 : i32
      %parallel_loop3A_1085 = vector.broadcast %parallel_loop3A_1084 : i32 to vector<16xi32>
      %parallel_loop3A_1086 = arith.cmpi slt, %parallel_loop3A_1037, %parallel_loop3A_1085 : vector<16xi32>
      %parallel_loop3A_1087 = arith.ori %parallel_loop3A_1014, %parallel_loop3A_1086 : vector<16xi1>
      %parallel_loop3A_1088 = arith.select %parallel_loop3A_1087, %parallel_loop3A_1071, %parallel_loop3A_1083 : vector<16xi1>, vector<16xf32>
      %parallel_loop3A_1089 = arith.select %parallel_loop3A_1039, %parallel_loop3A_1071, %parallel_loop3A_1073 : vector<16xi1>, vector<16xf32>
      %parallel_loop3A_1090 = arith.select %parallel_loop3A_1086, %parallel_loop3A_1089, %parallel_loop3A_1083 : vector<16xi1>, vector<16xf32>
      %parallel_loop3A_1091 = arith.select %parallel_loop3A_1014, %parallel_loop3A_1071, %parallel_loop3A_1090 : vector<16xi1>, vector<16xf32>
      %parallel_loop3A_1092 = arith.addf %parallel_loop3A_840, %parallel_loop3A_1088 : vector<16xf32>
      %parallel_loop3A_1093 = arith.addf %parallel_loop3A_841, %parallel_loop3A_1091 : vector<16xf32>
      %parallel_loop3A_1094 = arith.constant 16 : i32
      %parallel_loop3A_1095 = arith.index_cast %parallel_loop3A_1094 : i32 to index
      %parallel_loop3A_1096 = arith.index_cast %parallel_loop3A_81 : i32 to index
      %parallel_loop3A_1097 = tpu.vector_load %arg4[%parallel_loop3A_1095, %parallel_loop3A_1096] {strides = array<i32>} : memref<48x512xf32, #tpu.memory_space<vmem>>, vector<1x16xf32>,
      %parallel_loop3A_1098 = vector.shape_cast %parallel_loop3A_1097 : vector<1x16xf32> to vector<16xf32>
      %parallel_loop3A_1099 = arith.constant 17 : i32
      %parallel_loop3A_1100 = arith.index_cast %parallel_loop3A_1099 : i32 to index
      %parallel_loop3A_1101 = arith.index_cast %parallel_loop3A_81 : i32 to index
      %parallel_loop3A_1102 = tpu.vector_load %arg4[%parallel_loop3A_1100, %parallel_loop3A_1101] {strides = array<i32>} : memref<48x512xf32, #tpu.memory_space<vmem>>, vector<1x16xf32>,
      %parallel_loop3A_1103 = vector.shape_cast %parallel_loop3A_1102 : vector<1x16xf32> to vector<16xf32>
      %parallel_loop3A_1104 = arith.constant 18 : i32
      %parallel_loop3A_1105 = arith.index_cast %parallel_loop3A_1104 : i32 to index
      %parallel_loop3A_1106 = arith.index_cast %parallel_loop3A_81 : i32 to index
      %parallel_loop3A_1107 = tpu.vector_load %arg4[%parallel_loop3A_1105, %parallel_loop3A_1106] {strides = array<i32>} : memref<48x512xf32, #tpu.memory_space<vmem>>, vector<1x16xf32>,
      %parallel_loop3A_1108 = vector.shape_cast %parallel_loop3A_1107 : vector<1x16xf32> to vector<16xf32>
      %parallel_loop3A_1109 = arith.constant 19 : i32
      %parallel_loop3A_1110 = arith.index_cast %parallel_loop3A_1109 : i32 to index
      %parallel_loop3A_1111 = arith.index_cast %parallel_loop3A_81 : i32 to index
      %parallel_loop3A_1112 = tpu.vector_load %arg4[%parallel_loop3A_1110, %parallel_loop3A_1111] {strides = array<i32>} : memref<48x512xf32, #tpu.memory_space<vmem>>, vector<1x16xf32>,
      %parallel_loop3A_1113 = vector.shape_cast %parallel_loop3A_1112 : vector<1x16xf32> to vector<16xf32>
      %parallel_loop3A_1114 = arith.constant 40 : i32
      %parallel_loop3A_1115 = arith.index_cast %parallel_loop3A_1114 : i32 to index
      %parallel_loop3A_1116 = arith.index_cast %parallel_loop3A_81 : i32 to index
      %parallel_loop3A_1117 = tpu.vector_load %arg4[%parallel_loop3A_1115, %parallel_loop3A_1116] {strides = array<i32>} : memref<48x512xf32, #tpu.memory_space<vmem>>, vector<1x16xf32>,
      %parallel_loop3A_1118 = vector.shape_cast %parallel_loop3A_1117 : vector<1x16xf32> to vector<16xf32>
      %parallel_loop3A_1119 = arith.constant 41 : i32
      %parallel_loop3A_1120 = arith.index_cast %parallel_loop3A_1119 : i32 to index
      %parallel_loop3A_1121 = arith.index_cast %parallel_loop3A_81 : i32 to index
      %parallel_loop3A_1122 = tpu.vector_load %arg4[%parallel_loop3A_1120, %parallel_loop3A_1121] {strides = array<i32>} : memref<48x512xf32, #tpu.memory_space<vmem>>, vector<1x16xf32>,
      %parallel_loop3A_1123 = vector.shape_cast %parallel_loop3A_1122 : vector<1x16xf32> to vector<16xf32>
      %parallel_loop3A_1124 = arith.constant 42 : i32
      %parallel_loop3A_1125 = arith.index_cast %parallel_loop3A_1124 : i32 to index
      %parallel_loop3A_1126 = arith.index_cast %parallel_loop3A_81 : i32 to index
      %parallel_loop3A_1127 = tpu.vector_load %arg4[%parallel_loop3A_1125, %parallel_loop3A_1126] {strides = array<i32>} : memref<48x512xf32, #tpu.memory_space<vmem>>, vector<1x16xf32>,
      %parallel_loop3A_1128 = vector.shape_cast %parallel_loop3A_1127 : vector<1x16xf32> to vector<16xf32>
      %parallel_loop3A_1129 = arith.constant 43 : i32
      %parallel_loop3A_1130 = arith.index_cast %parallel_loop3A_1129 : i32 to index
      %parallel_loop3A_1131 = arith.index_cast %parallel_loop3A_81 : i32 to index
      %parallel_loop3A_1132 = tpu.vector_load %arg4[%parallel_loop3A_1130, %parallel_loop3A_1131] {strides = array<i32>} : memref<48x512xf32, #tpu.memory_space<vmem>>, vector<1x16xf32>,
      %parallel_loop3A_1133 = vector.shape_cast %parallel_loop3A_1132 : vector<1x16xf32> to vector<16xf32>
      %parallel_loop3A_1134 = arith.maximumf %parallel_loop3A_1098, %parallel_loop3A_1103 : vector<16xf32>
      %parallel_loop3A_1135 = arith.maximumf %parallel_loop3A_1108, %parallel_loop3A_1113 : vector<16xf32>
      %parallel_loop3A_1136 = arith.maximumf %parallel_loop3A_1134, %parallel_loop3A_1135 : vector<16xf32>
      %parallel_loop3A_1137 = arith.subf %parallel_loop3A_1098, %parallel_loop3A_1136 : vector<16xf32>
      %parallel_loop3A_1138 = math.exp %parallel_loop3A_1137 : vector<16xf32>
      %parallel_loop3A_1139 = arith.subf %parallel_loop3A_1103, %parallel_loop3A_1136 : vector<16xf32>
      %parallel_loop3A_1140 = math.exp %parallel_loop3A_1139 : vector<16xf32>
      %parallel_loop3A_1141 = arith.subf %parallel_loop3A_1108, %parallel_loop3A_1136 : vector<16xf32>
      %parallel_loop3A_1142 = math.exp %parallel_loop3A_1141 : vector<16xf32>
      %parallel_loop3A_1143 = arith.subf %parallel_loop3A_1113, %parallel_loop3A_1136 : vector<16xf32>
      %parallel_loop3A_1144 = math.exp %parallel_loop3A_1143 : vector<16xf32>
      %parallel_loop3A_1145 = arith.addf %parallel_loop3A_1138, %parallel_loop3A_1140 : vector<16xf32>
      %parallel_loop3A_1146 = arith.addf %parallel_loop3A_1145, %parallel_loop3A_1142 : vector<16xf32>
      %parallel_loop3A_1147 = arith.addf %parallel_loop3A_1146, %parallel_loop3A_1144 : vector<16xf32>
      %parallel_loop3A_1148 = arith.constant 3.000000e+00 : f32
      %parallel_loop3A_1149 = vector.broadcast %parallel_loop3A_1148 : f32 to vector<16xf32>
      %parallel_loop3A_1150 = arith.divf %parallel_loop3A_1149, %parallel_loop3A_1147 : vector<16xf32>
      %parallel_loop3A_1151 = arith.mulf %parallel_loop3A_1138, %parallel_loop3A_1150 : vector<16xf32>
      %parallel_loop3A_1152 = arith.mulf %parallel_loop3A_1140, %parallel_loop3A_1150 : vector<16xf32>
      %parallel_loop3A_1153 = arith.mulf %parallel_loop3A_1142, %parallel_loop3A_1150 : vector<16xf32>
      %parallel_loop3A_1154 = arith.mulf %parallel_loop3A_1144, %parallel_loop3A_1150 : vector<16xf32>
      %parallel_loop3A_1155 = arith.subf %parallel_loop3A_1151, %parallel_loop3A_1118 : vector<16xf32>
      %parallel_loop3A_1156 = math.absf %parallel_loop3A_1155 : vector<16xf32>
      %parallel_loop3A_1157 = arith.constant 9.000000e-02 : f32
      %parallel_loop3A_1158 = vector.broadcast %parallel_loop3A_1157 : f32 to vector<16xf32>
      %parallel_loop3A_1159 = arith.cmpf ole, %parallel_loop3A_1156, %parallel_loop3A_1158 : vector<16xf32>
      %parallel_loop3A_1160 = arith.subf %parallel_loop3A_1152, %parallel_loop3A_1123 : vector<16xf32>
      %parallel_loop3A_1161 = math.absf %parallel_loop3A_1160 : vector<16xf32>
      %parallel_loop3A_1162 = arith.constant 9.000000e-02 : f32
      %parallel_loop3A_1163 = vector.broadcast %parallel_loop3A_1162 : f32 to vector<16xf32>
      %parallel_loop3A_1164 = arith.cmpf ole, %parallel_loop3A_1161, %parallel_loop3A_1163 : vector<16xf32>
      %parallel_loop3A_1165 = arith.andi %parallel_loop3A_1159, %parallel_loop3A_1164 : vector<16xi1>
      %parallel_loop3A_1166 = arith.subf %parallel_loop3A_1153, %parallel_loop3A_1128 : vector<16xf32>
      %parallel_loop3A_1167 = math.absf %parallel_loop3A_1166 : vector<16xf32>
      %parallel_loop3A_1168 = arith.constant 9.000000e-02 : f32
      %parallel_loop3A_1169 = vector.broadcast %parallel_loop3A_1168 : f32 to vector<16xf32>
      %parallel_loop3A_1170 = arith.cmpf ole, %parallel_loop3A_1167, %parallel_loop3A_1169 : vector<16xf32>
      %parallel_loop3A_1171 = arith.andi %parallel_loop3A_1165, %parallel_loop3A_1170 : vector<16xi1>
      %parallel_loop3A_1172 = arith.subf %parallel_loop3A_1154, %parallel_loop3A_1133 : vector<16xf32>
      %parallel_loop3A_1173 = math.absf %parallel_loop3A_1172 : vector<16xf32>
      %parallel_loop3A_1174 = arith.constant 9.000000e-02 : f32
      %parallel_loop3A_1175 = vector.broadcast %parallel_loop3A_1174 : f32 to vector<16xf32>
      %parallel_loop3A_1176 = arith.cmpf ole, %parallel_loop3A_1173, %parallel_loop3A_1175 : vector<16xf32>
      %parallel_loop3A_1177 = arith.andi %parallel_loop3A_1171, %parallel_loop3A_1176 : vector<16xi1>
      %parallel_loop3A_1178 = arith.minimumf %parallel_loop3A_1118, %parallel_loop3A_1123 : vector<16xf32>
      %parallel_loop3A_1179 = arith.maximumf %parallel_loop3A_1118, %parallel_loop3A_1123 : vector<16xf32>
      %parallel_loop3A_1180 = arith.minimumf %parallel_loop3A_1128, %parallel_loop3A_1133 : vector<16xf32>
      %parallel_loop3A_1181 = arith.maximumf %parallel_loop3A_1128, %parallel_loop3A_1133 : vector<16xf32>
      %parallel_loop3A_1182 = arith.minimumf %parallel_loop3A_1178, %parallel_loop3A_1180 : vector<16xf32>
      %parallel_loop3A_1183 = arith.maximumf %parallel_loop3A_1178, %parallel_loop3A_1180 : vector<16xf32>
      %parallel_loop3A_1184 = arith.minimumf %parallel_loop3A_1179, %parallel_loop3A_1181 : vector<16xf32>
      %parallel_loop3A_1185 = arith.minimumf %parallel_loop3A_1184, %parallel_loop3A_1183 : vector<16xf32>
      %parallel_loop3A_1186 = arith.maximumf %parallel_loop3A_1184, %parallel_loop3A_1183 : vector<16xf32>
      %parallel_loop3A_1187 = arith.subf %parallel_loop3A_1182, %parallel_loop3A_1185 : vector<16xf32>
      %parallel_loop3A_1188 = math.absf %parallel_loop3A_1187 : vector<16xf32>
      %parallel_loop3A_1189 = arith.subf %parallel_loop3A_1186, %parallel_loop3A_1185 : vector<16xf32>
      %parallel_loop3A_1190 = math.absf %parallel_loop3A_1189 : vector<16xf32>
      %parallel_loop3A_1191 = arith.constant 1 : i32
      %parallel_loop3A_1192 = vector.broadcast %parallel_loop3A_1191 : i32 to vector<16xi32>
      %parallel_loop3A_1193 = arith.constant 0 : i32
      %parallel_loop3A_1194 = vector.broadcast %parallel_loop3A_1193 : i32 to vector<16xi32>
      %parallel_loop3A_1195 = arith.cmpf ole, %parallel_loop3A_1118, %parallel_loop3A_1123 : vector<16xf32>
      %parallel_loop3A_1196 = arith.select %parallel_loop3A_1195, %parallel_loop3A_1192, %parallel_loop3A_1194 : vector<16xi1>, vector<16xi32>
      %parallel_loop3A_1197 = arith.cmpf ole, %parallel_loop3A_1118, %parallel_loop3A_1128 : vector<16xf32>
      %parallel_loop3A_1198 = arith.select %parallel_loop3A_1197, %parallel_loop3A_1192, %parallel_loop3A_1194 : vector<16xi1>, vector<16xi32>
      %parallel_loop3A_1199 = arith.cmpf ole, %parallel_loop3A_1118, %parallel_loop3A_1133 : vector<16xf32>
      %parallel_loop3A_1200 = arith.select %parallel_loop3A_1199, %parallel_loop3A_1192, %parallel_loop3A_1194 : vector<16xi1>, vector<16xi32>
      %parallel_loop3A_1201 = arith.cmpf ole, %parallel_loop3A_1123, %parallel_loop3A_1128 : vector<16xf32>
      %parallel_loop3A_1202 = arith.select %parallel_loop3A_1201, %parallel_loop3A_1192, %parallel_loop3A_1194 : vector<16xi1>, vector<16xi32>
      %parallel_loop3A_1203 = arith.cmpf ole, %parallel_loop3A_1123, %parallel_loop3A_1133 : vector<16xf32>
      %parallel_loop3A_1204 = arith.select %parallel_loop3A_1203, %parallel_loop3A_1192, %parallel_loop3A_1194 : vector<16xi1>, vector<16xi32>
      %parallel_loop3A_1205 = arith.cmpf ole, %parallel_loop3A_1128, %parallel_loop3A_1133 : vector<16xf32>
      %parallel_loop3A_1206 = arith.select %parallel_loop3A_1205, %parallel_loop3A_1192, %parallel_loop3A_1194 : vector<16xi1>, vector<16xi32>
      %parallel_loop3A_1207 = arith.addi %parallel_loop3A_1192, %parallel_loop3A_1192 : vector<16xi32>
      %parallel_loop3A_1208 = arith.addi %parallel_loop3A_1207, %parallel_loop3A_1192 : vector<16xi32>
      %parallel_loop3A_1209 = arith.subi %parallel_loop3A_1208, %parallel_loop3A_1196 : vector<16xi32>
      %parallel_loop3A_1210 = arith.subi %parallel_loop3A_1209, %parallel_loop3A_1198 : vector<16xi32>
      %parallel_loop3A_1211 = arith.subi %parallel_loop3A_1210, %parallel_loop3A_1200 : vector<16xi32>
      %parallel_loop3A_1212 = arith.addi %parallel_loop3A_1192, %parallel_loop3A_1192 : vector<16xi32>
      %parallel_loop3A_1213 = arith.addi %parallel_loop3A_1212, %parallel_loop3A_1196 : vector<16xi32>
      %parallel_loop3A_1214 = arith.subi %parallel_loop3A_1213, %parallel_loop3A_1202 : vector<16xi32>
      %parallel_loop3A_1215 = arith.subi %parallel_loop3A_1214, %parallel_loop3A_1204 : vector<16xi32>
      %parallel_loop3A_1216 = arith.addi %parallel_loop3A_1192, %parallel_loop3A_1198 : vector<16xi32>
      %parallel_loop3A_1217 = arith.addi %parallel_loop3A_1216, %parallel_loop3A_1202 : vector<16xi32>
      %parallel_loop3A_1218 = arith.subi %parallel_loop3A_1217, %parallel_loop3A_1206 : vector<16xi32>
      %parallel_loop3A_1219 = arith.addi %parallel_loop3A_1200, %parallel_loop3A_1204 : vector<16xi32>
      %parallel_loop3A_1220 = arith.addi %parallel_loop3A_1219, %parallel_loop3A_1206 : vector<16xi32>
      %parallel_loop3A_1221 = arith.constant 1 : i32
      %parallel_loop3A_1222 = vector.broadcast %parallel_loop3A_1221 : i32 to vector<16xi32>
      %parallel_loop3A_1223 = arith.constant 0 : i32
      %parallel_loop3A_1224 = vector.broadcast %parallel_loop3A_1223 : i32 to vector<16xi32>
      %parallel_loop3A_1225 = arith.cmpf ole, %parallel_loop3A_1151, %parallel_loop3A_1152 : vector<16xf32>
      %parallel_loop3A_1226 = arith.select %parallel_loop3A_1225, %parallel_loop3A_1222, %parallel_loop3A_1224 : vector<16xi1>, vector<16xi32>
      %parallel_loop3A_1227 = arith.cmpf ole, %parallel_loop3A_1151, %parallel_loop3A_1153 : vector<16xf32>
      %parallel_loop3A_1228 = arith.select %parallel_loop3A_1227, %parallel_loop3A_1222, %parallel_loop3A_1224 : vector<16xi1>, vector<16xi32>
      %parallel_loop3A_1229 = arith.cmpf ole, %parallel_loop3A_1151, %parallel_loop3A_1154 : vector<16xf32>
      %parallel_loop3A_1230 = arith.select %parallel_loop3A_1229, %parallel_loop3A_1222, %parallel_loop3A_1224 : vector<16xi1>, vector<16xi32>
      %parallel_loop3A_1231 = arith.cmpf ole, %parallel_loop3A_1152, %parallel_loop3A_1153 : vector<16xf32>
      %parallel_loop3A_1232 = arith.select %parallel_loop3A_1231, %parallel_loop3A_1222, %parallel_loop3A_1224 : vector<16xi1>, vector<16xi32>
      %parallel_loop3A_1233 = arith.cmpf ole, %parallel_loop3A_1152, %parallel_loop3A_1154 : vector<16xf32>
      %parallel_loop3A_1234 = arith.select %parallel_loop3A_1233, %parallel_loop3A_1222, %parallel_loop3A_1224 : vector<16xi1>, vector<16xi32>
      %parallel_loop3A_1235 = arith.cmpf ole, %parallel_loop3A_1153, %parallel_loop3A_1154 : vector<16xf32>
      %parallel_loop3A_1236 = arith.select %parallel_loop3A_1235, %parallel_loop3A_1222, %parallel_loop3A_1224 : vector<16xi1>, vector<16xi32>
      %parallel_loop3A_1237 = arith.addi %parallel_loop3A_1222, %parallel_loop3A_1222 : vector<16xi32>
      %parallel_loop3A_1238 = arith.addi %parallel_loop3A_1237, %parallel_loop3A_1222 : vector<16xi32>
      %parallel_loop3A_1239 = arith.subi %parallel_loop3A_1238, %parallel_loop3A_1226 : vector<16xi32>
      %parallel_loop3A_1240 = arith.subi %parallel_loop3A_1239, %parallel_loop3A_1228 : vector<16xi32>
      %parallel_loop3A_1241 = arith.subi %parallel_loop3A_1240, %parallel_loop3A_1230 : vector<16xi32>
      %parallel_loop3A_1242 = arith.addi %parallel_loop3A_1222, %parallel_loop3A_1222 : vector<16xi32>
      %parallel_loop3A_1243 = arith.addi %parallel_loop3A_1242, %parallel_loop3A_1226 : vector<16xi32>
      %parallel_loop3A_1244 = arith.subi %parallel_loop3A_1243, %parallel_loop3A_1232 : vector<16xi32>
      %parallel_loop3A_1245 = arith.subi %parallel_loop3A_1244, %parallel_loop3A_1234 : vector<16xi32>
      %parallel_loop3A_1246 = arith.addi %parallel_loop3A_1222, %parallel_loop3A_1228 : vector<16xi32>
      %parallel_loop3A_1247 = arith.addi %parallel_loop3A_1246, %parallel_loop3A_1232 : vector<16xi32>
      %parallel_loop3A_1248 = arith.subi %parallel_loop3A_1247, %parallel_loop3A_1236 : vector<16xi32>
      %parallel_loop3A_1249 = arith.addi %parallel_loop3A_1230, %parallel_loop3A_1234 : vector<16xi32>
      %parallel_loop3A_1250 = arith.addi %parallel_loop3A_1249, %parallel_loop3A_1236 : vector<16xi32>
      %parallel_loop3A_1251 = arith.cmpi eq, %parallel_loop3A_1241, %parallel_loop3A_1211 : vector<16xi32>
      %parallel_loop3A_1252 = arith.cmpi eq, %parallel_loop3A_1245, %parallel_loop3A_1215 : vector<16xi32>
      %parallel_loop3A_1253 = arith.cmpi eq, %parallel_loop3A_1248, %parallel_loop3A_1218 : vector<16xi32>
      %parallel_loop3A_1254 = arith.cmpi eq, %parallel_loop3A_1250, %parallel_loop3A_1220 : vector<16xi32>
      %parallel_loop3A_1255 = arith.constant 3.000000e-02 : f32
      %parallel_loop3A_1256 = vector.broadcast %parallel_loop3A_1255 : f32 to vector<16xf32>
      %parallel_loop3A_1257 = arith.cmpf olt, %parallel_loop3A_1188, %parallel_loop3A_1256 : vector<16xf32>
      %parallel_loop3A_1258 = arith.constant 3.000000e-02 : f32
      %parallel_loop3A_1259 = vector.broadcast %parallel_loop3A_1258 : f32 to vector<16xf32>
      %parallel_loop3A_1260 = arith.cmpf olt, %parallel_loop3A_1190, %parallel_loop3A_1259 : vector<16xf32>
      %parallel_loop3A_1261 = arith.andi %parallel_loop3A_1257, %parallel_loop3A_1260 : vector<16xi1>
      %parallel_loop3A_1262 = arith.andi %parallel_loop3A_1257, %parallel_loop3A_1253 : vector<16xi1>
      %parallel_loop3A_1263 = arith.ori %parallel_loop3A_1261, %parallel_loop3A_1262 : vector<16xi1>
      %parallel_loop3A_1264 = arith.andi %parallel_loop3A_1260, %parallel_loop3A_1251 : vector<16xi1>
      %parallel_loop3A_1265 = arith.ori %parallel_loop3A_1263, %parallel_loop3A_1264 : vector<16xi1>
      %parallel_loop3A_1266 = arith.andi %parallel_loop3A_1177, %parallel_loop3A_1265 : vector<16xi1>
      %parallel_loop3A_1267 = arith.constant 1 : i32
      %parallel_loop3A_1268 = vector.broadcast %parallel_loop3A_1267 : i32 to vector<16xi32>
      %parallel_loop3A_1269 = arith.constant 0 : i32
      %parallel_loop3A_1270 = vector.broadcast %parallel_loop3A_1269 : i32 to vector<16xi32>
      %parallel_loop3A_1271 = arith.constant 0.000000e+00 : f32
      %parallel_loop3A_1272 = vector.broadcast %parallel_loop3A_1271 : f32 to vector<16xf32>
      %parallel_loop3A_1273 = arith.cmpf oeq, %parallel_loop3A_1118, %parallel_loop3A_1272 : vector<16xf32>
      %parallel_loop3A_1274 = arith.select %parallel_loop3A_1273, %parallel_loop3A_1268, %parallel_loop3A_1270 : vector<16xi1>, vector<16xi32>
      %parallel_loop3A_1275 = arith.constant 0.000000e+00 : f32
      %parallel_loop3A_1276 = vector.broadcast %parallel_loop3A_1275 : f32 to vector<16xf32>
      %parallel_loop3A_1277 = arith.cmpf oeq, %parallel_loop3A_1123, %parallel_loop3A_1276 : vector<16xf32>
      %parallel_loop3A_1278 = arith.select %parallel_loop3A_1277, %parallel_loop3A_1268, %parallel_loop3A_1270 : vector<16xi1>, vector<16xi32>
      %parallel_loop3A_1279 = arith.constant 0.000000e+00 : f32
      %parallel_loop3A_1280 = vector.broadcast %parallel_loop3A_1279 : f32 to vector<16xf32>
      %parallel_loop3A_1281 = arith.cmpf oeq, %parallel_loop3A_1128, %parallel_loop3A_1280 : vector<16xf32>
      %parallel_loop3A_1282 = arith.select %parallel_loop3A_1281, %parallel_loop3A_1268, %parallel_loop3A_1270 : vector<16xi1>, vector<16xi32>
      %parallel_loop3A_1283 = arith.constant 0.000000e+00 : f32
      %parallel_loop3A_1284 = vector.broadcast %parallel_loop3A_1283 : f32 to vector<16xf32>
      %parallel_loop3A_1285 = arith.cmpf oeq, %parallel_loop3A_1133, %parallel_loop3A_1284 : vector<16xf32>
      %parallel_loop3A_1286 = arith.select %parallel_loop3A_1285, %parallel_loop3A_1268, %parallel_loop3A_1270 : vector<16xi1>, vector<16xi32>
      %parallel_loop3A_1287 = arith.addi %parallel_loop3A_1274, %parallel_loop3A_1278 : vector<16xi32>
      %parallel_loop3A_1288 = arith.addi %parallel_loop3A_1287, %parallel_loop3A_1282 : vector<16xi32>
      %parallel_loop3A_1289 = arith.addi %parallel_loop3A_1288, %parallel_loop3A_1286 : vector<16xi32>
      %parallel_loop3A_1290 = arith.andi %parallel_loop3A_1251, %parallel_loop3A_1253 : vector<16xi1>
      %parallel_loop3A_1291 = arith.andi %parallel_loop3A_1290, %parallel_loop3A_1254 : vector<16xi1>
      %parallel_loop3A_1292 = arith.constant 2 : i32
      %parallel_loop3A_1293 = vector.broadcast %parallel_loop3A_1292 : i32 to vector<16xi32>
      %parallel_loop3A_1294 = arith.cmpi sge, %parallel_loop3A_1241, %parallel_loop3A_1293 : vector<16xi32>
      %parallel_loop3A_1295 = arith.andi %parallel_loop3A_1251, %parallel_loop3A_1294 : vector<16xi1>
      %parallel_loop3A_1296 = arith.select %parallel_loop3A_1295, %parallel_loop3A_1268, %parallel_loop3A_1270 : vector<16xi1>, vector<16xi32>
      %parallel_loop3A_1297 = arith.addi %parallel_loop3A_1270, %parallel_loop3A_1296 : vector<16xi32>
      %parallel_loop3A_1298 = arith.constant 2 : i32
      %parallel_loop3A_1299 = vector.broadcast %parallel_loop3A_1298 : i32 to vector<16xi32>
      %parallel_loop3A_1300 = arith.cmpi sge, %parallel_loop3A_1245, %parallel_loop3A_1299 : vector<16xi32>
      %parallel_loop3A_1301 = arith.andi %parallel_loop3A_1252, %parallel_loop3A_1300 : vector<16xi1>
      %parallel_loop3A_1302 = arith.select %parallel_loop3A_1301, %parallel_loop3A_1268, %parallel_loop3A_1270 : vector<16xi1>, vector<16xi32>
      %parallel_loop3A_1303 = arith.addi %parallel_loop3A_1297, %parallel_loop3A_1302 : vector<16xi32>
      %parallel_loop3A_1304 = arith.constant 2 : i32
      %parallel_loop3A_1305 = vector.broadcast %parallel_loop3A_1304 : i32 to vector<16xi32>
      %parallel_loop3A_1306 = arith.cmpi sge, %parallel_loop3A_1248, %parallel_loop3A_1305 : vector<16xi32>
      %parallel_loop3A_1307 = arith.andi %parallel_loop3A_1253, %parallel_loop3A_1306 : vector<16xi1>
      %parallel_loop3A_1308 = arith.select %parallel_loop3A_1307, %parallel_loop3A_1268, %parallel_loop3A_1270 : vector<16xi1>, vector<16xi32>
      %parallel_loop3A_1309 = arith.addi %parallel_loop3A_1303, %parallel_loop3A_1308 : vector<16xi32>
      %parallel_loop3A_1310 = arith.constant 2 : i32
      %parallel_loop3A_1311 = vector.broadcast %parallel_loop3A_1310 : i32 to vector<16xi32>
      %parallel_loop3A_1312 = arith.cmpi sge, %parallel_loop3A_1250, %parallel_loop3A_1311 : vector<16xi32>
      %parallel_loop3A_1313 = arith.andi %parallel_loop3A_1254, %parallel_loop3A_1312 : vector<16xi1>
      %parallel_loop3A_1314 = arith.select %parallel_loop3A_1313, %parallel_loop3A_1268, %parallel_loop3A_1270 : vector<16xi1>, vector<16xi32>
      %parallel_loop3A_1315 = arith.addi %parallel_loop3A_1309, %parallel_loop3A_1314 : vector<16xi32>
      %parallel_loop3A_1316 = arith.constant 2 : i32
      %parallel_loop3A_1317 = vector.broadcast %parallel_loop3A_1316 : i32 to vector<16xi32>
      %parallel_loop3A_1318 = arith.cmpi eq, %parallel_loop3A_1315, %parallel_loop3A_1317 : vector<16xi32>
      %parallel_loop3A_1319 = arith.constant 3 : i32
      %parallel_loop3A_1320 = vector.broadcast %parallel_loop3A_1319 : i32 to vector<16xi32>
      %parallel_loop3A_1321 = arith.cmpi eq, %parallel_loop3A_1250, %parallel_loop3A_1320 : vector<16xi32>
      %parallel_loop3A_1322 = arith.constant 1.000000e+00 : f32
      %parallel_loop3A_1323 = vector.broadcast %parallel_loop3A_1322 : f32 to vector<16xf32>
      %parallel_loop3A_1324 = arith.constant 0.000000e+00 : f32
      %parallel_loop3A_1325 = vector.broadcast %parallel_loop3A_1324 : f32 to vector<16xf32>
      %parallel_loop3A_1326 = arith.constant 2 : i32
      %parallel_loop3A_1327 = vector.broadcast %parallel_loop3A_1326 : i32 to vector<16xi32>
      %parallel_loop3A_1328 = arith.cmpi eq, %parallel_loop3A_1289, %parallel_loop3A_1327 : vector<16xi32>
      %parallel_loop3A_1329 = arith.select %parallel_loop3A_1318, %parallel_loop3A_1323, %parallel_loop3A_1325 : vector<16xi1>, vector<16xf32>
      %parallel_loop3A_1330 = arith.constant 3 : i32
      %parallel_loop3A_1331 = vector.broadcast %parallel_loop3A_1330 : i32 to vector<16xi32>
      %parallel_loop3A_1332 = arith.cmpi eq, %parallel_loop3A_1289, %parallel_loop3A_1331 : vector<16xi32>
      %parallel_loop3A_1333 = arith.select %parallel_loop3A_1321, %parallel_loop3A_1323, %parallel_loop3A_1325 : vector<16xi1>, vector<16xf32>
      %parallel_loop3A_1334 = arith.select %parallel_loop3A_1332, %parallel_loop3A_1333, %parallel_loop3A_1325 : vector<16xi1>, vector<16xf32>
      %parallel_loop3A_1335 = arith.select %parallel_loop3A_1328, %parallel_loop3A_1329, %parallel_loop3A_1334 : vector<16xi1>, vector<16xf32>
      %parallel_loop3A_1336 = arith.constant 2 : i32
      %parallel_loop3A_1337 = vector.broadcast %parallel_loop3A_1336 : i32 to vector<16xi32>
      %parallel_loop3A_1338 = arith.cmpi slt, %parallel_loop3A_1289, %parallel_loop3A_1337 : vector<16xi32>
      %parallel_loop3A_1339 = arith.ori %parallel_loop3A_1266, %parallel_loop3A_1338 : vector<16xi1>
      %parallel_loop3A_1340 = arith.select %parallel_loop3A_1339, %parallel_loop3A_1323, %parallel_loop3A_1335 : vector<16xi1>, vector<16xf32>
      %parallel_loop3A_1341 = arith.select %parallel_loop3A_1291, %parallel_loop3A_1323, %parallel_loop3A_1325 : vector<16xi1>, vector<16xf32>
      %parallel_loop3A_1342 = arith.select %parallel_loop3A_1338, %parallel_loop3A_1341, %parallel_loop3A_1335 : vector<16xi1>, vector<16xf32>
      %parallel_loop3A_1343 = arith.select %parallel_loop3A_1266, %parallel_loop3A_1323, %parallel_loop3A_1342 : vector<16xi1>, vector<16xf32>
      %parallel_loop3A_1344 = arith.addf %parallel_loop3A_1092, %parallel_loop3A_1340 : vector<16xf32>
      %parallel_loop3A_1345 = arith.addf %parallel_loop3A_1093, %parallel_loop3A_1343 : vector<16xf32>
      %parallel_loop3A_1346 = arith.constant 20 : i32
      %parallel_loop3A_1347 = arith.index_cast %parallel_loop3A_1346 : i32 to index
      %parallel_loop3A_1348 = arith.index_cast %parallel_loop3A_81 : i32 to index
      %parallel_loop3A_1349 = tpu.vector_load %arg4[%parallel_loop3A_1347, %parallel_loop3A_1348] {strides = array<i32>} : memref<48x512xf32, #tpu.memory_space<vmem>>, vector<1x16xf32>,
      %parallel_loop3A_1350 = vector.shape_cast %parallel_loop3A_1349 : vector<1x16xf32> to vector<16xf32>
      %parallel_loop3A_1351 = arith.constant 21 : i32
      %parallel_loop3A_1352 = arith.index_cast %parallel_loop3A_1351 : i32 to index
      %parallel_loop3A_1353 = arith.index_cast %parallel_loop3A_81 : i32 to index
      %parallel_loop3A_1354 = tpu.vector_load %arg4[%parallel_loop3A_1352, %parallel_loop3A_1353] {strides = array<i32>} : memref<48x512xf32, #tpu.memory_space<vmem>>, vector<1x16xf32>,
      %parallel_loop3A_1355 = vector.shape_cast %parallel_loop3A_1354 : vector<1x16xf32> to vector<16xf32>
      %parallel_loop3A_1356 = arith.constant 22 : i32
      %parallel_loop3A_1357 = arith.index_cast %parallel_loop3A_1356 : i32 to index
      %parallel_loop3A_1358 = arith.index_cast %parallel_loop3A_81 : i32 to index
      %parallel_loop3A_1359 = tpu.vector_load %arg4[%parallel_loop3A_1357, %parallel_loop3A_1358] {strides = array<i32>} : memref<48x512xf32, #tpu.memory_space<vmem>>, vector<1x16xf32>,
      %parallel_loop3A_1360 = vector.shape_cast %parallel_loop3A_1359 : vector<1x16xf32> to vector<16xf32>
      %parallel_loop3A_1361 = arith.constant 23 : i32
      %parallel_loop3A_1362 = arith.index_cast %parallel_loop3A_1361 : i32 to index
      %parallel_loop3A_1363 = arith.index_cast %parallel_loop3A_81 : i32 to index
      %parallel_loop3A_1364 = tpu.vector_load %arg4[%parallel_loop3A_1362, %parallel_loop3A_1363] {strides = array<i32>} : memref<48x512xf32, #tpu.memory_space<vmem>>, vector<1x16xf32>,
      %parallel_loop3A_1365 = vector.shape_cast %parallel_loop3A_1364 : vector<1x16xf32> to vector<16xf32>
      %parallel_loop3A_1366 = arith.constant 44 : i32
      %parallel_loop3A_1367 = arith.index_cast %parallel_loop3A_1366 : i32 to index
      %parallel_loop3A_1368 = arith.index_cast %parallel_loop3A_81 : i32 to index
      %parallel_loop3A_1369 = tpu.vector_load %arg4[%parallel_loop3A_1367, %parallel_loop3A_1368] {strides = array<i32>} : memref<48x512xf32, #tpu.memory_space<vmem>>, vector<1x16xf32>,
      %parallel_loop3A_1370 = vector.shape_cast %parallel_loop3A_1369 : vector<1x16xf32> to vector<16xf32>
      %parallel_loop3A_1371 = arith.constant 45 : i32
      %parallel_loop3A_1372 = arith.index_cast %parallel_loop3A_1371 : i32 to index
      %parallel_loop3A_1373 = arith.index_cast %parallel_loop3A_81 : i32 to index
      %parallel_loop3A_1374 = tpu.vector_load %arg4[%parallel_loop3A_1372, %parallel_loop3A_1373] {strides = array<i32>} : memref<48x512xf32, #tpu.memory_space<vmem>>, vector<1x16xf32>,
      %parallel_loop3A_1375 = vector.shape_cast %parallel_loop3A_1374 : vector<1x16xf32> to vector<16xf32>
      %parallel_loop3A_1376 = arith.constant 46 : i32
      %parallel_loop3A_1377 = arith.index_cast %parallel_loop3A_1376 : i32 to index
      %parallel_loop3A_1378 = arith.index_cast %parallel_loop3A_81 : i32 to index
      %parallel_loop3A_1379 = tpu.vector_load %arg4[%parallel_loop3A_1377, %parallel_loop3A_1378] {strides = array<i32>} : memref<48x512xf32, #tpu.memory_space<vmem>>, vector<1x16xf32>,
      %parallel_loop3A_1380 = vector.shape_cast %parallel_loop3A_1379 : vector<1x16xf32> to vector<16xf32>
      %parallel_loop3A_1381 = arith.constant 47 : i32
      %parallel_loop3A_1382 = arith.index_cast %parallel_loop3A_1381 : i32 to index
      %parallel_loop3A_1383 = arith.index_cast %parallel_loop3A_81 : i32 to index
      %parallel_loop3A_1384 = tpu.vector_load %arg4[%parallel_loop3A_1382, %parallel_loop3A_1383] {strides = array<i32>} : memref<48x512xf32, #tpu.memory_space<vmem>>, vector<1x16xf32>,
      %parallel_loop3A_1385 = vector.shape_cast %parallel_loop3A_1384 : vector<1x16xf32> to vector<16xf32>
      %parallel_loop3A_1386 = arith.maximumf %parallel_loop3A_1350, %parallel_loop3A_1355 : vector<16xf32>
      %parallel_loop3A_1387 = arith.maximumf %parallel_loop3A_1360, %parallel_loop3A_1365 : vector<16xf32>
      %parallel_loop3A_1388 = arith.maximumf %parallel_loop3A_1386, %parallel_loop3A_1387 : vector<16xf32>
      %parallel_loop3A_1389 = arith.subf %parallel_loop3A_1350, %parallel_loop3A_1388 : vector<16xf32>
      %parallel_loop3A_1390 = math.exp %parallel_loop3A_1389 : vector<16xf32>
      %parallel_loop3A_1391 = arith.subf %parallel_loop3A_1355, %parallel_loop3A_1388 : vector<16xf32>
      %parallel_loop3A_1392 = math.exp %parallel_loop3A_1391 : vector<16xf32>
      %parallel_loop3A_1393 = arith.subf %parallel_loop3A_1360, %parallel_loop3A_1388 : vector<16xf32>
      %parallel_loop3A_1394 = math.exp %parallel_loop3A_1393 : vector<16xf32>
      %parallel_loop3A_1395 = arith.subf %parallel_loop3A_1365, %parallel_loop3A_1388 : vector<16xf32>
      %parallel_loop3A_1396 = math.exp %parallel_loop3A_1395 : vector<16xf32>
      %parallel_loop3A_1397 = arith.addf %parallel_loop3A_1390, %parallel_loop3A_1392 : vector<16xf32>
      %parallel_loop3A_1398 = arith.addf %parallel_loop3A_1397, %parallel_loop3A_1394 : vector<16xf32>
      %parallel_loop3A_1399 = arith.addf %parallel_loop3A_1398, %parallel_loop3A_1396 : vector<16xf32>
      %parallel_loop3A_1400 = arith.constant 3.000000e+00 : f32
      %parallel_loop3A_1401 = vector.broadcast %parallel_loop3A_1400 : f32 to vector<16xf32>
      %parallel_loop3A_1402 = arith.divf %parallel_loop3A_1401, %parallel_loop3A_1399 : vector<16xf32>
      %parallel_loop3A_1403 = arith.mulf %parallel_loop3A_1390, %parallel_loop3A_1402 : vector<16xf32>
      %parallel_loop3A_1404 = arith.mulf %parallel_loop3A_1392, %parallel_loop3A_1402 : vector<16xf32>
      %parallel_loop3A_1405 = arith.mulf %parallel_loop3A_1394, %parallel_loop3A_1402 : vector<16xf32>
      %parallel_loop3A_1406 = arith.mulf %parallel_loop3A_1396, %parallel_loop3A_1402 : vector<16xf32>
      %parallel_loop3A_1407 = arith.subf %parallel_loop3A_1403, %parallel_loop3A_1370 : vector<16xf32>
      %parallel_loop3A_1408 = math.absf %parallel_loop3A_1407 : vector<16xf32>
      %parallel_loop3A_1409 = arith.constant 9.000000e-02 : f32
      %parallel_loop3A_1410 = vector.broadcast %parallel_loop3A_1409 : f32 to vector<16xf32>
      %parallel_loop3A_1411 = arith.cmpf ole, %parallel_loop3A_1408, %parallel_loop3A_1410 : vector<16xf32>
      %parallel_loop3A_1412 = arith.subf %parallel_loop3A_1404, %parallel_loop3A_1375 : vector<16xf32>
      %parallel_loop3A_1413 = math.absf %parallel_loop3A_1412 : vector<16xf32>
      %parallel_loop3A_1414 = arith.constant 9.000000e-02 : f32
      %parallel_loop3A_1415 = vector.broadcast %parallel_loop3A_1414 : f32 to vector<16xf32>
      %parallel_loop3A_1416 = arith.cmpf ole, %parallel_loop3A_1413, %parallel_loop3A_1415 : vector<16xf32>
      %parallel_loop3A_1417 = arith.andi %parallel_loop3A_1411, %parallel_loop3A_1416 : vector<16xi1>
      %parallel_loop3A_1418 = arith.subf %parallel_loop3A_1405, %parallel_loop3A_1380 : vector<16xf32>
      %parallel_loop3A_1419 = math.absf %parallel_loop3A_1418 : vector<16xf32>
      %parallel_loop3A_1420 = arith.constant 9.000000e-02 : f32
      %parallel_loop3A_1421 = vector.broadcast %parallel_loop3A_1420 : f32 to vector<16xf32>
      %parallel_loop3A_1422 = arith.cmpf ole, %parallel_loop3A_1419, %parallel_loop3A_1421 : vector<16xf32>
      %parallel_loop3A_1423 = arith.andi %parallel_loop3A_1417, %parallel_loop3A_1422 : vector<16xi1>
      %parallel_loop3A_1424 = arith.subf %parallel_loop3A_1406, %parallel_loop3A_1385 : vector<16xf32>
      %parallel_loop3A_1425 = math.absf %parallel_loop3A_1424 : vector<16xf32>
      %parallel_loop3A_1426 = arith.constant 9.000000e-02 : f32
      %parallel_loop3A_1427 = vector.broadcast %parallel_loop3A_1426 : f32 to vector<16xf32>
      %parallel_loop3A_1428 = arith.cmpf ole, %parallel_loop3A_1425, %parallel_loop3A_1427 : vector<16xf32>
      %parallel_loop3A_1429 = arith.andi %parallel_loop3A_1423, %parallel_loop3A_1428 : vector<16xi1>
      %parallel_loop3A_1430 = arith.minimumf %parallel_loop3A_1370, %parallel_loop3A_1375 : vector<16xf32>
      %parallel_loop3A_1431 = arith.maximumf %parallel_loop3A_1370, %parallel_loop3A_1375 : vector<16xf32>
      %parallel_loop3A_1432 = arith.minimumf %parallel_loop3A_1380, %parallel_loop3A_1385 : vector<16xf32>
      %parallel_loop3A_1433 = arith.maximumf %parallel_loop3A_1380, %parallel_loop3A_1385 : vector<16xf32>
      %parallel_loop3A_1434 = arith.minimumf %parallel_loop3A_1430, %parallel_loop3A_1432 : vector<16xf32>
      %parallel_loop3A_1435 = arith.maximumf %parallel_loop3A_1430, %parallel_loop3A_1432 : vector<16xf32>
      %parallel_loop3A_1436 = arith.minimumf %parallel_loop3A_1431, %parallel_loop3A_1433 : vector<16xf32>
      %parallel_loop3A_1437 = arith.minimumf %parallel_loop3A_1436, %parallel_loop3A_1435 : vector<16xf32>
      %parallel_loop3A_1438 = arith.maximumf %parallel_loop3A_1436, %parallel_loop3A_1435 : vector<16xf32>
      %parallel_loop3A_1439 = arith.subf %parallel_loop3A_1434, %parallel_loop3A_1437 : vector<16xf32>
      %parallel_loop3A_1440 = math.absf %parallel_loop3A_1439 : vector<16xf32>
      %parallel_loop3A_1441 = arith.subf %parallel_loop3A_1438, %parallel_loop3A_1437 : vector<16xf32>
      %parallel_loop3A_1442 = math.absf %parallel_loop3A_1441 : vector<16xf32>
      %parallel_loop3A_1443 = arith.constant 1 : i32
      %parallel_loop3A_1444 = vector.broadcast %parallel_loop3A_1443 : i32 to vector<16xi32>
      %parallel_loop3A_1445 = arith.constant 0 : i32
      %parallel_loop3A_1446 = vector.broadcast %parallel_loop3A_1445 : i32 to vector<16xi32>
      %parallel_loop3A_1447 = arith.cmpf ole, %parallel_loop3A_1370, %parallel_loop3A_1375 : vector<16xf32>
      %parallel_loop3A_1448 = arith.select %parallel_loop3A_1447, %parallel_loop3A_1444, %parallel_loop3A_1446 : vector<16xi1>, vector<16xi32>
      %parallel_loop3A_1449 = arith.cmpf ole, %parallel_loop3A_1370, %parallel_loop3A_1380 : vector<16xf32>
      %parallel_loop3A_1450 = arith.select %parallel_loop3A_1449, %parallel_loop3A_1444, %parallel_loop3A_1446 : vector<16xi1>, vector<16xi32>
      %parallel_loop3A_1451 = arith.cmpf ole, %parallel_loop3A_1370, %parallel_loop3A_1385 : vector<16xf32>
      %parallel_loop3A_1452 = arith.select %parallel_loop3A_1451, %parallel_loop3A_1444, %parallel_loop3A_1446 : vector<16xi1>, vector<16xi32>
      %parallel_loop3A_1453 = arith.cmpf ole, %parallel_loop3A_1375, %parallel_loop3A_1380 : vector<16xf32>
      %parallel_loop3A_1454 = arith.select %parallel_loop3A_1453, %parallel_loop3A_1444, %parallel_loop3A_1446 : vector<16xi1>, vector<16xi32>
      %parallel_loop3A_1455 = arith.cmpf ole, %parallel_loop3A_1375, %parallel_loop3A_1385 : vector<16xf32>
      %parallel_loop3A_1456 = arith.select %parallel_loop3A_1455, %parallel_loop3A_1444, %parallel_loop3A_1446 : vector<16xi1>, vector<16xi32>
      %parallel_loop3A_1457 = arith.cmpf ole, %parallel_loop3A_1380, %parallel_loop3A_1385 : vector<16xf32>
      %parallel_loop3A_1458 = arith.select %parallel_loop3A_1457, %parallel_loop3A_1444, %parallel_loop3A_1446 : vector<16xi1>, vector<16xi32>
      %parallel_loop3A_1459 = arith.addi %parallel_loop3A_1444, %parallel_loop3A_1444 : vector<16xi32>
      %parallel_loop3A_1460 = arith.addi %parallel_loop3A_1459, %parallel_loop3A_1444 : vector<16xi32>
      %parallel_loop3A_1461 = arith.subi %parallel_loop3A_1460, %parallel_loop3A_1448 : vector<16xi32>
      %parallel_loop3A_1462 = arith.subi %parallel_loop3A_1461, %parallel_loop3A_1450 : vector<16xi32>
      %parallel_loop3A_1463 = arith.subi %parallel_loop3A_1462, %parallel_loop3A_1452 : vector<16xi32>
      %parallel_loop3A_1464 = arith.addi %parallel_loop3A_1444, %parallel_loop3A_1444 : vector<16xi32>
      %parallel_loop3A_1465 = arith.addi %parallel_loop3A_1464, %parallel_loop3A_1448 : vector<16xi32>
      %parallel_loop3A_1466 = arith.subi %parallel_loop3A_1465, %parallel_loop3A_1454 : vector<16xi32>
      %parallel_loop3A_1467 = arith.subi %parallel_loop3A_1466, %parallel_loop3A_1456 : vector<16xi32>
      %parallel_loop3A_1468 = arith.addi %parallel_loop3A_1444, %parallel_loop3A_1450 : vector<16xi32>
      %parallel_loop3A_1469 = arith.addi %parallel_loop3A_1468, %parallel_loop3A_1454 : vector<16xi32>
      %parallel_loop3A_1470 = arith.subi %parallel_loop3A_1469, %parallel_loop3A_1458 : vector<16xi32>
      %parallel_loop3A_1471 = arith.addi %parallel_loop3A_1452, %parallel_loop3A_1456 : vector<16xi32>
      %parallel_loop3A_1472 = arith.addi %parallel_loop3A_1471, %parallel_loop3A_1458 : vector<16xi32>
      %parallel_loop3A_1473 = arith.constant 1 : i32
      %parallel_loop3A_1474 = vector.broadcast %parallel_loop3A_1473 : i32 to vector<16xi32>
      %parallel_loop3A_1475 = arith.constant 0 : i32
      %parallel_loop3A_1476 = vector.broadcast %parallel_loop3A_1475 : i32 to vector<16xi32>
      %parallel_loop3A_1477 = arith.cmpf ole, %parallel_loop3A_1403, %parallel_loop3A_1404 : vector<16xf32>
      %parallel_loop3A_1478 = arith.select %parallel_loop3A_1477, %parallel_loop3A_1474, %parallel_loop3A_1476 : vector<16xi1>, vector<16xi32>
      %parallel_loop3A_1479 = arith.cmpf ole, %parallel_loop3A_1403, %parallel_loop3A_1405 : vector<16xf32>
      %parallel_loop3A_1480 = arith.select %parallel_loop3A_1479, %parallel_loop3A_1474, %parallel_loop3A_1476 : vector<16xi1>, vector<16xi32>
      %parallel_loop3A_1481 = arith.cmpf ole, %parallel_loop3A_1403, %parallel_loop3A_1406 : vector<16xf32>
      %parallel_loop3A_1482 = arith.select %parallel_loop3A_1481, %parallel_loop3A_1474, %parallel_loop3A_1476 : vector<16xi1>, vector<16xi32>
      %parallel_loop3A_1483 = arith.cmpf ole, %parallel_loop3A_1404, %parallel_loop3A_1405 : vector<16xf32>
      %parallel_loop3A_1484 = arith.select %parallel_loop3A_1483, %parallel_loop3A_1474, %parallel_loop3A_1476 : vector<16xi1>, vector<16xi32>
      %parallel_loop3A_1485 = arith.cmpf ole, %parallel_loop3A_1404, %parallel_loop3A_1406 : vector<16xf32>
      %parallel_loop3A_1486 = arith.select %parallel_loop3A_1485, %parallel_loop3A_1474, %parallel_loop3A_1476 : vector<16xi1>, vector<16xi32>
      %parallel_loop3A_1487 = arith.cmpf ole, %parallel_loop3A_1405, %parallel_loop3A_1406 : vector<16xf32>
      %parallel_loop3A_1488 = arith.select %parallel_loop3A_1487, %parallel_loop3A_1474, %parallel_loop3A_1476 : vector<16xi1>, vector<16xi32>
      %parallel_loop3A_1489 = arith.addi %parallel_loop3A_1474, %parallel_loop3A_1474 : vector<16xi32>
      %parallel_loop3A_1490 = arith.addi %parallel_loop3A_1489, %parallel_loop3A_1474 : vector<16xi32>
      %parallel_loop3A_1491 = arith.subi %parallel_loop3A_1490, %parallel_loop3A_1478 : vector<16xi32>
      %parallel_loop3A_1492 = arith.subi %parallel_loop3A_1491, %parallel_loop3A_1480 : vector<16xi32>
      %parallel_loop3A_1493 = arith.subi %parallel_loop3A_1492, %parallel_loop3A_1482 : vector<16xi32>
      %parallel_loop3A_1494 = arith.addi %parallel_loop3A_1474, %parallel_loop3A_1474 : vector<16xi32>
      %parallel_loop3A_1495 = arith.addi %parallel_loop3A_1494, %parallel_loop3A_1478 : vector<16xi32>
      %parallel_loop3A_1496 = arith.subi %parallel_loop3A_1495, %parallel_loop3A_1484 : vector<16xi32>
      %parallel_loop3A_1497 = arith.subi %parallel_loop3A_1496, %parallel_loop3A_1486 : vector<16xi32>
      %parallel_loop3A_1498 = arith.addi %parallel_loop3A_1474, %parallel_loop3A_1480 : vector<16xi32>
      %parallel_loop3A_1499 = arith.addi %parallel_loop3A_1498, %parallel_loop3A_1484 : vector<16xi32>
      %parallel_loop3A_1500 = arith.subi %parallel_loop3A_1499, %parallel_loop3A_1488 : vector<16xi32>
      %parallel_loop3A_1501 = arith.addi %parallel_loop3A_1482, %parallel_loop3A_1486 : vector<16xi32>
      %parallel_loop3A_1502 = arith.addi %parallel_loop3A_1501, %parallel_loop3A_1488 : vector<16xi32>
      %parallel_loop3A_1503 = arith.cmpi eq, %parallel_loop3A_1493, %parallel_loop3A_1463 : vector<16xi32>
      %parallel_loop3A_1504 = arith.cmpi eq, %parallel_loop3A_1497, %parallel_loop3A_1467 : vector<16xi32>
      %parallel_loop3A_1505 = arith.cmpi eq, %parallel_loop3A_1500, %parallel_loop3A_1470 : vector<16xi32>
      %parallel_loop3A_1506 = arith.cmpi eq, %parallel_loop3A_1502, %parallel_loop3A_1472 : vector<16xi32>
      %parallel_loop3A_1507 = arith.constant 3.000000e-02 : f32
      %parallel_loop3A_1508 = vector.broadcast %parallel_loop3A_1507 : f32 to vector<16xf32>
      %parallel_loop3A_1509 = arith.cmpf olt, %parallel_loop3A_1440, %parallel_loop3A_1508 : vector<16xf32>
      %parallel_loop3A_1510 = arith.constant 3.000000e-02 : f32
      %parallel_loop3A_1511 = vector.broadcast %parallel_loop3A_1510 : f32 to vector<16xf32>
      %parallel_loop3A_1512 = arith.cmpf olt, %parallel_loop3A_1442, %parallel_loop3A_1511 : vector<16xf32>
      %parallel_loop3A_1513 = arith.andi %parallel_loop3A_1509, %parallel_loop3A_1512 : vector<16xi1>
      %parallel_loop3A_1514 = arith.andi %parallel_loop3A_1509, %parallel_loop3A_1505 : vector<16xi1>
      %parallel_loop3A_1515 = arith.ori %parallel_loop3A_1513, %parallel_loop3A_1514 : vector<16xi1>
      %parallel_loop3A_1516 = arith.andi %parallel_loop3A_1512, %parallel_loop3A_1503 : vector<16xi1>
      %parallel_loop3A_1517 = arith.ori %parallel_loop3A_1515, %parallel_loop3A_1516 : vector<16xi1>
      %parallel_loop3A_1518 = arith.andi %parallel_loop3A_1429, %parallel_loop3A_1517 : vector<16xi1>
      %parallel_loop3A_1519 = arith.constant 1 : i32
      %parallel_loop3A_1520 = vector.broadcast %parallel_loop3A_1519 : i32 to vector<16xi32>
      %parallel_loop3A_1521 = arith.constant 0 : i32
      %parallel_loop3A_1522 = vector.broadcast %parallel_loop3A_1521 : i32 to vector<16xi32>
      %parallel_loop3A_1523 = arith.constant 0.000000e+00 : f32
      %parallel_loop3A_1524 = vector.broadcast %parallel_loop3A_1523 : f32 to vector<16xf32>
      %parallel_loop3A_1525 = arith.cmpf oeq, %parallel_loop3A_1370, %parallel_loop3A_1524 : vector<16xf32>
      %parallel_loop3A_1526 = arith.select %parallel_loop3A_1525, %parallel_loop3A_1520, %parallel_loop3A_1522 : vector<16xi1>, vector<16xi32>
      %parallel_loop3A_1527 = arith.constant 0.000000e+00 : f32
      %parallel_loop3A_1528 = vector.broadcast %parallel_loop3A_1527 : f32 to vector<16xf32>
      %parallel_loop3A_1529 = arith.cmpf oeq, %parallel_loop3A_1375, %parallel_loop3A_1528 : vector<16xf32>
      %parallel_loop3A_1530 = arith.select %parallel_loop3A_1529, %parallel_loop3A_1520, %parallel_loop3A_1522 : vector<16xi1>, vector<16xi32>
      %parallel_loop3A_1531 = arith.constant 0.000000e+00 : f32
      %parallel_loop3A_1532 = vector.broadcast %parallel_loop3A_1531 : f32 to vector<16xf32>
      %parallel_loop3A_1533 = arith.cmpf oeq, %parallel_loop3A_1380, %parallel_loop3A_1532 : vector<16xf32>
      %parallel_loop3A_1534 = arith.select %parallel_loop3A_1533, %parallel_loop3A_1520, %parallel_loop3A_1522 : vector<16xi1>, vector<16xi32>
      %parallel_loop3A_1535 = arith.constant 0.000000e+00 : f32
      %parallel_loop3A_1536 = vector.broadcast %parallel_loop3A_1535 : f32 to vector<16xf32>
      %parallel_loop3A_1537 = arith.cmpf oeq, %parallel_loop3A_1385, %parallel_loop3A_1536 : vector<16xf32>
      %parallel_loop3A_1538 = arith.select %parallel_loop3A_1537, %parallel_loop3A_1520, %parallel_loop3A_1522 : vector<16xi1>, vector<16xi32>
      %parallel_loop3A_1539 = arith.addi %parallel_loop3A_1526, %parallel_loop3A_1530 : vector<16xi32>
      %parallel_loop3A_1540 = arith.addi %parallel_loop3A_1539, %parallel_loop3A_1534 : vector<16xi32>
      %parallel_loop3A_1541 = arith.addi %parallel_loop3A_1540, %parallel_loop3A_1538 : vector<16xi32>
      %parallel_loop3A_1542 = arith.andi %parallel_loop3A_1503, %parallel_loop3A_1505 : vector<16xi1>
      %parallel_loop3A_1543 = arith.andi %parallel_loop3A_1542, %parallel_loop3A_1506 : vector<16xi1>
      %parallel_loop3A_1544 = arith.constant 2 : i32
      %parallel_loop3A_1545 = vector.broadcast %parallel_loop3A_1544 : i32 to vector<16xi32>
      %parallel_loop3A_1546 = arith.cmpi sge, %parallel_loop3A_1493, %parallel_loop3A_1545 : vector<16xi32>
      %parallel_loop3A_1547 = arith.andi %parallel_loop3A_1503, %parallel_loop3A_1546 : vector<16xi1>
      %parallel_loop3A_1548 = arith.select %parallel_loop3A_1547, %parallel_loop3A_1520, %parallel_loop3A_1522 : vector<16xi1>, vector<16xi32>
      %parallel_loop3A_1549 = arith.addi %parallel_loop3A_1522, %parallel_loop3A_1548 : vector<16xi32>
      %parallel_loop3A_1550 = arith.constant 2 : i32
      %parallel_loop3A_1551 = vector.broadcast %parallel_loop3A_1550 : i32 to vector<16xi32>
      %parallel_loop3A_1552 = arith.cmpi sge, %parallel_loop3A_1497, %parallel_loop3A_1551 : vector<16xi32>
      %parallel_loop3A_1553 = arith.andi %parallel_loop3A_1504, %parallel_loop3A_1552 : vector<16xi1>
      %parallel_loop3A_1554 = arith.select %parallel_loop3A_1553, %parallel_loop3A_1520, %parallel_loop3A_1522 : vector<16xi1>, vector<16xi32>
      %parallel_loop3A_1555 = arith.addi %parallel_loop3A_1549, %parallel_loop3A_1554 : vector<16xi32>
      %parallel_loop3A_1556 = arith.constant 2 : i32
      %parallel_loop3A_1557 = vector.broadcast %parallel_loop3A_1556 : i32 to vector<16xi32>
      %parallel_loop3A_1558 = arith.cmpi sge, %parallel_loop3A_1500, %parallel_loop3A_1557 : vector<16xi32>
      %parallel_loop3A_1559 = arith.andi %parallel_loop3A_1505, %parallel_loop3A_1558 : vector<16xi1>
      %parallel_loop3A_1560 = arith.select %parallel_loop3A_1559, %parallel_loop3A_1520, %parallel_loop3A_1522 : vector<16xi1>, vector<16xi32>
      %parallel_loop3A_1561 = arith.addi %parallel_loop3A_1555, %parallel_loop3A_1560 : vector<16xi32>
      %parallel_loop3A_1562 = arith.constant 2 : i32
      %parallel_loop3A_1563 = vector.broadcast %parallel_loop3A_1562 : i32 to vector<16xi32>
      %parallel_loop3A_1564 = arith.cmpi sge, %parallel_loop3A_1502, %parallel_loop3A_1563 : vector<16xi32>
      %parallel_loop3A_1565 = arith.andi %parallel_loop3A_1506, %parallel_loop3A_1564 : vector<16xi1>
      %parallel_loop3A_1566 = arith.select %parallel_loop3A_1565, %parallel_loop3A_1520, %parallel_loop3A_1522 : vector<16xi1>, vector<16xi32>
      %parallel_loop3A_1567 = arith.addi %parallel_loop3A_1561, %parallel_loop3A_1566 : vector<16xi32>
      %parallel_loop3A_1568 = arith.constant 2 : i32
      %parallel_loop3A_1569 = vector.broadcast %parallel_loop3A_1568 : i32 to vector<16xi32>
      %parallel_loop3A_1570 = arith.cmpi eq, %parallel_loop3A_1567, %parallel_loop3A_1569 : vector<16xi32>
      %parallel_loop3A_1571 = arith.constant 3 : i32
      %parallel_loop3A_1572 = vector.broadcast %parallel_loop3A_1571 : i32 to vector<16xi32>
      %parallel_loop3A_1573 = arith.cmpi eq, %parallel_loop3A_1502, %parallel_loop3A_1572 : vector<16xi32>
      %parallel_loop3A_1574 = arith.constant 1.000000e+00 : f32
      %parallel_loop3A_1575 = vector.broadcast %parallel_loop3A_1574 : f32 to vector<16xf32>
      %parallel_loop3A_1576 = arith.constant 0.000000e+00 : f32
      %parallel_loop3A_1577 = vector.broadcast %parallel_loop3A_1576 : f32 to vector<16xf32>
      %parallel_loop3A_1578 = arith.constant 2 : i32
      %parallel_loop3A_1579 = vector.broadcast %parallel_loop3A_1578 : i32 to vector<16xi32>
      %parallel_loop3A_1580 = arith.cmpi eq, %parallel_loop3A_1541, %parallel_loop3A_1579 : vector<16xi32>
      %parallel_loop3A_1581 = arith.select %parallel_loop3A_1570, %parallel_loop3A_1575, %parallel_loop3A_1577 : vector<16xi1>, vector<16xf32>
      %parallel_loop3A_1582 = arith.constant 3 : i32
      %parallel_loop3A_1583 = vector.broadcast %parallel_loop3A_1582 : i32 to vector<16xi32>
      %parallel_loop3A_1584 = arith.cmpi eq, %parallel_loop3A_1541, %parallel_loop3A_1583 : vector<16xi32>
      %parallel_loop3A_1585 = arith.select %parallel_loop3A_1573, %parallel_loop3A_1575, %parallel_loop3A_1577 : vector<16xi1>, vector<16xf32>
      %parallel_loop3A_1586 = arith.select %parallel_loop3A_1584, %parallel_loop3A_1585, %parallel_loop3A_1577 : vector<16xi1>, vector<16xf32>
      %parallel_loop3A_1587 = arith.select %parallel_loop3A_1580, %parallel_loop3A_1581, %parallel_loop3A_1586 : vector<16xi1>, vector<16xf32>
      %parallel_loop3A_1588 = arith.constant 2 : i32
      %parallel_loop3A_1589 = vector.broadcast %parallel_loop3A_1588 : i32 to vector<16xi32>
      %parallel_loop3A_1590 = arith.cmpi slt, %parallel_loop3A_1541, %parallel_loop3A_1589 : vector<16xi32>
      %parallel_loop3A_1591 = arith.ori %parallel_loop3A_1518, %parallel_loop3A_1590 : vector<16xi1>
      %parallel_loop3A_1592 = arith.select %parallel_loop3A_1591, %parallel_loop3A_1575, %parallel_loop3A_1587 : vector<16xi1>, vector<16xf32>
      %parallel_loop3A_1593 = arith.select %parallel_loop3A_1543, %parallel_loop3A_1575, %parallel_loop3A_1577 : vector<16xi1>, vector<16xf32>
      %parallel_loop3A_1594 = arith.select %parallel_loop3A_1590, %parallel_loop3A_1593, %parallel_loop3A_1587 : vector<16xi1>, vector<16xf32>
      %parallel_loop3A_1595 = arith.select %parallel_loop3A_1518, %parallel_loop3A_1575, %parallel_loop3A_1594 : vector<16xi1>, vector<16xf32>
      %parallel_loop3A_1596 = arith.addf %parallel_loop3A_1344, %parallel_loop3A_1592 : vector<16xf32>
      %parallel_loop3A_1597 = arith.addf %parallel_loop3A_1345, %parallel_loop3A_1595 : vector<16xf32>
      %parallel_loop3A_1598 = arith.constant 1.000000e+00 : f32
      %parallel_loop3A_1599 = vector.broadcast %parallel_loop3A_1598 : f32 to vector<16xf32>
      %parallel_loop3A_1600 = arith.constant 0.000000e+00 : f32
      %parallel_loop3A_1601 = vector.broadcast %parallel_loop3A_1600 : f32 to vector<16xf32>
      %parallel_loop3A_1602 = arith.cmpf one, %parallel_loop3A_1596, %parallel_loop3A_1601 : vector<16xf32>
      %parallel_loop3A_1603 = arith.maximumf %parallel_loop3A_1596, %parallel_loop3A_1599 : vector<16xf32>
      %parallel_loop3A_1604 = arith.divf %parallel_loop3A_1597, %parallel_loop3A_1603 : vector<16xf32>
      %parallel_loop3A_1605 = arith.select %parallel_loop3A_1602, %parallel_loop3A_1604, %parallel_loop3A_1601 : vector<16xi1>, vector<16xf32>
      %parallel_loop3A_1606 = arith.select %parallel_loop3A_1602, %parallel_loop3A_1599, %parallel_loop3A_1601 : vector<16xi1>, vector<16xf32>
      %parallel_loop3A_1607 = arith.addf %parallel_loop3A_77, %parallel_loop3A_1605 : vector<16xf32>
      %parallel_loop3A_1608 = arith.addf %parallel_loop3A_78, %parallel_loop3A_1606 : vector<16xf32>
      scf.yield %parallel_loop3A_1607, %parallel_loop3A_1608 : vector<16xf32>, vector<16xf32>
    } {sc.loop_unroll_factor = 1 : i64, sc.parallel_access}
    %dma_wait3A_47 = arith.constant 0 : i32
    %dma_wait3A_48 = arith.constant 256 : i32
    %dma_wait3A_49 = tpu.memref_slice %arg4[%dma_wait3A_47, %dma_wait3A_48] : memref<48x512xf32, #tpu.memory_space<vmem>> -> memref<48x256xf32, #tpu.memory_space<vmem>>
    %dma_wait3A_50 = arith.constant 0 : i32
    %dma_wait3A_51 = arith.constant 256 : i32
    %dma_wait3A_52 = tpu.memref_slice %arg2[%add3A, %dma_wait3A_50, %dma_wait3A_51] : memref<32x48x512xf32, #tpu.memory_space<hbm>> -> memref<1x48x256xf32, #tpu.memory_space<hbm>>
    %dma_wait3A_53 = tpu.memref_squeeze %dma_wait3A_52 : memref<1x48x256xf32, #tpu.memory_space<hbm>> -> memref<48x256xf32, #tpu.memory_space<hbm>>
    %dma_wait3A_54 = arith.constant 0 : i32
    %dma_wait3A_55 = arith.constant 256 : i32
    %dma_wait3A_56 = tpu.memref_slice %arg4[%dma_wait3A_54, %dma_wait3A_55] : memref<48x512xf32, #tpu.memory_space<vmem>> -> memref<48x256xf32, #tpu.memory_space<vmem>>
    %dma_wait3A_57 = arith.constant 0 : i32
    %dma_wait3A_58 = arith.constant 256 : i32
    %dma_wait3A_59 = tpu.memref_slice %arg2[%add3A, %dma_wait3A_57, %dma_wait3A_58] : memref<32x48x512xf32, #tpu.memory_space<hbm>> -> memref<1x48x256xf32, #tpu.memory_space<hbm>>
    %dma_wait3A_60 = tpu.memref_squeeze %dma_wait3A_59 : memref<1x48x256xf32, #tpu.memory_space<hbm>> -> memref<48x256xf32, #tpu.memory_space<hbm>>
    tpu.wait_dma2 semaphore(%arg7 : memref<!tpu.dma_semaphore, #tpu.memory_space<semaphore_mem>>) src(%dma_wait3A_60 : memref<48x256xf32, #tpu.memory_space<hbm>>) dst(%dma_wait3A_56 : memref<48x256xf32, #tpu.memory_space<vmem>>)
    %parallel_loop3A_61 = arith.constant 16 : i32
    %parallel_loop3A_62 = arith.constant 32 : i32
    %parallel_loop3A_63 = arith.constant 1 : i32
    %parallel_loop3A_64:2 = scf.for %parallel_loop3A_76 = %parallel_loop3A_61 to %parallel_loop3A_62 step %parallel_loop3A_63 iter_args(%parallel_loop3A_77 = %parallel_loop3A_46#0, %parallel_loop3A_78 = %parallel_loop3A_46#1) -> (vector<16xf32>, vector<16xf32>)  : i32 {
      %parallel_loop3A_79 = arith.constant 16 : i32
      %parallel_loop3A_80 = arith.muli %parallel_loop3A_76, %parallel_loop3A_79 : i32
      %parallel_loop3A_81 = tpu.assume_multiple %parallel_loop3A_80, 16 : i32
      %parallel_loop3A_82 = arith.constant 0.000000e+00 : f32
      %parallel_loop3A_83 = vector.broadcast %parallel_loop3A_82 : f32 to vector<16xf32>
      %parallel_loop3A_84 = arith.constant 0.000000e+00 : f32
      %parallel_loop3A_85 = vector.broadcast %parallel_loop3A_84 : f32 to vector<16xf32>
      %parallel_loop3A_86 = arith.constant 0 : i32
      %parallel_loop3A_87 = arith.index_cast %parallel_loop3A_86 : i32 to index
      %parallel_loop3A_88 = arith.index_cast %parallel_loop3A_81 : i32 to index
      %parallel_loop3A_89 = tpu.vector_load %arg4[%parallel_loop3A_87, %parallel_loop3A_88] {strides = array<i32>} : memref<48x512xf32, #tpu.memory_space<vmem>>, vector<1x16xf32>,
      %parallel_loop3A_90 = vector.shape_cast %parallel_loop3A_89 : vector<1x16xf32> to vector<16xf32>
      %parallel_loop3A_91 = arith.constant 1 : i32
      %parallel_loop3A_92 = arith.index_cast %parallel_loop3A_91 : i32 to index
      %parallel_loop3A_93 = arith.index_cast %parallel_loop3A_81 : i32 to index
      %parallel_loop3A_94 = tpu.vector_load %arg4[%parallel_loop3A_92, %parallel_loop3A_93] {strides = array<i32>} : memref<48x512xf32, #tpu.memory_space<vmem>>, vector<1x16xf32>,
      %parallel_loop3A_95 = vector.shape_cast %parallel_loop3A_94 : vector<1x16xf32> to vector<16xf32>
      %parallel_loop3A_96 = arith.constant 2 : i32
      %parallel_loop3A_97 = arith.index_cast %parallel_loop3A_96 : i32 to index
      %parallel_loop3A_98 = arith.index_cast %parallel_loop3A_81 : i32 to index
      %parallel_loop3A_99 = tpu.vector_load %arg4[%parallel_loop3A_97, %parallel_loop3A_98] {strides = array<i32>} : memref<48x512xf32, #tpu.memory_space<vmem>>, vector<1x16xf32>,
      %parallel_loop3A_100 = vector.shape_cast %parallel_loop3A_99 : vector<1x16xf32> to vector<16xf32>
      %parallel_loop3A_101 = arith.constant 3 : i32
      %parallel_loop3A_102 = arith.index_cast %parallel_loop3A_101 : i32 to index
      %parallel_loop3A_103 = arith.index_cast %parallel_loop3A_81 : i32 to index
      %parallel_loop3A_104 = tpu.vector_load %arg4[%parallel_loop3A_102, %parallel_loop3A_103] {strides = array<i32>} : memref<48x512xf32, #tpu.memory_space<vmem>>, vector<1x16xf32>,
      %parallel_loop3A_105 = vector.shape_cast %parallel_loop3A_104 : vector<1x16xf32> to vector<16xf32>
      %parallel_loop3A_106 = arith.constant 24 : i32
      %parallel_loop3A_107 = arith.index_cast %parallel_loop3A_106 : i32 to index
      %parallel_loop3A_108 = arith.index_cast %parallel_loop3A_81 : i32 to index
      %parallel_loop3A_109 = tpu.vector_load %arg4[%parallel_loop3A_107, %parallel_loop3A_108] {strides = array<i32>} : memref<48x512xf32, #tpu.memory_space<vmem>>, vector<1x16xf32>,
      %parallel_loop3A_110 = vector.shape_cast %parallel_loop3A_109 : vector<1x16xf32> to vector<16xf32>
      %parallel_loop3A_111 = arith.constant 25 : i32
      %parallel_loop3A_112 = arith.index_cast %parallel_loop3A_111 : i32 to index
      %parallel_loop3A_113 = arith.index_cast %parallel_loop3A_81 : i32 to index
      %parallel_loop3A_114 = tpu.vector_load %arg4[%parallel_loop3A_112, %parallel_loop3A_113] {strides = array<i32>} : memref<48x512xf32, #tpu.memory_space<vmem>>, vector<1x16xf32>,
      %parallel_loop3A_115 = vector.shape_cast %parallel_loop3A_114 : vector<1x16xf32> to vector<16xf32>
      %parallel_loop3A_116 = arith.constant 26 : i32
      %parallel_loop3A_117 = arith.index_cast %parallel_loop3A_116 : i32 to index
      %parallel_loop3A_118 = arith.index_cast %parallel_loop3A_81 : i32 to index
      %parallel_loop3A_119 = tpu.vector_load %arg4[%parallel_loop3A_117, %parallel_loop3A_118] {strides = array<i32>} : memref<48x512xf32, #tpu.memory_space<vmem>>, vector<1x16xf32>,
      %parallel_loop3A_120 = vector.shape_cast %parallel_loop3A_119 : vector<1x16xf32> to vector<16xf32>
      %parallel_loop3A_121 = arith.constant 27 : i32
      %parallel_loop3A_122 = arith.index_cast %parallel_loop3A_121 : i32 to index
      %parallel_loop3A_123 = arith.index_cast %parallel_loop3A_81 : i32 to index
      %parallel_loop3A_124 = tpu.vector_load %arg4[%parallel_loop3A_122, %parallel_loop3A_123] {strides = array<i32>} : memref<48x512xf32, #tpu.memory_space<vmem>>, vector<1x16xf32>,
      %parallel_loop3A_125 = vector.shape_cast %parallel_loop3A_124 : vector<1x16xf32> to vector<16xf32>
      %parallel_loop3A_126 = arith.maximumf %parallel_loop3A_90, %parallel_loop3A_95 : vector<16xf32>
      %parallel_loop3A_127 = arith.maximumf %parallel_loop3A_100, %parallel_loop3A_105 : vector<16xf32>
      %parallel_loop3A_128 = arith.maximumf %parallel_loop3A_126, %parallel_loop3A_127 : vector<16xf32>
      %parallel_loop3A_129 = arith.subf %parallel_loop3A_90, %parallel_loop3A_128 : vector<16xf32>
      %parallel_loop3A_130 = math.exp %parallel_loop3A_129 : vector<16xf32>
      %parallel_loop3A_131 = arith.subf %parallel_loop3A_95, %parallel_loop3A_128 : vector<16xf32>
      %parallel_loop3A_132 = math.exp %parallel_loop3A_131 : vector<16xf32>
      %parallel_loop3A_133 = arith.subf %parallel_loop3A_100, %parallel_loop3A_128 : vector<16xf32>
      %parallel_loop3A_134 = math.exp %parallel_loop3A_133 : vector<16xf32>
      %parallel_loop3A_135 = arith.subf %parallel_loop3A_105, %parallel_loop3A_128 : vector<16xf32>
      %parallel_loop3A_136 = math.exp %parallel_loop3A_135 : vector<16xf32>
      %parallel_loop3A_137 = arith.addf %parallel_loop3A_130, %parallel_loop3A_132 : vector<16xf32>
      %parallel_loop3A_138 = arith.addf %parallel_loop3A_137, %parallel_loop3A_134 : vector<16xf32>
      %parallel_loop3A_139 = arith.addf %parallel_loop3A_138, %parallel_loop3A_136 : vector<16xf32>
      %parallel_loop3A_140 = arith.constant 3.000000e+00 : f32
      %parallel_loop3A_141 = vector.broadcast %parallel_loop3A_140 : f32 to vector<16xf32>
      %parallel_loop3A_142 = arith.divf %parallel_loop3A_141, %parallel_loop3A_139 : vector<16xf32>
      %parallel_loop3A_143 = arith.mulf %parallel_loop3A_130, %parallel_loop3A_142 : vector<16xf32>
      %parallel_loop3A_144 = arith.mulf %parallel_loop3A_132, %parallel_loop3A_142 : vector<16xf32>
      %parallel_loop3A_145 = arith.mulf %parallel_loop3A_134, %parallel_loop3A_142 : vector<16xf32>
      %parallel_loop3A_146 = arith.mulf %parallel_loop3A_136, %parallel_loop3A_142 : vector<16xf32>
      %parallel_loop3A_147 = arith.subf %parallel_loop3A_143, %parallel_loop3A_110 : vector<16xf32>
      %parallel_loop3A_148 = math.absf %parallel_loop3A_147 : vector<16xf32>
      %parallel_loop3A_149 = arith.constant 9.000000e-02 : f32
      %parallel_loop3A_150 = vector.broadcast %parallel_loop3A_149 : f32 to vector<16xf32>
      %parallel_loop3A_151 = arith.cmpf ole, %parallel_loop3A_148, %parallel_loop3A_150 : vector<16xf32>
      %parallel_loop3A_152 = arith.subf %parallel_loop3A_144, %parallel_loop3A_115 : vector<16xf32>
      %parallel_loop3A_153 = math.absf %parallel_loop3A_152 : vector<16xf32>
      %parallel_loop3A_154 = arith.constant 9.000000e-02 : f32
      %parallel_loop3A_155 = vector.broadcast %parallel_loop3A_154 : f32 to vector<16xf32>
      %parallel_loop3A_156 = arith.cmpf ole, %parallel_loop3A_153, %parallel_loop3A_155 : vector<16xf32>
      %parallel_loop3A_157 = arith.andi %parallel_loop3A_151, %parallel_loop3A_156 : vector<16xi1>
      %parallel_loop3A_158 = arith.subf %parallel_loop3A_145, %parallel_loop3A_120 : vector<16xf32>
      %parallel_loop3A_159 = math.absf %parallel_loop3A_158 : vector<16xf32>
      %parallel_loop3A_160 = arith.constant 9.000000e-02 : f32
      %parallel_loop3A_161 = vector.broadcast %parallel_loop3A_160 : f32 to vector<16xf32>
      %parallel_loop3A_162 = arith.cmpf ole, %parallel_loop3A_159, %parallel_loop3A_161 : vector<16xf32>
      %parallel_loop3A_163 = arith.andi %parallel_loop3A_157, %parallel_loop3A_162 : vector<16xi1>
      %parallel_loop3A_164 = arith.subf %parallel_loop3A_146, %parallel_loop3A_125 : vector<16xf32>
      %parallel_loop3A_165 = math.absf %parallel_loop3A_164 : vector<16xf32>
      %parallel_loop3A_166 = arith.constant 9.000000e-02 : f32
      %parallel_loop3A_167 = vector.broadcast %parallel_loop3A_166 : f32 to vector<16xf32>
      %parallel_loop3A_168 = arith.cmpf ole, %parallel_loop3A_165, %parallel_loop3A_167 : vector<16xf32>
      %parallel_loop3A_169 = arith.andi %parallel_loop3A_163, %parallel_loop3A_168 : vector<16xi1>
      %parallel_loop3A_170 = arith.minimumf %parallel_loop3A_110, %parallel_loop3A_115 : vector<16xf32>
      %parallel_loop3A_171 = arith.maximumf %parallel_loop3A_110, %parallel_loop3A_115 : vector<16xf32>
      %parallel_loop3A_172 = arith.minimumf %parallel_loop3A_120, %parallel_loop3A_125 : vector<16xf32>
      %parallel_loop3A_173 = arith.maximumf %parallel_loop3A_120, %parallel_loop3A_125 : vector<16xf32>
      %parallel_loop3A_174 = arith.minimumf %parallel_loop3A_170, %parallel_loop3A_172 : vector<16xf32>
      %parallel_loop3A_175 = arith.maximumf %parallel_loop3A_170, %parallel_loop3A_172 : vector<16xf32>
      %parallel_loop3A_176 = arith.minimumf %parallel_loop3A_171, %parallel_loop3A_173 : vector<16xf32>
      %parallel_loop3A_177 = arith.minimumf %parallel_loop3A_176, %parallel_loop3A_175 : vector<16xf32>
      %parallel_loop3A_178 = arith.maximumf %parallel_loop3A_176, %parallel_loop3A_175 : vector<16xf32>
      %parallel_loop3A_179 = arith.subf %parallel_loop3A_174, %parallel_loop3A_177 : vector<16xf32>
      %parallel_loop3A_180 = math.absf %parallel_loop3A_179 : vector<16xf32>
      %parallel_loop3A_181 = arith.subf %parallel_loop3A_178, %parallel_loop3A_177 : vector<16xf32>
      %parallel_loop3A_182 = math.absf %parallel_loop3A_181 : vector<16xf32>
      %parallel_loop3A_183 = arith.constant 1 : i32
      %parallel_loop3A_184 = vector.broadcast %parallel_loop3A_183 : i32 to vector<16xi32>
      %parallel_loop3A_185 = arith.constant 0 : i32
      %parallel_loop3A_186 = vector.broadcast %parallel_loop3A_185 : i32 to vector<16xi32>
      %parallel_loop3A_187 = arith.cmpf ole, %parallel_loop3A_110, %parallel_loop3A_115 : vector<16xf32>
      %parallel_loop3A_188 = arith.select %parallel_loop3A_187, %parallel_loop3A_184, %parallel_loop3A_186 : vector<16xi1>, vector<16xi32>
      %parallel_loop3A_189 = arith.cmpf ole, %parallel_loop3A_110, %parallel_loop3A_120 : vector<16xf32>
      %parallel_loop3A_190 = arith.select %parallel_loop3A_189, %parallel_loop3A_184, %parallel_loop3A_186 : vector<16xi1>, vector<16xi32>
      %parallel_loop3A_191 = arith.cmpf ole, %parallel_loop3A_110, %parallel_loop3A_125 : vector<16xf32>
      %parallel_loop3A_192 = arith.select %parallel_loop3A_191, %parallel_loop3A_184, %parallel_loop3A_186 : vector<16xi1>, vector<16xi32>
      %parallel_loop3A_193 = arith.cmpf ole, %parallel_loop3A_115, %parallel_loop3A_120 : vector<16xf32>
      %parallel_loop3A_194 = arith.select %parallel_loop3A_193, %parallel_loop3A_184, %parallel_loop3A_186 : vector<16xi1>, vector<16xi32>
      %parallel_loop3A_195 = arith.cmpf ole, %parallel_loop3A_115, %parallel_loop3A_125 : vector<16xf32>
      %parallel_loop3A_196 = arith.select %parallel_loop3A_195, %parallel_loop3A_184, %parallel_loop3A_186 : vector<16xi1>, vector<16xi32>
      %parallel_loop3A_197 = arith.cmpf ole, %parallel_loop3A_120, %parallel_loop3A_125 : vector<16xf32>
      %parallel_loop3A_198 = arith.select %parallel_loop3A_197, %parallel_loop3A_184, %parallel_loop3A_186 : vector<16xi1>, vector<16xi32>
      %parallel_loop3A_199 = arith.addi %parallel_loop3A_184, %parallel_loop3A_184 : vector<16xi32>
      %parallel_loop3A_200 = arith.addi %parallel_loop3A_199, %parallel_loop3A_184 : vector<16xi32>
      %parallel_loop3A_201 = arith.subi %parallel_loop3A_200, %parallel_loop3A_188 : vector<16xi32>
      %parallel_loop3A_202 = arith.subi %parallel_loop3A_201, %parallel_loop3A_190 : vector<16xi32>
      %parallel_loop3A_203 = arith.subi %parallel_loop3A_202, %parallel_loop3A_192 : vector<16xi32>
      %parallel_loop3A_204 = arith.addi %parallel_loop3A_184, %parallel_loop3A_184 : vector<16xi32>
      %parallel_loop3A_205 = arith.addi %parallel_loop3A_204, %parallel_loop3A_188 : vector<16xi32>
      %parallel_loop3A_206 = arith.subi %parallel_loop3A_205, %parallel_loop3A_194 : vector<16xi32>
      %parallel_loop3A_207 = arith.subi %parallel_loop3A_206, %parallel_loop3A_196 : vector<16xi32>
      %parallel_loop3A_208 = arith.addi %parallel_loop3A_184, %parallel_loop3A_190 : vector<16xi32>
      %parallel_loop3A_209 = arith.addi %parallel_loop3A_208, %parallel_loop3A_194 : vector<16xi32>
      %parallel_loop3A_210 = arith.subi %parallel_loop3A_209, %parallel_loop3A_198 : vector<16xi32>
      %parallel_loop3A_211 = arith.addi %parallel_loop3A_192, %parallel_loop3A_196 : vector<16xi32>
      %parallel_loop3A_212 = arith.addi %parallel_loop3A_211, %parallel_loop3A_198 : vector<16xi32>
      %parallel_loop3A_213 = arith.constant 1 : i32
      %parallel_loop3A_214 = vector.broadcast %parallel_loop3A_213 : i32 to vector<16xi32>
      %parallel_loop3A_215 = arith.constant 0 : i32
      %parallel_loop3A_216 = vector.broadcast %parallel_loop3A_215 : i32 to vector<16xi32>
      %parallel_loop3A_217 = arith.cmpf ole, %parallel_loop3A_143, %parallel_loop3A_144 : vector<16xf32>
      %parallel_loop3A_218 = arith.select %parallel_loop3A_217, %parallel_loop3A_214, %parallel_loop3A_216 : vector<16xi1>, vector<16xi32>
      %parallel_loop3A_219 = arith.cmpf ole, %parallel_loop3A_143, %parallel_loop3A_145 : vector<16xf32>
      %parallel_loop3A_220 = arith.select %parallel_loop3A_219, %parallel_loop3A_214, %parallel_loop3A_216 : vector<16xi1>, vector<16xi32>
      %parallel_loop3A_221 = arith.cmpf ole, %parallel_loop3A_143, %parallel_loop3A_146 : vector<16xf32>
      %parallel_loop3A_222 = arith.select %parallel_loop3A_221, %parallel_loop3A_214, %parallel_loop3A_216 : vector<16xi1>, vector<16xi32>
      %parallel_loop3A_223 = arith.cmpf ole, %parallel_loop3A_144, %parallel_loop3A_145 : vector<16xf32>
      %parallel_loop3A_224 = arith.select %parallel_loop3A_223, %parallel_loop3A_214, %parallel_loop3A_216 : vector<16xi1>, vector<16xi32>
      %parallel_loop3A_225 = arith.cmpf ole, %parallel_loop3A_144, %parallel_loop3A_146 : vector<16xf32>
      %parallel_loop3A_226 = arith.select %parallel_loop3A_225, %parallel_loop3A_214, %parallel_loop3A_216 : vector<16xi1>, vector<16xi32>
      %parallel_loop3A_227 = arith.cmpf ole, %parallel_loop3A_145, %parallel_loop3A_146 : vector<16xf32>
      %parallel_loop3A_228 = arith.select %parallel_loop3A_227, %parallel_loop3A_214, %parallel_loop3A_216 : vector<16xi1>, vector<16xi32>
      %parallel_loop3A_229 = arith.addi %parallel_loop3A_214, %parallel_loop3A_214 : vector<16xi32>
      %parallel_loop3A_230 = arith.addi %parallel_loop3A_229, %parallel_loop3A_214 : vector<16xi32>
      %parallel_loop3A_231 = arith.subi %parallel_loop3A_230, %parallel_loop3A_218 : vector<16xi32>
      %parallel_loop3A_232 = arith.subi %parallel_loop3A_231, %parallel_loop3A_220 : vector<16xi32>
      %parallel_loop3A_233 = arith.subi %parallel_loop3A_232, %parallel_loop3A_222 : vector<16xi32>
      %parallel_loop3A_234 = arith.addi %parallel_loop3A_214, %parallel_loop3A_214 : vector<16xi32>
      %parallel_loop3A_235 = arith.addi %parallel_loop3A_234, %parallel_loop3A_218 : vector<16xi32>
      %parallel_loop3A_236 = arith.subi %parallel_loop3A_235, %parallel_loop3A_224 : vector<16xi32>
      %parallel_loop3A_237 = arith.subi %parallel_loop3A_236, %parallel_loop3A_226 : vector<16xi32>
      %parallel_loop3A_238 = arith.addi %parallel_loop3A_214, %parallel_loop3A_220 : vector<16xi32>
      %parallel_loop3A_239 = arith.addi %parallel_loop3A_238, %parallel_loop3A_224 : vector<16xi32>
      %parallel_loop3A_240 = arith.subi %parallel_loop3A_239, %parallel_loop3A_228 : vector<16xi32>
      %parallel_loop3A_241 = arith.addi %parallel_loop3A_222, %parallel_loop3A_226 : vector<16xi32>
      %parallel_loop3A_242 = arith.addi %parallel_loop3A_241, %parallel_loop3A_228 : vector<16xi32>
      %parallel_loop3A_243 = arith.cmpi eq, %parallel_loop3A_233, %parallel_loop3A_203 : vector<16xi32>
      %parallel_loop3A_244 = arith.cmpi eq, %parallel_loop3A_237, %parallel_loop3A_207 : vector<16xi32>
      %parallel_loop3A_245 = arith.cmpi eq, %parallel_loop3A_240, %parallel_loop3A_210 : vector<16xi32>
      %parallel_loop3A_246 = arith.cmpi eq, %parallel_loop3A_242, %parallel_loop3A_212 : vector<16xi32>
      %parallel_loop3A_247 = arith.constant 3.000000e-02 : f32
      %parallel_loop3A_248 = vector.broadcast %parallel_loop3A_247 : f32 to vector<16xf32>
      %parallel_loop3A_249 = arith.cmpf olt, %parallel_loop3A_180, %parallel_loop3A_248 : vector<16xf32>
      %parallel_loop3A_250 = arith.constant 3.000000e-02 : f32
      %parallel_loop3A_251 = vector.broadcast %parallel_loop3A_250 : f32 to vector<16xf32>
      %parallel_loop3A_252 = arith.cmpf olt, %parallel_loop3A_182, %parallel_loop3A_251 : vector<16xf32>
      %parallel_loop3A_253 = arith.andi %parallel_loop3A_249, %parallel_loop3A_252 : vector<16xi1>
      %parallel_loop3A_254 = arith.andi %parallel_loop3A_249, %parallel_loop3A_245 : vector<16xi1>
      %parallel_loop3A_255 = arith.ori %parallel_loop3A_253, %parallel_loop3A_254 : vector<16xi1>
      %parallel_loop3A_256 = arith.andi %parallel_loop3A_252, %parallel_loop3A_243 : vector<16xi1>
      %parallel_loop3A_257 = arith.ori %parallel_loop3A_255, %parallel_loop3A_256 : vector<16xi1>
      %parallel_loop3A_258 = arith.andi %parallel_loop3A_169, %parallel_loop3A_257 : vector<16xi1>
      %parallel_loop3A_259 = arith.constant 1 : i32
      %parallel_loop3A_260 = vector.broadcast %parallel_loop3A_259 : i32 to vector<16xi32>
      %parallel_loop3A_261 = arith.constant 0 : i32
      %parallel_loop3A_262 = vector.broadcast %parallel_loop3A_261 : i32 to vector<16xi32>
      %parallel_loop3A_263 = arith.constant 0.000000e+00 : f32
      %parallel_loop3A_264 = vector.broadcast %parallel_loop3A_263 : f32 to vector<16xf32>
      %parallel_loop3A_265 = arith.cmpf oeq, %parallel_loop3A_110, %parallel_loop3A_264 : vector<16xf32>
      %parallel_loop3A_266 = arith.select %parallel_loop3A_265, %parallel_loop3A_260, %parallel_loop3A_262 : vector<16xi1>, vector<16xi32>
      %parallel_loop3A_267 = arith.constant 0.000000e+00 : f32
      %parallel_loop3A_268 = vector.broadcast %parallel_loop3A_267 : f32 to vector<16xf32>
      %parallel_loop3A_269 = arith.cmpf oeq, %parallel_loop3A_115, %parallel_loop3A_268 : vector<16xf32>
      %parallel_loop3A_270 = arith.select %parallel_loop3A_269, %parallel_loop3A_260, %parallel_loop3A_262 : vector<16xi1>, vector<16xi32>
      %parallel_loop3A_271 = arith.constant 0.000000e+00 : f32
      %parallel_loop3A_272 = vector.broadcast %parallel_loop3A_271 : f32 to vector<16xf32>
      %parallel_loop3A_273 = arith.cmpf oeq, %parallel_loop3A_120, %parallel_loop3A_272 : vector<16xf32>
      %parallel_loop3A_274 = arith.select %parallel_loop3A_273, %parallel_loop3A_260, %parallel_loop3A_262 : vector<16xi1>, vector<16xi32>
      %parallel_loop3A_275 = arith.constant 0.000000e+00 : f32
      %parallel_loop3A_276 = vector.broadcast %parallel_loop3A_275 : f32 to vector<16xf32>
      %parallel_loop3A_277 = arith.cmpf oeq, %parallel_loop3A_125, %parallel_loop3A_276 : vector<16xf32>
      %parallel_loop3A_278 = arith.select %parallel_loop3A_277, %parallel_loop3A_260, %parallel_loop3A_262 : vector<16xi1>, vector<16xi32>
      %parallel_loop3A_279 = arith.addi %parallel_loop3A_266, %parallel_loop3A_270 : vector<16xi32>
      %parallel_loop3A_280 = arith.addi %parallel_loop3A_279, %parallel_loop3A_274 : vector<16xi32>
      %parallel_loop3A_281 = arith.addi %parallel_loop3A_280, %parallel_loop3A_278 : vector<16xi32>
      %parallel_loop3A_282 = arith.andi %parallel_loop3A_243, %parallel_loop3A_245 : vector<16xi1>
      %parallel_loop3A_283 = arith.andi %parallel_loop3A_282, %parallel_loop3A_246 : vector<16xi1>
      %parallel_loop3A_284 = arith.constant 2 : i32
      %parallel_loop3A_285 = vector.broadcast %parallel_loop3A_284 : i32 to vector<16xi32>
      %parallel_loop3A_286 = arith.cmpi sge, %parallel_loop3A_233, %parallel_loop3A_285 : vector<16xi32>
      %parallel_loop3A_287 = arith.andi %parallel_loop3A_243, %parallel_loop3A_286 : vector<16xi1>
      %parallel_loop3A_288 = arith.select %parallel_loop3A_287, %parallel_loop3A_260, %parallel_loop3A_262 : vector<16xi1>, vector<16xi32>
      %parallel_loop3A_289 = arith.addi %parallel_loop3A_262, %parallel_loop3A_288 : vector<16xi32>
      %parallel_loop3A_290 = arith.constant 2 : i32
      %parallel_loop3A_291 = vector.broadcast %parallel_loop3A_290 : i32 to vector<16xi32>
      %parallel_loop3A_292 = arith.cmpi sge, %parallel_loop3A_237, %parallel_loop3A_291 : vector<16xi32>
      %parallel_loop3A_293 = arith.andi %parallel_loop3A_244, %parallel_loop3A_292 : vector<16xi1>
      %parallel_loop3A_294 = arith.select %parallel_loop3A_293, %parallel_loop3A_260, %parallel_loop3A_262 : vector<16xi1>, vector<16xi32>
      %parallel_loop3A_295 = arith.addi %parallel_loop3A_289, %parallel_loop3A_294 : vector<16xi32>
      %parallel_loop3A_296 = arith.constant 2 : i32
      %parallel_loop3A_297 = vector.broadcast %parallel_loop3A_296 : i32 to vector<16xi32>
      %parallel_loop3A_298 = arith.cmpi sge, %parallel_loop3A_240, %parallel_loop3A_297 : vector<16xi32>
      %parallel_loop3A_299 = arith.andi %parallel_loop3A_245, %parallel_loop3A_298 : vector<16xi1>
      %parallel_loop3A_300 = arith.select %parallel_loop3A_299, %parallel_loop3A_260, %parallel_loop3A_262 : vector<16xi1>, vector<16xi32>
      %parallel_loop3A_301 = arith.addi %parallel_loop3A_295, %parallel_loop3A_300 : vector<16xi32>
      %parallel_loop3A_302 = arith.constant 2 : i32
      %parallel_loop3A_303 = vector.broadcast %parallel_loop3A_302 : i32 to vector<16xi32>
      %parallel_loop3A_304 = arith.cmpi sge, %parallel_loop3A_242, %parallel_loop3A_303 : vector<16xi32>
      %parallel_loop3A_305 = arith.andi %parallel_loop3A_246, %parallel_loop3A_304 : vector<16xi1>
      %parallel_loop3A_306 = arith.select %parallel_loop3A_305, %parallel_loop3A_260, %parallel_loop3A_262 : vector<16xi1>, vector<16xi32>
      %parallel_loop3A_307 = arith.addi %parallel_loop3A_301, %parallel_loop3A_306 : vector<16xi32>
      %parallel_loop3A_308 = arith.constant 2 : i32
      %parallel_loop3A_309 = vector.broadcast %parallel_loop3A_308 : i32 to vector<16xi32>
      %parallel_loop3A_310 = arith.cmpi eq, %parallel_loop3A_307, %parallel_loop3A_309 : vector<16xi32>
      %parallel_loop3A_311 = arith.constant 3 : i32
      %parallel_loop3A_312 = vector.broadcast %parallel_loop3A_311 : i32 to vector<16xi32>
      %parallel_loop3A_313 = arith.cmpi eq, %parallel_loop3A_242, %parallel_loop3A_312 : vector<16xi32>
      %parallel_loop3A_314 = arith.constant 1.000000e+00 : f32
      %parallel_loop3A_315 = vector.broadcast %parallel_loop3A_314 : f32 to vector<16xf32>
      %parallel_loop3A_316 = arith.constant 0.000000e+00 : f32
      %parallel_loop3A_317 = vector.broadcast %parallel_loop3A_316 : f32 to vector<16xf32>
      %parallel_loop3A_318 = arith.constant 2 : i32
      %parallel_loop3A_319 = vector.broadcast %parallel_loop3A_318 : i32 to vector<16xi32>
      %parallel_loop3A_320 = arith.cmpi eq, %parallel_loop3A_281, %parallel_loop3A_319 : vector<16xi32>
      %parallel_loop3A_321 = arith.select %parallel_loop3A_310, %parallel_loop3A_315, %parallel_loop3A_317 : vector<16xi1>, vector<16xf32>
      %parallel_loop3A_322 = arith.constant 3 : i32
      %parallel_loop3A_323 = vector.broadcast %parallel_loop3A_322 : i32 to vector<16xi32>
      %parallel_loop3A_324 = arith.cmpi eq, %parallel_loop3A_281, %parallel_loop3A_323 : vector<16xi32>
      %parallel_loop3A_325 = arith.select %parallel_loop3A_313, %parallel_loop3A_315, %parallel_loop3A_317 : vector<16xi1>, vector<16xf32>
      %parallel_loop3A_326 = arith.select %parallel_loop3A_324, %parallel_loop3A_325, %parallel_loop3A_317 : vector<16xi1>, vector<16xf32>
      %parallel_loop3A_327 = arith.select %parallel_loop3A_320, %parallel_loop3A_321, %parallel_loop3A_326 : vector<16xi1>, vector<16xf32>
      %parallel_loop3A_328 = arith.constant 2 : i32
      %parallel_loop3A_329 = vector.broadcast %parallel_loop3A_328 : i32 to vector<16xi32>
      %parallel_loop3A_330 = arith.cmpi slt, %parallel_loop3A_281, %parallel_loop3A_329 : vector<16xi32>
      %parallel_loop3A_331 = arith.ori %parallel_loop3A_258, %parallel_loop3A_330 : vector<16xi1>
      %parallel_loop3A_332 = arith.select %parallel_loop3A_331, %parallel_loop3A_315, %parallel_loop3A_327 : vector<16xi1>, vector<16xf32>
      %parallel_loop3A_333 = arith.select %parallel_loop3A_283, %parallel_loop3A_315, %parallel_loop3A_317 : vector<16xi1>, vector<16xf32>
      %parallel_loop3A_334 = arith.select %parallel_loop3A_330, %parallel_loop3A_333, %parallel_loop3A_327 : vector<16xi1>, vector<16xf32>
      %parallel_loop3A_335 = arith.select %parallel_loop3A_258, %parallel_loop3A_315, %parallel_loop3A_334 : vector<16xi1>, vector<16xf32>
      %parallel_loop3A_336 = arith.addf %parallel_loop3A_83, %parallel_loop3A_332 : vector<16xf32>
      %parallel_loop3A_337 = arith.addf %parallel_loop3A_85, %parallel_loop3A_335 : vector<16xf32>
      %parallel_loop3A_338 = arith.constant 4 : i32
      %parallel_loop3A_339 = arith.index_cast %parallel_loop3A_338 : i32 to index
      %parallel_loop3A_340 = arith.index_cast %parallel_loop3A_81 : i32 to index
      %parallel_loop3A_341 = tpu.vector_load %arg4[%parallel_loop3A_339, %parallel_loop3A_340] {strides = array<i32>} : memref<48x512xf32, #tpu.memory_space<vmem>>, vector<1x16xf32>,
      %parallel_loop3A_342 = vector.shape_cast %parallel_loop3A_341 : vector<1x16xf32> to vector<16xf32>
      %parallel_loop3A_343 = arith.constant 5 : i32
      %parallel_loop3A_344 = arith.index_cast %parallel_loop3A_343 : i32 to index
      %parallel_loop3A_345 = arith.index_cast %parallel_loop3A_81 : i32 to index
      %parallel_loop3A_346 = tpu.vector_load %arg4[%parallel_loop3A_344, %parallel_loop3A_345] {strides = array<i32>} : memref<48x512xf32, #tpu.memory_space<vmem>>, vector<1x16xf32>,
      %parallel_loop3A_347 = vector.shape_cast %parallel_loop3A_346 : vector<1x16xf32> to vector<16xf32>
      %parallel_loop3A_348 = arith.constant 6 : i32
      %parallel_loop3A_349 = arith.index_cast %parallel_loop3A_348 : i32 to index
      %parallel_loop3A_350 = arith.index_cast %parallel_loop3A_81 : i32 to index
      %parallel_loop3A_351 = tpu.vector_load %arg4[%parallel_loop3A_349, %parallel_loop3A_350] {strides = array<i32>} : memref<48x512xf32, #tpu.memory_space<vmem>>, vector<1x16xf32>,
      %parallel_loop3A_352 = vector.shape_cast %parallel_loop3A_351 : vector<1x16xf32> to vector<16xf32>
      %parallel_loop3A_353 = arith.constant 7 : i32
      %parallel_loop3A_354 = arith.index_cast %parallel_loop3A_353 : i32 to index
      %parallel_loop3A_355 = arith.index_cast %parallel_loop3A_81 : i32 to index
      %parallel_loop3A_356 = tpu.vector_load %arg4[%parallel_loop3A_354, %parallel_loop3A_355] {strides = array<i32>} : memref<48x512xf32, #tpu.memory_space<vmem>>, vector<1x16xf32>,
      %parallel_loop3A_357 = vector.shape_cast %parallel_loop3A_356 : vector<1x16xf32> to vector<16xf32>
      %parallel_loop3A_358 = arith.constant 28 : i32
      %parallel_loop3A_359 = arith.index_cast %parallel_loop3A_358 : i32 to index
      %parallel_loop3A_360 = arith.index_cast %parallel_loop3A_81 : i32 to index
      %parallel_loop3A_361 = tpu.vector_load %arg4[%parallel_loop3A_359, %parallel_loop3A_360] {strides = array<i32>} : memref<48x512xf32, #tpu.memory_space<vmem>>, vector<1x16xf32>,
      %parallel_loop3A_362 = vector.shape_cast %parallel_loop3A_361 : vector<1x16xf32> to vector<16xf32>
      %parallel_loop3A_363 = arith.constant 29 : i32
      %parallel_loop3A_364 = arith.index_cast %parallel_loop3A_363 : i32 to index
      %parallel_loop3A_365 = arith.index_cast %parallel_loop3A_81 : i32 to index
      %parallel_loop3A_366 = tpu.vector_load %arg4[%parallel_loop3A_364, %parallel_loop3A_365] {strides = array<i32>} : memref<48x512xf32, #tpu.memory_space<vmem>>, vector<1x16xf32>,
      %parallel_loop3A_367 = vector.shape_cast %parallel_loop3A_366 : vector<1x16xf32> to vector<16xf32>
      %parallel_loop3A_368 = arith.constant 30 : i32
      %parallel_loop3A_369 = arith.index_cast %parallel_loop3A_368 : i32 to index
      %parallel_loop3A_370 = arith.index_cast %parallel_loop3A_81 : i32 to index
      %parallel_loop3A_371 = tpu.vector_load %arg4[%parallel_loop3A_369, %parallel_loop3A_370] {strides = array<i32>} : memref<48x512xf32, #tpu.memory_space<vmem>>, vector<1x16xf32>,
      %parallel_loop3A_372 = vector.shape_cast %parallel_loop3A_371 : vector<1x16xf32> to vector<16xf32>
      %parallel_loop3A_373 = arith.constant 31 : i32
      %parallel_loop3A_374 = arith.index_cast %parallel_loop3A_373 : i32 to index
      %parallel_loop3A_375 = arith.index_cast %parallel_loop3A_81 : i32 to index
      %parallel_loop3A_376 = tpu.vector_load %arg4[%parallel_loop3A_374, %parallel_loop3A_375] {strides = array<i32>} : memref<48x512xf32, #tpu.memory_space<vmem>>, vector<1x16xf32>,
      %parallel_loop3A_377 = vector.shape_cast %parallel_loop3A_376 : vector<1x16xf32> to vector<16xf32>
      %parallel_loop3A_378 = arith.maximumf %parallel_loop3A_342, %parallel_loop3A_347 : vector<16xf32>
      %parallel_loop3A_379 = arith.maximumf %parallel_loop3A_352, %parallel_loop3A_357 : vector<16xf32>
      %parallel_loop3A_380 = arith.maximumf %parallel_loop3A_378, %parallel_loop3A_379 : vector<16xf32>
      %parallel_loop3A_381 = arith.subf %parallel_loop3A_342, %parallel_loop3A_380 : vector<16xf32>
      %parallel_loop3A_382 = math.exp %parallel_loop3A_381 : vector<16xf32>
      %parallel_loop3A_383 = arith.subf %parallel_loop3A_347, %parallel_loop3A_380 : vector<16xf32>
      %parallel_loop3A_384 = math.exp %parallel_loop3A_383 : vector<16xf32>
      %parallel_loop3A_385 = arith.subf %parallel_loop3A_352, %parallel_loop3A_380 : vector<16xf32>
      %parallel_loop3A_386 = math.exp %parallel_loop3A_385 : vector<16xf32>
      %parallel_loop3A_387 = arith.subf %parallel_loop3A_357, %parallel_loop3A_380 : vector<16xf32>
      %parallel_loop3A_388 = math.exp %parallel_loop3A_387 : vector<16xf32>
      %parallel_loop3A_389 = arith.addf %parallel_loop3A_382, %parallel_loop3A_384 : vector<16xf32>
      %parallel_loop3A_390 = arith.addf %parallel_loop3A_389, %parallel_loop3A_386 : vector<16xf32>
      %parallel_loop3A_391 = arith.addf %parallel_loop3A_390, %parallel_loop3A_388 : vector<16xf32>
      %parallel_loop3A_392 = arith.constant 3.000000e+00 : f32
      %parallel_loop3A_393 = vector.broadcast %parallel_loop3A_392 : f32 to vector<16xf32>
      %parallel_loop3A_394 = arith.divf %parallel_loop3A_393, %parallel_loop3A_391 : vector<16xf32>
      %parallel_loop3A_395 = arith.mulf %parallel_loop3A_382, %parallel_loop3A_394 : vector<16xf32>
      %parallel_loop3A_396 = arith.mulf %parallel_loop3A_384, %parallel_loop3A_394 : vector<16xf32>
      %parallel_loop3A_397 = arith.mulf %parallel_loop3A_386, %parallel_loop3A_394 : vector<16xf32>
      %parallel_loop3A_398 = arith.mulf %parallel_loop3A_388, %parallel_loop3A_394 : vector<16xf32>
      %parallel_loop3A_399 = arith.subf %parallel_loop3A_395, %parallel_loop3A_362 : vector<16xf32>
      %parallel_loop3A_400 = math.absf %parallel_loop3A_399 : vector<16xf32>
      %parallel_loop3A_401 = arith.constant 9.000000e-02 : f32
      %parallel_loop3A_402 = vector.broadcast %parallel_loop3A_401 : f32 to vector<16xf32>
      %parallel_loop3A_403 = arith.cmpf ole, %parallel_loop3A_400, %parallel_loop3A_402 : vector<16xf32>
      %parallel_loop3A_404 = arith.subf %parallel_loop3A_396, %parallel_loop3A_367 : vector<16xf32>
      %parallel_loop3A_405 = math.absf %parallel_loop3A_404 : vector<16xf32>
      %parallel_loop3A_406 = arith.constant 9.000000e-02 : f32
      %parallel_loop3A_407 = vector.broadcast %parallel_loop3A_406 : f32 to vector<16xf32>
      %parallel_loop3A_408 = arith.cmpf ole, %parallel_loop3A_405, %parallel_loop3A_407 : vector<16xf32>
      %parallel_loop3A_409 = arith.andi %parallel_loop3A_403, %parallel_loop3A_408 : vector<16xi1>
      %parallel_loop3A_410 = arith.subf %parallel_loop3A_397, %parallel_loop3A_372 : vector<16xf32>
      %parallel_loop3A_411 = math.absf %parallel_loop3A_410 : vector<16xf32>
      %parallel_loop3A_412 = arith.constant 9.000000e-02 : f32
      %parallel_loop3A_413 = vector.broadcast %parallel_loop3A_412 : f32 to vector<16xf32>
      %parallel_loop3A_414 = arith.cmpf ole, %parallel_loop3A_411, %parallel_loop3A_413 : vector<16xf32>
      %parallel_loop3A_415 = arith.andi %parallel_loop3A_409, %parallel_loop3A_414 : vector<16xi1>
      %parallel_loop3A_416 = arith.subf %parallel_loop3A_398, %parallel_loop3A_377 : vector<16xf32>
      %parallel_loop3A_417 = math.absf %parallel_loop3A_416 : vector<16xf32>
      %parallel_loop3A_418 = arith.constant 9.000000e-02 : f32
      %parallel_loop3A_419 = vector.broadcast %parallel_loop3A_418 : f32 to vector<16xf32>
      %parallel_loop3A_420 = arith.cmpf ole, %parallel_loop3A_417, %parallel_loop3A_419 : vector<16xf32>
      %parallel_loop3A_421 = arith.andi %parallel_loop3A_415, %parallel_loop3A_420 : vector<16xi1>
      %parallel_loop3A_422 = arith.minimumf %parallel_loop3A_362, %parallel_loop3A_367 : vector<16xf32>
      %parallel_loop3A_423 = arith.maximumf %parallel_loop3A_362, %parallel_loop3A_367 : vector<16xf32>
      %parallel_loop3A_424 = arith.minimumf %parallel_loop3A_372, %parallel_loop3A_377 : vector<16xf32>
      %parallel_loop3A_425 = arith.maximumf %parallel_loop3A_372, %parallel_loop3A_377 : vector<16xf32>
      %parallel_loop3A_426 = arith.minimumf %parallel_loop3A_422, %parallel_loop3A_424 : vector<16xf32>
      %parallel_loop3A_427 = arith.maximumf %parallel_loop3A_422, %parallel_loop3A_424 : vector<16xf32>
      %parallel_loop3A_428 = arith.minimumf %parallel_loop3A_423, %parallel_loop3A_425 : vector<16xf32>
      %parallel_loop3A_429 = arith.minimumf %parallel_loop3A_428, %parallel_loop3A_427 : vector<16xf32>
      %parallel_loop3A_430 = arith.maximumf %parallel_loop3A_428, %parallel_loop3A_427 : vector<16xf32>
      %parallel_loop3A_431 = arith.subf %parallel_loop3A_426, %parallel_loop3A_429 : vector<16xf32>
      %parallel_loop3A_432 = math.absf %parallel_loop3A_431 : vector<16xf32>
      %parallel_loop3A_433 = arith.subf %parallel_loop3A_430, %parallel_loop3A_429 : vector<16xf32>
      %parallel_loop3A_434 = math.absf %parallel_loop3A_433 : vector<16xf32>
      %parallel_loop3A_435 = arith.constant 1 : i32
      %parallel_loop3A_436 = vector.broadcast %parallel_loop3A_435 : i32 to vector<16xi32>
      %parallel_loop3A_437 = arith.constant 0 : i32
      %parallel_loop3A_438 = vector.broadcast %parallel_loop3A_437 : i32 to vector<16xi32>
      %parallel_loop3A_439 = arith.cmpf ole, %parallel_loop3A_362, %parallel_loop3A_367 : vector<16xf32>
      %parallel_loop3A_440 = arith.select %parallel_loop3A_439, %parallel_loop3A_436, %parallel_loop3A_438 : vector<16xi1>, vector<16xi32>
      %parallel_loop3A_441 = arith.cmpf ole, %parallel_loop3A_362, %parallel_loop3A_372 : vector<16xf32>
      %parallel_loop3A_442 = arith.select %parallel_loop3A_441, %parallel_loop3A_436, %parallel_loop3A_438 : vector<16xi1>, vector<16xi32>
      %parallel_loop3A_443 = arith.cmpf ole, %parallel_loop3A_362, %parallel_loop3A_377 : vector<16xf32>
      %parallel_loop3A_444 = arith.select %parallel_loop3A_443, %parallel_loop3A_436, %parallel_loop3A_438 : vector<16xi1>, vector<16xi32>
      %parallel_loop3A_445 = arith.cmpf ole, %parallel_loop3A_367, %parallel_loop3A_372 : vector<16xf32>
      %parallel_loop3A_446 = arith.select %parallel_loop3A_445, %parallel_loop3A_436, %parallel_loop3A_438 : vector<16xi1>, vector<16xi32>
      %parallel_loop3A_447 = arith.cmpf ole, %parallel_loop3A_367, %parallel_loop3A_377 : vector<16xf32>
      %parallel_loop3A_448 = arith.select %parallel_loop3A_447, %parallel_loop3A_436, %parallel_loop3A_438 : vector<16xi1>, vector<16xi32>
      %parallel_loop3A_449 = arith.cmpf ole, %parallel_loop3A_372, %parallel_loop3A_377 : vector<16xf32>
      %parallel_loop3A_450 = arith.select %parallel_loop3A_449, %parallel_loop3A_436, %parallel_loop3A_438 : vector<16xi1>, vector<16xi32>
      %parallel_loop3A_451 = arith.addi %parallel_loop3A_436, %parallel_loop3A_436 : vector<16xi32>
      %parallel_loop3A_452 = arith.addi %parallel_loop3A_451, %parallel_loop3A_436 : vector<16xi32>
      %parallel_loop3A_453 = arith.subi %parallel_loop3A_452, %parallel_loop3A_440 : vector<16xi32>
      %parallel_loop3A_454 = arith.subi %parallel_loop3A_453, %parallel_loop3A_442 : vector<16xi32>
      %parallel_loop3A_455 = arith.subi %parallel_loop3A_454, %parallel_loop3A_444 : vector<16xi32>
      %parallel_loop3A_456 = arith.addi %parallel_loop3A_436, %parallel_loop3A_436 : vector<16xi32>
      %parallel_loop3A_457 = arith.addi %parallel_loop3A_456, %parallel_loop3A_440 : vector<16xi32>
      %parallel_loop3A_458 = arith.subi %parallel_loop3A_457, %parallel_loop3A_446 : vector<16xi32>
      %parallel_loop3A_459 = arith.subi %parallel_loop3A_458, %parallel_loop3A_448 : vector<16xi32>
      %parallel_loop3A_460 = arith.addi %parallel_loop3A_436, %parallel_loop3A_442 : vector<16xi32>
      %parallel_loop3A_461 = arith.addi %parallel_loop3A_460, %parallel_loop3A_446 : vector<16xi32>
      %parallel_loop3A_462 = arith.subi %parallel_loop3A_461, %parallel_loop3A_450 : vector<16xi32>
      %parallel_loop3A_463 = arith.addi %parallel_loop3A_444, %parallel_loop3A_448 : vector<16xi32>
      %parallel_loop3A_464 = arith.addi %parallel_loop3A_463, %parallel_loop3A_450 : vector<16xi32>
      %parallel_loop3A_465 = arith.constant 1 : i32
      %parallel_loop3A_466 = vector.broadcast %parallel_loop3A_465 : i32 to vector<16xi32>
      %parallel_loop3A_467 = arith.constant 0 : i32
      %parallel_loop3A_468 = vector.broadcast %parallel_loop3A_467 : i32 to vector<16xi32>
      %parallel_loop3A_469 = arith.cmpf ole, %parallel_loop3A_395, %parallel_loop3A_396 : vector<16xf32>
      %parallel_loop3A_470 = arith.select %parallel_loop3A_469, %parallel_loop3A_466, %parallel_loop3A_468 : vector<16xi1>, vector<16xi32>
      %parallel_loop3A_471 = arith.cmpf ole, %parallel_loop3A_395, %parallel_loop3A_397 : vector<16xf32>
      %parallel_loop3A_472 = arith.select %parallel_loop3A_471, %parallel_loop3A_466, %parallel_loop3A_468 : vector<16xi1>, vector<16xi32>
      %parallel_loop3A_473 = arith.cmpf ole, %parallel_loop3A_395, %parallel_loop3A_398 : vector<16xf32>
      %parallel_loop3A_474 = arith.select %parallel_loop3A_473, %parallel_loop3A_466, %parallel_loop3A_468 : vector<16xi1>, vector<16xi32>
      %parallel_loop3A_475 = arith.cmpf ole, %parallel_loop3A_396, %parallel_loop3A_397 : vector<16xf32>
      %parallel_loop3A_476 = arith.select %parallel_loop3A_475, %parallel_loop3A_466, %parallel_loop3A_468 : vector<16xi1>, vector<16xi32>
      %parallel_loop3A_477 = arith.cmpf ole, %parallel_loop3A_396, %parallel_loop3A_398 : vector<16xf32>
      %parallel_loop3A_478 = arith.select %parallel_loop3A_477, %parallel_loop3A_466, %parallel_loop3A_468 : vector<16xi1>, vector<16xi32>
      %parallel_loop3A_479 = arith.cmpf ole, %parallel_loop3A_397, %parallel_loop3A_398 : vector<16xf32>
      %parallel_loop3A_480 = arith.select %parallel_loop3A_479, %parallel_loop3A_466, %parallel_loop3A_468 : vector<16xi1>, vector<16xi32>
      %parallel_loop3A_481 = arith.addi %parallel_loop3A_466, %parallel_loop3A_466 : vector<16xi32>
      %parallel_loop3A_482 = arith.addi %parallel_loop3A_481, %parallel_loop3A_466 : vector<16xi32>
      %parallel_loop3A_483 = arith.subi %parallel_loop3A_482, %parallel_loop3A_470 : vector<16xi32>
      %parallel_loop3A_484 = arith.subi %parallel_loop3A_483, %parallel_loop3A_472 : vector<16xi32>
      %parallel_loop3A_485 = arith.subi %parallel_loop3A_484, %parallel_loop3A_474 : vector<16xi32>
      %parallel_loop3A_486 = arith.addi %parallel_loop3A_466, %parallel_loop3A_466 : vector<16xi32>
      %parallel_loop3A_487 = arith.addi %parallel_loop3A_486, %parallel_loop3A_470 : vector<16xi32>
      %parallel_loop3A_488 = arith.subi %parallel_loop3A_487, %parallel_loop3A_476 : vector<16xi32>
      %parallel_loop3A_489 = arith.subi %parallel_loop3A_488, %parallel_loop3A_478 : vector<16xi32>
      %parallel_loop3A_490 = arith.addi %parallel_loop3A_466, %parallel_loop3A_472 : vector<16xi32>
      %parallel_loop3A_491 = arith.addi %parallel_loop3A_490, %parallel_loop3A_476 : vector<16xi32>
      %parallel_loop3A_492 = arith.subi %parallel_loop3A_491, %parallel_loop3A_480 : vector<16xi32>
      %parallel_loop3A_493 = arith.addi %parallel_loop3A_474, %parallel_loop3A_478 : vector<16xi32>
      %parallel_loop3A_494 = arith.addi %parallel_loop3A_493, %parallel_loop3A_480 : vector<16xi32>
      %parallel_loop3A_495 = arith.cmpi eq, %parallel_loop3A_485, %parallel_loop3A_455 : vector<16xi32>
      %parallel_loop3A_496 = arith.cmpi eq, %parallel_loop3A_489, %parallel_loop3A_459 : vector<16xi32>
      %parallel_loop3A_497 = arith.cmpi eq, %parallel_loop3A_492, %parallel_loop3A_462 : vector<16xi32>
      %parallel_loop3A_498 = arith.cmpi eq, %parallel_loop3A_494, %parallel_loop3A_464 : vector<16xi32>
      %parallel_loop3A_499 = arith.constant 3.000000e-02 : f32
      %parallel_loop3A_500 = vector.broadcast %parallel_loop3A_499 : f32 to vector<16xf32>
      %parallel_loop3A_501 = arith.cmpf olt, %parallel_loop3A_432, %parallel_loop3A_500 : vector<16xf32>
      %parallel_loop3A_502 = arith.constant 3.000000e-02 : f32
      %parallel_loop3A_503 = vector.broadcast %parallel_loop3A_502 : f32 to vector<16xf32>
      %parallel_loop3A_504 = arith.cmpf olt, %parallel_loop3A_434, %parallel_loop3A_503 : vector<16xf32>
      %parallel_loop3A_505 = arith.andi %parallel_loop3A_501, %parallel_loop3A_504 : vector<16xi1>
      %parallel_loop3A_506 = arith.andi %parallel_loop3A_501, %parallel_loop3A_497 : vector<16xi1>
      %parallel_loop3A_507 = arith.ori %parallel_loop3A_505, %parallel_loop3A_506 : vector<16xi1>
      %parallel_loop3A_508 = arith.andi %parallel_loop3A_504, %parallel_loop3A_495 : vector<16xi1>
      %parallel_loop3A_509 = arith.ori %parallel_loop3A_507, %parallel_loop3A_508 : vector<16xi1>
      %parallel_loop3A_510 = arith.andi %parallel_loop3A_421, %parallel_loop3A_509 : vector<16xi1>
      %parallel_loop3A_511 = arith.constant 1 : i32
      %parallel_loop3A_512 = vector.broadcast %parallel_loop3A_511 : i32 to vector<16xi32>
      %parallel_loop3A_513 = arith.constant 0 : i32
      %parallel_loop3A_514 = vector.broadcast %parallel_loop3A_513 : i32 to vector<16xi32>
      %parallel_loop3A_515 = arith.constant 0.000000e+00 : f32
      %parallel_loop3A_516 = vector.broadcast %parallel_loop3A_515 : f32 to vector<16xf32>
      %parallel_loop3A_517 = arith.cmpf oeq, %parallel_loop3A_362, %parallel_loop3A_516 : vector<16xf32>
      %parallel_loop3A_518 = arith.select %parallel_loop3A_517, %parallel_loop3A_512, %parallel_loop3A_514 : vector<16xi1>, vector<16xi32>
      %parallel_loop3A_519 = arith.constant 0.000000e+00 : f32
      %parallel_loop3A_520 = vector.broadcast %parallel_loop3A_519 : f32 to vector<16xf32>
      %parallel_loop3A_521 = arith.cmpf oeq, %parallel_loop3A_367, %parallel_loop3A_520 : vector<16xf32>
      %parallel_loop3A_522 = arith.select %parallel_loop3A_521, %parallel_loop3A_512, %parallel_loop3A_514 : vector<16xi1>, vector<16xi32>
      %parallel_loop3A_523 = arith.constant 0.000000e+00 : f32
      %parallel_loop3A_524 = vector.broadcast %parallel_loop3A_523 : f32 to vector<16xf32>
      %parallel_loop3A_525 = arith.cmpf oeq, %parallel_loop3A_372, %parallel_loop3A_524 : vector<16xf32>
      %parallel_loop3A_526 = arith.select %parallel_loop3A_525, %parallel_loop3A_512, %parallel_loop3A_514 : vector<16xi1>, vector<16xi32>
      %parallel_loop3A_527 = arith.constant 0.000000e+00 : f32
      %parallel_loop3A_528 = vector.broadcast %parallel_loop3A_527 : f32 to vector<16xf32>
      %parallel_loop3A_529 = arith.cmpf oeq, %parallel_loop3A_377, %parallel_loop3A_528 : vector<16xf32>
      %parallel_loop3A_530 = arith.select %parallel_loop3A_529, %parallel_loop3A_512, %parallel_loop3A_514 : vector<16xi1>, vector<16xi32>
      %parallel_loop3A_531 = arith.addi %parallel_loop3A_518, %parallel_loop3A_522 : vector<16xi32>
      %parallel_loop3A_532 = arith.addi %parallel_loop3A_531, %parallel_loop3A_526 : vector<16xi32>
      %parallel_loop3A_533 = arith.addi %parallel_loop3A_532, %parallel_loop3A_530 : vector<16xi32>
      %parallel_loop3A_534 = arith.andi %parallel_loop3A_495, %parallel_loop3A_497 : vector<16xi1>
      %parallel_loop3A_535 = arith.andi %parallel_loop3A_534, %parallel_loop3A_498 : vector<16xi1>
      %parallel_loop3A_536 = arith.constant 2 : i32
      %parallel_loop3A_537 = vector.broadcast %parallel_loop3A_536 : i32 to vector<16xi32>
      %parallel_loop3A_538 = arith.cmpi sge, %parallel_loop3A_485, %parallel_loop3A_537 : vector<16xi32>
      %parallel_loop3A_539 = arith.andi %parallel_loop3A_495, %parallel_loop3A_538 : vector<16xi1>
      %parallel_loop3A_540 = arith.select %parallel_loop3A_539, %parallel_loop3A_512, %parallel_loop3A_514 : vector<16xi1>, vector<16xi32>
      %parallel_loop3A_541 = arith.addi %parallel_loop3A_514, %parallel_loop3A_540 : vector<16xi32>
      %parallel_loop3A_542 = arith.constant 2 : i32
      %parallel_loop3A_543 = vector.broadcast %parallel_loop3A_542 : i32 to vector<16xi32>
      %parallel_loop3A_544 = arith.cmpi sge, %parallel_loop3A_489, %parallel_loop3A_543 : vector<16xi32>
      %parallel_loop3A_545 = arith.andi %parallel_loop3A_496, %parallel_loop3A_544 : vector<16xi1>
      %parallel_loop3A_546 = arith.select %parallel_loop3A_545, %parallel_loop3A_512, %parallel_loop3A_514 : vector<16xi1>, vector<16xi32>
      %parallel_loop3A_547 = arith.addi %parallel_loop3A_541, %parallel_loop3A_546 : vector<16xi32>
      %parallel_loop3A_548 = arith.constant 2 : i32
      %parallel_loop3A_549 = vector.broadcast %parallel_loop3A_548 : i32 to vector<16xi32>
      %parallel_loop3A_550 = arith.cmpi sge, %parallel_loop3A_492, %parallel_loop3A_549 : vector<16xi32>
      %parallel_loop3A_551 = arith.andi %parallel_loop3A_497, %parallel_loop3A_550 : vector<16xi1>
      %parallel_loop3A_552 = arith.select %parallel_loop3A_551, %parallel_loop3A_512, %parallel_loop3A_514 : vector<16xi1>, vector<16xi32>
      %parallel_loop3A_553 = arith.addi %parallel_loop3A_547, %parallel_loop3A_552 : vector<16xi32>
      %parallel_loop3A_554 = arith.constant 2 : i32
      %parallel_loop3A_555 = vector.broadcast %parallel_loop3A_554 : i32 to vector<16xi32>
      %parallel_loop3A_556 = arith.cmpi sge, %parallel_loop3A_494, %parallel_loop3A_555 : vector<16xi32>
      %parallel_loop3A_557 = arith.andi %parallel_loop3A_498, %parallel_loop3A_556 : vector<16xi1>
      %parallel_loop3A_558 = arith.select %parallel_loop3A_557, %parallel_loop3A_512, %parallel_loop3A_514 : vector<16xi1>, vector<16xi32>
      %parallel_loop3A_559 = arith.addi %parallel_loop3A_553, %parallel_loop3A_558 : vector<16xi32>
      %parallel_loop3A_560 = arith.constant 2 : i32
      %parallel_loop3A_561 = vector.broadcast %parallel_loop3A_560 : i32 to vector<16xi32>
      %parallel_loop3A_562 = arith.cmpi eq, %parallel_loop3A_559, %parallel_loop3A_561 : vector<16xi32>
      %parallel_loop3A_563 = arith.constant 3 : i32
      %parallel_loop3A_564 = vector.broadcast %parallel_loop3A_563 : i32 to vector<16xi32>
      %parallel_loop3A_565 = arith.cmpi eq, %parallel_loop3A_494, %parallel_loop3A_564 : vector<16xi32>
      %parallel_loop3A_566 = arith.constant 1.000000e+00 : f32
      %parallel_loop3A_567 = vector.broadcast %parallel_loop3A_566 : f32 to vector<16xf32>
      %parallel_loop3A_568 = arith.constant 0.000000e+00 : f32
      %parallel_loop3A_569 = vector.broadcast %parallel_loop3A_568 : f32 to vector<16xf32>
      %parallel_loop3A_570 = arith.constant 2 : i32
      %parallel_loop3A_571 = vector.broadcast %parallel_loop3A_570 : i32 to vector<16xi32>
      %parallel_loop3A_572 = arith.cmpi eq, %parallel_loop3A_533, %parallel_loop3A_571 : vector<16xi32>
      %parallel_loop3A_573 = arith.select %parallel_loop3A_562, %parallel_loop3A_567, %parallel_loop3A_569 : vector<16xi1>, vector<16xf32>
      %parallel_loop3A_574 = arith.constant 3 : i32
      %parallel_loop3A_575 = vector.broadcast %parallel_loop3A_574 : i32 to vector<16xi32>
      %parallel_loop3A_576 = arith.cmpi eq, %parallel_loop3A_533, %parallel_loop3A_575 : vector<16xi32>
      %parallel_loop3A_577 = arith.select %parallel_loop3A_565, %parallel_loop3A_567, %parallel_loop3A_569 : vector<16xi1>, vector<16xf32>
      %parallel_loop3A_578 = arith.select %parallel_loop3A_576, %parallel_loop3A_577, %parallel_loop3A_569 : vector<16xi1>, vector<16xf32>
      %parallel_loop3A_579 = arith.select %parallel_loop3A_572, %parallel_loop3A_573, %parallel_loop3A_578 : vector<16xi1>, vector<16xf32>
      %parallel_loop3A_580 = arith.constant 2 : i32
      %parallel_loop3A_581 = vector.broadcast %parallel_loop3A_580 : i32 to vector<16xi32>
      %parallel_loop3A_582 = arith.cmpi slt, %parallel_loop3A_533, %parallel_loop3A_581 : vector<16xi32>
      %parallel_loop3A_583 = arith.ori %parallel_loop3A_510, %parallel_loop3A_582 : vector<16xi1>
      %parallel_loop3A_584 = arith.select %parallel_loop3A_583, %parallel_loop3A_567, %parallel_loop3A_579 : vector<16xi1>, vector<16xf32>
      %parallel_loop3A_585 = arith.select %parallel_loop3A_535, %parallel_loop3A_567, %parallel_loop3A_569 : vector<16xi1>, vector<16xf32>
      %parallel_loop3A_586 = arith.select %parallel_loop3A_582, %parallel_loop3A_585, %parallel_loop3A_579 : vector<16xi1>, vector<16xf32>
      %parallel_loop3A_587 = arith.select %parallel_loop3A_510, %parallel_loop3A_567, %parallel_loop3A_586 : vector<16xi1>, vector<16xf32>
      %parallel_loop3A_588 = arith.addf %parallel_loop3A_336, %parallel_loop3A_584 : vector<16xf32>
      %parallel_loop3A_589 = arith.addf %parallel_loop3A_337, %parallel_loop3A_587 : vector<16xf32>
      %parallel_loop3A_590 = arith.constant 8 : i32
      %parallel_loop3A_591 = arith.index_cast %parallel_loop3A_590 : i32 to index
      %parallel_loop3A_592 = arith.index_cast %parallel_loop3A_81 : i32 to index
      %parallel_loop3A_593 = tpu.vector_load %arg4[%parallel_loop3A_591, %parallel_loop3A_592] {strides = array<i32>} : memref<48x512xf32, #tpu.memory_space<vmem>>, vector<1x16xf32>,
      %parallel_loop3A_594 = vector.shape_cast %parallel_loop3A_593 : vector<1x16xf32> to vector<16xf32>
      %parallel_loop3A_595 = arith.constant 9 : i32
      %parallel_loop3A_596 = arith.index_cast %parallel_loop3A_595 : i32 to index
      %parallel_loop3A_597 = arith.index_cast %parallel_loop3A_81 : i32 to index
      %parallel_loop3A_598 = tpu.vector_load %arg4[%parallel_loop3A_596, %parallel_loop3A_597] {strides = array<i32>} : memref<48x512xf32, #tpu.memory_space<vmem>>, vector<1x16xf32>,
      %parallel_loop3A_599 = vector.shape_cast %parallel_loop3A_598 : vector<1x16xf32> to vector<16xf32>
      %parallel_loop3A_600 = arith.constant 10 : i32
      %parallel_loop3A_601 = arith.index_cast %parallel_loop3A_600 : i32 to index
      %parallel_loop3A_602 = arith.index_cast %parallel_loop3A_81 : i32 to index
      %parallel_loop3A_603 = tpu.vector_load %arg4[%parallel_loop3A_601, %parallel_loop3A_602] {strides = array<i32>} : memref<48x512xf32, #tpu.memory_space<vmem>>, vector<1x16xf32>,
      %parallel_loop3A_604 = vector.shape_cast %parallel_loop3A_603 : vector<1x16xf32> to vector<16xf32>
      %parallel_loop3A_605 = arith.constant 11 : i32
      %parallel_loop3A_606 = arith.index_cast %parallel_loop3A_605 : i32 to index
      %parallel_loop3A_607 = arith.index_cast %parallel_loop3A_81 : i32 to index
      %parallel_loop3A_608 = tpu.vector_load %arg4[%parallel_loop3A_606, %parallel_loop3A_607] {strides = array<i32>} : memref<48x512xf32, #tpu.memory_space<vmem>>, vector<1x16xf32>,
      %parallel_loop3A_609 = vector.shape_cast %parallel_loop3A_608 : vector<1x16xf32> to vector<16xf32>
      %parallel_loop3A_610 = arith.constant 32 : i32
      %parallel_loop3A_611 = arith.index_cast %parallel_loop3A_610 : i32 to index
      %parallel_loop3A_612 = arith.index_cast %parallel_loop3A_81 : i32 to index
      %parallel_loop3A_613 = tpu.vector_load %arg4[%parallel_loop3A_611, %parallel_loop3A_612] {strides = array<i32>} : memref<48x512xf32, #tpu.memory_space<vmem>>, vector<1x16xf32>,
      %parallel_loop3A_614 = vector.shape_cast %parallel_loop3A_613 : vector<1x16xf32> to vector<16xf32>
      %parallel_loop3A_615 = arith.constant 33 : i32
      %parallel_loop3A_616 = arith.index_cast %parallel_loop3A_615 : i32 to index
      %parallel_loop3A_617 = arith.index_cast %parallel_loop3A_81 : i32 to index
      %parallel_loop3A_618 = tpu.vector_load %arg4[%parallel_loop3A_616, %parallel_loop3A_617] {strides = array<i32>} : memref<48x512xf32, #tpu.memory_space<vmem>>, vector<1x16xf32>,
      %parallel_loop3A_619 = vector.shape_cast %parallel_loop3A_618 : vector<1x16xf32> to vector<16xf32>
      %parallel_loop3A_620 = arith.constant 34 : i32
      %parallel_loop3A_621 = arith.index_cast %parallel_loop3A_620 : i32 to index
      %parallel_loop3A_622 = arith.index_cast %parallel_loop3A_81 : i32 to index
      %parallel_loop3A_623 = tpu.vector_load %arg4[%parallel_loop3A_621, %parallel_loop3A_622] {strides = array<i32>} : memref<48x512xf32, #tpu.memory_space<vmem>>, vector<1x16xf32>,
      %parallel_loop3A_624 = vector.shape_cast %parallel_loop3A_623 : vector<1x16xf32> to vector<16xf32>
      %parallel_loop3A_625 = arith.constant 35 : i32
      %parallel_loop3A_626 = arith.index_cast %parallel_loop3A_625 : i32 to index
      %parallel_loop3A_627 = arith.index_cast %parallel_loop3A_81 : i32 to index
      %parallel_loop3A_628 = tpu.vector_load %arg4[%parallel_loop3A_626, %parallel_loop3A_627] {strides = array<i32>} : memref<48x512xf32, #tpu.memory_space<vmem>>, vector<1x16xf32>,
      %parallel_loop3A_629 = vector.shape_cast %parallel_loop3A_628 : vector<1x16xf32> to vector<16xf32>
      %parallel_loop3A_630 = arith.maximumf %parallel_loop3A_594, %parallel_loop3A_599 : vector<16xf32>
      %parallel_loop3A_631 = arith.maximumf %parallel_loop3A_604, %parallel_loop3A_609 : vector<16xf32>
      %parallel_loop3A_632 = arith.maximumf %parallel_loop3A_630, %parallel_loop3A_631 : vector<16xf32>
      %parallel_loop3A_633 = arith.subf %parallel_loop3A_594, %parallel_loop3A_632 : vector<16xf32>
      %parallel_loop3A_634 = math.exp %parallel_loop3A_633 : vector<16xf32>
      %parallel_loop3A_635 = arith.subf %parallel_loop3A_599, %parallel_loop3A_632 : vector<16xf32>
      %parallel_loop3A_636 = math.exp %parallel_loop3A_635 : vector<16xf32>
      %parallel_loop3A_637 = arith.subf %parallel_loop3A_604, %parallel_loop3A_632 : vector<16xf32>
      %parallel_loop3A_638 = math.exp %parallel_loop3A_637 : vector<16xf32>
      %parallel_loop3A_639 = arith.subf %parallel_loop3A_609, %parallel_loop3A_632 : vector<16xf32>
      %parallel_loop3A_640 = math.exp %parallel_loop3A_639 : vector<16xf32>
      %parallel_loop3A_641 = arith.addf %parallel_loop3A_634, %parallel_loop3A_636 : vector<16xf32>
      %parallel_loop3A_642 = arith.addf %parallel_loop3A_641, %parallel_loop3A_638 : vector<16xf32>
      %parallel_loop3A_643 = arith.addf %parallel_loop3A_642, %parallel_loop3A_640 : vector<16xf32>
      %parallel_loop3A_644 = arith.constant 3.000000e+00 : f32
      %parallel_loop3A_645 = vector.broadcast %parallel_loop3A_644 : f32 to vector<16xf32>
      %parallel_loop3A_646 = arith.divf %parallel_loop3A_645, %parallel_loop3A_643 : vector<16xf32>
      %parallel_loop3A_647 = arith.mulf %parallel_loop3A_634, %parallel_loop3A_646 : vector<16xf32>
      %parallel_loop3A_648 = arith.mulf %parallel_loop3A_636, %parallel_loop3A_646 : vector<16xf32>
      %parallel_loop3A_649 = arith.mulf %parallel_loop3A_638, %parallel_loop3A_646 : vector<16xf32>
      %parallel_loop3A_650 = arith.mulf %parallel_loop3A_640, %parallel_loop3A_646 : vector<16xf32>
      %parallel_loop3A_651 = arith.subf %parallel_loop3A_647, %parallel_loop3A_614 : vector<16xf32>
      %parallel_loop3A_652 = math.absf %parallel_loop3A_651 : vector<16xf32>
      %parallel_loop3A_653 = arith.constant 9.000000e-02 : f32
      %parallel_loop3A_654 = vector.broadcast %parallel_loop3A_653 : f32 to vector<16xf32>
      %parallel_loop3A_655 = arith.cmpf ole, %parallel_loop3A_652, %parallel_loop3A_654 : vector<16xf32>
      %parallel_loop3A_656 = arith.subf %parallel_loop3A_648, %parallel_loop3A_619 : vector<16xf32>
      %parallel_loop3A_657 = math.absf %parallel_loop3A_656 : vector<16xf32>
      %parallel_loop3A_658 = arith.constant 9.000000e-02 : f32
      %parallel_loop3A_659 = vector.broadcast %parallel_loop3A_658 : f32 to vector<16xf32>
      %parallel_loop3A_660 = arith.cmpf ole, %parallel_loop3A_657, %parallel_loop3A_659 : vector<16xf32>
      %parallel_loop3A_661 = arith.andi %parallel_loop3A_655, %parallel_loop3A_660 : vector<16xi1>
      %parallel_loop3A_662 = arith.subf %parallel_loop3A_649, %parallel_loop3A_624 : vector<16xf32>
      %parallel_loop3A_663 = math.absf %parallel_loop3A_662 : vector<16xf32>
      %parallel_loop3A_664 = arith.constant 9.000000e-02 : f32
      %parallel_loop3A_665 = vector.broadcast %parallel_loop3A_664 : f32 to vector<16xf32>
      %parallel_loop3A_666 = arith.cmpf ole, %parallel_loop3A_663, %parallel_loop3A_665 : vector<16xf32>
      %parallel_loop3A_667 = arith.andi %parallel_loop3A_661, %parallel_loop3A_666 : vector<16xi1>
      %parallel_loop3A_668 = arith.subf %parallel_loop3A_650, %parallel_loop3A_629 : vector<16xf32>
      %parallel_loop3A_669 = math.absf %parallel_loop3A_668 : vector<16xf32>
      %parallel_loop3A_670 = arith.constant 9.000000e-02 : f32
      %parallel_loop3A_671 = vector.broadcast %parallel_loop3A_670 : f32 to vector<16xf32>
      %parallel_loop3A_672 = arith.cmpf ole, %parallel_loop3A_669, %parallel_loop3A_671 : vector<16xf32>
      %parallel_loop3A_673 = arith.andi %parallel_loop3A_667, %parallel_loop3A_672 : vector<16xi1>
      %parallel_loop3A_674 = arith.minimumf %parallel_loop3A_614, %parallel_loop3A_619 : vector<16xf32>
      %parallel_loop3A_675 = arith.maximumf %parallel_loop3A_614, %parallel_loop3A_619 : vector<16xf32>
      %parallel_loop3A_676 = arith.minimumf %parallel_loop3A_624, %parallel_loop3A_629 : vector<16xf32>
      %parallel_loop3A_677 = arith.maximumf %parallel_loop3A_624, %parallel_loop3A_629 : vector<16xf32>
      %parallel_loop3A_678 = arith.minimumf %parallel_loop3A_674, %parallel_loop3A_676 : vector<16xf32>
      %parallel_loop3A_679 = arith.maximumf %parallel_loop3A_674, %parallel_loop3A_676 : vector<16xf32>
      %parallel_loop3A_680 = arith.minimumf %parallel_loop3A_675, %parallel_loop3A_677 : vector<16xf32>
      %parallel_loop3A_681 = arith.minimumf %parallel_loop3A_680, %parallel_loop3A_679 : vector<16xf32>
      %parallel_loop3A_682 = arith.maximumf %parallel_loop3A_680, %parallel_loop3A_679 : vector<16xf32>
      %parallel_loop3A_683 = arith.subf %parallel_loop3A_678, %parallel_loop3A_681 : vector<16xf32>
      %parallel_loop3A_684 = math.absf %parallel_loop3A_683 : vector<16xf32>
      %parallel_loop3A_685 = arith.subf %parallel_loop3A_682, %parallel_loop3A_681 : vector<16xf32>
      %parallel_loop3A_686 = math.absf %parallel_loop3A_685 : vector<16xf32>
      %parallel_loop3A_687 = arith.constant 1 : i32
      %parallel_loop3A_688 = vector.broadcast %parallel_loop3A_687 : i32 to vector<16xi32>
      %parallel_loop3A_689 = arith.constant 0 : i32
      %parallel_loop3A_690 = vector.broadcast %parallel_loop3A_689 : i32 to vector<16xi32>
      %parallel_loop3A_691 = arith.cmpf ole, %parallel_loop3A_614, %parallel_loop3A_619 : vector<16xf32>
      %parallel_loop3A_692 = arith.select %parallel_loop3A_691, %parallel_loop3A_688, %parallel_loop3A_690 : vector<16xi1>, vector<16xi32>
      %parallel_loop3A_693 = arith.cmpf ole, %parallel_loop3A_614, %parallel_loop3A_624 : vector<16xf32>
      %parallel_loop3A_694 = arith.select %parallel_loop3A_693, %parallel_loop3A_688, %parallel_loop3A_690 : vector<16xi1>, vector<16xi32>
      %parallel_loop3A_695 = arith.cmpf ole, %parallel_loop3A_614, %parallel_loop3A_629 : vector<16xf32>
      %parallel_loop3A_696 = arith.select %parallel_loop3A_695, %parallel_loop3A_688, %parallel_loop3A_690 : vector<16xi1>, vector<16xi32>
      %parallel_loop3A_697 = arith.cmpf ole, %parallel_loop3A_619, %parallel_loop3A_624 : vector<16xf32>
      %parallel_loop3A_698 = arith.select %parallel_loop3A_697, %parallel_loop3A_688, %parallel_loop3A_690 : vector<16xi1>, vector<16xi32>
      %parallel_loop3A_699 = arith.cmpf ole, %parallel_loop3A_619, %parallel_loop3A_629 : vector<16xf32>
      %parallel_loop3A_700 = arith.select %parallel_loop3A_699, %parallel_loop3A_688, %parallel_loop3A_690 : vector<16xi1>, vector<16xi32>
      %parallel_loop3A_701 = arith.cmpf ole, %parallel_loop3A_624, %parallel_loop3A_629 : vector<16xf32>
      %parallel_loop3A_702 = arith.select %parallel_loop3A_701, %parallel_loop3A_688, %parallel_loop3A_690 : vector<16xi1>, vector<16xi32>
      %parallel_loop3A_703 = arith.addi %parallel_loop3A_688, %parallel_loop3A_688 : vector<16xi32>
      %parallel_loop3A_704 = arith.addi %parallel_loop3A_703, %parallel_loop3A_688 : vector<16xi32>
      %parallel_loop3A_705 = arith.subi %parallel_loop3A_704, %parallel_loop3A_692 : vector<16xi32>
      %parallel_loop3A_706 = arith.subi %parallel_loop3A_705, %parallel_loop3A_694 : vector<16xi32>
      %parallel_loop3A_707 = arith.subi %parallel_loop3A_706, %parallel_loop3A_696 : vector<16xi32>
      %parallel_loop3A_708 = arith.addi %parallel_loop3A_688, %parallel_loop3A_688 : vector<16xi32>
      %parallel_loop3A_709 = arith.addi %parallel_loop3A_708, %parallel_loop3A_692 : vector<16xi32>
      %parallel_loop3A_710 = arith.subi %parallel_loop3A_709, %parallel_loop3A_698 : vector<16xi32>
      %parallel_loop3A_711 = arith.subi %parallel_loop3A_710, %parallel_loop3A_700 : vector<16xi32>
      %parallel_loop3A_712 = arith.addi %parallel_loop3A_688, %parallel_loop3A_694 : vector<16xi32>
      %parallel_loop3A_713 = arith.addi %parallel_loop3A_712, %parallel_loop3A_698 : vector<16xi32>
      %parallel_loop3A_714 = arith.subi %parallel_loop3A_713, %parallel_loop3A_702 : vector<16xi32>
      %parallel_loop3A_715 = arith.addi %parallel_loop3A_696, %parallel_loop3A_700 : vector<16xi32>
      %parallel_loop3A_716 = arith.addi %parallel_loop3A_715, %parallel_loop3A_702 : vector<16xi32>
      %parallel_loop3A_717 = arith.constant 1 : i32
      %parallel_loop3A_718 = vector.broadcast %parallel_loop3A_717 : i32 to vector<16xi32>
      %parallel_loop3A_719 = arith.constant 0 : i32
      %parallel_loop3A_720 = vector.broadcast %parallel_loop3A_719 : i32 to vector<16xi32>
      %parallel_loop3A_721 = arith.cmpf ole, %parallel_loop3A_647, %parallel_loop3A_648 : vector<16xf32>
      %parallel_loop3A_722 = arith.select %parallel_loop3A_721, %parallel_loop3A_718, %parallel_loop3A_720 : vector<16xi1>, vector<16xi32>
      %parallel_loop3A_723 = arith.cmpf ole, %parallel_loop3A_647, %parallel_loop3A_649 : vector<16xf32>
      %parallel_loop3A_724 = arith.select %parallel_loop3A_723, %parallel_loop3A_718, %parallel_loop3A_720 : vector<16xi1>, vector<16xi32>
      %parallel_loop3A_725 = arith.cmpf ole, %parallel_loop3A_647, %parallel_loop3A_650 : vector<16xf32>
      %parallel_loop3A_726 = arith.select %parallel_loop3A_725, %parallel_loop3A_718, %parallel_loop3A_720 : vector<16xi1>, vector<16xi32>
      %parallel_loop3A_727 = arith.cmpf ole, %parallel_loop3A_648, %parallel_loop3A_649 : vector<16xf32>
      %parallel_loop3A_728 = arith.select %parallel_loop3A_727, %parallel_loop3A_718, %parallel_loop3A_720 : vector<16xi1>, vector<16xi32>
      %parallel_loop3A_729 = arith.cmpf ole, %parallel_loop3A_648, %parallel_loop3A_650 : vector<16xf32>
      %parallel_loop3A_730 = arith.select %parallel_loop3A_729, %parallel_loop3A_718, %parallel_loop3A_720 : vector<16xi1>, vector<16xi32>
      %parallel_loop3A_731 = arith.cmpf ole, %parallel_loop3A_649, %parallel_loop3A_650 : vector<16xf32>
      %parallel_loop3A_732 = arith.select %parallel_loop3A_731, %parallel_loop3A_718, %parallel_loop3A_720 : vector<16xi1>, vector<16xi32>
      %parallel_loop3A_733 = arith.addi %parallel_loop3A_718, %parallel_loop3A_718 : vector<16xi32>
      %parallel_loop3A_734 = arith.addi %parallel_loop3A_733, %parallel_loop3A_718 : vector<16xi32>
      %parallel_loop3A_735 = arith.subi %parallel_loop3A_734, %parallel_loop3A_722 : vector<16xi32>
      %parallel_loop3A_736 = arith.subi %parallel_loop3A_735, %parallel_loop3A_724 : vector<16xi32>
      %parallel_loop3A_737 = arith.subi %parallel_loop3A_736, %parallel_loop3A_726 : vector<16xi32>
      %parallel_loop3A_738 = arith.addi %parallel_loop3A_718, %parallel_loop3A_718 : vector<16xi32>
      %parallel_loop3A_739 = arith.addi %parallel_loop3A_738, %parallel_loop3A_722 : vector<16xi32>
      %parallel_loop3A_740 = arith.subi %parallel_loop3A_739, %parallel_loop3A_728 : vector<16xi32>
      %parallel_loop3A_741 = arith.subi %parallel_loop3A_740, %parallel_loop3A_730 : vector<16xi32>
      %parallel_loop3A_742 = arith.addi %parallel_loop3A_718, %parallel_loop3A_724 : vector<16xi32>
      %parallel_loop3A_743 = arith.addi %parallel_loop3A_742, %parallel_loop3A_728 : vector<16xi32>
      %parallel_loop3A_744 = arith.subi %parallel_loop3A_743, %parallel_loop3A_732 : vector<16xi32>
      %parallel_loop3A_745 = arith.addi %parallel_loop3A_726, %parallel_loop3A_730 : vector<16xi32>
      %parallel_loop3A_746 = arith.addi %parallel_loop3A_745, %parallel_loop3A_732 : vector<16xi32>
      %parallel_loop3A_747 = arith.cmpi eq, %parallel_loop3A_737, %parallel_loop3A_707 : vector<16xi32>
      %parallel_loop3A_748 = arith.cmpi eq, %parallel_loop3A_741, %parallel_loop3A_711 : vector<16xi32>
      %parallel_loop3A_749 = arith.cmpi eq, %parallel_loop3A_744, %parallel_loop3A_714 : vector<16xi32>
      %parallel_loop3A_750 = arith.cmpi eq, %parallel_loop3A_746, %parallel_loop3A_716 : vector<16xi32>
      %parallel_loop3A_751 = arith.constant 3.000000e-02 : f32
      %parallel_loop3A_752 = vector.broadcast %parallel_loop3A_751 : f32 to vector<16xf32>
      %parallel_loop3A_753 = arith.cmpf olt, %parallel_loop3A_684, %parallel_loop3A_752 : vector<16xf32>
      %parallel_loop3A_754 = arith.constant 3.000000e-02 : f32
      %parallel_loop3A_755 = vector.broadcast %parallel_loop3A_754 : f32 to vector<16xf32>
      %parallel_loop3A_756 = arith.cmpf olt, %parallel_loop3A_686, %parallel_loop3A_755 : vector<16xf32>
      %parallel_loop3A_757 = arith.andi %parallel_loop3A_753, %parallel_loop3A_756 : vector<16xi1>
      %parallel_loop3A_758 = arith.andi %parallel_loop3A_753, %parallel_loop3A_749 : vector<16xi1>
      %parallel_loop3A_759 = arith.ori %parallel_loop3A_757, %parallel_loop3A_758 : vector<16xi1>
      %parallel_loop3A_760 = arith.andi %parallel_loop3A_756, %parallel_loop3A_747 : vector<16xi1>
      %parallel_loop3A_761 = arith.ori %parallel_loop3A_759, %parallel_loop3A_760 : vector<16xi1>
      %parallel_loop3A_762 = arith.andi %parallel_loop3A_673, %parallel_loop3A_761 : vector<16xi1>
      %parallel_loop3A_763 = arith.constant 1 : i32
      %parallel_loop3A_764 = vector.broadcast %parallel_loop3A_763 : i32 to vector<16xi32>
      %parallel_loop3A_765 = arith.constant 0 : i32
      %parallel_loop3A_766 = vector.broadcast %parallel_loop3A_765 : i32 to vector<16xi32>
      %parallel_loop3A_767 = arith.constant 0.000000e+00 : f32
      %parallel_loop3A_768 = vector.broadcast %parallel_loop3A_767 : f32 to vector<16xf32>
      %parallel_loop3A_769 = arith.cmpf oeq, %parallel_loop3A_614, %parallel_loop3A_768 : vector<16xf32>
      %parallel_loop3A_770 = arith.select %parallel_loop3A_769, %parallel_loop3A_764, %parallel_loop3A_766 : vector<16xi1>, vector<16xi32>
      %parallel_loop3A_771 = arith.constant 0.000000e+00 : f32
      %parallel_loop3A_772 = vector.broadcast %parallel_loop3A_771 : f32 to vector<16xf32>
      %parallel_loop3A_773 = arith.cmpf oeq, %parallel_loop3A_619, %parallel_loop3A_772 : vector<16xf32>
      %parallel_loop3A_774 = arith.select %parallel_loop3A_773, %parallel_loop3A_764, %parallel_loop3A_766 : vector<16xi1>, vector<16xi32>
      %parallel_loop3A_775 = arith.constant 0.000000e+00 : f32
      %parallel_loop3A_776 = vector.broadcast %parallel_loop3A_775 : f32 to vector<16xf32>
      %parallel_loop3A_777 = arith.cmpf oeq, %parallel_loop3A_624, %parallel_loop3A_776 : vector<16xf32>
      %parallel_loop3A_778 = arith.select %parallel_loop3A_777, %parallel_loop3A_764, %parallel_loop3A_766 : vector<16xi1>, vector<16xi32>
      %parallel_loop3A_779 = arith.constant 0.000000e+00 : f32
      %parallel_loop3A_780 = vector.broadcast %parallel_loop3A_779 : f32 to vector<16xf32>
      %parallel_loop3A_781 = arith.cmpf oeq, %parallel_loop3A_629, %parallel_loop3A_780 : vector<16xf32>
      %parallel_loop3A_782 = arith.select %parallel_loop3A_781, %parallel_loop3A_764, %parallel_loop3A_766 : vector<16xi1>, vector<16xi32>
      %parallel_loop3A_783 = arith.addi %parallel_loop3A_770, %parallel_loop3A_774 : vector<16xi32>
      %parallel_loop3A_784 = arith.addi %parallel_loop3A_783, %parallel_loop3A_778 : vector<16xi32>
      %parallel_loop3A_785 = arith.addi %parallel_loop3A_784, %parallel_loop3A_782 : vector<16xi32>
      %parallel_loop3A_786 = arith.andi %parallel_loop3A_747, %parallel_loop3A_749 : vector<16xi1>
      %parallel_loop3A_787 = arith.andi %parallel_loop3A_786, %parallel_loop3A_750 : vector<16xi1>
      %parallel_loop3A_788 = arith.constant 2 : i32
      %parallel_loop3A_789 = vector.broadcast %parallel_loop3A_788 : i32 to vector<16xi32>
      %parallel_loop3A_790 = arith.cmpi sge, %parallel_loop3A_737, %parallel_loop3A_789 : vector<16xi32>
      %parallel_loop3A_791 = arith.andi %parallel_loop3A_747, %parallel_loop3A_790 : vector<16xi1>
      %parallel_loop3A_792 = arith.select %parallel_loop3A_791, %parallel_loop3A_764, %parallel_loop3A_766 : vector<16xi1>, vector<16xi32>
      %parallel_loop3A_793 = arith.addi %parallel_loop3A_766, %parallel_loop3A_792 : vector<16xi32>
      %parallel_loop3A_794 = arith.constant 2 : i32
      %parallel_loop3A_795 = vector.broadcast %parallel_loop3A_794 : i32 to vector<16xi32>
      %parallel_loop3A_796 = arith.cmpi sge, %parallel_loop3A_741, %parallel_loop3A_795 : vector<16xi32>
      %parallel_loop3A_797 = arith.andi %parallel_loop3A_748, %parallel_loop3A_796 : vector<16xi1>
      %parallel_loop3A_798 = arith.select %parallel_loop3A_797, %parallel_loop3A_764, %parallel_loop3A_766 : vector<16xi1>, vector<16xi32>
      %parallel_loop3A_799 = arith.addi %parallel_loop3A_793, %parallel_loop3A_798 : vector<16xi32>
      %parallel_loop3A_800 = arith.constant 2 : i32
      %parallel_loop3A_801 = vector.broadcast %parallel_loop3A_800 : i32 to vector<16xi32>
      %parallel_loop3A_802 = arith.cmpi sge, %parallel_loop3A_744, %parallel_loop3A_801 : vector<16xi32>
      %parallel_loop3A_803 = arith.andi %parallel_loop3A_749, %parallel_loop3A_802 : vector<16xi1>
      %parallel_loop3A_804 = arith.select %parallel_loop3A_803, %parallel_loop3A_764, %parallel_loop3A_766 : vector<16xi1>, vector<16xi32>
      %parallel_loop3A_805 = arith.addi %parallel_loop3A_799, %parallel_loop3A_804 : vector<16xi32>
      %parallel_loop3A_806 = arith.constant 2 : i32
      %parallel_loop3A_807 = vector.broadcast %parallel_loop3A_806 : i32 to vector<16xi32>
      %parallel_loop3A_808 = arith.cmpi sge, %parallel_loop3A_746, %parallel_loop3A_807 : vector<16xi32>
      %parallel_loop3A_809 = arith.andi %parallel_loop3A_750, %parallel_loop3A_808 : vector<16xi1>
      %parallel_loop3A_810 = arith.select %parallel_loop3A_809, %parallel_loop3A_764, %parallel_loop3A_766 : vector<16xi1>, vector<16xi32>
      %parallel_loop3A_811 = arith.addi %parallel_loop3A_805, %parallel_loop3A_810 : vector<16xi32>
      %parallel_loop3A_812 = arith.constant 2 : i32
      %parallel_loop3A_813 = vector.broadcast %parallel_loop3A_812 : i32 to vector<16xi32>
      %parallel_loop3A_814 = arith.cmpi eq, %parallel_loop3A_811, %parallel_loop3A_813 : vector<16xi32>
      %parallel_loop3A_815 = arith.constant 3 : i32
      %parallel_loop3A_816 = vector.broadcast %parallel_loop3A_815 : i32 to vector<16xi32>
      %parallel_loop3A_817 = arith.cmpi eq, %parallel_loop3A_746, %parallel_loop3A_816 : vector<16xi32>
      %parallel_loop3A_818 = arith.constant 1.000000e+00 : f32
      %parallel_loop3A_819 = vector.broadcast %parallel_loop3A_818 : f32 to vector<16xf32>
      %parallel_loop3A_820 = arith.constant 0.000000e+00 : f32
      %parallel_loop3A_821 = vector.broadcast %parallel_loop3A_820 : f32 to vector<16xf32>
      %parallel_loop3A_822 = arith.constant 2 : i32
      %parallel_loop3A_823 = vector.broadcast %parallel_loop3A_822 : i32 to vector<16xi32>
      %parallel_loop3A_824 = arith.cmpi eq, %parallel_loop3A_785, %parallel_loop3A_823 : vector<16xi32>
      %parallel_loop3A_825 = arith.select %parallel_loop3A_814, %parallel_loop3A_819, %parallel_loop3A_821 : vector<16xi1>, vector<16xf32>
      %parallel_loop3A_826 = arith.constant 3 : i32
      %parallel_loop3A_827 = vector.broadcast %parallel_loop3A_826 : i32 to vector<16xi32>
      %parallel_loop3A_828 = arith.cmpi eq, %parallel_loop3A_785, %parallel_loop3A_827 : vector<16xi32>
      %parallel_loop3A_829 = arith.select %parallel_loop3A_817, %parallel_loop3A_819, %parallel_loop3A_821 : vector<16xi1>, vector<16xf32>
      %parallel_loop3A_830 = arith.select %parallel_loop3A_828, %parallel_loop3A_829, %parallel_loop3A_821 : vector<16xi1>, vector<16xf32>
      %parallel_loop3A_831 = arith.select %parallel_loop3A_824, %parallel_loop3A_825, %parallel_loop3A_830 : vector<16xi1>, vector<16xf32>
      %parallel_loop3A_832 = arith.constant 2 : i32
      %parallel_loop3A_833 = vector.broadcast %parallel_loop3A_832 : i32 to vector<16xi32>
      %parallel_loop3A_834 = arith.cmpi slt, %parallel_loop3A_785, %parallel_loop3A_833 : vector<16xi32>
      %parallel_loop3A_835 = arith.ori %parallel_loop3A_762, %parallel_loop3A_834 : vector<16xi1>
      %parallel_loop3A_836 = arith.select %parallel_loop3A_835, %parallel_loop3A_819, %parallel_loop3A_831 : vector<16xi1>, vector<16xf32>
      %parallel_loop3A_837 = arith.select %parallel_loop3A_787, %parallel_loop3A_819, %parallel_loop3A_821 : vector<16xi1>, vector<16xf32>
      %parallel_loop3A_838 = arith.select %parallel_loop3A_834, %parallel_loop3A_837, %parallel_loop3A_831 : vector<16xi1>, vector<16xf32>
      %parallel_loop3A_839 = arith.select %parallel_loop3A_762, %parallel_loop3A_819, %parallel_loop3A_838 : vector<16xi1>, vector<16xf32>
      %parallel_loop3A_840 = arith.addf %parallel_loop3A_588, %parallel_loop3A_836 : vector<16xf32>
      %parallel_loop3A_841 = arith.addf %parallel_loop3A_589, %parallel_loop3A_839 : vector<16xf32>
      %parallel_loop3A_842 = arith.constant 12 : i32
      %parallel_loop3A_843 = arith.index_cast %parallel_loop3A_842 : i32 to index
      %parallel_loop3A_844 = arith.index_cast %parallel_loop3A_81 : i32 to index
      %parallel_loop3A_845 = tpu.vector_load %arg4[%parallel_loop3A_843, %parallel_loop3A_844] {strides = array<i32>} : memref<48x512xf32, #tpu.memory_space<vmem>>, vector<1x16xf32>,
      %parallel_loop3A_846 = vector.shape_cast %parallel_loop3A_845 : vector<1x16xf32> to vector<16xf32>
      %parallel_loop3A_847 = arith.constant 13 : i32
      %parallel_loop3A_848 = arith.index_cast %parallel_loop3A_847 : i32 to index
      %parallel_loop3A_849 = arith.index_cast %parallel_loop3A_81 : i32 to index
      %parallel_loop3A_850 = tpu.vector_load %arg4[%parallel_loop3A_848, %parallel_loop3A_849] {strides = array<i32>} : memref<48x512xf32, #tpu.memory_space<vmem>>, vector<1x16xf32>,
      %parallel_loop3A_851 = vector.shape_cast %parallel_loop3A_850 : vector<1x16xf32> to vector<16xf32>
      %parallel_loop3A_852 = arith.constant 14 : i32
      %parallel_loop3A_853 = arith.index_cast %parallel_loop3A_852 : i32 to index
      %parallel_loop3A_854 = arith.index_cast %parallel_loop3A_81 : i32 to index
      %parallel_loop3A_855 = tpu.vector_load %arg4[%parallel_loop3A_853, %parallel_loop3A_854] {strides = array<i32>} : memref<48x512xf32, #tpu.memory_space<vmem>>, vector<1x16xf32>,
      %parallel_loop3A_856 = vector.shape_cast %parallel_loop3A_855 : vector<1x16xf32> to vector<16xf32>
      %parallel_loop3A_857 = arith.constant 15 : i32
      %parallel_loop3A_858 = arith.index_cast %parallel_loop3A_857 : i32 to index
      %parallel_loop3A_859 = arith.index_cast %parallel_loop3A_81 : i32 to index
      %parallel_loop3A_860 = tpu.vector_load %arg4[%parallel_loop3A_858, %parallel_loop3A_859] {strides = array<i32>} : memref<48x512xf32, #tpu.memory_space<vmem>>, vector<1x16xf32>,
      %parallel_loop3A_861 = vector.shape_cast %parallel_loop3A_860 : vector<1x16xf32> to vector<16xf32>
      %parallel_loop3A_862 = arith.constant 36 : i32
      %parallel_loop3A_863 = arith.index_cast %parallel_loop3A_862 : i32 to index
      %parallel_loop3A_864 = arith.index_cast %parallel_loop3A_81 : i32 to index
      %parallel_loop3A_865 = tpu.vector_load %arg4[%parallel_loop3A_863, %parallel_loop3A_864] {strides = array<i32>} : memref<48x512xf32, #tpu.memory_space<vmem>>, vector<1x16xf32>,
      %parallel_loop3A_866 = vector.shape_cast %parallel_loop3A_865 : vector<1x16xf32> to vector<16xf32>
      %parallel_loop3A_867 = arith.constant 37 : i32
      %parallel_loop3A_868 = arith.index_cast %parallel_loop3A_867 : i32 to index
      %parallel_loop3A_869 = arith.index_cast %parallel_loop3A_81 : i32 to index
      %parallel_loop3A_870 = tpu.vector_load %arg4[%parallel_loop3A_868, %parallel_loop3A_869] {strides = array<i32>} : memref<48x512xf32, #tpu.memory_space<vmem>>, vector<1x16xf32>,
      %parallel_loop3A_871 = vector.shape_cast %parallel_loop3A_870 : vector<1x16xf32> to vector<16xf32>
      %parallel_loop3A_872 = arith.constant 38 : i32
      %parallel_loop3A_873 = arith.index_cast %parallel_loop3A_872 : i32 to index
      %parallel_loop3A_874 = arith.index_cast %parallel_loop3A_81 : i32 to index
      %parallel_loop3A_875 = tpu.vector_load %arg4[%parallel_loop3A_873, %parallel_loop3A_874] {strides = array<i32>} : memref<48x512xf32, #tpu.memory_space<vmem>>, vector<1x16xf32>,
      %parallel_loop3A_876 = vector.shape_cast %parallel_loop3A_875 : vector<1x16xf32> to vector<16xf32>
      %parallel_loop3A_877 = arith.constant 39 : i32
      %parallel_loop3A_878 = arith.index_cast %parallel_loop3A_877 : i32 to index
      %parallel_loop3A_879 = arith.index_cast %parallel_loop3A_81 : i32 to index
      %parallel_loop3A_880 = tpu.vector_load %arg4[%parallel_loop3A_878, %parallel_loop3A_879] {strides = array<i32>} : memref<48x512xf32, #tpu.memory_space<vmem>>, vector<1x16xf32>,
      %parallel_loop3A_881 = vector.shape_cast %parallel_loop3A_880 : vector<1x16xf32> to vector<16xf32>
      %parallel_loop3A_882 = arith.maximumf %parallel_loop3A_846, %parallel_loop3A_851 : vector<16xf32>
      %parallel_loop3A_883 = arith.maximumf %parallel_loop3A_856, %parallel_loop3A_861 : vector<16xf32>
      %parallel_loop3A_884 = arith.maximumf %parallel_loop3A_882, %parallel_loop3A_883 : vector<16xf32>
      %parallel_loop3A_885 = arith.subf %parallel_loop3A_846, %parallel_loop3A_884 : vector<16xf32>
      %parallel_loop3A_886 = math.exp %parallel_loop3A_885 : vector<16xf32>
      %parallel_loop3A_887 = arith.subf %parallel_loop3A_851, %parallel_loop3A_884 : vector<16xf32>
      %parallel_loop3A_888 = math.exp %parallel_loop3A_887 : vector<16xf32>
      %parallel_loop3A_889 = arith.subf %parallel_loop3A_856, %parallel_loop3A_884 : vector<16xf32>
      %parallel_loop3A_890 = math.exp %parallel_loop3A_889 : vector<16xf32>
      %parallel_loop3A_891 = arith.subf %parallel_loop3A_861, %parallel_loop3A_884 : vector<16xf32>
      %parallel_loop3A_892 = math.exp %parallel_loop3A_891 : vector<16xf32>
      %parallel_loop3A_893 = arith.addf %parallel_loop3A_886, %parallel_loop3A_888 : vector<16xf32>
      %parallel_loop3A_894 = arith.addf %parallel_loop3A_893, %parallel_loop3A_890 : vector<16xf32>
      %parallel_loop3A_895 = arith.addf %parallel_loop3A_894, %parallel_loop3A_892 : vector<16xf32>
      %parallel_loop3A_896 = arith.constant 3.000000e+00 : f32
      %parallel_loop3A_897 = vector.broadcast %parallel_loop3A_896 : f32 to vector<16xf32>
      %parallel_loop3A_898 = arith.divf %parallel_loop3A_897, %parallel_loop3A_895 : vector<16xf32>
      %parallel_loop3A_899 = arith.mulf %parallel_loop3A_886, %parallel_loop3A_898 : vector<16xf32>
      %parallel_loop3A_900 = arith.mulf %parallel_loop3A_888, %parallel_loop3A_898 : vector<16xf32>
      %parallel_loop3A_901 = arith.mulf %parallel_loop3A_890, %parallel_loop3A_898 : vector<16xf32>
      %parallel_loop3A_902 = arith.mulf %parallel_loop3A_892, %parallel_loop3A_898 : vector<16xf32>
      %parallel_loop3A_903 = arith.subf %parallel_loop3A_899, %parallel_loop3A_866 : vector<16xf32>
      %parallel_loop3A_904 = math.absf %parallel_loop3A_903 : vector<16xf32>
      %parallel_loop3A_905 = arith.constant 9.000000e-02 : f32
      %parallel_loop3A_906 = vector.broadcast %parallel_loop3A_905 : f32 to vector<16xf32>
      %parallel_loop3A_907 = arith.cmpf ole, %parallel_loop3A_904, %parallel_loop3A_906 : vector<16xf32>
      %parallel_loop3A_908 = arith.subf %parallel_loop3A_900, %parallel_loop3A_871 : vector<16xf32>
      %parallel_loop3A_909 = math.absf %parallel_loop3A_908 : vector<16xf32>
      %parallel_loop3A_910 = arith.constant 9.000000e-02 : f32
      %parallel_loop3A_911 = vector.broadcast %parallel_loop3A_910 : f32 to vector<16xf32>
      %parallel_loop3A_912 = arith.cmpf ole, %parallel_loop3A_909, %parallel_loop3A_911 : vector<16xf32>
      %parallel_loop3A_913 = arith.andi %parallel_loop3A_907, %parallel_loop3A_912 : vector<16xi1>
      %parallel_loop3A_914 = arith.subf %parallel_loop3A_901, %parallel_loop3A_876 : vector<16xf32>
      %parallel_loop3A_915 = math.absf %parallel_loop3A_914 : vector<16xf32>
      %parallel_loop3A_916 = arith.constant 9.000000e-02 : f32
      %parallel_loop3A_917 = vector.broadcast %parallel_loop3A_916 : f32 to vector<16xf32>
      %parallel_loop3A_918 = arith.cmpf ole, %parallel_loop3A_915, %parallel_loop3A_917 : vector<16xf32>
      %parallel_loop3A_919 = arith.andi %parallel_loop3A_913, %parallel_loop3A_918 : vector<16xi1>
      %parallel_loop3A_920 = arith.subf %parallel_loop3A_902, %parallel_loop3A_881 : vector<16xf32>
      %parallel_loop3A_921 = math.absf %parallel_loop3A_920 : vector<16xf32>
      %parallel_loop3A_922 = arith.constant 9.000000e-02 : f32
      %parallel_loop3A_923 = vector.broadcast %parallel_loop3A_922 : f32 to vector<16xf32>
      %parallel_loop3A_924 = arith.cmpf ole, %parallel_loop3A_921, %parallel_loop3A_923 : vector<16xf32>
      %parallel_loop3A_925 = arith.andi %parallel_loop3A_919, %parallel_loop3A_924 : vector<16xi1>
      %parallel_loop3A_926 = arith.minimumf %parallel_loop3A_866, %parallel_loop3A_871 : vector<16xf32>
      %parallel_loop3A_927 = arith.maximumf %parallel_loop3A_866, %parallel_loop3A_871 : vector<16xf32>
      %parallel_loop3A_928 = arith.minimumf %parallel_loop3A_876, %parallel_loop3A_881 : vector<16xf32>
      %parallel_loop3A_929 = arith.maximumf %parallel_loop3A_876, %parallel_loop3A_881 : vector<16xf32>
      %parallel_loop3A_930 = arith.minimumf %parallel_loop3A_926, %parallel_loop3A_928 : vector<16xf32>
      %parallel_loop3A_931 = arith.maximumf %parallel_loop3A_926, %parallel_loop3A_928 : vector<16xf32>
      %parallel_loop3A_932 = arith.minimumf %parallel_loop3A_927, %parallel_loop3A_929 : vector<16xf32>
      %parallel_loop3A_933 = arith.minimumf %parallel_loop3A_932, %parallel_loop3A_931 : vector<16xf32>
      %parallel_loop3A_934 = arith.maximumf %parallel_loop3A_932, %parallel_loop3A_931 : vector<16xf32>
      %parallel_loop3A_935 = arith.subf %parallel_loop3A_930, %parallel_loop3A_933 : vector<16xf32>
      %parallel_loop3A_936 = math.absf %parallel_loop3A_935 : vector<16xf32>
      %parallel_loop3A_937 = arith.subf %parallel_loop3A_934, %parallel_loop3A_933 : vector<16xf32>
      %parallel_loop3A_938 = math.absf %parallel_loop3A_937 : vector<16xf32>
      %parallel_loop3A_939 = arith.constant 1 : i32
      %parallel_loop3A_940 = vector.broadcast %parallel_loop3A_939 : i32 to vector<16xi32>
      %parallel_loop3A_941 = arith.constant 0 : i32
      %parallel_loop3A_942 = vector.broadcast %parallel_loop3A_941 : i32 to vector<16xi32>
      %parallel_loop3A_943 = arith.cmpf ole, %parallel_loop3A_866, %parallel_loop3A_871 : vector<16xf32>
      %parallel_loop3A_944 = arith.select %parallel_loop3A_943, %parallel_loop3A_940, %parallel_loop3A_942 : vector<16xi1>, vector<16xi32>
      %parallel_loop3A_945 = arith.cmpf ole, %parallel_loop3A_866, %parallel_loop3A_876 : vector<16xf32>
      %parallel_loop3A_946 = arith.select %parallel_loop3A_945, %parallel_loop3A_940, %parallel_loop3A_942 : vector<16xi1>, vector<16xi32>
      %parallel_loop3A_947 = arith.cmpf ole, %parallel_loop3A_866, %parallel_loop3A_881 : vector<16xf32>
      %parallel_loop3A_948 = arith.select %parallel_loop3A_947, %parallel_loop3A_940, %parallel_loop3A_942 : vector<16xi1>, vector<16xi32>
      %parallel_loop3A_949 = arith.cmpf ole, %parallel_loop3A_871, %parallel_loop3A_876 : vector<16xf32>
      %parallel_loop3A_950 = arith.select %parallel_loop3A_949, %parallel_loop3A_940, %parallel_loop3A_942 : vector<16xi1>, vector<16xi32>
      %parallel_loop3A_951 = arith.cmpf ole, %parallel_loop3A_871, %parallel_loop3A_881 : vector<16xf32>
      %parallel_loop3A_952 = arith.select %parallel_loop3A_951, %parallel_loop3A_940, %parallel_loop3A_942 : vector<16xi1>, vector<16xi32>
      %parallel_loop3A_953 = arith.cmpf ole, %parallel_loop3A_876, %parallel_loop3A_881 : vector<16xf32>
      %parallel_loop3A_954 = arith.select %parallel_loop3A_953, %parallel_loop3A_940, %parallel_loop3A_942 : vector<16xi1>, vector<16xi32>
      %parallel_loop3A_955 = arith.addi %parallel_loop3A_940, %parallel_loop3A_940 : vector<16xi32>
      %parallel_loop3A_956 = arith.addi %parallel_loop3A_955, %parallel_loop3A_940 : vector<16xi32>
      %parallel_loop3A_957 = arith.subi %parallel_loop3A_956, %parallel_loop3A_944 : vector<16xi32>
      %parallel_loop3A_958 = arith.subi %parallel_loop3A_957, %parallel_loop3A_946 : vector<16xi32>
      %parallel_loop3A_959 = arith.subi %parallel_loop3A_958, %parallel_loop3A_948 : vector<16xi32>
      %parallel_loop3A_960 = arith.addi %parallel_loop3A_940, %parallel_loop3A_940 : vector<16xi32>
      %parallel_loop3A_961 = arith.addi %parallel_loop3A_960, %parallel_loop3A_944 : vector<16xi32>
      %parallel_loop3A_962 = arith.subi %parallel_loop3A_961, %parallel_loop3A_950 : vector<16xi32>
      %parallel_loop3A_963 = arith.subi %parallel_loop3A_962, %parallel_loop3A_952 : vector<16xi32>
      %parallel_loop3A_964 = arith.addi %parallel_loop3A_940, %parallel_loop3A_946 : vector<16xi32>
      %parallel_loop3A_965 = arith.addi %parallel_loop3A_964, %parallel_loop3A_950 : vector<16xi32>
      %parallel_loop3A_966 = arith.subi %parallel_loop3A_965, %parallel_loop3A_954 : vector<16xi32>
      %parallel_loop3A_967 = arith.addi %parallel_loop3A_948, %parallel_loop3A_952 : vector<16xi32>
      %parallel_loop3A_968 = arith.addi %parallel_loop3A_967, %parallel_loop3A_954 : vector<16xi32>
      %parallel_loop3A_969 = arith.constant 1 : i32
      %parallel_loop3A_970 = vector.broadcast %parallel_loop3A_969 : i32 to vector<16xi32>
      %parallel_loop3A_971 = arith.constant 0 : i32
      %parallel_loop3A_972 = vector.broadcast %parallel_loop3A_971 : i32 to vector<16xi32>
      %parallel_loop3A_973 = arith.cmpf ole, %parallel_loop3A_899, %parallel_loop3A_900 : vector<16xf32>
      %parallel_loop3A_974 = arith.select %parallel_loop3A_973, %parallel_loop3A_970, %parallel_loop3A_972 : vector<16xi1>, vector<16xi32>
      %parallel_loop3A_975 = arith.cmpf ole, %parallel_loop3A_899, %parallel_loop3A_901 : vector<16xf32>
      %parallel_loop3A_976 = arith.select %parallel_loop3A_975, %parallel_loop3A_970, %parallel_loop3A_972 : vector<16xi1>, vector<16xi32>
      %parallel_loop3A_977 = arith.cmpf ole, %parallel_loop3A_899, %parallel_loop3A_902 : vector<16xf32>
      %parallel_loop3A_978 = arith.select %parallel_loop3A_977, %parallel_loop3A_970, %parallel_loop3A_972 : vector<16xi1>, vector<16xi32>
      %parallel_loop3A_979 = arith.cmpf ole, %parallel_loop3A_900, %parallel_loop3A_901 : vector<16xf32>
      %parallel_loop3A_980 = arith.select %parallel_loop3A_979, %parallel_loop3A_970, %parallel_loop3A_972 : vector<16xi1>, vector<16xi32>
      %parallel_loop3A_981 = arith.cmpf ole, %parallel_loop3A_900, %parallel_loop3A_902 : vector<16xf32>
      %parallel_loop3A_982 = arith.select %parallel_loop3A_981, %parallel_loop3A_970, %parallel_loop3A_972 : vector<16xi1>, vector<16xi32>
      %parallel_loop3A_983 = arith.cmpf ole, %parallel_loop3A_901, %parallel_loop3A_902 : vector<16xf32>
      %parallel_loop3A_984 = arith.select %parallel_loop3A_983, %parallel_loop3A_970, %parallel_loop3A_972 : vector<16xi1>, vector<16xi32>
      %parallel_loop3A_985 = arith.addi %parallel_loop3A_970, %parallel_loop3A_970 : vector<16xi32>
      %parallel_loop3A_986 = arith.addi %parallel_loop3A_985, %parallel_loop3A_970 : vector<16xi32>
      %parallel_loop3A_987 = arith.subi %parallel_loop3A_986, %parallel_loop3A_974 : vector<16xi32>
      %parallel_loop3A_988 = arith.subi %parallel_loop3A_987, %parallel_loop3A_976 : vector<16xi32>
      %parallel_loop3A_989 = arith.subi %parallel_loop3A_988, %parallel_loop3A_978 : vector<16xi32>
      %parallel_loop3A_990 = arith.addi %parallel_loop3A_970, %parallel_loop3A_970 : vector<16xi32>
      %parallel_loop3A_991 = arith.addi %parallel_loop3A_990, %parallel_loop3A_974 : vector<16xi32>
      %parallel_loop3A_992 = arith.subi %parallel_loop3A_991, %parallel_loop3A_980 : vector<16xi32>
      %parallel_loop3A_993 = arith.subi %parallel_loop3A_992, %parallel_loop3A_982 : vector<16xi32>
      %parallel_loop3A_994 = arith.addi %parallel_loop3A_970, %parallel_loop3A_976 : vector<16xi32>
      %parallel_loop3A_995 = arith.addi %parallel_loop3A_994, %parallel_loop3A_980 : vector<16xi32>
      %parallel_loop3A_996 = arith.subi %parallel_loop3A_995, %parallel_loop3A_984 : vector<16xi32>
      %parallel_loop3A_997 = arith.addi %parallel_loop3A_978, %parallel_loop3A_982 : vector<16xi32>
      %parallel_loop3A_998 = arith.addi %parallel_loop3A_997, %parallel_loop3A_984 : vector<16xi32>
      %parallel_loop3A_999 = arith.cmpi eq, %parallel_loop3A_989, %parallel_loop3A_959 : vector<16xi32>
      %parallel_loop3A_1000 = arith.cmpi eq, %parallel_loop3A_993, %parallel_loop3A_963 : vector<16xi32>
      %parallel_loop3A_1001 = arith.cmpi eq, %parallel_loop3A_996, %parallel_loop3A_966 : vector<16xi32>
      %parallel_loop3A_1002 = arith.cmpi eq, %parallel_loop3A_998, %parallel_loop3A_968 : vector<16xi32>
      %parallel_loop3A_1003 = arith.constant 3.000000e-02 : f32
      %parallel_loop3A_1004 = vector.broadcast %parallel_loop3A_1003 : f32 to vector<16xf32>
      %parallel_loop3A_1005 = arith.cmpf olt, %parallel_loop3A_936, %parallel_loop3A_1004 : vector<16xf32>
      %parallel_loop3A_1006 = arith.constant 3.000000e-02 : f32
      %parallel_loop3A_1007 = vector.broadcast %parallel_loop3A_1006 : f32 to vector<16xf32>
      %parallel_loop3A_1008 = arith.cmpf olt, %parallel_loop3A_938, %parallel_loop3A_1007 : vector<16xf32>
      %parallel_loop3A_1009 = arith.andi %parallel_loop3A_1005, %parallel_loop3A_1008 : vector<16xi1>
      %parallel_loop3A_1010 = arith.andi %parallel_loop3A_1005, %parallel_loop3A_1001 : vector<16xi1>
      %parallel_loop3A_1011 = arith.ori %parallel_loop3A_1009, %parallel_loop3A_1010 : vector<16xi1>
      %parallel_loop3A_1012 = arith.andi %parallel_loop3A_1008, %parallel_loop3A_999 : vector<16xi1>
      %parallel_loop3A_1013 = arith.ori %parallel_loop3A_1011, %parallel_loop3A_1012 : vector<16xi1>
      %parallel_loop3A_1014 = arith.andi %parallel_loop3A_925, %parallel_loop3A_1013 : vector<16xi1>
      %parallel_loop3A_1015 = arith.constant 1 : i32
      %parallel_loop3A_1016 = vector.broadcast %parallel_loop3A_1015 : i32 to vector<16xi32>
      %parallel_loop3A_1017 = arith.constant 0 : i32
      %parallel_loop3A_1018 = vector.broadcast %parallel_loop3A_1017 : i32 to vector<16xi32>
      %parallel_loop3A_1019 = arith.constant 0.000000e+00 : f32
      %parallel_loop3A_1020 = vector.broadcast %parallel_loop3A_1019 : f32 to vector<16xf32>
      %parallel_loop3A_1021 = arith.cmpf oeq, %parallel_loop3A_866, %parallel_loop3A_1020 : vector<16xf32>
      %parallel_loop3A_1022 = arith.select %parallel_loop3A_1021, %parallel_loop3A_1016, %parallel_loop3A_1018 : vector<16xi1>, vector<16xi32>
      %parallel_loop3A_1023 = arith.constant 0.000000e+00 : f32
      %parallel_loop3A_1024 = vector.broadcast %parallel_loop3A_1023 : f32 to vector<16xf32>
      %parallel_loop3A_1025 = arith.cmpf oeq, %parallel_loop3A_871, %parallel_loop3A_1024 : vector<16xf32>
      %parallel_loop3A_1026 = arith.select %parallel_loop3A_1025, %parallel_loop3A_1016, %parallel_loop3A_1018 : vector<16xi1>, vector<16xi32>
      %parallel_loop3A_1027 = arith.constant 0.000000e+00 : f32
      %parallel_loop3A_1028 = vector.broadcast %parallel_loop3A_1027 : f32 to vector<16xf32>
      %parallel_loop3A_1029 = arith.cmpf oeq, %parallel_loop3A_876, %parallel_loop3A_1028 : vector<16xf32>
      %parallel_loop3A_1030 = arith.select %parallel_loop3A_1029, %parallel_loop3A_1016, %parallel_loop3A_1018 : vector<16xi1>, vector<16xi32>
      %parallel_loop3A_1031 = arith.constant 0.000000e+00 : f32
      %parallel_loop3A_1032 = vector.broadcast %parallel_loop3A_1031 : f32 to vector<16xf32>
      %parallel_loop3A_1033 = arith.cmpf oeq, %parallel_loop3A_881, %parallel_loop3A_1032 : vector<16xf32>
      %parallel_loop3A_1034 = arith.select %parallel_loop3A_1033, %parallel_loop3A_1016, %parallel_loop3A_1018 : vector<16xi1>, vector<16xi32>
      %parallel_loop3A_1035 = arith.addi %parallel_loop3A_1022, %parallel_loop3A_1026 : vector<16xi32>
      %parallel_loop3A_1036 = arith.addi %parallel_loop3A_1035, %parallel_loop3A_1030 : vector<16xi32>
      %parallel_loop3A_1037 = arith.addi %parallel_loop3A_1036, %parallel_loop3A_1034 : vector<16xi32>
      %parallel_loop3A_1038 = arith.andi %parallel_loop3A_999, %parallel_loop3A_1001 : vector<16xi1>
      %parallel_loop3A_1039 = arith.andi %parallel_loop3A_1038, %parallel_loop3A_1002 : vector<16xi1>
      %parallel_loop3A_1040 = arith.constant 2 : i32
      %parallel_loop3A_1041 = vector.broadcast %parallel_loop3A_1040 : i32 to vector<16xi32>
      %parallel_loop3A_1042 = arith.cmpi sge, %parallel_loop3A_989, %parallel_loop3A_1041 : vector<16xi32>
      %parallel_loop3A_1043 = arith.andi %parallel_loop3A_999, %parallel_loop3A_1042 : vector<16xi1>
      %parallel_loop3A_1044 = arith.select %parallel_loop3A_1043, %parallel_loop3A_1016, %parallel_loop3A_1018 : vector<16xi1>, vector<16xi32>
      %parallel_loop3A_1045 = arith.addi %parallel_loop3A_1018, %parallel_loop3A_1044 : vector<16xi32>
      %parallel_loop3A_1046 = arith.constant 2 : i32
      %parallel_loop3A_1047 = vector.broadcast %parallel_loop3A_1046 : i32 to vector<16xi32>
      %parallel_loop3A_1048 = arith.cmpi sge, %parallel_loop3A_993, %parallel_loop3A_1047 : vector<16xi32>
      %parallel_loop3A_1049 = arith.andi %parallel_loop3A_1000, %parallel_loop3A_1048 : vector<16xi1>
      %parallel_loop3A_1050 = arith.select %parallel_loop3A_1049, %parallel_loop3A_1016, %parallel_loop3A_1018 : vector<16xi1>, vector<16xi32>
      %parallel_loop3A_1051 = arith.addi %parallel_loop3A_1045, %parallel_loop3A_1050 : vector<16xi32>
      %parallel_loop3A_1052 = arith.constant 2 : i32
      %parallel_loop3A_1053 = vector.broadcast %parallel_loop3A_1052 : i32 to vector<16xi32>
      %parallel_loop3A_1054 = arith.cmpi sge, %parallel_loop3A_996, %parallel_loop3A_1053 : vector<16xi32>
      %parallel_loop3A_1055 = arith.andi %parallel_loop3A_1001, %parallel_loop3A_1054 : vector<16xi1>
      %parallel_loop3A_1056 = arith.select %parallel_loop3A_1055, %parallel_loop3A_1016, %parallel_loop3A_1018 : vector<16xi1>, vector<16xi32>
      %parallel_loop3A_1057 = arith.addi %parallel_loop3A_1051, %parallel_loop3A_1056 : vector<16xi32>
      %parallel_loop3A_1058 = arith.constant 2 : i32
      %parallel_loop3A_1059 = vector.broadcast %parallel_loop3A_1058 : i32 to vector<16xi32>
      %parallel_loop3A_1060 = arith.cmpi sge, %parallel_loop3A_998, %parallel_loop3A_1059 : vector<16xi32>
      %parallel_loop3A_1061 = arith.andi %parallel_loop3A_1002, %parallel_loop3A_1060 : vector<16xi1>
      %parallel_loop3A_1062 = arith.select %parallel_loop3A_1061, %parallel_loop3A_1016, %parallel_loop3A_1018 : vector<16xi1>, vector<16xi32>
      %parallel_loop3A_1063 = arith.addi %parallel_loop3A_1057, %parallel_loop3A_1062 : vector<16xi32>
      %parallel_loop3A_1064 = arith.constant 2 : i32
      %parallel_loop3A_1065 = vector.broadcast %parallel_loop3A_1064 : i32 to vector<16xi32>
      %parallel_loop3A_1066 = arith.cmpi eq, %parallel_loop3A_1063, %parallel_loop3A_1065 : vector<16xi32>
      %parallel_loop3A_1067 = arith.constant 3 : i32
      %parallel_loop3A_1068 = vector.broadcast %parallel_loop3A_1067 : i32 to vector<16xi32>
      %parallel_loop3A_1069 = arith.cmpi eq, %parallel_loop3A_998, %parallel_loop3A_1068 : vector<16xi32>
      %parallel_loop3A_1070 = arith.constant 1.000000e+00 : f32
      %parallel_loop3A_1071 = vector.broadcast %parallel_loop3A_1070 : f32 to vector<16xf32>
      %parallel_loop3A_1072 = arith.constant 0.000000e+00 : f32
      %parallel_loop3A_1073 = vector.broadcast %parallel_loop3A_1072 : f32 to vector<16xf32>
      %parallel_loop3A_1074 = arith.constant 2 : i32
      %parallel_loop3A_1075 = vector.broadcast %parallel_loop3A_1074 : i32 to vector<16xi32>
      %parallel_loop3A_1076 = arith.cmpi eq, %parallel_loop3A_1037, %parallel_loop3A_1075 : vector<16xi32>
      %parallel_loop3A_1077 = arith.select %parallel_loop3A_1066, %parallel_loop3A_1071, %parallel_loop3A_1073 : vector<16xi1>, vector<16xf32>
      %parallel_loop3A_1078 = arith.constant 3 : i32
      %parallel_loop3A_1079 = vector.broadcast %parallel_loop3A_1078 : i32 to vector<16xi32>
      %parallel_loop3A_1080 = arith.cmpi eq, %parallel_loop3A_1037, %parallel_loop3A_1079 : vector<16xi32>
      %parallel_loop3A_1081 = arith.select %parallel_loop3A_1069, %parallel_loop3A_1071, %parallel_loop3A_1073 : vector<16xi1>, vector<16xf32>
      %parallel_loop3A_1082 = arith.select %parallel_loop3A_1080, %parallel_loop3A_1081, %parallel_loop3A_1073 : vector<16xi1>, vector<16xf32>
      %parallel_loop3A_1083 = arith.select %parallel_loop3A_1076, %parallel_loop3A_1077, %parallel_loop3A_1082 : vector<16xi1>, vector<16xf32>
      %parallel_loop3A_1084 = arith.constant 2 : i32
      %parallel_loop3A_1085 = vector.broadcast %parallel_loop3A_1084 : i32 to vector<16xi32>
      %parallel_loop3A_1086 = arith.cmpi slt, %parallel_loop3A_1037, %parallel_loop3A_1085 : vector<16xi32>
      %parallel_loop3A_1087 = arith.ori %parallel_loop3A_1014, %parallel_loop3A_1086 : vector<16xi1>
      %parallel_loop3A_1088 = arith.select %parallel_loop3A_1087, %parallel_loop3A_1071, %parallel_loop3A_1083 : vector<16xi1>, vector<16xf32>
      %parallel_loop3A_1089 = arith.select %parallel_loop3A_1039, %parallel_loop3A_1071, %parallel_loop3A_1073 : vector<16xi1>, vector<16xf32>
      %parallel_loop3A_1090 = arith.select %parallel_loop3A_1086, %parallel_loop3A_1089, %parallel_loop3A_1083 : vector<16xi1>, vector<16xf32>
      %parallel_loop3A_1091 = arith.select %parallel_loop3A_1014, %parallel_loop3A_1071, %parallel_loop3A_1090 : vector<16xi1>, vector<16xf32>
      %parallel_loop3A_1092 = arith.addf %parallel_loop3A_840, %parallel_loop3A_1088 : vector<16xf32>
      %parallel_loop3A_1093 = arith.addf %parallel_loop3A_841, %parallel_loop3A_1091 : vector<16xf32>
      %parallel_loop3A_1094 = arith.constant 16 : i32
      %parallel_loop3A_1095 = arith.index_cast %parallel_loop3A_1094 : i32 to index
      %parallel_loop3A_1096 = arith.index_cast %parallel_loop3A_81 : i32 to index
      %parallel_loop3A_1097 = tpu.vector_load %arg4[%parallel_loop3A_1095, %parallel_loop3A_1096] {strides = array<i32>} : memref<48x512xf32, #tpu.memory_space<vmem>>, vector<1x16xf32>,
      %parallel_loop3A_1098 = vector.shape_cast %parallel_loop3A_1097 : vector<1x16xf32> to vector<16xf32>
      %parallel_loop3A_1099 = arith.constant 17 : i32
      %parallel_loop3A_1100 = arith.index_cast %parallel_loop3A_1099 : i32 to index
      %parallel_loop3A_1101 = arith.index_cast %parallel_loop3A_81 : i32 to index
      %parallel_loop3A_1102 = tpu.vector_load %arg4[%parallel_loop3A_1100, %parallel_loop3A_1101] {strides = array<i32>} : memref<48x512xf32, #tpu.memory_space<vmem>>, vector<1x16xf32>,
      %parallel_loop3A_1103 = vector.shape_cast %parallel_loop3A_1102 : vector<1x16xf32> to vector<16xf32>
      %parallel_loop3A_1104 = arith.constant 18 : i32
      %parallel_loop3A_1105 = arith.index_cast %parallel_loop3A_1104 : i32 to index
      %parallel_loop3A_1106 = arith.index_cast %parallel_loop3A_81 : i32 to index
      %parallel_loop3A_1107 = tpu.vector_load %arg4[%parallel_loop3A_1105, %parallel_loop3A_1106] {strides = array<i32>} : memref<48x512xf32, #tpu.memory_space<vmem>>, vector<1x16xf32>,
      %parallel_loop3A_1108 = vector.shape_cast %parallel_loop3A_1107 : vector<1x16xf32> to vector<16xf32>
      %parallel_loop3A_1109 = arith.constant 19 : i32
      %parallel_loop3A_1110 = arith.index_cast %parallel_loop3A_1109 : i32 to index
      %parallel_loop3A_1111 = arith.index_cast %parallel_loop3A_81 : i32 to index
      %parallel_loop3A_1112 = tpu.vector_load %arg4[%parallel_loop3A_1110, %parallel_loop3A_1111] {strides = array<i32>} : memref<48x512xf32, #tpu.memory_space<vmem>>, vector<1x16xf32>,
      %parallel_loop3A_1113 = vector.shape_cast %parallel_loop3A_1112 : vector<1x16xf32> to vector<16xf32>
      %parallel_loop3A_1114 = arith.constant 40 : i32
      %parallel_loop3A_1115 = arith.index_cast %parallel_loop3A_1114 : i32 to index
      %parallel_loop3A_1116 = arith.index_cast %parallel_loop3A_81 : i32 to index
      %parallel_loop3A_1117 = tpu.vector_load %arg4[%parallel_loop3A_1115, %parallel_loop3A_1116] {strides = array<i32>} : memref<48x512xf32, #tpu.memory_space<vmem>>, vector<1x16xf32>,
      %parallel_loop3A_1118 = vector.shape_cast %parallel_loop3A_1117 : vector<1x16xf32> to vector<16xf32>
      %parallel_loop3A_1119 = arith.constant 41 : i32
      %parallel_loop3A_1120 = arith.index_cast %parallel_loop3A_1119 : i32 to index
      %parallel_loop3A_1121 = arith.index_cast %parallel_loop3A_81 : i32 to index
      %parallel_loop3A_1122 = tpu.vector_load %arg4[%parallel_loop3A_1120, %parallel_loop3A_1121] {strides = array<i32>} : memref<48x512xf32, #tpu.memory_space<vmem>>, vector<1x16xf32>,
      %parallel_loop3A_1123 = vector.shape_cast %parallel_loop3A_1122 : vector<1x16xf32> to vector<16xf32>
      %parallel_loop3A_1124 = arith.constant 42 : i32
      %parallel_loop3A_1125 = arith.index_cast %parallel_loop3A_1124 : i32 to index
      %parallel_loop3A_1126 = arith.index_cast %parallel_loop3A_81 : i32 to index
      %parallel_loop3A_1127 = tpu.vector_load %arg4[%parallel_loop3A_1125, %parallel_loop3A_1126] {strides = array<i32>} : memref<48x512xf32, #tpu.memory_space<vmem>>, vector<1x16xf32>,
      %parallel_loop3A_1128 = vector.shape_cast %parallel_loop3A_1127 : vector<1x16xf32> to vector<16xf32>
      %parallel_loop3A_1129 = arith.constant 43 : i32
      %parallel_loop3A_1130 = arith.index_cast %parallel_loop3A_1129 : i32 to index
      %parallel_loop3A_1131 = arith.index_cast %parallel_loop3A_81 : i32 to index
      %parallel_loop3A_1132 = tpu.vector_load %arg4[%parallel_loop3A_1130, %parallel_loop3A_1131] {strides = array<i32>} : memref<48x512xf32, #tpu.memory_space<vmem>>, vector<1x16xf32>,
      %parallel_loop3A_1133 = vector.shape_cast %parallel_loop3A_1132 : vector<1x16xf32> to vector<16xf32>
      %parallel_loop3A_1134 = arith.maximumf %parallel_loop3A_1098, %parallel_loop3A_1103 : vector<16xf32>
      %parallel_loop3A_1135 = arith.maximumf %parallel_loop3A_1108, %parallel_loop3A_1113 : vector<16xf32>
      %parallel_loop3A_1136 = arith.maximumf %parallel_loop3A_1134, %parallel_loop3A_1135 : vector<16xf32>
      %parallel_loop3A_1137 = arith.subf %parallel_loop3A_1098, %parallel_loop3A_1136 : vector<16xf32>
      %parallel_loop3A_1138 = math.exp %parallel_loop3A_1137 : vector<16xf32>
      %parallel_loop3A_1139 = arith.subf %parallel_loop3A_1103, %parallel_loop3A_1136 : vector<16xf32>
      %parallel_loop3A_1140 = math.exp %parallel_loop3A_1139 : vector<16xf32>
      %parallel_loop3A_1141 = arith.subf %parallel_loop3A_1108, %parallel_loop3A_1136 : vector<16xf32>
      %parallel_loop3A_1142 = math.exp %parallel_loop3A_1141 : vector<16xf32>
      %parallel_loop3A_1143 = arith.subf %parallel_loop3A_1113, %parallel_loop3A_1136 : vector<16xf32>
      %parallel_loop3A_1144 = math.exp %parallel_loop3A_1143 : vector<16xf32>
      %parallel_loop3A_1145 = arith.addf %parallel_loop3A_1138, %parallel_loop3A_1140 : vector<16xf32>
      %parallel_loop3A_1146 = arith.addf %parallel_loop3A_1145, %parallel_loop3A_1142 : vector<16xf32>
      %parallel_loop3A_1147 = arith.addf %parallel_loop3A_1146, %parallel_loop3A_1144 : vector<16xf32>
      %parallel_loop3A_1148 = arith.constant 3.000000e+00 : f32
      %parallel_loop3A_1149 = vector.broadcast %parallel_loop3A_1148 : f32 to vector<16xf32>
      %parallel_loop3A_1150 = arith.divf %parallel_loop3A_1149, %parallel_loop3A_1147 : vector<16xf32>
      %parallel_loop3A_1151 = arith.mulf %parallel_loop3A_1138, %parallel_loop3A_1150 : vector<16xf32>
      %parallel_loop3A_1152 = arith.mulf %parallel_loop3A_1140, %parallel_loop3A_1150 : vector<16xf32>
      %parallel_loop3A_1153 = arith.mulf %parallel_loop3A_1142, %parallel_loop3A_1150 : vector<16xf32>
      %parallel_loop3A_1154 = arith.mulf %parallel_loop3A_1144, %parallel_loop3A_1150 : vector<16xf32>
      %parallel_loop3A_1155 = arith.subf %parallel_loop3A_1151, %parallel_loop3A_1118 : vector<16xf32>
      %parallel_loop3A_1156 = math.absf %parallel_loop3A_1155 : vector<16xf32>
      %parallel_loop3A_1157 = arith.constant 9.000000e-02 : f32
      %parallel_loop3A_1158 = vector.broadcast %parallel_loop3A_1157 : f32 to vector<16xf32>
      %parallel_loop3A_1159 = arith.cmpf ole, %parallel_loop3A_1156, %parallel_loop3A_1158 : vector<16xf32>
      %parallel_loop3A_1160 = arith.subf %parallel_loop3A_1152, %parallel_loop3A_1123 : vector<16xf32>
      %parallel_loop3A_1161 = math.absf %parallel_loop3A_1160 : vector<16xf32>
      %parallel_loop3A_1162 = arith.constant 9.000000e-02 : f32
      %parallel_loop3A_1163 = vector.broadcast %parallel_loop3A_1162 : f32 to vector<16xf32>
      %parallel_loop3A_1164 = arith.cmpf ole, %parallel_loop3A_1161, %parallel_loop3A_1163 : vector<16xf32>
      %parallel_loop3A_1165 = arith.andi %parallel_loop3A_1159, %parallel_loop3A_1164 : vector<16xi1>
      %parallel_loop3A_1166 = arith.subf %parallel_loop3A_1153, %parallel_loop3A_1128 : vector<16xf32>
      %parallel_loop3A_1167 = math.absf %parallel_loop3A_1166 : vector<16xf32>
      %parallel_loop3A_1168 = arith.constant 9.000000e-02 : f32
      %parallel_loop3A_1169 = vector.broadcast %parallel_loop3A_1168 : f32 to vector<16xf32>
      %parallel_loop3A_1170 = arith.cmpf ole, %parallel_loop3A_1167, %parallel_loop3A_1169 : vector<16xf32>
      %parallel_loop3A_1171 = arith.andi %parallel_loop3A_1165, %parallel_loop3A_1170 : vector<16xi1>
      %parallel_loop3A_1172 = arith.subf %parallel_loop3A_1154, %parallel_loop3A_1133 : vector<16xf32>
      %parallel_loop3A_1173 = math.absf %parallel_loop3A_1172 : vector<16xf32>
      %parallel_loop3A_1174 = arith.constant 9.000000e-02 : f32
      %parallel_loop3A_1175 = vector.broadcast %parallel_loop3A_1174 : f32 to vector<16xf32>
      %parallel_loop3A_1176 = arith.cmpf ole, %parallel_loop3A_1173, %parallel_loop3A_1175 : vector<16xf32>
      %parallel_loop3A_1177 = arith.andi %parallel_loop3A_1171, %parallel_loop3A_1176 : vector<16xi1>
      %parallel_loop3A_1178 = arith.minimumf %parallel_loop3A_1118, %parallel_loop3A_1123 : vector<16xf32>
      %parallel_loop3A_1179 = arith.maximumf %parallel_loop3A_1118, %parallel_loop3A_1123 : vector<16xf32>
      %parallel_loop3A_1180 = arith.minimumf %parallel_loop3A_1128, %parallel_loop3A_1133 : vector<16xf32>
      %parallel_loop3A_1181 = arith.maximumf %parallel_loop3A_1128, %parallel_loop3A_1133 : vector<16xf32>
      %parallel_loop3A_1182 = arith.minimumf %parallel_loop3A_1178, %parallel_loop3A_1180 : vector<16xf32>
      %parallel_loop3A_1183 = arith.maximumf %parallel_loop3A_1178, %parallel_loop3A_1180 : vector<16xf32>
      %parallel_loop3A_1184 = arith.minimumf %parallel_loop3A_1179, %parallel_loop3A_1181 : vector<16xf32>
      %parallel_loop3A_1185 = arith.minimumf %parallel_loop3A_1184, %parallel_loop3A_1183 : vector<16xf32>
      %parallel_loop3A_1186 = arith.maximumf %parallel_loop3A_1184, %parallel_loop3A_1183 : vector<16xf32>
      %parallel_loop3A_1187 = arith.subf %parallel_loop3A_1182, %parallel_loop3A_1185 : vector<16xf32>
      %parallel_loop3A_1188 = math.absf %parallel_loop3A_1187 : vector<16xf32>
      %parallel_loop3A_1189 = arith.subf %parallel_loop3A_1186, %parallel_loop3A_1185 : vector<16xf32>
      %parallel_loop3A_1190 = math.absf %parallel_loop3A_1189 : vector<16xf32>
      %parallel_loop3A_1191 = arith.constant 1 : i32
      %parallel_loop3A_1192 = vector.broadcast %parallel_loop3A_1191 : i32 to vector<16xi32>
      %parallel_loop3A_1193 = arith.constant 0 : i32
      %parallel_loop3A_1194 = vector.broadcast %parallel_loop3A_1193 : i32 to vector<16xi32>
      %parallel_loop3A_1195 = arith.cmpf ole, %parallel_loop3A_1118, %parallel_loop3A_1123 : vector<16xf32>
      %parallel_loop3A_1196 = arith.select %parallel_loop3A_1195, %parallel_loop3A_1192, %parallel_loop3A_1194 : vector<16xi1>, vector<16xi32>
      %parallel_loop3A_1197 = arith.cmpf ole, %parallel_loop3A_1118, %parallel_loop3A_1128 : vector<16xf32>
      %parallel_loop3A_1198 = arith.select %parallel_loop3A_1197, %parallel_loop3A_1192, %parallel_loop3A_1194 : vector<16xi1>, vector<16xi32>
      %parallel_loop3A_1199 = arith.cmpf ole, %parallel_loop3A_1118, %parallel_loop3A_1133 : vector<16xf32>
      %parallel_loop3A_1200 = arith.select %parallel_loop3A_1199, %parallel_loop3A_1192, %parallel_loop3A_1194 : vector<16xi1>, vector<16xi32>
      %parallel_loop3A_1201 = arith.cmpf ole, %parallel_loop3A_1123, %parallel_loop3A_1128 : vector<16xf32>
      %parallel_loop3A_1202 = arith.select %parallel_loop3A_1201, %parallel_loop3A_1192, %parallel_loop3A_1194 : vector<16xi1>, vector<16xi32>
      %parallel_loop3A_1203 = arith.cmpf ole, %parallel_loop3A_1123, %parallel_loop3A_1133 : vector<16xf32>
      %parallel_loop3A_1204 = arith.select %parallel_loop3A_1203, %parallel_loop3A_1192, %parallel_loop3A_1194 : vector<16xi1>, vector<16xi32>
      %parallel_loop3A_1205 = arith.cmpf ole, %parallel_loop3A_1128, %parallel_loop3A_1133 : vector<16xf32>
      %parallel_loop3A_1206 = arith.select %parallel_loop3A_1205, %parallel_loop3A_1192, %parallel_loop3A_1194 : vector<16xi1>, vector<16xi32>
      %parallel_loop3A_1207 = arith.addi %parallel_loop3A_1192, %parallel_loop3A_1192 : vector<16xi32>
      %parallel_loop3A_1208 = arith.addi %parallel_loop3A_1207, %parallel_loop3A_1192 : vector<16xi32>
      %parallel_loop3A_1209 = arith.subi %parallel_loop3A_1208, %parallel_loop3A_1196 : vector<16xi32>
      %parallel_loop3A_1210 = arith.subi %parallel_loop3A_1209, %parallel_loop3A_1198 : vector<16xi32>
      %parallel_loop3A_1211 = arith.subi %parallel_loop3A_1210, %parallel_loop3A_1200 : vector<16xi32>
      %parallel_loop3A_1212 = arith.addi %parallel_loop3A_1192, %parallel_loop3A_1192 : vector<16xi32>
      %parallel_loop3A_1213 = arith.addi %parallel_loop3A_1212, %parallel_loop3A_1196 : vector<16xi32>
      %parallel_loop3A_1214 = arith.subi %parallel_loop3A_1213, %parallel_loop3A_1202 : vector<16xi32>
      %parallel_loop3A_1215 = arith.subi %parallel_loop3A_1214, %parallel_loop3A_1204 : vector<16xi32>
      %parallel_loop3A_1216 = arith.addi %parallel_loop3A_1192, %parallel_loop3A_1198 : vector<16xi32>
      %parallel_loop3A_1217 = arith.addi %parallel_loop3A_1216, %parallel_loop3A_1202 : vector<16xi32>
      %parallel_loop3A_1218 = arith.subi %parallel_loop3A_1217, %parallel_loop3A_1206 : vector<16xi32>
      %parallel_loop3A_1219 = arith.addi %parallel_loop3A_1200, %parallel_loop3A_1204 : vector<16xi32>
      %parallel_loop3A_1220 = arith.addi %parallel_loop3A_1219, %parallel_loop3A_1206 : vector<16xi32>
      %parallel_loop3A_1221 = arith.constant 1 : i32
      %parallel_loop3A_1222 = vector.broadcast %parallel_loop3A_1221 : i32 to vector<16xi32>
      %parallel_loop3A_1223 = arith.constant 0 : i32
      %parallel_loop3A_1224 = vector.broadcast %parallel_loop3A_1223 : i32 to vector<16xi32>
      %parallel_loop3A_1225 = arith.cmpf ole, %parallel_loop3A_1151, %parallel_loop3A_1152 : vector<16xf32>
      %parallel_loop3A_1226 = arith.select %parallel_loop3A_1225, %parallel_loop3A_1222, %parallel_loop3A_1224 : vector<16xi1>, vector<16xi32>
      %parallel_loop3A_1227 = arith.cmpf ole, %parallel_loop3A_1151, %parallel_loop3A_1153 : vector<16xf32>
      %parallel_loop3A_1228 = arith.select %parallel_loop3A_1227, %parallel_loop3A_1222, %parallel_loop3A_1224 : vector<16xi1>, vector<16xi32>
      %parallel_loop3A_1229 = arith.cmpf ole, %parallel_loop3A_1151, %parallel_loop3A_1154 : vector<16xf32>
      %parallel_loop3A_1230 = arith.select %parallel_loop3A_1229, %parallel_loop3A_1222, %parallel_loop3A_1224 : vector<16xi1>, vector<16xi32>
      %parallel_loop3A_1231 = arith.cmpf ole, %parallel_loop3A_1152, %parallel_loop3A_1153 : vector<16xf32>
      %parallel_loop3A_1232 = arith.select %parallel_loop3A_1231, %parallel_loop3A_1222, %parallel_loop3A_1224 : vector<16xi1>, vector<16xi32>
      %parallel_loop3A_1233 = arith.cmpf ole, %parallel_loop3A_1152, %parallel_loop3A_1154 : vector<16xf32>
      %parallel_loop3A_1234 = arith.select %parallel_loop3A_1233, %parallel_loop3A_1222, %parallel_loop3A_1224 : vector<16xi1>, vector<16xi32>
      %parallel_loop3A_1235 = arith.cmpf ole, %parallel_loop3A_1153, %parallel_loop3A_1154 : vector<16xf32>
      %parallel_loop3A_1236 = arith.select %parallel_loop3A_1235, %parallel_loop3A_1222, %parallel_loop3A_1224 : vector<16xi1>, vector<16xi32>
      %parallel_loop3A_1237 = arith.addi %parallel_loop3A_1222, %parallel_loop3A_1222 : vector<16xi32>
      %parallel_loop3A_1238 = arith.addi %parallel_loop3A_1237, %parallel_loop3A_1222 : vector<16xi32>
      %parallel_loop3A_1239 = arith.subi %parallel_loop3A_1238, %parallel_loop3A_1226 : vector<16xi32>
      %parallel_loop3A_1240 = arith.subi %parallel_loop3A_1239, %parallel_loop3A_1228 : vector<16xi32>
      %parallel_loop3A_1241 = arith.subi %parallel_loop3A_1240, %parallel_loop3A_1230 : vector<16xi32>
      %parallel_loop3A_1242 = arith.addi %parallel_loop3A_1222, %parallel_loop3A_1222 : vector<16xi32>
      %parallel_loop3A_1243 = arith.addi %parallel_loop3A_1242, %parallel_loop3A_1226 : vector<16xi32>
      %parallel_loop3A_1244 = arith.subi %parallel_loop3A_1243, %parallel_loop3A_1232 : vector<16xi32>
      %parallel_loop3A_1245 = arith.subi %parallel_loop3A_1244, %parallel_loop3A_1234 : vector<16xi32>
      %parallel_loop3A_1246 = arith.addi %parallel_loop3A_1222, %parallel_loop3A_1228 : vector<16xi32>
      %parallel_loop3A_1247 = arith.addi %parallel_loop3A_1246, %parallel_loop3A_1232 : vector<16xi32>
      %parallel_loop3A_1248 = arith.subi %parallel_loop3A_1247, %parallel_loop3A_1236 : vector<16xi32>
      %parallel_loop3A_1249 = arith.addi %parallel_loop3A_1230, %parallel_loop3A_1234 : vector<16xi32>
      %parallel_loop3A_1250 = arith.addi %parallel_loop3A_1249, %parallel_loop3A_1236 : vector<16xi32>
      %parallel_loop3A_1251 = arith.cmpi eq, %parallel_loop3A_1241, %parallel_loop3A_1211 : vector<16xi32>
      %parallel_loop3A_1252 = arith.cmpi eq, %parallel_loop3A_1245, %parallel_loop3A_1215 : vector<16xi32>
      %parallel_loop3A_1253 = arith.cmpi eq, %parallel_loop3A_1248, %parallel_loop3A_1218 : vector<16xi32>
      %parallel_loop3A_1254 = arith.cmpi eq, %parallel_loop3A_1250, %parallel_loop3A_1220 : vector<16xi32>
      %parallel_loop3A_1255 = arith.constant 3.000000e-02 : f32
      %parallel_loop3A_1256 = vector.broadcast %parallel_loop3A_1255 : f32 to vector<16xf32>
      %parallel_loop3A_1257 = arith.cmpf olt, %parallel_loop3A_1188, %parallel_loop3A_1256 : vector<16xf32>
      %parallel_loop3A_1258 = arith.constant 3.000000e-02 : f32
      %parallel_loop3A_1259 = vector.broadcast %parallel_loop3A_1258 : f32 to vector<16xf32>
      %parallel_loop3A_1260 = arith.cmpf olt, %parallel_loop3A_1190, %parallel_loop3A_1259 : vector<16xf32>
      %parallel_loop3A_1261 = arith.andi %parallel_loop3A_1257, %parallel_loop3A_1260 : vector<16xi1>
      %parallel_loop3A_1262 = arith.andi %parallel_loop3A_1257, %parallel_loop3A_1253 : vector<16xi1>
      %parallel_loop3A_1263 = arith.ori %parallel_loop3A_1261, %parallel_loop3A_1262 : vector<16xi1>
      %parallel_loop3A_1264 = arith.andi %parallel_loop3A_1260, %parallel_loop3A_1251 : vector<16xi1>
      %parallel_loop3A_1265 = arith.ori %parallel_loop3A_1263, %parallel_loop3A_1264 : vector<16xi1>
      %parallel_loop3A_1266 = arith.andi %parallel_loop3A_1177, %parallel_loop3A_1265 : vector<16xi1>
      %parallel_loop3A_1267 = arith.constant 1 : i32
      %parallel_loop3A_1268 = vector.broadcast %parallel_loop3A_1267 : i32 to vector<16xi32>
      %parallel_loop3A_1269 = arith.constant 0 : i32
      %parallel_loop3A_1270 = vector.broadcast %parallel_loop3A_1269 : i32 to vector<16xi32>
      %parallel_loop3A_1271 = arith.constant 0.000000e+00 : f32
      %parallel_loop3A_1272 = vector.broadcast %parallel_loop3A_1271 : f32 to vector<16xf32>
      %parallel_loop3A_1273 = arith.cmpf oeq, %parallel_loop3A_1118, %parallel_loop3A_1272 : vector<16xf32>
      %parallel_loop3A_1274 = arith.select %parallel_loop3A_1273, %parallel_loop3A_1268, %parallel_loop3A_1270 : vector<16xi1>, vector<16xi32>
      %parallel_loop3A_1275 = arith.constant 0.000000e+00 : f32
      %parallel_loop3A_1276 = vector.broadcast %parallel_loop3A_1275 : f32 to vector<16xf32>
      %parallel_loop3A_1277 = arith.cmpf oeq, %parallel_loop3A_1123, %parallel_loop3A_1276 : vector<16xf32>
      %parallel_loop3A_1278 = arith.select %parallel_loop3A_1277, %parallel_loop3A_1268, %parallel_loop3A_1270 : vector<16xi1>, vector<16xi32>
      %parallel_loop3A_1279 = arith.constant 0.000000e+00 : f32
      %parallel_loop3A_1280 = vector.broadcast %parallel_loop3A_1279 : f32 to vector<16xf32>
      %parallel_loop3A_1281 = arith.cmpf oeq, %parallel_loop3A_1128, %parallel_loop3A_1280 : vector<16xf32>
      %parallel_loop3A_1282 = arith.select %parallel_loop3A_1281, %parallel_loop3A_1268, %parallel_loop3A_1270 : vector<16xi1>, vector<16xi32>
      %parallel_loop3A_1283 = arith.constant 0.000000e+00 : f32
      %parallel_loop3A_1284 = vector.broadcast %parallel_loop3A_1283 : f32 to vector<16xf32>
      %parallel_loop3A_1285 = arith.cmpf oeq, %parallel_loop3A_1133, %parallel_loop3A_1284 : vector<16xf32>
      %parallel_loop3A_1286 = arith.select %parallel_loop3A_1285, %parallel_loop3A_1268, %parallel_loop3A_1270 : vector<16xi1>, vector<16xi32>
      %parallel_loop3A_1287 = arith.addi %parallel_loop3A_1274, %parallel_loop3A_1278 : vector<16xi32>
      %parallel_loop3A_1288 = arith.addi %parallel_loop3A_1287, %parallel_loop3A_1282 : vector<16xi32>
      %parallel_loop3A_1289 = arith.addi %parallel_loop3A_1288, %parallel_loop3A_1286 : vector<16xi32>
      %parallel_loop3A_1290 = arith.andi %parallel_loop3A_1251, %parallel_loop3A_1253 : vector<16xi1>
      %parallel_loop3A_1291 = arith.andi %parallel_loop3A_1290, %parallel_loop3A_1254 : vector<16xi1>
      %parallel_loop3A_1292 = arith.constant 2 : i32
      %parallel_loop3A_1293 = vector.broadcast %parallel_loop3A_1292 : i32 to vector<16xi32>
      %parallel_loop3A_1294 = arith.cmpi sge, %parallel_loop3A_1241, %parallel_loop3A_1293 : vector<16xi32>
      %parallel_loop3A_1295 = arith.andi %parallel_loop3A_1251, %parallel_loop3A_1294 : vector<16xi1>
      %parallel_loop3A_1296 = arith.select %parallel_loop3A_1295, %parallel_loop3A_1268, %parallel_loop3A_1270 : vector<16xi1>, vector<16xi32>
      %parallel_loop3A_1297 = arith.addi %parallel_loop3A_1270, %parallel_loop3A_1296 : vector<16xi32>
      %parallel_loop3A_1298 = arith.constant 2 : i32
      %parallel_loop3A_1299 = vector.broadcast %parallel_loop3A_1298 : i32 to vector<16xi32>
      %parallel_loop3A_1300 = arith.cmpi sge, %parallel_loop3A_1245, %parallel_loop3A_1299 : vector<16xi32>
      %parallel_loop3A_1301 = arith.andi %parallel_loop3A_1252, %parallel_loop3A_1300 : vector<16xi1>
      %parallel_loop3A_1302 = arith.select %parallel_loop3A_1301, %parallel_loop3A_1268, %parallel_loop3A_1270 : vector<16xi1>, vector<16xi32>
      %parallel_loop3A_1303 = arith.addi %parallel_loop3A_1297, %parallel_loop3A_1302 : vector<16xi32>
      %parallel_loop3A_1304 = arith.constant 2 : i32
      %parallel_loop3A_1305 = vector.broadcast %parallel_loop3A_1304 : i32 to vector<16xi32>
      %parallel_loop3A_1306 = arith.cmpi sge, %parallel_loop3A_1248, %parallel_loop3A_1305 : vector<16xi32>
      %parallel_loop3A_1307 = arith.andi %parallel_loop3A_1253, %parallel_loop3A_1306 : vector<16xi1>
      %parallel_loop3A_1308 = arith.select %parallel_loop3A_1307, %parallel_loop3A_1268, %parallel_loop3A_1270 : vector<16xi1>, vector<16xi32>
      %parallel_loop3A_1309 = arith.addi %parallel_loop3A_1303, %parallel_loop3A_1308 : vector<16xi32>
      %parallel_loop3A_1310 = arith.constant 2 : i32
      %parallel_loop3A_1311 = vector.broadcast %parallel_loop3A_1310 : i32 to vector<16xi32>
      %parallel_loop3A_1312 = arith.cmpi sge, %parallel_loop3A_1250, %parallel_loop3A_1311 : vector<16xi32>
      %parallel_loop3A_1313 = arith.andi %parallel_loop3A_1254, %parallel_loop3A_1312 : vector<16xi1>
      %parallel_loop3A_1314 = arith.select %parallel_loop3A_1313, %parallel_loop3A_1268, %parallel_loop3A_1270 : vector<16xi1>, vector<16xi32>
      %parallel_loop3A_1315 = arith.addi %parallel_loop3A_1309, %parallel_loop3A_1314 : vector<16xi32>
      %parallel_loop3A_1316 = arith.constant 2 : i32
      %parallel_loop3A_1317 = vector.broadcast %parallel_loop3A_1316 : i32 to vector<16xi32>
      %parallel_loop3A_1318 = arith.cmpi eq, %parallel_loop3A_1315, %parallel_loop3A_1317 : vector<16xi32>
      %parallel_loop3A_1319 = arith.constant 3 : i32
      %parallel_loop3A_1320 = vector.broadcast %parallel_loop3A_1319 : i32 to vector<16xi32>
      %parallel_loop3A_1321 = arith.cmpi eq, %parallel_loop3A_1250, %parallel_loop3A_1320 : vector<16xi32>
      %parallel_loop3A_1322 = arith.constant 1.000000e+00 : f32
      %parallel_loop3A_1323 = vector.broadcast %parallel_loop3A_1322 : f32 to vector<16xf32>
      %parallel_loop3A_1324 = arith.constant 0.000000e+00 : f32
      %parallel_loop3A_1325 = vector.broadcast %parallel_loop3A_1324 : f32 to vector<16xf32>
      %parallel_loop3A_1326 = arith.constant 2 : i32
      %parallel_loop3A_1327 = vector.broadcast %parallel_loop3A_1326 : i32 to vector<16xi32>
      %parallel_loop3A_1328 = arith.cmpi eq, %parallel_loop3A_1289, %parallel_loop3A_1327 : vector<16xi32>
      %parallel_loop3A_1329 = arith.select %parallel_loop3A_1318, %parallel_loop3A_1323, %parallel_loop3A_1325 : vector<16xi1>, vector<16xf32>
      %parallel_loop3A_1330 = arith.constant 3 : i32
      %parallel_loop3A_1331 = vector.broadcast %parallel_loop3A_1330 : i32 to vector<16xi32>
      %parallel_loop3A_1332 = arith.cmpi eq, %parallel_loop3A_1289, %parallel_loop3A_1331 : vector<16xi32>
      %parallel_loop3A_1333 = arith.select %parallel_loop3A_1321, %parallel_loop3A_1323, %parallel_loop3A_1325 : vector<16xi1>, vector<16xf32>
      %parallel_loop3A_1334 = arith.select %parallel_loop3A_1332, %parallel_loop3A_1333, %parallel_loop3A_1325 : vector<16xi1>, vector<16xf32>
      %parallel_loop3A_1335 = arith.select %parallel_loop3A_1328, %parallel_loop3A_1329, %parallel_loop3A_1334 : vector<16xi1>, vector<16xf32>
      %parallel_loop3A_1336 = arith.constant 2 : i32
      %parallel_loop3A_1337 = vector.broadcast %parallel_loop3A_1336 : i32 to vector<16xi32>
      %parallel_loop3A_1338 = arith.cmpi slt, %parallel_loop3A_1289, %parallel_loop3A_1337 : vector<16xi32>
      %parallel_loop3A_1339 = arith.ori %parallel_loop3A_1266, %parallel_loop3A_1338 : vector<16xi1>
      %parallel_loop3A_1340 = arith.select %parallel_loop3A_1339, %parallel_loop3A_1323, %parallel_loop3A_1335 : vector<16xi1>, vector<16xf32>
      %parallel_loop3A_1341 = arith.select %parallel_loop3A_1291, %parallel_loop3A_1323, %parallel_loop3A_1325 : vector<16xi1>, vector<16xf32>
      %parallel_loop3A_1342 = arith.select %parallel_loop3A_1338, %parallel_loop3A_1341, %parallel_loop3A_1335 : vector<16xi1>, vector<16xf32>
      %parallel_loop3A_1343 = arith.select %parallel_loop3A_1266, %parallel_loop3A_1323, %parallel_loop3A_1342 : vector<16xi1>, vector<16xf32>
      %parallel_loop3A_1344 = arith.addf %parallel_loop3A_1092, %parallel_loop3A_1340 : vector<16xf32>
      %parallel_loop3A_1345 = arith.addf %parallel_loop3A_1093, %parallel_loop3A_1343 : vector<16xf32>
      %parallel_loop3A_1346 = arith.constant 20 : i32
      %parallel_loop3A_1347 = arith.index_cast %parallel_loop3A_1346 : i32 to index
      %parallel_loop3A_1348 = arith.index_cast %parallel_loop3A_81 : i32 to index
      %parallel_loop3A_1349 = tpu.vector_load %arg4[%parallel_loop3A_1347, %parallel_loop3A_1348] {strides = array<i32>} : memref<48x512xf32, #tpu.memory_space<vmem>>, vector<1x16xf32>,
      %parallel_loop3A_1350 = vector.shape_cast %parallel_loop3A_1349 : vector<1x16xf32> to vector<16xf32>
      %parallel_loop3A_1351 = arith.constant 21 : i32
      %parallel_loop3A_1352 = arith.index_cast %parallel_loop3A_1351 : i32 to index
      %parallel_loop3A_1353 = arith.index_cast %parallel_loop3A_81 : i32 to index
      %parallel_loop3A_1354 = tpu.vector_load %arg4[%parallel_loop3A_1352, %parallel_loop3A_1353] {strides = array<i32>} : memref<48x512xf32, #tpu.memory_space<vmem>>, vector<1x16xf32>,
      %parallel_loop3A_1355 = vector.shape_cast %parallel_loop3A_1354 : vector<1x16xf32> to vector<16xf32>
      %parallel_loop3A_1356 = arith.constant 22 : i32
      %parallel_loop3A_1357 = arith.index_cast %parallel_loop3A_1356 : i32 to index
      %parallel_loop3A_1358 = arith.index_cast %parallel_loop3A_81 : i32 to index
      %parallel_loop3A_1359 = tpu.vector_load %arg4[%parallel_loop3A_1357, %parallel_loop3A_1358] {strides = array<i32>} : memref<48x512xf32, #tpu.memory_space<vmem>>, vector<1x16xf32>,
      %parallel_loop3A_1360 = vector.shape_cast %parallel_loop3A_1359 : vector<1x16xf32> to vector<16xf32>
      %parallel_loop3A_1361 = arith.constant 23 : i32
      %parallel_loop3A_1362 = arith.index_cast %parallel_loop3A_1361 : i32 to index
      %parallel_loop3A_1363 = arith.index_cast %parallel_loop3A_81 : i32 to index
      %parallel_loop3A_1364 = tpu.vector_load %arg4[%parallel_loop3A_1362, %parallel_loop3A_1363] {strides = array<i32>} : memref<48x512xf32, #tpu.memory_space<vmem>>, vector<1x16xf32>,
      %parallel_loop3A_1365 = vector.shape_cast %parallel_loop3A_1364 : vector<1x16xf32> to vector<16xf32>
      %parallel_loop3A_1366 = arith.constant 44 : i32
      %parallel_loop3A_1367 = arith.index_cast %parallel_loop3A_1366 : i32 to index
      %parallel_loop3A_1368 = arith.index_cast %parallel_loop3A_81 : i32 to index
      %parallel_loop3A_1369 = tpu.vector_load %arg4[%parallel_loop3A_1367, %parallel_loop3A_1368] {strides = array<i32>} : memref<48x512xf32, #tpu.memory_space<vmem>>, vector<1x16xf32>,
      %parallel_loop3A_1370 = vector.shape_cast %parallel_loop3A_1369 : vector<1x16xf32> to vector<16xf32>
      %parallel_loop3A_1371 = arith.constant 45 : i32
      %parallel_loop3A_1372 = arith.index_cast %parallel_loop3A_1371 : i32 to index
      %parallel_loop3A_1373 = arith.index_cast %parallel_loop3A_81 : i32 to index
      %parallel_loop3A_1374 = tpu.vector_load %arg4[%parallel_loop3A_1372, %parallel_loop3A_1373] {strides = array<i32>} : memref<48x512xf32, #tpu.memory_space<vmem>>, vector<1x16xf32>,
      %parallel_loop3A_1375 = vector.shape_cast %parallel_loop3A_1374 : vector<1x16xf32> to vector<16xf32>
      %parallel_loop3A_1376 = arith.constant 46 : i32
      %parallel_loop3A_1377 = arith.index_cast %parallel_loop3A_1376 : i32 to index
      %parallel_loop3A_1378 = arith.index_cast %parallel_loop3A_81 : i32 to index
      %parallel_loop3A_1379 = tpu.vector_load %arg4[%parallel_loop3A_1377, %parallel_loop3A_1378] {strides = array<i32>} : memref<48x512xf32, #tpu.memory_space<vmem>>, vector<1x16xf32>,
      %parallel_loop3A_1380 = vector.shape_cast %parallel_loop3A_1379 : vector<1x16xf32> to vector<16xf32>
      %parallel_loop3A_1381 = arith.constant 47 : i32
      %parallel_loop3A_1382 = arith.index_cast %parallel_loop3A_1381 : i32 to index
      %parallel_loop3A_1383 = arith.index_cast %parallel_loop3A_81 : i32 to index
      %parallel_loop3A_1384 = tpu.vector_load %arg4[%parallel_loop3A_1382, %parallel_loop3A_1383] {strides = array<i32>} : memref<48x512xf32, #tpu.memory_space<vmem>>, vector<1x16xf32>,
      %parallel_loop3A_1385 = vector.shape_cast %parallel_loop3A_1384 : vector<1x16xf32> to vector<16xf32>
      %parallel_loop3A_1386 = arith.maximumf %parallel_loop3A_1350, %parallel_loop3A_1355 : vector<16xf32>
      %parallel_loop3A_1387 = arith.maximumf %parallel_loop3A_1360, %parallel_loop3A_1365 : vector<16xf32>
      %parallel_loop3A_1388 = arith.maximumf %parallel_loop3A_1386, %parallel_loop3A_1387 : vector<16xf32>
      %parallel_loop3A_1389 = arith.subf %parallel_loop3A_1350, %parallel_loop3A_1388 : vector<16xf32>
      %parallel_loop3A_1390 = math.exp %parallel_loop3A_1389 : vector<16xf32>
      %parallel_loop3A_1391 = arith.subf %parallel_loop3A_1355, %parallel_loop3A_1388 : vector<16xf32>
      %parallel_loop3A_1392 = math.exp %parallel_loop3A_1391 : vector<16xf32>
      %parallel_loop3A_1393 = arith.subf %parallel_loop3A_1360, %parallel_loop3A_1388 : vector<16xf32>
      %parallel_loop3A_1394 = math.exp %parallel_loop3A_1393 : vector<16xf32>
      %parallel_loop3A_1395 = arith.subf %parallel_loop3A_1365, %parallel_loop3A_1388 : vector<16xf32>
      %parallel_loop3A_1396 = math.exp %parallel_loop3A_1395 : vector<16xf32>
      %parallel_loop3A_1397 = arith.addf %parallel_loop3A_1390, %parallel_loop3A_1392 : vector<16xf32>
      %parallel_loop3A_1398 = arith.addf %parallel_loop3A_1397, %parallel_loop3A_1394 : vector<16xf32>
      %parallel_loop3A_1399 = arith.addf %parallel_loop3A_1398, %parallel_loop3A_1396 : vector<16xf32>
      %parallel_loop3A_1400 = arith.constant 3.000000e+00 : f32
      %parallel_loop3A_1401 = vector.broadcast %parallel_loop3A_1400 : f32 to vector<16xf32>
      %parallel_loop3A_1402 = arith.divf %parallel_loop3A_1401, %parallel_loop3A_1399 : vector<16xf32>
      %parallel_loop3A_1403 = arith.mulf %parallel_loop3A_1390, %parallel_loop3A_1402 : vector<16xf32>
      %parallel_loop3A_1404 = arith.mulf %parallel_loop3A_1392, %parallel_loop3A_1402 : vector<16xf32>
      %parallel_loop3A_1405 = arith.mulf %parallel_loop3A_1394, %parallel_loop3A_1402 : vector<16xf32>
      %parallel_loop3A_1406 = arith.mulf %parallel_loop3A_1396, %parallel_loop3A_1402 : vector<16xf32>
      %parallel_loop3A_1407 = arith.subf %parallel_loop3A_1403, %parallel_loop3A_1370 : vector<16xf32>
      %parallel_loop3A_1408 = math.absf %parallel_loop3A_1407 : vector<16xf32>
      %parallel_loop3A_1409 = arith.constant 9.000000e-02 : f32
      %parallel_loop3A_1410 = vector.broadcast %parallel_loop3A_1409 : f32 to vector<16xf32>
      %parallel_loop3A_1411 = arith.cmpf ole, %parallel_loop3A_1408, %parallel_loop3A_1410 : vector<16xf32>
      %parallel_loop3A_1412 = arith.subf %parallel_loop3A_1404, %parallel_loop3A_1375 : vector<16xf32>
      %parallel_loop3A_1413 = math.absf %parallel_loop3A_1412 : vector<16xf32>
      %parallel_loop3A_1414 = arith.constant 9.000000e-02 : f32
      %parallel_loop3A_1415 = vector.broadcast %parallel_loop3A_1414 : f32 to vector<16xf32>
      %parallel_loop3A_1416 = arith.cmpf ole, %parallel_loop3A_1413, %parallel_loop3A_1415 : vector<16xf32>
      %parallel_loop3A_1417 = arith.andi %parallel_loop3A_1411, %parallel_loop3A_1416 : vector<16xi1>
      %parallel_loop3A_1418 = arith.subf %parallel_loop3A_1405, %parallel_loop3A_1380 : vector<16xf32>
      %parallel_loop3A_1419 = math.absf %parallel_loop3A_1418 : vector<16xf32>
      %parallel_loop3A_1420 = arith.constant 9.000000e-02 : f32
      %parallel_loop3A_1421 = vector.broadcast %parallel_loop3A_1420 : f32 to vector<16xf32>
      %parallel_loop3A_1422 = arith.cmpf ole, %parallel_loop3A_1419, %parallel_loop3A_1421 : vector<16xf32>
      %parallel_loop3A_1423 = arith.andi %parallel_loop3A_1417, %parallel_loop3A_1422 : vector<16xi1>
      %parallel_loop3A_1424 = arith.subf %parallel_loop3A_1406, %parallel_loop3A_1385 : vector<16xf32>
      %parallel_loop3A_1425 = math.absf %parallel_loop3A_1424 : vector<16xf32>
      %parallel_loop3A_1426 = arith.constant 9.000000e-02 : f32
      %parallel_loop3A_1427 = vector.broadcast %parallel_loop3A_1426 : f32 to vector<16xf32>
      %parallel_loop3A_1428 = arith.cmpf ole, %parallel_loop3A_1425, %parallel_loop3A_1427 : vector<16xf32>
      %parallel_loop3A_1429 = arith.andi %parallel_loop3A_1423, %parallel_loop3A_1428 : vector<16xi1>
      %parallel_loop3A_1430 = arith.minimumf %parallel_loop3A_1370, %parallel_loop3A_1375 : vector<16xf32>
      %parallel_loop3A_1431 = arith.maximumf %parallel_loop3A_1370, %parallel_loop3A_1375 : vector<16xf32>
      %parallel_loop3A_1432 = arith.minimumf %parallel_loop3A_1380, %parallel_loop3A_1385 : vector<16xf32>
      %parallel_loop3A_1433 = arith.maximumf %parallel_loop3A_1380, %parallel_loop3A_1385 : vector<16xf32>
      %parallel_loop3A_1434 = arith.minimumf %parallel_loop3A_1430, %parallel_loop3A_1432 : vector<16xf32>
      %parallel_loop3A_1435 = arith.maximumf %parallel_loop3A_1430, %parallel_loop3A_1432 : vector<16xf32>
      %parallel_loop3A_1436 = arith.minimumf %parallel_loop3A_1431, %parallel_loop3A_1433 : vector<16xf32>
      %parallel_loop3A_1437 = arith.minimumf %parallel_loop3A_1436, %parallel_loop3A_1435 : vector<16xf32>
      %parallel_loop3A_1438 = arith.maximumf %parallel_loop3A_1436, %parallel_loop3A_1435 : vector<16xf32>
      %parallel_loop3A_1439 = arith.subf %parallel_loop3A_1434, %parallel_loop3A_1437 : vector<16xf32>
      %parallel_loop3A_1440 = math.absf %parallel_loop3A_1439 : vector<16xf32>
      %parallel_loop3A_1441 = arith.subf %parallel_loop3A_1438, %parallel_loop3A_1437 : vector<16xf32>
      %parallel_loop3A_1442 = math.absf %parallel_loop3A_1441 : vector<16xf32>
      %parallel_loop3A_1443 = arith.constant 1 : i32
      %parallel_loop3A_1444 = vector.broadcast %parallel_loop3A_1443 : i32 to vector<16xi32>
      %parallel_loop3A_1445 = arith.constant 0 : i32
      %parallel_loop3A_1446 = vector.broadcast %parallel_loop3A_1445 : i32 to vector<16xi32>
      %parallel_loop3A_1447 = arith.cmpf ole, %parallel_loop3A_1370, %parallel_loop3A_1375 : vector<16xf32>
      %parallel_loop3A_1448 = arith.select %parallel_loop3A_1447, %parallel_loop3A_1444, %parallel_loop3A_1446 : vector<16xi1>, vector<16xi32>
      %parallel_loop3A_1449 = arith.cmpf ole, %parallel_loop3A_1370, %parallel_loop3A_1380 : vector<16xf32>
      %parallel_loop3A_1450 = arith.select %parallel_loop3A_1449, %parallel_loop3A_1444, %parallel_loop3A_1446 : vector<16xi1>, vector<16xi32>
      %parallel_loop3A_1451 = arith.cmpf ole, %parallel_loop3A_1370, %parallel_loop3A_1385 : vector<16xf32>
      %parallel_loop3A_1452 = arith.select %parallel_loop3A_1451, %parallel_loop3A_1444, %parallel_loop3A_1446 : vector<16xi1>, vector<16xi32>
      %parallel_loop3A_1453 = arith.cmpf ole, %parallel_loop3A_1375, %parallel_loop3A_1380 : vector<16xf32>
      %parallel_loop3A_1454 = arith.select %parallel_loop3A_1453, %parallel_loop3A_1444, %parallel_loop3A_1446 : vector<16xi1>, vector<16xi32>
      %parallel_loop3A_1455 = arith.cmpf ole, %parallel_loop3A_1375, %parallel_loop3A_1385 : vector<16xf32>
      %parallel_loop3A_1456 = arith.select %parallel_loop3A_1455, %parallel_loop3A_1444, %parallel_loop3A_1446 : vector<16xi1>, vector<16xi32>
      %parallel_loop3A_1457 = arith.cmpf ole, %parallel_loop3A_1380, %parallel_loop3A_1385 : vector<16xf32>
      %parallel_loop3A_1458 = arith.select %parallel_loop3A_1457, %parallel_loop3A_1444, %parallel_loop3A_1446 : vector<16xi1>, vector<16xi32>
      %parallel_loop3A_1459 = arith.addi %parallel_loop3A_1444, %parallel_loop3A_1444 : vector<16xi32>
      %parallel_loop3A_1460 = arith.addi %parallel_loop3A_1459, %parallel_loop3A_1444 : vector<16xi32>
      %parallel_loop3A_1461 = arith.subi %parallel_loop3A_1460, %parallel_loop3A_1448 : vector<16xi32>
      %parallel_loop3A_1462 = arith.subi %parallel_loop3A_1461, %parallel_loop3A_1450 : vector<16xi32>
      %parallel_loop3A_1463 = arith.subi %parallel_loop3A_1462, %parallel_loop3A_1452 : vector<16xi32>
      %parallel_loop3A_1464 = arith.addi %parallel_loop3A_1444, %parallel_loop3A_1444 : vector<16xi32>
      %parallel_loop3A_1465 = arith.addi %parallel_loop3A_1464, %parallel_loop3A_1448 : vector<16xi32>
      %parallel_loop3A_1466 = arith.subi %parallel_loop3A_1465, %parallel_loop3A_1454 : vector<16xi32>
      %parallel_loop3A_1467 = arith.subi %parallel_loop3A_1466, %parallel_loop3A_1456 : vector<16xi32>
      %parallel_loop3A_1468 = arith.addi %parallel_loop3A_1444, %parallel_loop3A_1450 : vector<16xi32>
      %parallel_loop3A_1469 = arith.addi %parallel_loop3A_1468, %parallel_loop3A_1454 : vector<16xi32>
      %parallel_loop3A_1470 = arith.subi %parallel_loop3A_1469, %parallel_loop3A_1458 : vector<16xi32>
      %parallel_loop3A_1471 = arith.addi %parallel_loop3A_1452, %parallel_loop3A_1456 : vector<16xi32>
      %parallel_loop3A_1472 = arith.addi %parallel_loop3A_1471, %parallel_loop3A_1458 : vector<16xi32>
      %parallel_loop3A_1473 = arith.constant 1 : i32
      %parallel_loop3A_1474 = vector.broadcast %parallel_loop3A_1473 : i32 to vector<16xi32>
      %parallel_loop3A_1475 = arith.constant 0 : i32
      %parallel_loop3A_1476 = vector.broadcast %parallel_loop3A_1475 : i32 to vector<16xi32>
      %parallel_loop3A_1477 = arith.cmpf ole, %parallel_loop3A_1403, %parallel_loop3A_1404 : vector<16xf32>
      %parallel_loop3A_1478 = arith.select %parallel_loop3A_1477, %parallel_loop3A_1474, %parallel_loop3A_1476 : vector<16xi1>, vector<16xi32>
      %parallel_loop3A_1479 = arith.cmpf ole, %parallel_loop3A_1403, %parallel_loop3A_1405 : vector<16xf32>
      %parallel_loop3A_1480 = arith.select %parallel_loop3A_1479, %parallel_loop3A_1474, %parallel_loop3A_1476 : vector<16xi1>, vector<16xi32>
      %parallel_loop3A_1481 = arith.cmpf ole, %parallel_loop3A_1403, %parallel_loop3A_1406 : vector<16xf32>
      %parallel_loop3A_1482 = arith.select %parallel_loop3A_1481, %parallel_loop3A_1474, %parallel_loop3A_1476 : vector<16xi1>, vector<16xi32>
      %parallel_loop3A_1483 = arith.cmpf ole, %parallel_loop3A_1404, %parallel_loop3A_1405 : vector<16xf32>
      %parallel_loop3A_1484 = arith.select %parallel_loop3A_1483, %parallel_loop3A_1474, %parallel_loop3A_1476 : vector<16xi1>, vector<16xi32>
      %parallel_loop3A_1485 = arith.cmpf ole, %parallel_loop3A_1404, %parallel_loop3A_1406 : vector<16xf32>
      %parallel_loop3A_1486 = arith.select %parallel_loop3A_1485, %parallel_loop3A_1474, %parallel_loop3A_1476 : vector<16xi1>, vector<16xi32>
      %parallel_loop3A_1487 = arith.cmpf ole, %parallel_loop3A_1405, %parallel_loop3A_1406 : vector<16xf32>
      %parallel_loop3A_1488 = arith.select %parallel_loop3A_1487, %parallel_loop3A_1474, %parallel_loop3A_1476 : vector<16xi1>, vector<16xi32>
      %parallel_loop3A_1489 = arith.addi %parallel_loop3A_1474, %parallel_loop3A_1474 : vector<16xi32>
      %parallel_loop3A_1490 = arith.addi %parallel_loop3A_1489, %parallel_loop3A_1474 : vector<16xi32>
      %parallel_loop3A_1491 = arith.subi %parallel_loop3A_1490, %parallel_loop3A_1478 : vector<16xi32>
      %parallel_loop3A_1492 = arith.subi %parallel_loop3A_1491, %parallel_loop3A_1480 : vector<16xi32>
      %parallel_loop3A_1493 = arith.subi %parallel_loop3A_1492, %parallel_loop3A_1482 : vector<16xi32>
      %parallel_loop3A_1494 = arith.addi %parallel_loop3A_1474, %parallel_loop3A_1474 : vector<16xi32>
      %parallel_loop3A_1495 = arith.addi %parallel_loop3A_1494, %parallel_loop3A_1478 : vector<16xi32>
      %parallel_loop3A_1496 = arith.subi %parallel_loop3A_1495, %parallel_loop3A_1484 : vector<16xi32>
      %parallel_loop3A_1497 = arith.subi %parallel_loop3A_1496, %parallel_loop3A_1486 : vector<16xi32>
      %parallel_loop3A_1498 = arith.addi %parallel_loop3A_1474, %parallel_loop3A_1480 : vector<16xi32>
      %parallel_loop3A_1499 = arith.addi %parallel_loop3A_1498, %parallel_loop3A_1484 : vector<16xi32>
      %parallel_loop3A_1500 = arith.subi %parallel_loop3A_1499, %parallel_loop3A_1488 : vector<16xi32>
      %parallel_loop3A_1501 = arith.addi %parallel_loop3A_1482, %parallel_loop3A_1486 : vector<16xi32>
      %parallel_loop3A_1502 = arith.addi %parallel_loop3A_1501, %parallel_loop3A_1488 : vector<16xi32>
      %parallel_loop3A_1503 = arith.cmpi eq, %parallel_loop3A_1493, %parallel_loop3A_1463 : vector<16xi32>
      %parallel_loop3A_1504 = arith.cmpi eq, %parallel_loop3A_1497, %parallel_loop3A_1467 : vector<16xi32>
      %parallel_loop3A_1505 = arith.cmpi eq, %parallel_loop3A_1500, %parallel_loop3A_1470 : vector<16xi32>
      %parallel_loop3A_1506 = arith.cmpi eq, %parallel_loop3A_1502, %parallel_loop3A_1472 : vector<16xi32>
      %parallel_loop3A_1507 = arith.constant 3.000000e-02 : f32
      %parallel_loop3A_1508 = vector.broadcast %parallel_loop3A_1507 : f32 to vector<16xf32>
      %parallel_loop3A_1509 = arith.cmpf olt, %parallel_loop3A_1440, %parallel_loop3A_1508 : vector<16xf32>
      %parallel_loop3A_1510 = arith.constant 3.000000e-02 : f32
      %parallel_loop3A_1511 = vector.broadcast %parallel_loop3A_1510 : f32 to vector<16xf32>
      %parallel_loop3A_1512 = arith.cmpf olt, %parallel_loop3A_1442, %parallel_loop3A_1511 : vector<16xf32>
      %parallel_loop3A_1513 = arith.andi %parallel_loop3A_1509, %parallel_loop3A_1512 : vector<16xi1>
      %parallel_loop3A_1514 = arith.andi %parallel_loop3A_1509, %parallel_loop3A_1505 : vector<16xi1>
      %parallel_loop3A_1515 = arith.ori %parallel_loop3A_1513, %parallel_loop3A_1514 : vector<16xi1>
      %parallel_loop3A_1516 = arith.andi %parallel_loop3A_1512, %parallel_loop3A_1503 : vector<16xi1>
      %parallel_loop3A_1517 = arith.ori %parallel_loop3A_1515, %parallel_loop3A_1516 : vector<16xi1>
      %parallel_loop3A_1518 = arith.andi %parallel_loop3A_1429, %parallel_loop3A_1517 : vector<16xi1>
      %parallel_loop3A_1519 = arith.constant 1 : i32
      %parallel_loop3A_1520 = vector.broadcast %parallel_loop3A_1519 : i32 to vector<16xi32>
      %parallel_loop3A_1521 = arith.constant 0 : i32
      %parallel_loop3A_1522 = vector.broadcast %parallel_loop3A_1521 : i32 to vector<16xi32>
      %parallel_loop3A_1523 = arith.constant 0.000000e+00 : f32
      %parallel_loop3A_1524 = vector.broadcast %parallel_loop3A_1523 : f32 to vector<16xf32>
      %parallel_loop3A_1525 = arith.cmpf oeq, %parallel_loop3A_1370, %parallel_loop3A_1524 : vector<16xf32>
      %parallel_loop3A_1526 = arith.select %parallel_loop3A_1525, %parallel_loop3A_1520, %parallel_loop3A_1522 : vector<16xi1>, vector<16xi32>
      %parallel_loop3A_1527 = arith.constant 0.000000e+00 : f32
      %parallel_loop3A_1528 = vector.broadcast %parallel_loop3A_1527 : f32 to vector<16xf32>
      %parallel_loop3A_1529 = arith.cmpf oeq, %parallel_loop3A_1375, %parallel_loop3A_1528 : vector<16xf32>
      %parallel_loop3A_1530 = arith.select %parallel_loop3A_1529, %parallel_loop3A_1520, %parallel_loop3A_1522 : vector<16xi1>, vector<16xi32>
      %parallel_loop3A_1531 = arith.constant 0.000000e+00 : f32
      %parallel_loop3A_1532 = vector.broadcast %parallel_loop3A_1531 : f32 to vector<16xf32>
      %parallel_loop3A_1533 = arith.cmpf oeq, %parallel_loop3A_1380, %parallel_loop3A_1532 : vector<16xf32>
      %parallel_loop3A_1534 = arith.select %parallel_loop3A_1533, %parallel_loop3A_1520, %parallel_loop3A_1522 : vector<16xi1>, vector<16xi32>
      %parallel_loop3A_1535 = arith.constant 0.000000e+00 : f32
      %parallel_loop3A_1536 = vector.broadcast %parallel_loop3A_1535 : f32 to vector<16xf32>
      %parallel_loop3A_1537 = arith.cmpf oeq, %parallel_loop3A_1385, %parallel_loop3A_1536 : vector<16xf32>
      %parallel_loop3A_1538 = arith.select %parallel_loop3A_1537, %parallel_loop3A_1520, %parallel_loop3A_1522 : vector<16xi1>, vector<16xi32>
      %parallel_loop3A_1539 = arith.addi %parallel_loop3A_1526, %parallel_loop3A_1530 : vector<16xi32>
      %parallel_loop3A_1540 = arith.addi %parallel_loop3A_1539, %parallel_loop3A_1534 : vector<16xi32>
      %parallel_loop3A_1541 = arith.addi %parallel_loop3A_1540, %parallel_loop3A_1538 : vector<16xi32>
      %parallel_loop3A_1542 = arith.andi %parallel_loop3A_1503, %parallel_loop3A_1505 : vector<16xi1>
      %parallel_loop3A_1543 = arith.andi %parallel_loop3A_1542, %parallel_loop3A_1506 : vector<16xi1>
      %parallel_loop3A_1544 = arith.constant 2 : i32
      %parallel_loop3A_1545 = vector.broadcast %parallel_loop3A_1544 : i32 to vector<16xi32>
      %parallel_loop3A_1546 = arith.cmpi sge, %parallel_loop3A_1493, %parallel_loop3A_1545 : vector<16xi32>
      %parallel_loop3A_1547 = arith.andi %parallel_loop3A_1503, %parallel_loop3A_1546 : vector<16xi1>
      %parallel_loop3A_1548 = arith.select %parallel_loop3A_1547, %parallel_loop3A_1520, %parallel_loop3A_1522 : vector<16xi1>, vector<16xi32>
      %parallel_loop3A_1549 = arith.addi %parallel_loop3A_1522, %parallel_loop3A_1548 : vector<16xi32>
      %parallel_loop3A_1550 = arith.constant 2 : i32
      %parallel_loop3A_1551 = vector.broadcast %parallel_loop3A_1550 : i32 to vector<16xi32>
      %parallel_loop3A_1552 = arith.cmpi sge, %parallel_loop3A_1497, %parallel_loop3A_1551 : vector<16xi32>
      %parallel_loop3A_1553 = arith.andi %parallel_loop3A_1504, %parallel_loop3A_1552 : vector<16xi1>
      %parallel_loop3A_1554 = arith.select %parallel_loop3A_1553, %parallel_loop3A_1520, %parallel_loop3A_1522 : vector<16xi1>, vector<16xi32>
      %parallel_loop3A_1555 = arith.addi %parallel_loop3A_1549, %parallel_loop3A_1554 : vector<16xi32>
      %parallel_loop3A_1556 = arith.constant 2 : i32
      %parallel_loop3A_1557 = vector.broadcast %parallel_loop3A_1556 : i32 to vector<16xi32>
      %parallel_loop3A_1558 = arith.cmpi sge, %parallel_loop3A_1500, %parallel_loop3A_1557 : vector<16xi32>
      %parallel_loop3A_1559 = arith.andi %parallel_loop3A_1505, %parallel_loop3A_1558 : vector<16xi1>
      %parallel_loop3A_1560 = arith.select %parallel_loop3A_1559, %parallel_loop3A_1520, %parallel_loop3A_1522 : vector<16xi1>, vector<16xi32>
      %parallel_loop3A_1561 = arith.addi %parallel_loop3A_1555, %parallel_loop3A_1560 : vector<16xi32>
      %parallel_loop3A_1562 = arith.constant 2 : i32
      %parallel_loop3A_1563 = vector.broadcast %parallel_loop3A_1562 : i32 to vector<16xi32>
      %parallel_loop3A_1564 = arith.cmpi sge, %parallel_loop3A_1502, %parallel_loop3A_1563 : vector<16xi32>
      %parallel_loop3A_1565 = arith.andi %parallel_loop3A_1506, %parallel_loop3A_1564 : vector<16xi1>
      %parallel_loop3A_1566 = arith.select %parallel_loop3A_1565, %parallel_loop3A_1520, %parallel_loop3A_1522 : vector<16xi1>, vector<16xi32>
      %parallel_loop3A_1567 = arith.addi %parallel_loop3A_1561, %parallel_loop3A_1566 : vector<16xi32>
      %parallel_loop3A_1568 = arith.constant 2 : i32
      %parallel_loop3A_1569 = vector.broadcast %parallel_loop3A_1568 : i32 to vector<16xi32>
      %parallel_loop3A_1570 = arith.cmpi eq, %parallel_loop3A_1567, %parallel_loop3A_1569 : vector<16xi32>
      %parallel_loop3A_1571 = arith.constant 3 : i32
      %parallel_loop3A_1572 = vector.broadcast %parallel_loop3A_1571 : i32 to vector<16xi32>
      %parallel_loop3A_1573 = arith.cmpi eq, %parallel_loop3A_1502, %parallel_loop3A_1572 : vector<16xi32>
      %parallel_loop3A_1574 = arith.constant 1.000000e+00 : f32
      %parallel_loop3A_1575 = vector.broadcast %parallel_loop3A_1574 : f32 to vector<16xf32>
      %parallel_loop3A_1576 = arith.constant 0.000000e+00 : f32
      %parallel_loop3A_1577 = vector.broadcast %parallel_loop3A_1576 : f32 to vector<16xf32>
      %parallel_loop3A_1578 = arith.constant 2 : i32
      %parallel_loop3A_1579 = vector.broadcast %parallel_loop3A_1578 : i32 to vector<16xi32>
      %parallel_loop3A_1580 = arith.cmpi eq, %parallel_loop3A_1541, %parallel_loop3A_1579 : vector<16xi32>
      %parallel_loop3A_1581 = arith.select %parallel_loop3A_1570, %parallel_loop3A_1575, %parallel_loop3A_1577 : vector<16xi1>, vector<16xf32>
      %parallel_loop3A_1582 = arith.constant 3 : i32
      %parallel_loop3A_1583 = vector.broadcast %parallel_loop3A_1582 : i32 to vector<16xi32>
      %parallel_loop3A_1584 = arith.cmpi eq, %parallel_loop3A_1541, %parallel_loop3A_1583 : vector<16xi32>
      %parallel_loop3A_1585 = arith.select %parallel_loop3A_1573, %parallel_loop3A_1575, %parallel_loop3A_1577 : vector<16xi1>, vector<16xf32>
      %parallel_loop3A_1586 = arith.select %parallel_loop3A_1584, %parallel_loop3A_1585, %parallel_loop3A_1577 : vector<16xi1>, vector<16xf32>
      %parallel_loop3A_1587 = arith.select %parallel_loop3A_1580, %parallel_loop3A_1581, %parallel_loop3A_1586 : vector<16xi1>, vector<16xf32>
      %parallel_loop3A_1588 = arith.constant 2 : i32
      %parallel_loop3A_1589 = vector.broadcast %parallel_loop3A_1588 : i32 to vector<16xi32>
      %parallel_loop3A_1590 = arith.cmpi slt, %parallel_loop3A_1541, %parallel_loop3A_1589 : vector<16xi32>
      %parallel_loop3A_1591 = arith.ori %parallel_loop3A_1518, %parallel_loop3A_1590 : vector<16xi1>
      %parallel_loop3A_1592 = arith.select %parallel_loop3A_1591, %parallel_loop3A_1575, %parallel_loop3A_1587 : vector<16xi1>, vector<16xf32>
      %parallel_loop3A_1593 = arith.select %parallel_loop3A_1543, %parallel_loop3A_1575, %parallel_loop3A_1577 : vector<16xi1>, vector<16xf32>
      %parallel_loop3A_1594 = arith.select %parallel_loop3A_1590, %parallel_loop3A_1593, %parallel_loop3A_1587 : vector<16xi1>, vector<16xf32>
      %parallel_loop3A_1595 = arith.select %parallel_loop3A_1518, %parallel_loop3A_1575, %parallel_loop3A_1594 : vector<16xi1>, vector<16xf32>
      %parallel_loop3A_1596 = arith.addf %parallel_loop3A_1344, %parallel_loop3A_1592 : vector<16xf32>
      %parallel_loop3A_1597 = arith.addf %parallel_loop3A_1345, %parallel_loop3A_1595 : vector<16xf32>
      %parallel_loop3A_1598 = arith.constant 1.000000e+00 : f32
      %parallel_loop3A_1599 = vector.broadcast %parallel_loop3A_1598 : f32 to vector<16xf32>
      %parallel_loop3A_1600 = arith.constant 0.000000e+00 : f32
      %parallel_loop3A_1601 = vector.broadcast %parallel_loop3A_1600 : f32 to vector<16xf32>
      %parallel_loop3A_1602 = arith.cmpf one, %parallel_loop3A_1596, %parallel_loop3A_1601 : vector<16xf32>
      %parallel_loop3A_1603 = arith.maximumf %parallel_loop3A_1596, %parallel_loop3A_1599 : vector<16xf32>
      %parallel_loop3A_1604 = arith.divf %parallel_loop3A_1597, %parallel_loop3A_1603 : vector<16xf32>
      %parallel_loop3A_1605 = arith.select %parallel_loop3A_1602, %parallel_loop3A_1604, %parallel_loop3A_1601 : vector<16xi1>, vector<16xf32>
      %parallel_loop3A_1606 = arith.select %parallel_loop3A_1602, %parallel_loop3A_1599, %parallel_loop3A_1601 : vector<16xi1>, vector<16xf32>
      %parallel_loop3A_1607 = arith.addf %parallel_loop3A_77, %parallel_loop3A_1605 : vector<16xf32>
      %parallel_loop3A_1608 = arith.addf %parallel_loop3A_78, %parallel_loop3A_1606 : vector<16xf32>
      scf.yield %parallel_loop3A_1607, %parallel_loop3A_1608 : vector<16xf32>, vector<16xf32>
    } {sc.loop_unroll_factor = 1 : i64, sc.parallel_access}
    %swap3A = arith.constant 0 : i32
    %swap3A_65 = arith.index_cast %swap3A : i32 to index
    %swap3A_66 = arith.constant 0 : index
    %swap3A_67 = tpu.vector_load %arg5[%swap3A_65, %swap3A_66] {strides = array<i32>} : memref<2x16xf32, #tpu.memory_space<vmem>>, vector<1x16xf32>,
    %swap3A_68 = vector.shape_cast %swap3A_67 : vector<1x16xf32> to vector<16xf32>
    %swap3A_69 = vector.shape_cast %parallel_loop3A_64#0 : vector<16xf32> to vector<1x16xf32>
    tpu.vector_store %arg5[%swap3A_65, %swap3A_66], %swap3A_69 {strides = array<i32>} : memref<2x16xf32, #tpu.memory_space<vmem>>, vector<1x16xf32>,
    %swap3A_70 = arith.constant 1 : i32
    %swap3A_71 = arith.index_cast %swap3A_70 : i32 to index
    %swap3A_72 = arith.constant 0 : index
    %swap3A_73 = tpu.vector_load %arg5[%swap3A_71, %swap3A_72] {strides = array<i32>} : memref<2x16xf32, #tpu.memory_space<vmem>>, vector<1x16xf32>,
    %swap3A_74 = vector.shape_cast %swap3A_73 : vector<1x16xf32> to vector<16xf32>
    %swap3A_75 = vector.shape_cast %parallel_loop3A_64#1 : vector<16xf32> to vector<1x16xf32>
    tpu.vector_store %arg5[%swap3A_71, %swap3A_72], %swap3A_75 {strides = array<i32>} : memref<2x16xf32, #tpu.memory_space<vmem>>, vector<1x16xf32>,
    "tpu.region"() ({
      %run_scoped3A = tpu.sem_alloc : memref<!tpu.dma_semaphore, #tpu.memory_space<semaphore_mem>>
      %dma_start3A_76 = arith.constant 0 : i32
      %dma_start3A_77 = arith.constant 0 : i32
      %dma_start3A_78 = tpu.memref_slice %arg3[%add3A, %dma_start3A_76, %dma_start3A_77] : memref<32x2x16xf32, #tpu.memory_space<hbm>> -> memref<1x2x16xf32, #tpu.memory_space<hbm>>
      %dma_start3A_79 = tpu.memref_squeeze %dma_start3A_78 : memref<1x2x16xf32, #tpu.memory_space<hbm>> -> memref<2x16xf32, #tpu.memory_space<hbm>>
      %dma_start3A_80 = arith.constant 0 : i32
      %dma_start3A_81 = arith.constant 0 : i32
      %dma_start3A_82 = tpu.memref_slice %arg3[%add3A, %dma_start3A_80, %dma_start3A_81] : memref<32x2x16xf32, #tpu.memory_space<hbm>> -> memref<1x2x16xf32, #tpu.memory_space<hbm>>
      %dma_start3A_83 = tpu.memref_squeeze %dma_start3A_82 : memref<1x2x16xf32, #tpu.memory_space<hbm>> -> memref<2x16xf32, #tpu.memory_space<hbm>>
      tpu.enqueue_dma source(%arg5 : memref<2x16xf32, #tpu.memory_space<vmem>>) target(%dma_start3A_83 : memref<2x16xf32, #tpu.memory_space<hbm>>) target_semaphore(%run_scoped3A : memref<!tpu.dma_semaphore, #tpu.memory_space<semaphore_mem>>)
      %dma_wait3A_84 = arith.constant 0 : i32
      %dma_wait3A_85 = arith.constant 0 : i32
      %dma_wait3A_86 = tpu.memref_slice %arg3[%add3A, %dma_wait3A_84, %dma_wait3A_85] : memref<32x2x16xf32, #tpu.memory_space<hbm>> -> memref<1x2x16xf32, #tpu.memory_space<hbm>>
      %dma_wait3A_87 = tpu.memref_squeeze %dma_wait3A_86 : memref<1x2x16xf32, #tpu.memory_space<hbm>> -> memref<2x16xf32, #tpu.memory_space<hbm>>
      %dma_wait3A_88 = arith.constant 0 : i32
      %dma_wait3A_89 = arith.constant 0 : i32
      %dma_wait3A_90 = tpu.memref_slice %arg3[%add3A, %dma_wait3A_88, %dma_wait3A_89] : memref<32x2x16xf32, #tpu.memory_space<hbm>> -> memref<1x2x16xf32, #tpu.memory_space<hbm>>
      %dma_wait3A_91 = tpu.memref_squeeze %dma_wait3A_90 : memref<1x2x16xf32, #tpu.memory_space<hbm>> -> memref<2x16xf32, #tpu.memory_space<hbm>>
      tpu.wait_dma2 semaphore(%run_scoped3A : memref<!tpu.dma_semaphore, #tpu.memory_space<semaphore_mem>>) src(%arg5 : memref<2x16xf32, #tpu.memory_space<vmem>>) dst(%dma_wait3A_91 : memref<2x16xf32, #tpu.memory_space<hbm>>)
      tpu.yield
    }) : () -> ()
    return
  }
}

</mosaic_0001>

<sc_bundles>
// kernel: kernel.3.cloned.1.call-start
scs
__scs_entry_jumppad:
0x0: {  	(pc) =	sbr.rel $0x88, $3  }
0x1: {  	(tag) =	ssettag $0x0;
	lr =	simm.s32 $0x1  }
0x2: {  	[smem:$0x3F9F] =	sst lr;
	_ =	strace $0xD0000000  }
0x3: {  	_ = 	snop  }
0x4: {  	_ = 	snop  }
0x5: {  	_ = 	snop  }
0x6: {  	_ = 	snop  }
0x7: {  	_ = 	snop  }
__scs_overlays_trampoline_lowered:
0x8: {  	[smem:$0x3FAE] =	sst s0  }
0x9: {  	[smem:$0x3FAF] =	sst s1  }
0xa: {  	[smem:$0x3FB0] =	sst s2  }
0xb: {  	[smem:$0x3FB1] =	sst s3  }
0xc: {  	[smem:$0x3FB2] =	sst s4  }
0xd: {  	[smem:$0x3FB3] =	sst s5  }
0xe: {  	[smem:$0x3FB4] =	sst s6  }
0xf: {  	[smem:$0x3FB5] =	sst s7  }
0x10: {  	[smem:$0x3FB6] =	sst s8  }
0x11: {  	[smem:$0x3FB7] =	sst s9;
	s0 =	simm.s32 @!p0 $0x0  }
0x12: {  	s1 =	sld [smem:$0x3F9D];
	s0 =	simm.s32 @p0 $0x1  }
0x13: {  	[smem:$0x3FB8] =	sst s0;
	s0 =	simm.s32 @!p1 $0x0  }
0x14: {  	s2 =	sld [smem:$0x3F9C];
	s0 =	simm.s32 @p1 $0x1  }
0x15: {  	[smem:$0x3FB9] =	sst s0;
	s0 =	simm.s32 @!p2 $0x0  }
0x16: {  	s3 =	sld [smem:$0x3FDB];
	s0 =	simm.s32 @p2 $0x1  }
0x17: {  	s4 =	simm.s32 $0x1BF5;
	[smem:$0x3FBB] =	sst s0  }
0x18: {  	s0 =	sld [smem:$0x3F9E];
	_ =	swait.ge [sflag:s4], $0x0  }
0x19: {  	s7 =	sld [smem:$0x3F9F]  }
0x1a: {  	s8 =	sadd.s32 $0xFFFFE003, lr  }
0x1b: {  	s9 =	sadd.s32 $0xFFFFFEF7, lr;
	s5 =	simm.s32 $0xFFFFFFFF;
	p2 =	slt.u32 s8, $0xFFFFF086  }
0x1c: {  	p1 =	slt.u32 s9, $0xF7A;
	s5 =	simm.s32 @!p2 $0x0  }
0x1d: {  	s5 =	simm.s32 @p1 $0x1;
	p0 =	seq.s32 s7, s2  }
0x1e: {  	s7 =	smul.u32 @!p0 $0xF7A, s2;
	p2 =	seq.s32 @!p0 s5, $0x0  }
0x1f: {  	s9 =	smul.u32 $0xF7A, s1;
	s8 =	simm.s32 @!p0 $0x1BF5;
	p2 =	por !p2, p0  }
0x20: {  	[sflag:s8] =	ssyncset.s32 @!p0 $0xFFFFF086;
	s6 =	sadd.s32 @!p0 s3, s7;
	s7 =	simm.s32 @!p0 $0x108  }
0x21: {  	s3 =	sadd.s32 s3, s9;
	s6 =	sadd.s32 @!p0 $0x88, s6;
	s7 =	simm.s32 @p2 $0x1082  }
0x22: {  	[simem:s7], [sflag:s8] =	dma.local @!p0 [hbm:s6], $0xF7A  }
0x23: {  	s9 =	sor.u32 $0xD0000000, s2;
	s6 =	simm.s32 $0x108;
	_ =	swait.ge @!p0 [sflag:s8], $0x0  }
0x24: {  	s3 =	sadd.s32 $0x88, s3;
	s6 =	simm.s32 @!p1 $0x1082;
	[sflag:s4] =	ssyncset.s32 $0xFFFFF086  }
0x25: {  	[simem:s6], [sflag:s4] =	dma.local [hbm:s3], $0xF7A  }
0x26: {  	[smem:$0x3F9F] =	sst s1;
	(tag) =	ssettag s2;
	_ =	strace s9  }
0x27: {  	s1 =	sld [smem:$0x3FAF]  }
0x28: {  	s2 =	sld [smem:$0x3FB0]  }
0x29: {  	s4 =	sld [smem:$0x3FB2]  }
0x2a: {  	p0 =	seq.s32 s5, $0x0;
	s5 =	sld [smem:$0x3FB3]  }
0x2b: {  	s6 =	sld [smem:$0x3FB4]  }
0x2c: {  	s7 =	sld [smem:$0x3FB5]  }
0x2d: {  	s3 =	simm.s32 $0x108;
	s8 =	sld [smem:$0x3FB6]  }
0x2e: {  	s3 =	simm.s32 @!p0 $0x1082;
	s9 =	sld [smem:$0x3FB7]  }
0x2f: {  	lr =	sadd.s32 s0, s3;
	s0 =	sld [smem:$0x3FAE]  }
0x30: {  	s3 =	sld [smem:$0x3FB1]  }
0x31: {  	[smem:$0x3FBA] =	sst s10  }
0x32: {  	s10 =	sld [smem:$0x3FB8];
	_ =	sdelay $0x3  }
0x33: {  	p0 =	seq.s32 s10, $0x1;
	s10 =	sld [smem:$0x3FBA];
	_ =	sdelay $0x3  }
0x34: {  	[smem:$0x3FBA] =	sst s10  }
0x35: {  	s10 =	sld [smem:$0x3FB9];
	_ =	sdelay $0x3  }
0x36: {  	p1 =	seq.s32 s10, $0x1;
	s10 =	sld [smem:$0x3FBA];
	_ =	sdelay $0x3  }
0x37: {  	[smem:$0x3FBA] =	sst s10  }
0x38: {  	s10 =	sld [smem:$0x3FBB]  }
0x39: {  	_ = 	snop;
	(pc) =	sbr.ind lr, $3  }
0x3a: {  	_ = 	snop  }
0x3b: {  	_ = 	snop  }
0x3c: {  	p2 =	seq.s32 s10, $0x1;
	s10 =	sld [smem:$0x3FBA]  }
0x3d: {  	_ =	shalt  }
0x3e: {  	_ =	shalt  }
0x3f: {  	_ =	shalt  }
0x40: {  	_ =	shalt  }
0x41: {  	_ =	shalt  }
0x42: {  	_ =	shalt  }
0x43: {  	_ =	shalt  }
0x44: {  	_ =	shalt  }
0x45: {  	_ =	shalt  }
0x46: {  	_ =	shalt  }
0x47: {  	_ =	shalt  }
0x48: {  	_ =	shalt  }
0x49: {  	_ =	shalt  }
0x4a: {  	_ =	shalt  }
0x4b: {  	_ =	shalt  }
0x4c: {  	_ =	shalt  }
0x4d: {  	_ =	shalt  }
0x4e: {  	_ =	shalt  }
0x4f: {  	_ =	shalt  }
0x50: {  	_ =	shalt  }
0x51: {  	_ =	shalt  }
0x52: {  	_ =	shalt  }
0x53: {  	_ =	shalt  }
0x54: {  	_ =	shalt  }
0x55: {  	_ =	shalt  }
0x56: {  	_ =	shalt  }
0x57: {  	_ =	shalt  }
0x58: {  	_ =	shalt  }
0x59: {  	_ =	shalt  }
0x5a: {  	_ =	shalt  }
0x5b: {  	_ =	shalt  }
0x5c: {  	_ =	shalt  }
0x5d: {  	_ =	shalt  }
0x5e: {  	_ =	shalt  }
0x5f: {  	_ =	shalt  }
0x60: {  	_ =	shalt  }
0x61: {  	_ =	shalt  }
0x62: {  	_ =	shalt  }
0x63: {  	_ =	shalt  }
0x64: {  	_ =	shalt  }
0x65: {  	_ =	shalt  }
0x66: {  	_ =	shalt  }
0x67: {  	_ =	shalt  }
0x68: {  	_ =	shalt  }
0x69: {  	_ =	shalt  }
0x6a: {  	_ =	shalt  }
0x6b: {  	_ =	shalt  }
0x6c: {  	_ =	shalt  }
0x6d: {  	_ =	shalt  }
0x6e: {  	_ =	shalt  }
0x6f: {  	_ =	shalt  }
0x70: {  	_ =	shalt  }
0x71: {  	_ =	shalt  }
0x72: {  	_ =	shalt  }
0x73: {  	_ =	shalt  }
0x74: {  	_ =	shalt  }
0x75: {  	_ =	shalt  }
0x76: {  	_ =	shalt  }
0x77: {  	_ =	shalt  }
0x78: {  	_ =	shalt  }
0x79: {  	_ =	shalt  }
0x7a: {  	_ =	shalt  }
0x7b: {  	_ =	shalt  }
0x7c: {  	_ =	shalt  }
0x7d: {  	_ =	shalt  }
0x7e: {  	_ =	shalt  }
0x7f: {  	_ =	shalt  }
0x80: {  	_ =	shalt  }
0x81: {  	_ =	shalt  }
0x82: {  	_ =	shalt  }
0x83: {  	_ =	shalt  }
0x84: {  	_ =	shalt  }
0x85: {  	_ =	shalt  }
0x86: {  	_ =	shalt  }
0x87: {  	_ =	shalt  }
.Lfunc_end0:
.L_simem_size_0:
called_computation_lowered:
.L_overlay_start_0:
0x88: {  	s2 =	sld [smem:$0x3FD9]  }
0x89: {  	s3 =	sld [smem:$0x3FFE];
	_ =	sdelay $0x1  }
0x8a: {  	s1 =	srdreg.scid  }
0x8b: {  	s0 =	sand.u32 $0x1, s1  }
0x8c: {  	s16 =	sshll.u32 s0, $0xA;
	s2 =	sadd.s32 s3, s2  }
0x8d: {  	s2 =	sadd.s32 s2, s16  }
0x8e: {  	[smem:$0x3FC6] =	sst s2  }
0x8f: {  	_ = 	snop  }
0x90: {  	(tm) =	ssettm $0x1  }
0x91: {  	s17 =	sld [smem:$0x3FFB];
	_ =	sdelay $0x3  }
0x92: {  	_ =	strace s17  }
0x93: {  	s2 =	sld [smem:$0x3FFC];
	_ =	sdelay $0x3  }
0x94: {  	_ =	strace s2  }
0x95: {  	s2 =	sld [smem:$0x3FFD];
	_ =	sdelay $0x3  }
0x96: {  	_ =	strace s2  }
0x97: {  	_ =	strace $0x8FFFFFFF  }
0x98: {  	s18 =	sld [smem:$0x3FDB];
	_ =	sdelay $0x1  }
0x99: {  	s19 =	simm.s32 $_scs_section_size  }
0x9a: {  	s4 =	simm.s32 $_size__tile_overlayer_lowered;
	s5 =	simm.s32 $_tile_overlayer_lowered  }
0x9b: {  	s22 =	simm.s32 $0x1BFF;
	s21 =	sshll.u32 s5, $0x1;
	s2 =	sadd.s32 s19, s18  }
0x9c: {  	s6 =	simm.s32 $0x0;
	s20 =	sshll.u32 s4, $0x1;
	s4 =	sadd.s32 s21, s2  }
0x9d: {  	[timem:s6], [sflag:s22] =	dma.local [hbm:s4], s20  }
0x9e: {  	_ =	swait.ge [sflag:s22], s20  }
0x9f: {  	s3 =	ssub.s32 $0x0, s20;
	[sflag:s22] =	ssyncset.done $0x0  }
0xa0: {  	[sflag:s22] =	ssyncadd.s32 s3;
	_ =	sdelay $0x1  }
0xa1: {  	s23 =	simm.s32 $0x1B8B  }
0xa2: {  	_ =	swait.ge [sflag:s23], $0x1  }
0xa3: {  	[sflag:s23] =	ssyncset.done $0x0  }
0xa4: {  	s25 =	simm.s32 $0x1B8E;
	s24 =	sld [smem:$0x3FFE];
	[sflag:s23] =	ssyncadd.s32 $0xFFFFFFFF  }
0xa5: {  	s26 =	simm.s32 $execute0_lowered;
	[smem:$0x3FD2] =	sst s25  }
0xa6: {  	s4 =	sshll.u32 s26, $0x1;
	_ =	strace $0x80000046;
	[dreg:$0x1] =	wrdreg $0xFFFFFFFF  }
0xa7: {  	s28 =	simm.s32 $_size_execute0_lowered;
	s2 =	sadd.s32 s2, s4;
	[dreg:$0x0] =	wrdreg $0x0  }
0xa8: {  	s4 =	sshll.u32 s28, $0x1;
	[dreg:$0x2] =	wrdreg s2  }
0xa9: {  	[dreg:$0x3] =	wrdreg s4  }
0xaa: {  	[dreg:$0x4] =	wrdreg $0xC0  }
0xab: {  	_ =	task [dreg:s6], $0x5FFFF  }
0xac: {  	[dreg:$0x1] =	wrdreg $0xFFFFFFFF  }
0xad: {  	[dreg:$0x0] =	wrdreg $0x60  }
0xae: {  	[dreg:$0x2] =	wrdreg s24  }
0xaf: {  	[dreg:$0x3] =	wrdreg $0x9  }
0xb0: {  	_ =	task.clear_ibuf [dreg:s6], $0x4FFFF;
	_ =	strace $0x90000046  }
0xb1: {  	s29 =	simm.s32 $0x9;
	_ =	strace $0x80000048  }
0xb2: {  	_ =	swait.ge [sflag:s29], $0x1  }
0xb3: {  	[sflag:s29] =	ssyncadd.s32 $0xFFFFFFFF  }
0xb4: {  	_ =	strace $0x90000048  }
0xb5: {  	_ =	sfence  }
0xb6: {  	s30 =	sld [smem:$0x0];
	_ =	sdelay $0x2  }
0xb7: {  	s31 =	sshll.u32 s1, $0xD;
	s1 =	sshrl.u32 s1, $0x2  }
0xb8: {  	s3 =	sand.u32 $0x4000, s31;
	s1 =	sadd.s32 s1, s30  }
0xb9: {  	s0 =	sor.u32 s3, s0;
	s1 =	sshll.u32 s1, $0x11  }
0xba: {  	s0 =	sor.u32 s1, s0  }
0xbb: {  	s0 =	sadd.s32 $0x8F2B, s0  }
0xbc: {  	[sflag:s0] =	ssyncadd.remote.s32 $0x1  }
0xbd: {  	_ =	sfence.sel $0xFFFF  }
0xbe: {  	[dreg:$0x0] =	wrdreg $0xFFFFFFFF;
	(pc) =	sbr.abs _section_cstart, $3  }
0xbf: {  	[dreg:$0x1] =	wrdreg $0xFFFFFFFF  }
0xc0: {  	_ =	task.clear_ibuf [dreg:s6], $0x2FFFF;
	_ =	strace $0x9FFFFFFF  }
0xc1: {  	(tm) =	ssettm $0x7FFFFFFF  }
tec
execute0_lowered:
.L_overlay_start_1:
0x0: {  	(tag) =	ssettag $0x1  }
0x1: {  	s0 =	srdreg.scid  }
0x2: {  	s2 =	stileid.u32;
	s1 =	rddreg [dreg:$0x0]  }
0x3: {  	s21 =	simm.s32 $0x5000;
	s22 =	simm.s32 $0x800;
	s23 =	simm.s32 $0x1800  }
0x4: {  	s24 =	simm.s32 $0x2800;
	s25 =	simm.s32 $0x3800;
	s26 =	simm.s32 $0x4800  }
0x5: {  	s28 =	simm.s32 $0x5800;
	s29 =	simm.s32 $0x1;
	s30 =	simm.s32 $0x2  }
0x6: {  	s31 =	simm.s32 $0x6000;
	s0 =	sand.u32 $0x1, s0;
	s3 =	sshll.u32 s2, $0x1  }
0x7: {  	s2 =	simm.s32 $0x0;
	s3 =	sor.u32 s0, s3;
	s0 =	ssub.s32 $0x2, s0  }
0x8: {  	[smem:$0x7FF] =	sst s2;
	s4 =	smul.u32 $0xC00, s3;
	s5 =	sshrl.u32 s0, $0x1  }
0x9: {  	_ =	strace $0x80000047;
	s3 =	sshll.u32 s3, $0x5;
	s0 =	ssub.s32 s0, s5  }
0xa: {  	s16 =	sadd.s32 s4, s1;
	s1 =	sadd.s32 s3, s1;
	s6 =	smax.u32 s0, $0x1  }
0xb: {  	s0 =	simm.s32 $0x0;
	s3 =	sadd.s32 $0x400, s16;
	s4 =	sadd.s32 $0x500, s16  }
0xc: {  	s5 =	sadd.s32 $0x18400, s1;
	s7 =	sadd.s32 $0x600, s16;
	s8 =	sadd.s32 $0x800, s16  }
0xd: {  	s9 =	sadd.s32 $0xA00, s16;
	s10 =	sadd.s32 $0xC00, s16;
	s11 =	sadd.s32 $0xE00, s16  }
0xe: {  	v0 =	vimm.s32 $0x0;
	v1 =	vimm.s32 $0x3;
	s12 =	sadd.s32 $0x700, s16;
	s13 =	sadd.s32 $0x900, s16;
	s14 =	sadd.s32 $0xB00, s16  }
0xf: {  	v2 =	vimm.s32 $0x2;
	v3 =	vimm.s32 $0x1;
	v4 =	vimm.f32 $0.0e+00;
	s15 =	sadd.s32 $0xD00, s16;
	s16 =	sadd.s32 $0xF00, s16;
	s1 =	simm.s32 $0x3  }
.LBB2_1:
0x10: {  	[tilespmem:s2], [sflag:$0x1] =	stream.linear.gather [hbm4b:s3+s2], $0x800, $0x38;
	[tilespmem:$0x6100] =	vst v63  }
0x11: {  	s17 =	simm.s32 $0x1000  }
0x12: {  	[tilespmem:s17], [sflag:$0x1] =	stream.linear.gather [hbm4b:s7+s2], $0x800, $0x38;
	[tilespmem:$0x6100] =	vst v63  }
0x13: {  	s18 =	simm.s32 $0x2000  }
0x14: {  	[tilespmem:s18], [sflag:$0x1] =	stream.linear.gather [hbm4b:s8+s2], $0x800, $0x38;
	[tilespmem:$0x6100] =	vst v63  }
0x15: {  	s19 =	simm.s32 $0x3000  }
0x16: {  	[tilespmem:s19], [sflag:$0x1] =	stream.linear.gather [hbm4b:s9+s2], $0x800, $0x38;
	[tilespmem:$0x6100] =	vst v63  }
0x17: {  	s20 =	simm.s32 $0x4000  }
0x18: {  	[tilespmem:s20], [sflag:$0x1] =	stream.linear.gather [hbm4b:s10+s2], $0x800, $0x38;
	[tilespmem:$0x6100] =	vst v63  }
0x19: {  	_ = 	snop  }
0x1a: {  	[tilespmem:s21], [sflag:$0x1] =	stream.linear.gather [hbm4b:s11+s2], $0x800, $0x38;
	[tilespmem:$0x6100] =	vst v63  }
0x1b: {  	_ = 	snop  }
0x1c: {  	[tilespmem:s22], [sflag:$0x2] =	stream.linear.gather [hbm4b:s4+s2], $0x800, $0x38;
	[tilespmem:$0x6100] =	vst v63  }
0x1d: {  	_ = 	snop  }
0x1e: {  	[tilespmem:s23], [sflag:$0x2] =	stream.linear.gather [hbm4b:s12+s2], $0x800, $0x38;
	[tilespmem:$0x6100] =	vst v63  }
0x1f: {  	_ = 	snop  }
0x20: {  	[tilespmem:s24], [sflag:$0x2] =	stream.linear.gather [hbm4b:s13+s2], $0x800, $0x38;
	[tilespmem:$0x6100] =	vst v63  }
0x21: {  	_ = 	snop  }
0x22: {  	[tilespmem:s25], [sflag:$0x2] =	stream.linear.gather [hbm4b:s14+s2], $0x800, $0x38;
	[tilespmem:$0x6100] =	vst v63  }
0x23: {  	_ = 	snop  }
0x24: {  	[tilespmem:s26], [sflag:$0x2] =	stream.linear.gather [hbm4b:s15+s2], $0x800, $0x38;
	[tilespmem:$0x6100] =	vst v63  }
0x25: {  	_ = 	snop  }
0x26: {  	[tilespmem:s28], [sflag:$0x2] =	stream.linear.gather [hbm4b:s16+s2], $0x800, $0x38;
	[tilespmem:$0x6100] =	vst v63  }
0x27: {  	_ =	swait.ge [sflag:s29], $0x3000  }
0x28: {  	[sflag:s29] =	ssyncset.done $0x0  }
0x29: {  	v5 =	vimm.f32 $0.0e+00;
	v6 =	vimm.f32 $0.0e+00;
	s17 =	simm.s32 $0x0;
	s18 =	simm.s32 $0x0;
	[sflag:s29] =	ssyncadd.s32 $0xFFFFD000  }
.LBB2_2:
0x2a: {  	s19 =	sand.u32 $0x70, s18;
	s20 =	sand.u32 $0x400, s17  }
0x2b: {  	s19 =	sor.u32 s19, s20  }
0x2c: {  	v7 =	vld [tilespmem:s19+$0x0]  }
0x2d: {  	v8 =	vld [tilespmem:s19+$0x80]  }
0x2e: {  	v9 =	vld [tilespmem:s19+$0x100]  }
0x2f: {  	v10 =	vld [tilespmem:s19+$0x180];
	_ =	sdelay $0x4  }
0x30: {  	v11 =	vmax.f32 v7, v8;
	v12 =	vmax.f32 v9, v10  }
0x31: {  	v11 =	vmax.f32 v11, v12  }
0x32: {  	v7 =	vsub.f32 v7, v11  }
0x33: {  	v8 =	vsub.f32 v8, v11  }
0x34: {  	v7 =	vmul.f32 $1.442695020e+00, v7  }
0x35: {  	v9 =	vsub.f32 v9, v11;
	v8 =	vmul.f32 $1.442695020e+00, v8  }
0x36: {  	(erf) = vpow2.f32 v7  }
0x37: {  	v7 =	vmul.f32 $1.442695020e+00, v9;
	(erf) = vpow2.f32 v8;
	v8 =	vsub.f32 v10, v11;
	_ =	sdelay $0x1  }
0x38: {  	(erf) = vpow2.f32 v7;
	v7 =	vmul.f32 $1.442695020e+00, v8;
	_ =	sdelay $0x1  }
0x39: {  	(erf) = vpow2.f32 v7;
	_ =	sdelay $0x3  }
0x3a: {  	v41 =	vld [tilespmem:s19+$0x200];
	v30 =	vpop (erf)  }
0x3b: {  	s20 =	sor.u32 s17, s18;
	v42 =	vld [tilespmem:s19+$0x280];
	v31 =	vpop (erf)  }
0x3c: {  	v43 =	vld [tilespmem:s19+$0x300];
	s20 =	sor.u32 $0x380, s20;
	v7 =	vadd.f32 v31, v30  }
0x3d: {  	v44 =	vld [tilespmem:s20+$0x0];
	v32 =	vpop (erf)  }
0x3e: {  	v7 =	vadd.f32 v7, v32  }
0x3f: {  	v13 =	vpop (erf)  }
0x40: {  	v15 =	vld [tilespmem:s19+$0x3180];
	v7 =	vadd.f32 v7, v13  }
0x41: {  	v9 =	vld [tilespmem:s19+$0x3080]  }
0x42: {  	v28 =	vmax.f32 v41, v42;
	v29 =	vmax.f32 v43, v44;
	v8 =	vld [tilespmem:s19+$0x3000];
	(erf) = vrcp.f32 v7  }
0x43: {  	v28 =	vmax.f32 v28, v29  }
0x44: {  	v49 =	vsub.f32 v44, v28  }
0x45: {  	v7 =	vld [tilespmem:s19+$0x3100]  }
0x46: {  	v52 =	vmul.f32 $1.442695020e+00, v49;
	vm15 =	vle.f32 v9, v15  }
0x47: {  	v26 =	vsel vm15, $0xFFFFFFFF, v0;
	v27 =	vsel vm15, $0x1, v0;
	v36 =	vmin.f32 v8, v9  }
0x48: {  	v37 =	vmax.f32 v8, v9;
	vm14 =	vle.f32 v8, v9;
	vm3 =	vle.f32 v8, v15  }
0x49: {  	v22 =	vsel vm3, $0xFFFFFFFF, v0;
	v23 =	vsel vm3, $0x1, v0;
	v45 =	vsel vm14, $0x2, v1  }
0x4a: {  	v23 =	vadd.s32 v27, v23;
	v38 =	vmin.f32 v7, v15;
	v39 =	vmax.f32 v7, v15  }
0x4b: {  	vm2 =	vle.f32 v8, v7;
	vm4 =	vle.f32 v9, v7;
	vm6 =	vle.f32 v7, v15;
	v14 =	vpop (erf)  }
0x4c: {  	v20 =	vmax.f32 v36, v38;
	v21 =	vsel vm2, $0xFFFFFFFF, v0;
	v14 =	vmul.f32 $3.000000000e+00, v14  }
0x4d: {  	v24 =	vsel vm4, $0xFFFFFFFF, v0;
	v25 =	vsel vm4, $0x1, v0;
	v47 =	vsel vm2, $0x2, v3  }
0x4e: {  	v21 =	vadd.s32 v21, v45;
	v10 =	vmul.f32 v14, v30;
	v11 =	vmul.f32 v14, v31  }
0x4f: {  	v21 =	vadd.s32 v22, v21;
	v12 =	vmul.f32 v14, v32;
	v13 =	vmul.f32 v14, v13  }
0x50: {  	v14 =	vmin.f32 v36, v38;
	v31 =	vsel vm6, $0x1, v0;
	v32 =	vsel vm14, $0x3, v2  }
0x51: {  	v30 =	vsel vm6, $0xFFFFFFFF, v0;
	v24 =	vadd.s32 v24, v32;
	v51 =	vadd.s32 v31, v23  }
0x52: {  	v32 =	vimm.s32 $0x0;
	v16 =	vsub.f32 v10, v8;
	v17 =	vsub.f32 v11, v9  }
0x53: {  	v18 =	vsub.f32 v12, v7;
	v19 =	vsub.f32 v13, v15;
	v46 =	vadd.s32 v26, v24  }
0x54: {  	v24 =	vadd.s32 v25, v47;
	vm7 =	vle.f32 v10, v12;
	vm8 =	vle.f32 v10, v13  }
0x55: {  	vm9 =	vle.f32 v10, v11;
	vm10 =	vle.f32 v11, v12;
	vm11 =	vle.f32 v11, v13  }
0x56: {  	v50 =	vadd.s32 v30, v24;
	v53 =	vsel vm7, $0xFFFFFFFF, v0;
	v54 =	vsel vm8, $0xFFFFFFFF, v0  }
0x57: {  	v55 =	vsel vm8, $0x1, v0;
	v56 =	vsel vm10, $0xFFFFFFFF, v0;
	v57 =	vsel vm10, $0x1, v0  }
0x58: {  	v11 =	vsel vm11, $0xFFFFFFFF, v0;
	v58 =	vsel vm11, $0x1, v0;
	v59 =	vsel vm9, $0x2, v1  }
0x59: {  	v61 =	vsel vm7, $0x2, v3;
	v63 =	vsel vm9, $0x3, v2;
	vm9 =	veq.f32 v8, $0.0e+00  }
0x5a: {  	vm10 =	veq.f32 v9, $0.0e+00;
	vm11 =	veq.f32 v7, $0.0e+00;
	v33 =	vand.u32 $0x7FFFFFFF, v16  }
0x5b: {  	v34 =	vand.u32 $0x7FFFFFFF, v17;
	v35 =	vand.u32 $0x7FFFFFFF, v18;
	v16 =	vmin.f32 v37, v39  }
0x5c: {  	v19 =	vand.u32 $0x7FFFFFFF, v19;
	v18 =	vsub.f32 v41, v28;
	v17 =	vsub.f32 v42, v28  }
0x5d: {  	v10 =	vadd.s32 v54, v53;
	v11 =	vadd.s32 v11, v56;
	v30 =	vadd.s32 v58, v55  }
0x5e: {  	v8 =	vsel vm9, $0x1, v0;
	v9 =	vsel vm10, $0x1, v0;
	v7 =	vsel vm11, $0x1, v0  }
0x5f: {  	vm0 =	vle.f32 v33, $9.000000350e-02;
	vm1 =	vle.f32 v34, $9.000000350e-02;
	vm12 =	vle.f32 v35, $9.000000350e-02  }
0x60: {  	v40 =	vmin.f32 v16, v20;
	v16 =	vmax.f32 v16, v20;
	vm13 =	vle.f32 v19, $9.000000350e-02  }
0x61: {  	v19 =	vsub.f32 v43, v28;
	v10 =	vadd.s32 v59, v10;
	v18 =	vmul.f32 $1.442695020e+00, v18  }
0x62: {  	v11 =	vadd.s32 v63, v11;
	v8 =	vadd.s32 v8, v9;
	v17 =	vmul.f32 $1.442695020e+00, v17  }
0x63: {  	vm0 =	vmand vm0, vm1;
	v14 =	vsub.f32 v14, v40;
	(erf) = vpow2.f32 v18  }
0x64: {  	v16 =	vsub.f32 v16, v40;
	v48 =	vmul.f32 $1.442695020e+00, v19;
	(erf) = vpow2.f32 v17  }
0x65: {  	v53 =	vld [tilespmem:s19+$0x1100];
	vm2 =	veq.s32 v10, v21;
	vm15 =	veq.s32 v11, v46;
	v7 =	vadd.s32 v7, v8  }
0x66: {  	v55 =	vld [tilespmem:s19+$0x1180];
	vm0 =	vmand vm12, vm0;
	vm12 =	vle.f32 v12, v13;
	(erf) = vpow2.f32 v48  }
0x67: {  	v13 =	vadd.s32 v57, v61;
	vm0 =	vmand vm13, vm0;
	v14 =	vand.u32 $0x7FFFFFFF, v14  }
0x68: {  	v16 =	vand.u32 $0x7FFFFFFF, v16;
	v12 =	vsel vm12, $0xFFFFFFFF, v0;
	(erf) = vpow2.f32 v52  }
0x69: {  	v60 =	vsel vm12, $0x1, v0;
	vm12 =	veq.f32 v15, $0.0e+00;
	v12 =	vadd.s32 v12, v13  }
0x6a: {  	vm13 =	vlt.f32 v16, $2.999999930e-02;
	vm14 =	vlt.f32 v14, $2.999999930e-02;
	v14 =	vadd.s32 v60, v30  }
0x6b: {  	v33 =	vsel vm12, $0x1, v0;
	v59 =	vmax.f32 v53, v55;
	v30 =	vimm.s32 $0x0  }
0x6c: {  	vm3 =	veq.s32 v12, v50;
	vm1 =	vmand vm13, vm2;
	v7 =	vadd.s32 v33, v7;
	v62 =	vpop (erf)  }
0x6d: {  	vm8 =	vgt.u32 v12, $0x1;
	vm10 =	vgt.u32 v14, $0x1;
	vm12 =	veq.s32 v14, $0x3;
	v24 =	vpop (erf)  }
0x6e: {  	vm5 =	vmor vm13, vm3;
	vm13 =	vgt.u32 v10, $0x1;
	v28 =	vadd.f32 v24, v62  }
0x6f: {  	vm9 =	vmand vm3, vm8;
	vm4 =	vmand vm14, vm5;
	vm14 =	vgt.u32 v11, $0x1;
	v29 =	vpop (erf)  }
0x70: {  	v35 =	vsel vm9, $0x1, v0;
	vm5 =	vlt.u32 v7, $0x2;
	v13 =	vadd.f32 v28, v29  }
0x71: {  	v9 =	vld [tilespmem:s19+$0x3200];
	vm4 =	vmor vm1, vm4;
	vm1 =	veq.s32 v14, v51;
	vm15 =	vmand vm15, vm14;
	v31 =	vpop (erf)  }
0x72: {  	v12 =	vld [tilespmem:s19+$0x3380];
	vm6 =	vmand vm0, vm4;
	vm0 =	vmand vm2, vm13;
	v13 =	vadd.f32 v13, v31  }
0x73: {  	v10 =	vld [tilespmem:s19+$0x3280];
	v34 =	vsel vm15, $0x1, v0;
	vm11 =	vmand vm1, vm10;
	vm2 =	vmand vm2, vm3  }
0x74: {  	vm13 =	veq.s32 v7, $0x3;
	vm15 =	veq.s32 v7, $0x2;
	(erf) = vrcp.f32 v13  }
0x75: {  	v11 =	vld [tilespmem:s19+$0x3300];
	v18 =	vsel vm6, $0xFFFFFFFF, v32;
	v8 =	vsel vm0, $0x1, v0;
	v36 =	vsel vm11, $0x1, v0  }
0x76: {  	vm0 =	vmand vm13, vm12;
	vm1 =	vmand vm1, vm2;
	vm6 =	vmor vm5, vm6  }
0x77: {  	v48 =	vld [tilespmem:s19+$0x1000];
	vm12 =	vle.f32 v9, v12;
	v8 =	vadd.s32 v34, v8;
	v39 =	vsel vm0, $0x3F800000, v4  }
0x78: {  	v51 =	vld [tilespmem:s19+$0x1080];
	v42 =	vsel vm1, $0x3F800000, v4;
	v44 =	vmin.f32 v9, v10;
	v45 =	vmax.f32 v9, v10  }
0x79: {  	vm13 =	vle.f32 v9, v10;
	v57 =	vsel vm12, $0xFFFFFFFF, v0;
	v8 =	vadd.s32 v35, v8  }
0x7a: {  	v60 =	vsel vm12, $0x1, v0;
	v46 =	vmin.f32 v11, v12;
	v8 =	vadd.s32 v36, v8  }
0x7b: {  	v47 =	vmax.f32 v11, v12;
	vm11 =	vle.f32 v9, v11;
	vm14 =	veq.s32 v8, $0x2  }
0x7c: {  	v50 =	vmax.f32 v44, v46;
	v38 =	vsel vm14, $0x3F800000, v4;
	vm14 =	vle.f32 v10, v11  }
0x7d: {  	v56 =	vsel vm11, $0xFFFFFFFF, v0;
	v58 =	vmax.f32 v48, v51;
	v61 =	vsel vm14, $0xFFFFFFFF, v0;
	v37 =	vpop (erf)  }
0x7e: {  	v28 =	vimm.s32 $0x0;
	v13 =	vsel vm15, v38, v39;
	v8 =	vmul.f32 $3.000000000e+00, v37  }
0x7f: {  	vm15 =	vle.f32 v10, v12;
	v38 =	vsel vm13, $0x2, v1;
	v39 =	vsel vm13, $0x3, v2  }
0x80: {  	v7 =	vsel vm6, $0x3F800000, v13;
	v14 =	vmul.f32 v8, v62;
	v15 =	vmul.f32 v8, v24  }
0x81: {  	v63 =	vsel vm15, $0xFFFFFFFF, v0;
	v16 =	vmul.f32 v8, v29;
	v19 =	vmul.f32 v8, v31  }
0x82: {  	v36 =	vsel vm15, $0x1, v0;
	v40 =	vsub.f32 v14, v9;
	v41 =	vsub.f32 v15, v10  }
0x83: {  	v62 =	vsel vm14, $0x1, v0;
	v43 =	vsub.f32 v16, v11;
	v49 =	vsub.f32 v19, v12  }
0x84: {  	vm12 =	vle.f32 v15, v16;
	vm13 =	vle.f32 v15, v19;
	vm14 =	vle.f32 v16, v19  }
0x85: {  	[tilespmem:$0x1FF90] =	vst v18;
	v17 =	vand.u32 $0x7FFFFFFF, v40;
	v18 =	vand.u32 $0x7FFFFFFF, v41;
	v8 =	vand.u32 $0x7FFFFFFF, v43  }
0x86: {  	v24 =	vand.u32 $0x7FFFFFFF, v49;
	v43 =	vsel vm11, $0x2, v3;
	vm11 =	vle.f32 v14, v19  }
0x87: {  	vm7 =	vle.f32 v17, $9.000000350e-02;
	vm8 =	vle.f32 v18, $9.000000350e-02;
	v18 =	vmin.f32 v45, v47  }
0x88: {  	vm9 =	vle.f32 v8, $9.000000350e-02;
	v8 =	vmin.f32 v44, v46;
	vm10 =	vle.f32 v24, $9.000000350e-02  }
0x89: {  	v24 =	vmax.f32 v58, v59;
	v45 =	vadd.s32 v62, v43;
	v46 =	vadd.s32 v36, v60  }
0x8a: {  	v49 =	vsel vm11, $0x1, v0;
	vm1 =	vmand vm7, vm8;
	v52 =	vmin.f32 v18, v50  }
0x8b: {  	v18 =	vmax.f32 v18, v50;
	v23 =	vsub.f32 v48, v24;
	v22 =	vsub.f32 v51, v24  }
0x8c: {  	vm8 =	vle.f32 v11, v12;
	v21 =	vsub.f32 v53, v24;
	v40 =	vsub.f32 v55, v24  }
0x8d: {  	v48 =	vsel vm11, $0xFFFFFFFF, v0;
	v50 =	vsel vm12, $0xFFFFFFFF, v0;
	v51 =	vsel vm12, $0x1, v0  }
0x8e: {  	v55 =	vsel vm14, $0xFFFFFFFF, v0;
	vm11 =	veq.f32 v9, $0.0e+00;
	vm12 =	veq.f32 v10, $0.0e+00  }
0x8f: {  	v54 =	vsub.f32 v8, v52;
	vm1 =	vmand vm9, vm1;
	v17 =	vsub.f32 v18, v52  }
0x90: {  	v8 =	vsel vm5, v42, v13;
	v37 =	vsel vm8, $0xFFFFFFFF, v0;
	v18 =	vadd.s32 v56, v38  }
0x91: {  	v41 =	vsel vm8, $0x1, v0;
	v42 =	vadd.s32 v61, v39;
	vm9 =	vle.f32 v14, v15  }
0x92: {  	v52 =	vsel vm13, $0xFFFFFFFF, v0;
	v56 =	vsel vm14, $0x1, v0;
	v9 =	vsel vm11, $0x1, v0  }
0x93: {  	v10 =	vsel vm12, $0x1, v0;
	vm14 =	veq.f32 v12, $0.0e+00;
	v38 =	vimm.s32 $0x0  }
0x94: {  	vm0 =	vmand vm10, vm1;
	v23 =	vmul.f32 $1.442695020e+00, v23;
	v22 =	vmul.f32 $1.442695020e+00, v22  }
0x95: {  	v21 =	vmul.f32 $1.442695020e+00, v21;
	v18 =	vadd.s32 v57, v18;
	v44 =	vmul.f32 $1.442695020e+00, v40  }
0x96: {  	v20 =	vadd.s32 v63, v42;
	vm10 =	vle.f32 v14, v16;
	(erf) = vpow2.f32 v23  }
0x97: {  	v58 =	vsel vm9, $0x2, v1;
	v60 =	vsel vm9, $0x3, v2;
	(erf) = vpow2.f32 v22  }
0x98: {  	v25 =	vadd.s32 v52, v50;
	v31 =	vsel vm14, $0x1, v0;
	v9 =	vadd.s32 v9, v10  }
0x99: {  	v13 =	vand.u32 $0x7FFFFFFF, v54;
	v17 =	vand.u32 $0x7FFFFFFF, v17;
	(erf) = vpow2.f32 v21  }
0x9a: {  	v47 =	vsel vm10, $0xFFFFFFFF, v0;
	v54 =	vsel vm13, $0x1, v0;
	v61 =	vsel vm10, $0x2, v3  }
0x9b: {  	v25 =	vadd.s32 v60, v25;
	vm13 =	veq.f32 v11, $0.0e+00;
	(erf) = vpow2.f32 v44  }
0x9c: {  	v23 =	vadd.s32 v41, v46;
	v14 =	vadd.s32 v48, v47;
	v15 =	vadd.s32 v51, v61  }
0x9d: {  	v19 =	vadd.s32 v54, v49;
	vm15 =	vlt.f32 v17, $2.999999930e-02;
	vm8 =	vlt.f32 v13, $2.999999930e-02  }
0x9e: {  	vm10 =	veq.s32 v25, v20;
	v11 =	vsel vm13, $0x1, v0;
	vm6 =	vgt.u32 v25, $0x1  }
0x9f: {  	v22 =	vadd.s32 v37, v45;
	v14 =	vadd.s32 v58, v14;
	v15 =	vadd.s32 v55, v15;
	v53 =	vpop (erf)  }
0xa0: {  	v27 =	vadd.s32 v56, v19;
	v9 =	vadd.s32 v11, v9;
	vm7 =	vmand vm10, vm6;
	v57 =	vpop (erf)  }
0xa1: {  	vm1 =	veq.s32 v15, v22;
	vm2 =	veq.s32 v14, v18;
	v59 =	vadd.f32 v57, v53  }
0xa2: {  	v34 =	vsel vm7, $0x1, v0;
	vm10 =	vgt.u32 v27, $0x1;
	v9 =	vadd.s32 v31, v9;
	v62 =	vpop (erf)  }
0xa3: {  	vm14 =	veq.s32 v27, $0x3;
	vm9 =	vmor vm15, vm1;
	v21 =	vadd.f32 v59, v62  }
0xa4: {  	v12 =	vld [tilespmem:s19+$0x4080];
	vm3 =	vmand vm15, vm2;
	vm15 =	vgt.u32 v14, $0x1;
	vm12 =	vmand vm2, vm1;
	v63 =	vpop (erf)  }
0xa5: {  	v11 =	vld [tilespmem:s19+$0x4000];
	vm7 =	veq.s32 v9, $0x2;
	vm4 =	vmand vm8, vm9;
	v26 =	vadd.f32 v21, v63  }
0xa6: {  	vm8 =	vgt.u32 v15, $0x1;
	vm3 =	vmor vm3, vm4;
	vm4 =	veq.s32 v27, v23  }
0xa7: {  	v13 =	vsel vm4, $0xFFFFFFFF, v28;
	vm0 =	vmand vm0, vm3;
	(erf) = vrcp.f32 v26  }
0xa8: {  	v19 =	vld [tilespmem:s19+$0x4180];
	vm9 =	vmand vm1, vm8;
	[tilespmem:$0x1FF40] =	vst v13;
	v13 =	vsel vm0, $0xFFFFFFFF, v30;
	vm0 =	vmand vm2, vm15  }
0xa9: {  	v18 =	vsel vm12, $0xFFFFFFFF, v38;
	v35 =	vsel vm9, $0x1, v0;
	v33 =	vsel vm0, $0x1, v0  }
0xaa: {  	vm11 =	vmand vm4, vm10;
	v43 =	vmin.f32 v11, v12;
	[tilespmem:$0x1FF10] =	vst v13;
	v13 =	vld [tilespmem:s19+$0x4100];
	v10 =	vadd.s32 v34, v33  }
0xab: {  	v44 =	vmax.f32 v11, v12;
	v37 =	vsel vm11, $0x1, v0;
	v10 =	vadd.s32 v35, v10  }
0xac: {  	vm15 =	veq.s32 v9, $0x3;
	vm11 =	vle.f32 v11, v12;
	v10 =	vadd.s32 v37, v10  }
0xad: {  	vm4 =	vmand vm15, vm14;
	vm15 =	vle.f32 v12, v19;
	vm13 =	veq.s32 v10, $0x2  }
0xae: {  	v61 =	vsel vm15, $0xFFFFFFFF, v0;
	v33 =	vsel vm15, $0x1, v0;
	v10 =	vsel vm13, $0x3F800000, v4  }
0xaf: {  	v47 =	vld [tilespmem:s19+$0x1200];
	v45 =	vmin.f32 v13, v19;
	v46 =	vmax.f32 v13, v19;
	vm12 =	vle.f32 v11, v13  }
0xb0: {  	v49 =	vld [tilespmem:s19+$0x1280];
	vm13 =	vle.f32 v11, v19;
	vm14 =	vle.f32 v12, v13;
	v48 =	vmax.f32 v43, v45;
	v36 =	vpop (erf)  }
0xb1: {  	v54 =	vsel vm12, $0xFFFFFFFF, v0;
	v55 =	vsel vm13, $0xFFFFFFFF, v0;
	v14 =	vmul.f32 $3.000000000e+00, v36  }
0xb2: {  	v56 =	vsel vm13, $0x1, v0;
	v59 =	vsel vm14, $0xFFFFFFFF, v0;
	v60 =	vsel vm14, $0x1, v0  }
0xb3: {  	[tilespmem:$0x1FF50] =	vst v18;
	v36 =	vsel vm11, $0x2, v1;
	v16 =	vmul.f32 v14, v53;
	v18 =	vmul.f32 v14, v57  }
0xb4: {  	v26 =	vadd.s32 v54, v36;
	v17 =	vmul.f32 v14, v62;
	v14 =	vmul.f32 v14, v63  }
0xb5: {  	v57 =	vmax.f32 v47, v49;
	v62 =	vsel vm11, $0x3, v2;
	v37 =	vadd.s32 v55, v26  }
0xb6: {  	v38 =	vadd.s32 v59, v62;
	v39 =	vsub.f32 v16, v11;
	v40 =	vsub.f32 v18, v12  }
0xb7: {  	v51 =	vld [tilespmem:s19+$0x1300];
	v41 =	vsub.f32 v17, v13;
	v24 =	vsub.f32 v14, v19;
	vm11 =	vle.f32 v18, v17  }
0xb8: {  	v53 =	vld [tilespmem:s19+$0x1380];
	vm13 =	vle.f32 v17, v14;
	v15 =	vand.u32 $0x7FFFFFFF, v39;
	v20 =	vand.u32 $0x7FFFFFFF, v40  }
0xb9: {  	v42 =	vand.u32 $0x7FFFFFFF, v41;
	v24 =	vand.u32 $0x7FFFFFFF, v24;
	v39 =	vsel vm12, $0x2, v3  }
0xba: {  	v40 =	vadd.s32 v61, v38;
	vm12 =	vle.f32 v18, v14;
	v61 =	vimm.s32 $0x0  }
0xbb: {  	vm5 =	vle.f32 v15, $9.000000350e-02;
	vm6 =	vle.f32 v20, $9.000000350e-02;
	vm8 =	vle.f32 v42, $9.000000350e-02  }
0xbc: {  	v20 =	vmin.f32 v44, v46;
	v15 =	vmin.f32 v43, v45;
	vm10 =	vle.f32 v24, $9.000000350e-02  }
0xbd: {  	v58 =	vmax.f32 v51, v53;
	v26 =	vadd.s32 v60, v39;
	v42 =	vadd.s32 v33, v56  }
0xbe: {  	v45 =	vsel vm11, $0xFFFFFFFF, v0;
	v46 =	vsel vm11, $0x1, v0;
	v60 =	vimm.s32 $0x0  }
0xbf: {  	vm11 =	veq.f32 v12, $0.0e+00;
	vm1 =	vmand vm5, vm6;
	v50 =	vmin.f32 v20, v48  }
0xc0: {  	v20 =	vmax.f32 v20, v48;
	v29 =	vmax.f32 v57, v58;
	vm5 =	vle.f32 v13, v19  }
0xc1: {  	vm6 =	vle.f32 v16, v17;
	v58 =	vimm.s32 $0x0;
	v12 =	vsel vm11, $0x1, v0  }
0xc2: {  	v52 =	vsub.f32 v15, v50;
	v20 =	vsub.f32 v20, v50;
	v15 =	vsel vm4, $0x3F800000, v4  }
0xc3: {  	vm9 =	vmand vm8, vm1;
	v23 =	vsub.f32 v47, v29;
	v22 =	vsub.f32 v49, v29  }
0xc4: {  	v34 =	vsel vm5, $0xFFFFFFFF, v0;
	v35 =	vsel vm5, $0x1, v0;
	v25 =	vsub.f32 v51, v29  }
0xc5: {  	v21 =	vsub.f32 v53, v29;
	v43 =	vsel vm6, $0xFFFFFFFF, v0;
	v47 =	vsel vm12, $0x1, v0  }
0xc6: {  	v51 =	vsel vm13, $0x1, v0;
	v54 =	vsel vm6, $0x2, v3;
	vm8 =	vmand vm10, vm9  }
0xc7: {  	v41 =	vadd.s32 v34, v26;
	v26 =	vadd.s32 v35, v42;
	vm9 =	vle.f32 v16, v18  }
0xc8: {  	vm10 =	vle.f32 v16, v14;
	v18 =	vsel vm12, $0xFFFFFFFF, v0;
	v14 =	vsel vm13, $0xFFFFFFFF, v0  }
0xc9: {  	v28 =	vadd.s32 v46, v54;
	vm12 =	veq.f32 v13, $0.0e+00;
	vm13 =	veq.f32 v19, $0.0e+00  }
0xca: {  	v24 =	vand.u32 $0x7FFFFFFF, v52;
	v23 =	vmul.f32 $1.442695020e+00, v23;
	v22 =	vmul.f32 $1.442695020e+00, v22  }
0xcb: {  	v20 =	vand.u32 $0x7FFFFFFF, v20;
	v63 =	vmul.f32 $1.442695020e+00, v25;
	v21 =	vmul.f32 $1.442695020e+00, v21  }
0xcc: {  	v16 =	vsel vm10, $0xFFFFFFFF, v0;
	v44 =	vsel vm10, $0x1, v0;
	(erf) = vpow2.f32 v23  }
0xcd: {  	v49 =	vsel vm9, $0x2, v1;
	v53 =	vsel vm9, $0x3, v2;
	(erf) = vpow2.f32 v22  }
0xce: {  	v18 =	vadd.s32 v18, v45;
	v14 =	vadd.s32 v14, v28;
	vm10 =	veq.f32 v11, $0.0e+00  }
0xcf: {  	v62 =	vsel vm12, $0x1, v0;
	v16 =	vadd.s32 v16, v43;
	(erf) = vpow2.f32 v63  }
0xd0: {  	v27 =	vadd.s32 v47, v44;
	v18 =	vadd.s32 v53, v18;
	vm6 =	veq.s32 v14, v41  }
0xd1: {  	vm14 =	vlt.f32 v20, $2.999999930e-02;
	vm15 =	vlt.f32 v24, $2.999999930e-02;
	(erf) = vpow2.f32 v21  }
0xd2: {  	v11 =	vsel vm10, $0x1, v0;
	v16 =	vadd.s32 v49, v16;
	v27 =	vadd.s32 v51, v27  }
0xd3: {  	vm1 =	veq.s32 v18, v40;
	vm9 =	vmor vm14, vm6;
	v20 =	vsel vm6, $0xFFFFFFFF, v61  }
0xd4: {  	v11 =	vadd.s32 v11, v12;
	vm4 =	veq.s32 v16, v37;
	vm5 =	veq.s32 v27, v26  }
0xd5: {  	vm2 =	vmand vm15, vm9;
	vm15 =	vgt.u32 v18, $0x1;
	vm9 =	vgt.u32 v14, $0x1;
	v48 =	vpop (erf)  }
0xd6: {  	vm11 =	vgt.u32 v27, $0x1;
	v11 =	vadd.s32 v62, v11;
	v37 =	vimm.s32 $0x0;
	v50 =	vpop (erf)  }
0xd7: {  	v13 =	vld [tilespmem:s19+$0x4200];
	v23 =	vsel vm4, $0xFFFFFFFF, v58;
	vm0 =	vmand vm14, vm4;
	v52 =	vadd.f32 v50, v48  }
0xd8: {  	v43 =	vld [tilespmem:s19+$0x2000];
	v63 =	vsel vm13, $0x1, v0;
	vm14 =	vgt.u32 v16, $0x1;
	vm1 =	vmand vm1, vm15;
	v55 =	vpop (erf)  }
0xd9: {  	v47 =	vld [tilespmem:s19+$0x2080];
	vm10 =	vmand vm6, vm9;
	vm12 =	vmand vm5, vm11;
	v56 =	vadd.f32 v52, v55  }
0xda: {  	v14 =	vld [tilespmem:s19+$0x4280];
	[tilespmem:$0x1FF60] =	vst v23;
	v23 =	vsel vm5, $0xFFFFFFFF, v60;
	vm0 =	vmor vm0, vm2;
	vm2 =	vmand vm4, vm14;
	v57 =	vpop (erf)  }
0xdb: {  	v24 =	vsel vm10, $0x1, v0;
	v26 =	vsel vm12, $0x1, v0;
	v59 =	vadd.f32 v56, v57  }
0xdc: {  	v16 =	vld [tilespmem:s19+$0x4300];
	vm14 =	veq.s32 v27, $0x3;
	[tilespmem:$0x1FF80] =	vst v23;
	v22 =	vsel vm2, $0x1, v0;
	v23 =	vsel vm1, $0x1, v0  }
0xdd: {  	vm0 =	vmand vm8, vm0;
	v12 =	vadd.s32 v23, v22;
	(erf) = vrcp.f32 v59  }
0xde: {  	v54 =	vmax.f32 v43, v47;
	v25 =	vadd.s32 v24, v12;
	v12 =	vadd.s32 v63, v11  }
0xdf: {  	v11 =	vsel vm7, v10, v15;
	v10 =	vsel vm0, $0xFFFFFFFF, v37;
	v42 =	vmin.f32 v13, v14  }
0xe0: {  	v22 =	vld [tilespmem:s19+$0x4380];
	v44 =	vmax.f32 v13, v14;
	v37 =	vimm.s32 $0x0;
	v30 =	vadd.s32 v26, v25  }
0xe1: {  	vm15 =	veq.s32 v12, $0x3;
	vm6 =	veq.s32 v12, $0x2;
	vm12 =	vle.f32 v13, v16  }
0xe2: {  	vm13 =	veq.s32 v30, $0x2;
	vm2 =	vmand vm15, vm14;
	v53 =	vsel vm12, $0xFFFFFFFF, v0  }
0xe3: {  	vm15 =	vle.f32 v14, v16;
	v32 =	vsel vm13, $0x3F800000, v4;
	v33 =	vsel vm2, $0x3F800000, v4  }
0xe4: {  	[tilespmem:$0x1FF20] =	vst v10;
	vm13 =	vle.f32 v13, v14;
	v58 =	vsel vm15, $0xFFFFFFFF, v0;
	v10 =	vsel vm6, v32, v33  }
0xe5: {  	v45 =	vmin.f32 v16, v22;
	v46 =	vmax.f32 v16, v22;
	vm14 =	vle.f32 v13, v22  }
0xe6: {  	v49 =	vld [tilespmem:s19+$0x2100];
	vm4 =	vle.f32 v14, v22;
	vm5 =	vle.f32 v16, v22;
	v63 =	vsel vm13, $0x2, v1;
	v29 =	vpop (erf)  }
0xe7: {  	v33 =	vimm.s32 $0x0;
	v24 =	vmin.f32 v44, v46;
	v52 =	vld [tilespmem:s19+$0x2180];
	v31 =	vmul.f32 $3.000000000e+00, v29  }
0xe8: {  	v60 =	vsel vm4, $0xFFFFFFFF, v0;
	v61 =	vsel vm4, $0x1, v0;
	v62 =	vsel vm5, $0xFFFFFFFF, v0  }
0xe9: {  	v56 =	vsel vm14, $0xFFFFFFFF, v0;
	v59 =	vsel vm15, $0x1, v0;
	v17 =	vmul.f32 v31, v48  }
0xea: {  	vm15 =	veq.f32 v13, $0.0e+00;
	v19 =	vmul.f32 v31, v50;
	v23 =	vmul.f32 v31, v55  }
0xeb: {  	v18 =	vmul.f32 v31, v57;
	v48 =	vmax.f32 v42, v45;
	v50 =	vmin.f32 v42, v45  }
0xec: {  	v55 =	vmax.f32 v49, v52;
	v57 =	vsel vm14, $0x1, v0;
	v42 =	vsel vm13, $0x3, v2  }
0xed: {  	v45 =	vsel vm12, $0x2, v3;
	v51 =	vmin.f32 v24, v48;
	v35 =	vsub.f32 v17, v13  }
0xee: {  	v24 =	vmax.f32 v24, v48;
	v36 =	vsub.f32 v19, v14;
	v40 =	vsub.f32 v23, v16  }
0xef: {  	v46 =	vadd.s32 v61, v57;
	v28 =	vsub.f32 v18, v22;
	v15 =	vsub.f32 v50, v51  }
0xf0: {  	[tilespmem:$0x1FF70] =	vst v20;
	v20 =	vsub.f32 v24, v51;
	v24 =	vadd.s32 v53, v63;
	vm6 =	vle.f32 v17, v23  }
0xf1: {  	vm7 =	vle.f32 v17, v19;
	vm12 =	vle.f32 v23, v18;
	v13 =	vsel vm15, $0x1, v0  }
0xf2: {  	v24 =	vadd.s32 v56, v24;
	v48 =	vsel vm6, $0xFFFFFFFF, v0;
	v56 =	vsel vm12, $0x1, v0  }
0xf3: {  	v61 =	vsel vm6, $0x2, v3;
	v38 =	vand.u32 $0x7FFFFFFF, v35;
	v39 =	vand.u32 $0x7FFFFFFF, v36  }
0xf4: {  	v41 =	vand.u32 $0x7FFFFFFF, v40;
	v28 =	vand.u32 $0x7FFFFFFF, v28;
	v15 =	vand.u32 $0x7FFFFFFF, v15  }
0xf5: {  	v20 =	vand.u32 $0x7FFFFFFF, v20;
	vm8 =	vle.f32 v38, $9.000000350e-02;
	vm9 =	vle.f32 v39, $9.000000350e-02  }
0xf6: {  	vm10 =	vle.f32 v41, $9.000000350e-02;
	vm11 =	vle.f32 v28, $9.000000350e-02;
	v28 =	vmax.f32 v54, v55  }
0xf7: {  	v41 =	vsel vm5, $0x1, v0;
	vm1 =	vlt.f32 v20, $2.999999930e-02;
	vm13 =	vlt.f32 v15, $2.999999930e-02  }
0xf8: {  	v38 =	vimm.s32 $0x0;
	v21 =	vsub.f32 v43, v28;
	v27 =	vsub.f32 v47, v28  }
0xf9: {  	vm0 =	vmand vm8, vm9;
	v26 =	vsub.f32 v49, v28;
	v25 =	vsub.f32 v52, v28  }
0xfa: {  	vm8 =	vle.f32 v17, v18;
	vm9 =	vle.f32 v19, v23;
	vm0 =	vmand vm10, vm0  }
0xfb: {  	v17 =	vsel vm8, $0xFFFFFFFF, v0;
	v49 =	vsel vm8, $0x1, v0;
	v50 =	vsel vm9, $0xFFFFFFFF, v0  }
0xfc: {  	v51 =	vsel vm9, $0x1, v0;
	vm10 =	vle.f32 v19, v18;
	v18 =	vsel vm12, $0xFFFFFFFF, v0  }
0xfd: {  	vm8 =	veq.f32 v16, $0.0e+00;
	vm9 =	veq.f32 v22, $0.0e+00;
	v21 =	vmul.f32 $1.442695020e+00, v21  }
0xfe: {  	vm11 =	vmand vm11, vm0;
	v27 =	vmul.f32 $1.442695020e+00, v27;
	v40 =	vmul.f32 $1.442695020e+00, v26  }
0xff: {  	v43 =	vmul.f32 $1.442695020e+00, v25;
	v26 =	vadd.s32 v41, v46;
	v53 =	vsel vm10, $0xFFFFFFFF, v0  }
0x100: {  	v54 =	vsel vm10, $0x1, v0;
	v17 =	vadd.s32 v17, v48;
	v35 =	vsel vm9, $0x1, v0  }
0x101: {  	v29 =	vadd.s32 v53, v50;
	v28 =	vadd.s32 v54, v49;
	(erf) = vpow2.f32 v21  }
0x102: {  	v28 =	vadd.s32 v56, v28;
	(erf) = vpow2.f32 v27;
	v27 =	vadd.s32 v58, v42  }
0x103: {  	v58 =	vsel vm7, $0x2, v1;
	vm12 =	veq.s32 v28, v26;
	(erf) = vpow2.f32 v40  }
0x104: {  	v44 =	vadd.s32 v60, v27;
	v27 =	vadd.s32 v59, v45;
	v59 =	vsel vm7, $0x3, v2  }
0x105: {  	v54 =	vld [tilespmem:s19+$0x2200];
	v17 =	vadd.s32 v58, v17;
	vm7 =	veq.f32 v14, $0.0e+00;
	v16 =	vsel vm12, $0xFFFFFFFF, v37  }
0x106: {  	v56 =	vld [tilespmem:s19+$0x2280];
	(erf) = vpow2.f32 v43;
	v47 =	vadd.s32 v62, v27;
	v27 =	vadd.s32 v59, v29  }
0x107: {  	v62 =	vadd.s32 v51, v61;
	vm5 =	veq.s32 v17, v24;
	v14 =	vsel vm7, $0x1, v0  }
0x108: {  	v58 =	vld [tilespmem:s19+$0x2300];
	vm10 =	vgt.u32 v17, $0x1;
	v18 =	vadd.s32 v18, v62;
	vm0 =	veq.s32 v27, v44  }
0x109: {  	[tilespmem:$0x1FFC0] =	vst v16;
	v17 =	vld [tilespmem:s19+$0x5080];
	v16 =	vsel vm5, $0xFFFFFFFF, v38;
	vm3 =	vmand vm5, vm10;
	v13 =	vadd.s32 v13, v14  }
0x10a: {  	v59 =	vld [tilespmem:s19+$0x2380];
	vm10 =	veq.s32 v28, $0x3;
	vm6 =	veq.s32 v18, v47;
	v39 =	vsel vm3, $0x1, v0  }
0x10b: {  	[tilespmem:$0x1FFA0] =	vst v16;
	v16 =	vld [tilespmem:s19+$0x5000];
	v38 =	vmax.f32 v54, v56;
	vm14 =	vmor vm1, vm6;
	v15 =	vsel vm6, $0xFFFFFFFF, v33  }
0x10c: {  	vm2 =	vmand vm13, vm14;
	vm13 =	vgt.u32 v27, $0x1;
	vm14 =	vgt.u32 v18, $0x1  }
0x10d: {  	vm1 =	vmand vm1, vm5;
	v18 =	vld [tilespmem:s19+$0x5100];
	vm0 =	vmand vm0, vm13;
	vm15 =	vmand vm6, vm14;
	v52 =	vpop (erf)  }
0x10e: {  	[tilespmem:$0x1FFB0] =	vst v15;
	v15 =	vld [tilespmem:s19+$0x5180];
	vm6 =	vgt.u32 v28, $0x1;
	v40 =	vsel vm0, $0x1, v0;
	v41 =	vsel vm15, $0x1, v0;
	v55 =	vpop (erf)  }
0x10f: {  	vm7 =	vmand vm12, vm6;
	v14 =	vadd.s32 v40, v39;
	v57 =	vadd.f32 v55, v52  }
0x110: {  	v43 =	vsel vm7, $0x1, v0;
	v50 =	vmin.f32 v16, v17;
	v39 =	vmax.f32 v58, v59;
	v60 =	vpop (erf)  }
0x111: {  	v14 =	vadd.s32 v41, v14;
	v33 =	vmax.f32 v38, v39;
	v34 =	vadd.f32 v57, v60  }
0x112: {  	v51 =	vmax.f32 v16, v17;
	v63 =	vpop (erf);
	v14 =	vadd.s32 v43, v14;
	v29 =	vsub.f32 v54, v33  }
0x113: {  	v53 =	vmax.f32 v18, v15;
	v28 =	vsub.f32 v56, v33;
	v32 =	vadd.f32 v34, v63  }
0x114: {  	v30 =	vsub.f32 v58, v33;
	v27 =	vsub.f32 v59, v33;
	vm9 =	veq.s32 v14, $0x2  }
0x115: {  	v26 =	vmin.f32 v51, v53;
	v45 =	vsel vm9, $0x3F800000, v4;
	(erf) = vrcp.f32 v32  }
0x116: {  	vm9 =	vle.f32 v16, v17;
	v29 =	vmul.f32 $1.442695020e+00, v29;
	v28 =	vmul.f32 $1.442695020e+00, v28  }
0x117: {  	v43 =	vmul.f32 $1.442695020e+00, v30;
	v27 =	vmul.f32 $1.442695020e+00, v27;
	v34 =	vsel vm8, $0x1, v0  }
0x118: {  	vm8 =	vmor vm1, vm2;
	v37 =	vsel vm9, $0x2, v1;
	v13 =	vadd.s32 v34, v13  }
0x119: {  	vm0 =	vmand vm11, vm8;
	vm8 =	vle.f32 v16, v18;
	(erf) = vpow2.f32 v29  }
0x11a: {  	vm11 =	vle.f32 v17, v18;
	v13 =	vadd.s32 v35, v13;
	(erf) = vpow2.f32 v28  }
0x11b: {  	v62 =	vsel vm8, $0xFFFFFFFF, v0;
	v32 =	vsel vm11, $0xFFFFFFFF, v0;
	v40 =	vsel vm11, $0x1, v0  }
0x11c: {  	v41 =	vsel vm8, $0x2, v3;
	vm12 =	veq.s32 v13, $0x3;
	vm15 =	veq.s32 v13, $0x2  }
0x11d: {  	v25 =	vadd.s32 v62, v37;
	v35 =	vadd.s32 v40, v41;
	v62 =	vimm.s32 $0x0  }
0x11e: {  	vm2 =	vmand vm12, vm10;
	vm10 =	vle.f32 v16, v15;
	vm12 =	vle.f32 v17, v15;
	v42 =	vpop (erf)  }
0x11f: {  	v46 =	vsel vm2, $0x3F800000, v4;
	(erf) = vpow2.f32 v43;
	v21 =	vmul.f32 $3.000000000e+00, v42  }
0x120: {  	v31 =	vsel vm10, $0x1, v0;
	v34 =	vsel vm12, $0xFFFFFFFF, v0;
	(erf) = vpow2.f32 v27  }
0x121: {  	v36 =	vsel vm12, $0x1, v0;
	v19 =	vmul.f32 v21, v52;
	v20 =	vmul.f32 v21, v55  }
0x122: {  	v43 =	vadd.s32 v36, v31;
	v54 =	vpop (erf);
	v22 =	vmul.f32 v21, v60;
	v21 =	vmul.f32 v21, v63  }
0x123: {  	v56 =	vpop (erf);
	v52 =	vmin.f32 v18, v15;
	v60 =	vimm.s32 $0x0;
	v63 =	vsel vm10, $0xFFFFFFFF, v0  }
0x124: {  	v59 =	vadd.f32 v56, v54;
	v55 =	vmax.f32 v50, v52;
	v44 =	vsub.f32 v19, v16  }
0x125: {  	v25 =	vadd.s32 v63, v25;
	v23 =	vsub.f32 v20, v17;
	v47 =	vsub.f32 v22, v18  }
0x126: {  	v49 =	vsub.f32 v21, v15;
	v57 =	vmin.f32 v26, v55;
	v26 =	vmax.f32 v26, v55  }
0x127: {  	vm8 =	vle.f32 v20, v22;
	vm10 =	vle.f32 v22, v21;
	v26 =	vsub.f32 v26, v57  }
0x128: {  	v58 =	vsel vm10, $0x1, v0;
	v14 =	vand.u32 $0x7FFFFFFF, v44;
	v23 =	vand.u32 $0x7FFFFFFF, v23  }
0x129: {  	v48 =	vand.u32 $0x7FFFFFFF, v47;
	v44 =	vsel vm9, $0x3, v2;
	vm9 =	vle.f32 v20, v21  }
0x12a: {  	vm13 =	vle.f32 v14, $9.000000350e-02;
	vm14 =	vle.f32 v23, $9.000000350e-02;
	vm6 =	vle.f32 v48, $9.000000350e-02  }
0x12b: {  	v14 =	vand.u32 $0x7FFFFFFF, v49;
	v23 =	vmin.f32 v50, v52;
	v61 =	vand.u32 $0x7FFFFFFF, v26  }
0x12c: {  	v48 =	vsel vm8, $0xFFFFFFFF, v0;
	v49 =	vsel vm8, $0x1, v0;
	v51 =	vsel vm9, $0xFFFFFFFF, v0  }
0x12d: {  	vm8 =	veq.f32 v18, $0.0e+00;
	v41 =	vadd.s32 v32, v44;
	vm1 =	vmand vm13, vm14  }
0x12e: {  	vm7 =	vle.f32 v14, $9.000000350e-02;
	v23 =	vsub.f32 v23, v57;
	v14 =	vsel vm0, $0xFFFFFFFF, v60  }
0x12f: {  	vm13 =	vle.f32 v18, v15;
	vm14 =	vle.f32 v19, v21;
	v57 =	vsel vm9, $0x1, v0  }
0x130: {  	vm11 =	vlt.f32 v61, $2.999999930e-02;
	v61 =	vimm.s32 $0x0;
	v18 =	vsel vm8, $0x1, v0  }
0x131: {  	vm1 =	vmand vm6, vm1;
	[tilespmem:$0x1FF30] =	vst v14;
	v14 =	vsel vm15, v45, v46;
	v42 =	vsel vm13, $0xFFFFFFFF, v0  }
0x132: {  	v60 =	vpop (erf);
	v29 =	vsel vm13, $0x1, v0;
	vm15 =	vle.f32 v19, v20;
	v46 =	vsel vm14, $0xFFFFFFFF, v0  }
0x133: {  	v47 =	vsel vm14, $0x1, v0;
	v63 =	vadd.f32 v59, v60;
	vm4 =	vmand vm7, vm1  }
0x134: {  	v23 =	vand.u32 $0x7FFFFFFF, v23;
	v45 =	vadd.s32 v42, v35;
	vm7 =	vle.f32 v19, v22  }
0x135: {  	v53 =	vsel vm15, $0x2, v1;
	v22 =	vsel vm10, $0xFFFFFFFF, v0;
	v38 =	vsel vm15, $0x3, v2  }
0x136: {  	vm15 =	veq.f32 v16, $0.0e+00;
	v42 =	vadd.s32 v51, v48;
	v44 =	vadd.s32 v57, v47  }
0x137: {  	v50 =	vsel vm7, $0xFFFFFFFF, v0;
	v52 =	vsel vm7, $0x2, v3;
	vm13 =	vlt.f32 v23, $2.999999930e-02  }
0x138: {  	v16 =	vsel vm15, $0x1, v0;
	vm7 =	veq.f32 v17, $0.0e+00;
	v24 =	vadd.s32 v38, v42  }
0x139: {  	v19 =	vadd.s32 v46, v50;
	v55 =	vadd.s32 v49, v52;
	v17 =	vsel vm7, $0x1, v0  }
0x13a: {  	v46 =	vimm.s32 $0x0;
	vm7 =	veq.f32 v15, $0.0e+00;
	v19 =	vadd.s32 v53, v19  }
0x13b: {  	v21 =	vadd.s32 v22, v55;
	v22 =	vadd.s32 v58, v44;
	v16 =	vadd.s32 v16, v17  }
0x13c: {  	v15 =	vsel vm7, $0x1, v0;
	vm5 =	veq.s32 v21, v45;
	vm12 =	veq.s32 v19, v25  }
0x13d: {  	vm9 =	vgt.u32 v19, $0x1;
	v45 =	vadd.s32 v29, v43;
	v23 =	vsel vm5, $0xFFFFFFFF, v61  }
0x13e: {  	v39 =	vpop (erf);
	vm15 =	vgt.u32 v22, $0x1;
	v16 =	vadd.s32 v18, v16;
	[tilespmem:$0x1FFD0] =	vst v23;
	v23 =	vsel vm12, $0xFFFFFFFF, v62  }
0x13f: {  	vm14 =	vmor vm11, vm5;
	vm1 =	vmand vm11, vm12;
	[tilespmem:$0x1FFE0] =	vst v23;
	v23 =	vadd.f32 v63, v39  }
0x140: {  	vm10 =	vmand vm12, vm9;
	v16 =	vadd.s32 v15, v16;
	vm9 =	veq.s32 v22, $0x3  }
0x141: {  	vm2 =	vmand vm13, vm14;
	v40 =	vsel vm10, $0x1, v0;
	(erf) = vrcp.f32 v23  }
0x142: {  	v18 =	vld [tilespmem:s19+$0x5280];
	vm12 =	vgt.u32 v24, $0x1;
	vm13 =	veq.s32 v22, v45;
	v23 =	vadd.s32 v34, v41  }
0x143: {  	vm14 =	vgt.u32 v21, $0x1;
	v21 =	vld [tilespmem:s19+$0x5380];
	vm11 =	veq.s32 v24, v23;
	v23 =	vsel vm13, $0xFFFFFFFF, v46  }
0x144: {  	vm10 =	veq.s32 v16, $0x3;
	vm0 =	vmor vm1, vm2;
	vm1 =	vmand vm11, vm12;
	[tilespmem:$0x1FFF0] =	vst v23;
	v23 =	vld [tilespmem:s19+$0x5300]  }
0x145: {  	vm5 =	vmand vm5, vm14;
	vm6 =	vmand vm13, vm15;
	v47 =	vsel vm1, $0x1, v0  }
0x146: {  	v48 =	vsel vm5, $0x1, v0;
	v49 =	vsel vm6, $0x1, v0;
	v19 =	vadd.s32 v47, v40  }
0x147: {  	vm14 =	vmand vm4, vm0;
	vm1 =	vmand vm10, vm9;
	v50 =	vadd.s32 v48, v19;
	v19 =	vld [tilespmem:s19+$0x5200]  }
0x148: {  	vm11 =	veq.s32 v16, $0x2;
	v53 =	vsel vm1, $0x3F800000, v4;
	v17 =	vadd.s32 v49, v50  }
0x149: {  	vm8 =	veq.s32 v17, $0x2;
	vm7 =	vle.f32 v18, v23;
	v40 =	vmin.f32 v23, v21  }
0x14a: {  	v41 =	vmax.f32 v23, v21;
	v17 =	vsel vm8, $0x3F800000, v4;
	v62 =	vsel vm7, $0xFFFFFFFF, v0;
	v51 =	vpop (erf)  }
0x14b: {  	v63 =	vsel vm7, $0x1, v0;
	v15 =	vsel vm11, v17, v53;
	v52 =	vmul.f32 $3.000000000e+00, v51  }
0x14c: {  	vm9 =	vle.f32 v19, v23;
	v38 =	vmin.f32 v19, v18;
	vm8 =	vle.f32 v19, v21  }
0x14d: {  	v36 =	vsel vm9, $0xFFFFFFFF, v0;
	v37 =	vsel vm9, $0x2, v3;
	v44 =	vmax.f32 v38, v40  }
0x14e: {  	v29 =	vmin.f32 v38, v40;
	v20 =	vmul.f32 v52, v54;
	v22 =	vmul.f32 v52, v56  }
0x14f: {  	v47 =	vsel vm8, $0xFFFFFFFF, v0;
	v54 =	vmul.f32 v52, v60;
	v25 =	vmul.f32 v52, v39  }
0x150: {  	v39 =	vmax.f32 v19, v18;
	v24 =	vadd.s32 v63, v37;
	v55 =	vsub.f32 v20, v19  }
0x151: {  	v30 =	vmin.f32 v39, v41;
	v56 =	vsub.f32 v22, v18;
	v57 =	vsub.f32 v54, v23  }
0x152: {  	v60 =	vsub.f32 v25, v21;
	vm11 =	vle.f32 v20, v54;
	v45 =	vmin.f32 v30, v44  }
0x153: {  	v30 =	vmax.f32 v30, v44;
	vm7 =	vle.f32 v22, v54;
	vm3 =	vle.f32 v54, v25  }
0x154: {  	vm2 =	vle.f32 v20, v22;
	vm9 =	vle.f32 v22, v25;
	v42 =	vsel vm11, $0xFFFFFFFF, v0  }
0x155: {  	v43 =	vsel vm11, $0x2, v3;
	v29 =	vsub.f32 v29, v45;
	v30 =	vsub.f32 v30, v45  }
0x156: {  	v50 =	vsel vm7, $0x1, v0;
	v53 =	vsel vm3, $0xFFFFFFFF, v0;
	vm11 =	veq.f32 v19, $0.0e+00  }
0x157: {  	v58 =	vand.u32 $0x7FFFFFFF, v55;
	v59 =	vand.u32 $0x7FFFFFFF, v56;
	v17 =	vand.u32 $0x7FFFFFFF, v57  }
0x158: {  	v38 =	vld [tilespmem:$0x1FF30];
	v61 =	vand.u32 $0x7FFFFFFF, v60;
	v52 =	vadd.s32 v50, v43;
	v56 =	vsel vm7, $0xFFFFFFFF, v0  }
0x159: {  	v57 =	vsel vm9, $0x1, v0;
	vm7 =	veq.f32 v21, $0.0e+00;
	vm15 =	vle.f32 v58, $9.000000350e-02  }
0x15a: {  	vm4 =	vle.f32 v59, $9.000000350e-02;
	vm5 =	vle.f32 v17, $9.000000350e-02;
	vm6 =	vle.f32 v61, $9.000000350e-02  }
0x15b: {  	v51 =	vand.u32 $0x7FFFFFFF, v29;
	v30 =	vand.u32 $0x7FFFFFFF, v30;
	v29 =	vadd.s32 v53, v52  }
0x15c: {  	v58 =	vsel vm3, $0x1, v0;
	v59 =	vsel vm2, $0x3, v2;
	v61 =	vsel vm7, $0x1, v0  }
0x15d: {  	vm3 =	vlt.u32 v9, $0x2;
	vm7 =	vnez.u8 v38;
	vm0 =	vmand vm15, vm4  }
0x15e: {  	vm4 =	vle.f32 v20, v25;
	v20 =	vsel vm2, $0x2, v1;
	vm12 =	vlt.f32 v51, $2.999999930e-02  }
0x15f: {  	v25 =	vsel vm9, $0xFFFFFFFF, v0;
	vm0 =	vmand vm5, vm0;
	vm5 =	vle.f32 v19, v18  }
0x160: {  	v49 =	vsel vm4, $0xFFFFFFFF, v0;
	v55 =	vsel vm4, $0x1, v0;
	vm4 =	veq.f32 v18, $0.0e+00  }
0x161: {  	v19 =	vsel vm11, $0x1, v0;
	v63 =	vadd.s32 v25, v56;
	v25 =	vsel vm8, $0x1, v0  }
0x162: {  	vm10 =	vmand vm6, vm0;
	v46 =	vsel vm5, $0x2, v1;
	vm6 =	vle.f32 v23, v21  }
0x163: {  	v28 =	vadd.s32 v49, v42;
	vm0 =	vlt.f32 v30, $2.999999930e-02;
	v54 =	vsel vm5, $0x3, v2  }
0x164: {  	v60 =	vsel vm4, $0x1, v0;
	vm5 =	veq.f32 v23, $0.0e+00;
	v48 =	vsel vm6, $0xFFFFFFFF, v0  }
0x165: {  	v27 =	vadd.s32 v36, v46;
	v20 =	vadd.s32 v20, v28;
	v24 =	vadd.s32 v48, v24  }
0x166: {  	v23 =	vsel vm5, $0x1, v0;
	v17 =	vadd.s32 v62, v54;
	vm13 =	veq.s32 v29, v24  }
0x167: {  	v19 =	vadd.s32 v19, v60;
	v27 =	vadd.s32 v47, v27;
	vm15 =	vmor vm0, vm13  }
0x168: {  	v24 =	vadd.s32 v57, v55;
	vm1 =	vmand vm12, vm15;
	vm12 =	veq.s32 v20, v27  }
0x169: {  	v19 =	vadd.s32 v23, v19;
	v22 =	vadd.s32 v58, v24;
	vm0 =	vmand vm0, vm12  }
0x16a: {  	v30 =	vld [tilespmem:$0x1FF10];
	v27 =	vsel vm6, $0x1, v0;
	vm5 =	vgt.u32 v22, $0x1;
	vm0 =	vmor vm0, vm1  }
0x16b: {  	vm6 =	vlt.u32 v12, $0x2;
	vm15 =	vmand vm10, vm0;
	vm0 =	vle.f32 v18, v21  }
0x16c: {  	v21 =	vadd.s32 v59, v63;
	v18 =	vadd.s32 v61, v19;
	vm10 =	veq.s32 v22, $0x3  }
0x16d: {  	v62 =	vsel vm0, $0xFFFFFFFF, v0;
	vm9 =	vgt.u32 v21, $0x1;
	vm11 =	veq.s32 v18, $0x3  }
0x16e: {  	v26 =	vsel vm0, $0x1, v0;
	v17 =	vadd.s32 v62, v17;
	vm10 =	vmand vm11, vm10  }
0x16f: {  	v28 =	vadd.s32 v26, v25;
	vm11 =	vnez.u8 v30;
	vm1 =	veq.s32 v21, v17  }
0x170: {  	vm8 =	vmor vm3, vm11;
	v9 =	vadd.s32 v27, v28;
	v40 =	vsel vm10, $0x3F800000, v4  }
0x171: {  	v36 =	vld [tilespmem:$0x1FF20];
	vm2 =	vmand vm1, vm9;
	vm9 =	vgt.u32 v20, $0x1;
	v31 =	vsel vm8, $0x3F800000, v11  }
0x172: {  	vm1 =	vgt.u32 v29, $0x1;
	vm0 =	vmand vm12, vm9;
	vm9 =	veq.s32 v22, v9  }
0x173: {  	v33 =	vsel vm2, $0x1, v0;
	v7 =	vadd.f32 v31, v7;
	vm2 =	vlt.u32 v13, $0x2  }
0x174: {  	v45 =	vld [tilespmem:$0x1FF60];
	v32 =	vsel vm0, $0x1, v0;
	vm0 =	vmand vm13, vm1;
	vm1 =	vmand vm9, vm5  }
0x175: {  	v43 =	vld [tilespmem:$0x1FF50];
	vm5 =	vmor vm2, vm7;
	v34 =	vsel vm0, $0x1, v0;
	v35 =	vsel vm1, $0x1, v0  }
0x176: {  	v42 =	vld [tilespmem:$0x1FF40];
	v9 =	vadd.s32 v33, v32;
	vm1 =	vnez.u8 v36;
	v39 =	vsel vm5, $0x3F800000, v14  }
0x177: {  	v52 =	vld [tilespmem:$0x1FFB0];
	vm5 =	vlt.u32 v16, $0x2;
	v9 =	vadd.s32 v34, v9;
	vm4 =	vmor vm6, vm1  }
0x178: {  	v46 =	vld [tilespmem:$0x1FF70];
	vm0 =	vmor vm5, vm14;
	v37 =	vsel vm4, $0x3F800000, v10;
	v9 =	vadd.s32 v35, v9  }
0x179: {  	v51 =	vld [tilespmem:$0x1FFA0];
	vm4 =	vmmov vm14;
	vm14 =	veq.s32 v18, $0x2;
	v41 =	vsel vm0, $0x3F800000, v15  }
0x17a: {  	v48 =	vld [tilespmem:$0x1FF80];
	vm0 =	vlt.u32 v18, $0x2;
	v7 =	vadd.f32 v37, v7;
	vm8 =	veq.s32 v9, $0x2  }
0x17b: {  	v49 =	vld [tilespmem:$0x1FF90];
	vm10 =	vmor vm0, vm15;
	v9 =	vsel vm8, $0x3F800000, v4;
	vm8 =	vnez.u8 v42  }
0x17c: {  	v54 =	vld [tilespmem:$0x1FFC0];
	v7 =	vadd.f32 v39, v7;
	v9 =	vsel vm14, v9, v40;
	vm14 =	vnez.u8 v43  }
0x17d: {  	v57 =	vld [tilespmem:$0x1FFE0];
	vm8 =	vmand vm8, vm14;
	vm14 =	vnez.u8 v46;
	v47 =	vsel vm10, $0x3F800000, v9  }
0x17e: {  	v7 =	vadd.f32 v41, v7;
	v44 =	vsel vm8, $0x3F800000, v4;
	vm8 =	vnez.u8 v45  }
0x17f: {  	v58 =	vld [tilespmem:$0x1FFF0];
	vm10 =	vnez.u8 v48;
	vm8 =	vmand vm8, vm14;
	v11 =	vsel vm3, v44, v11  }
0x180: {  	v56 =	vld [tilespmem:$0x1FFD0];
	vm14 =	vnez.u8 v49;
	vm3 =	vmand vm10, vm8;
	v7 =	vadd.f32 v47, v7  }
0x181: {  	v8 =	vsel vm14, $0x3F800000, v8;
	v11 =	vsel vm11, $0x3F800000, v11;
	vm10 =	vnez.u8 v51  }
0x182: {  	vm11 =	vnez.u8 v52;
	vm14 =	vnez.u8 v54;
	vm8 =	vnez.u8 v57  }
0x183: {  	v50 =	vsel vm3, $0x3F800000, v4;
	vm3 =	vmand vm10, vm11;
	v8 =	vadd.f32 v11, v8  }
0x184: {  	vm10 =	vnez.u8 v58;
	v10 =	vsel vm6, v50, v10;
	v53 =	vmax.f32 v7, $1.000000000e+00  }
0x185: {  	vm3 =	vmand vm14, vm3;
	vm6 =	vnez.u8 v56;
	(erf) = vrcp.f32 v53  }
0x186: {  	v10 =	vsel vm1, $0x3F800000, v10;
	v55 =	vsel vm3, $0x3F800000, v4;
	vm3 =	vmand vm8, vm6  }
0x187: {  	v11 =	vsel vm2, v55, v14;
	vm11 =	vmand vm10, vm3;
	v8 =	vadd.f32 v10, v8  }
0x188: {  	vm12 =	vmand vm12, vm13;
	v59 =	vsel vm7, $0x3F800000, v11;
	v60 =	vsel vm11, $0x3F800000, v4  }
0x189: {  	vm13 =	vmand vm9, vm12;
	v8 =	vadd.f32 v59, v8;
	v61 =	vsel vm5, v60, v15  }
0x18a: {  	v62 =	vsel vm13, $0x3F800000, v4;
	v10 =	vsel vm4, $0x3F800000, v61  }
0x18b: {  	v9 =	vsel vm0, v62, v9;
	v8 =	vadd.f32 v10, v8  }
0x18c: {  	v9 =	vsel vm15, $0x3F800000, v9  }
0x18d: {  	p0 =	sne.s32 s18, $0xF0;
	v8 =	vadd.f32 v9, v8  }
.Ltmp0:
0x18e: {  	v63 =	vpop (erf);
	(pc) =	sbr.rel @p0 .LBB2_2-.Ltmp0, $4  }
0x18f: {  	vm14 =	vlt.f32 v7, $0.0e+00;
	vm15 =	vgt.f32 v7, $0.0e+00;
	v7 =	vmul.f32 v63, v8  }
0x190: {  	vm0 =	vmor vm15, vm14  }
0x191: {  	v8 =	vsel vm0, $0x3F800000, v4;
	v7 =	vnsel vm0, $0x0, v7  }
0x192: {  	s17 =	sadd.s32 $0x80, s17;
	s18 =	sadd.s32 $0x10, s18;
	v5 =	vadd.f32 v8, v5;
	v6 =	vadd.f32 v7, v6  }
0x193: {  	_ =	swait.ge [sflag:s30], $0x3000  }
0x194: {  	[sflag:s30] =	ssyncset.done $0x0  }
0x195: {  	s17 =	simm.s32 $0x100;
	s18 =	simm.s32 $0x800;
	[sflag:s30] =	ssyncadd.s32 $0xFFFFD000  }
.LBB2_4:
0x196: {  	s19 =	sand.u32 $0x70, s17;
	s20 =	sand.u32 $0xC00, s18  }
0x197: {  	s19 =	sor.u32 s19, s20  }
0x198: {  	v7 =	vld [tilespmem:s19+$0x0]  }
0x199: {  	v8 =	vld [tilespmem:s19+$0x80]  }
0x19a: {  	v9 =	vld [tilespmem:s19+$0x100]  }
0x19b: {  	v10 =	vld [tilespmem:s19+$0x180];
	_ =	sdelay $0x4  }
0x19c: {  	v11 =	vmax.f32 v7, v8;
	v12 =	vmax.f32 v9, v10  }
0x19d: {  	v11 =	vmax.f32 v11, v12  }
0x19e: {  	v7 =	vsub.f32 v7, v11  }
0x19f: {  	v8 =	vsub.f32 v8, v11  }
0x1a0: {  	v7 =	vmul.f32 $1.442695020e+00, v7  }
0x1a1: {  	v9 =	vsub.f32 v9, v11;
	v8 =	vmul.f32 $1.442695020e+00, v8  }
0x1a2: {  	(erf) = vpow2.f32 v7  }
0x1a3: {  	v7 =	vmul.f32 $1.442695020e+00, v9;
	(erf) = vpow2.f32 v8;
	v8 =	vsub.f32 v10, v11;
	_ =	sdelay $0x1  }
0x1a4: {  	(erf) = vpow2.f32 v7;
	v7 =	vmul.f32 $1.442695020e+00, v8;
	_ =	sdelay $0x1  }
0x1a5: {  	(erf) = vpow2.f32 v7;
	_ =	sdelay $0x3  }
0x1a6: {  	v41 =	vld [tilespmem:s19+$0x200];
	v30 =	vpop (erf)  }
0x1a7: {  	s20 =	sor.u32 s18, s17;
	v42 =	vld [tilespmem:s19+$0x280];
	v31 =	vpop (erf)  }
0x1a8: {  	v43 =	vld [tilespmem:s19+$0x300];
	s20 =	sor.u32 $0x380, s20;
	v7 =	vadd.f32 v31, v30  }
0x1a9: {  	v44 =	vld [tilespmem:s20+$0x0];
	v32 =	vpop (erf)  }
0x1aa: {  	v7 =	vadd.f32 v7, v32  }
0x1ab: {  	v13 =	vpop (erf)  }
0x1ac: {  	v15 =	vld [tilespmem:s19+$0x3180];
	v7 =	vadd.f32 v7, v13  }
0x1ad: {  	v9 =	vld [tilespmem:s19+$0x3080]  }
0x1ae: {  	v28 =	vmax.f32 v41, v42;
	v29 =	vmax.f32 v43, v44;
	v8 =	vld [tilespmem:s19+$0x3000];
	(erf) = vrcp.f32 v7  }
0x1af: {  	v28 =	vmax.f32 v28, v29  }
0x1b0: {  	v49 =	vsub.f32 v44, v28  }
0x1b1: {  	v7 =	vld [tilespmem:s19+$0x3100]  }
0x1b2: {  	v52 =	vmul.f32 $1.442695020e+00, v49;
	vm15 =	vle.f32 v9, v15  }
0x1b3: {  	v26 =	vsel vm15, $0xFFFFFFFF, v0;
	v27 =	vsel vm15, $0x1, v0;
	v36 =	vmin.f32 v8, v9  }
0x1b4: {  	v37 =	vmax.f32 v8, v9;
	vm14 =	vle.f32 v8, v9;
	vm3 =	vle.f32 v8, v15  }
0x1b5: {  	v22 =	vsel vm3, $0xFFFFFFFF, v0;
	v23 =	vsel vm3, $0x1, v0;
	v45 =	vsel vm14, $0x2, v1  }
0x1b6: {  	v23 =	vadd.s32 v27, v23;
	v38 =	vmin.f32 v7, v15;
	v39 =	vmax.f32 v7, v15  }
0x1b7: {  	vm2 =	vle.f32 v8, v7;
	vm4 =	vle.f32 v9, v7;
	vm6 =	vle.f32 v7, v15;
	v14 =	vpop (erf)  }
0x1b8: {  	v20 =	vmax.f32 v36, v38;
	v21 =	vsel vm2, $0xFFFFFFFF, v0;
	v14 =	vmul.f32 $3.000000000e+00, v14  }
0x1b9: {  	v24 =	vsel vm4, $0xFFFFFFFF, v0;
	v25 =	vsel vm4, $0x1, v0;
	v47 =	vsel vm2, $0x2, v3  }
0x1ba: {  	v21 =	vadd.s32 v21, v45;
	v10 =	vmul.f32 v14, v30;
	v11 =	vmul.f32 v14, v31  }
0x1bb: {  	v21 =	vadd.s32 v22, v21;
	v12 =	vmul.f32 v14, v32;
	v13 =	vmul.f32 v14, v13  }
0x1bc: {  	v14 =	vmin.f32 v36, v38;
	v31 =	vsel vm6, $0x1, v0;
	v32 =	vsel vm14, $0x3, v2  }
0x1bd: {  	v30 =	vsel vm6, $0xFFFFFFFF, v0;
	v24 =	vadd.s32 v24, v32;
	v51 =	vadd.s32 v31, v23  }
0x1be: {  	v32 =	vimm.s32 $0x0;
	v16 =	vsub.f32 v10, v8;
	v17 =	vsub.f32 v11, v9  }
0x1bf: {  	v18 =	vsub.f32 v12, v7;
	v19 =	vsub.f32 v13, v15;
	v46 =	vadd.s32 v26, v24  }
0x1c0: {  	v24 =	vadd.s32 v25, v47;
	vm7 =	vle.f32 v10, v12;
	vm8 =	vle.f32 v10, v13  }
0x1c1: {  	vm9 =	vle.f32 v10, v11;
	vm10 =	vle.f32 v11, v12;
	vm11 =	vle.f32 v11, v13  }
0x1c2: {  	v50 =	vadd.s32 v30, v24;
	v53 =	vsel vm7, $0xFFFFFFFF, v0;
	v54 =	vsel vm8, $0xFFFFFFFF, v0  }
0x1c3: {  	v55 =	vsel vm8, $0x1, v0;
	v56 =	vsel vm10, $0xFFFFFFFF, v0;
	v57 =	vsel vm10, $0x1, v0  }
0x1c4: {  	v11 =	vsel vm11, $0xFFFFFFFF, v0;
	v58 =	vsel vm11, $0x1, v0;
	v59 =	vsel vm9, $0x2, v1  }
0x1c5: {  	v61 =	vsel vm7, $0x2, v3;
	v63 =	vsel vm9, $0x3, v2;
	vm9 =	veq.f32 v8, $0.0e+00  }
0x1c6: {  	vm10 =	veq.f32 v9, $0.0e+00;
	vm11 =	veq.f32 v7, $0.0e+00;
	v33 =	vand.u32 $0x7FFFFFFF, v16  }
0x1c7: {  	v34 =	vand.u32 $0x7FFFFFFF, v17;
	v35 =	vand.u32 $0x7FFFFFFF, v18;
	v16 =	vmin.f32 v37, v39  }
0x1c8: {  	v19 =	vand.u32 $0x7FFFFFFF, v19;
	v18 =	vsub.f32 v41, v28;
	v17 =	vsub.f32 v42, v28  }
0x1c9: {  	v10 =	vadd.s32 v54, v53;
	v11 =	vadd.s32 v11, v56;
	v30 =	vadd.s32 v58, v55  }
0x1ca: {  	v8 =	vsel vm9, $0x1, v0;
	v9 =	vsel vm10, $0x1, v0;
	v7 =	vsel vm11, $0x1, v0  }
0x1cb: {  	vm0 =	vle.f32 v33, $9.000000350e-02;
	vm1 =	vle.f32 v34, $9.000000350e-02;
	vm12 =	vle.f32 v35, $9.000000350e-02  }
0x1cc: {  	v40 =	vmin.f32 v16, v20;
	v16 =	vmax.f32 v16, v20;
	vm13 =	vle.f32 v19, $9.000000350e-02  }
0x1cd: {  	v19 =	vsub.f32 v43, v28;
	v10 =	vadd.s32 v59, v10;
	v18 =	vmul.f32 $1.442695020e+00, v18  }
0x1ce: {  	v11 =	vadd.s32 v63, v11;
	v8 =	vadd.s32 v8, v9;
	v17 =	vmul.f32 $1.442695020e+00, v17  }
0x1cf: {  	vm0 =	vmand vm0, vm1;
	v14 =	vsub.f32 v14, v40;
	(erf) = vpow2.f32 v18  }
0x1d0: {  	v16 =	vsub.f32 v16, v40;
	v48 =	vmul.f32 $1.442695020e+00, v19;
	(erf) = vpow2.f32 v17  }
0x1d1: {  	v53 =	vld [tilespmem:s19+$0x1100];
	vm2 =	veq.s32 v10, v21;
	vm15 =	veq.s32 v11, v46;
	v7 =	vadd.s32 v7, v8  }
0x1d2: {  	v55 =	vld [tilespmem:s19+$0x1180];
	vm0 =	vmand vm12, vm0;
	vm12 =	vle.f32 v12, v13;
	(erf) = vpow2.f32 v48  }
0x1d3: {  	v13 =	vadd.s32 v57, v61;
	vm0 =	vmand vm13, vm0;
	v14 =	vand.u32 $0x7FFFFFFF, v14  }
0x1d4: {  	v16 =	vand.u32 $0x7FFFFFFF, v16;
	v12 =	vsel vm12, $0xFFFFFFFF, v0;
	(erf) = vpow2.f32 v52  }
0x1d5: {  	v60 =	vsel vm12, $0x1, v0;
	vm12 =	veq.f32 v15, $0.0e+00;
	v12 =	vadd.s32 v12, v13  }
0x1d6: {  	vm13 =	vlt.f32 v16, $2.999999930e-02;
	vm14 =	vlt.f32 v14, $2.999999930e-02;
	v14 =	vadd.s32 v60, v30  }
0x1d7: {  	v33 =	vsel vm12, $0x1, v0;
	v59 =	vmax.f32 v53, v55;
	v30 =	vimm.s32 $0x0  }
0x1d8: {  	vm3 =	veq.s32 v12, v50;
	vm1 =	vmand vm13, vm2;
	v7 =	vadd.s32 v33, v7;
	v62 =	vpop (erf)  }
0x1d9: {  	vm8 =	vgt.u32 v12, $0x1;
	vm10 =	vgt.u32 v14, $0x1;
	vm12 =	veq.s32 v14, $0x3;
	v24 =	vpop (erf)  }
0x1da: {  	vm5 =	vmor vm13, vm3;
	vm13 =	vgt.u32 v10, $0x1;
	v28 =	vadd.f32 v24, v62  }
0x1db: {  	vm9 =	vmand vm3, vm8;
	vm4 =	vmand vm14, vm5;
	vm14 =	vgt.u32 v11, $0x1;
	v29 =	vpop (erf)  }
0x1dc: {  	v35 =	vsel vm9, $0x1, v0;
	vm5 =	vlt.u32 v7, $0x2;
	v13 =	vadd.f32 v28, v29  }
0x1dd: {  	v9 =	vld [tilespmem:s19+$0x3200];
	vm4 =	vmor vm1, vm4;
	vm1 =	veq.s32 v14, v51;
	vm15 =	vmand vm15, vm14;
	v31 =	vpop (erf)  }
0x1de: {  	v12 =	vld [tilespmem:s19+$0x3380];
	vm6 =	vmand vm0, vm4;
	vm0 =	vmand vm2, vm13;
	v13 =	vadd.f32 v13, v31  }
0x1df: {  	v10 =	vld [tilespmem:s19+$0x3280];
	v34 =	vsel vm15, $0x1, v0;
	vm11 =	vmand vm1, vm10;
	vm2 =	vmand vm2, vm3  }
0x1e0: {  	vm13 =	veq.s32 v7, $0x3;
	vm15 =	veq.s32 v7, $0x2;
	(erf) = vrcp.f32 v13  }
0x1e1: {  	v11 =	vld [tilespmem:s19+$0x3300];
	v18 =	vsel vm6, $0xFFFFFFFF, v32;
	v8 =	vsel vm0, $0x1, v0;
	v36 =	vsel vm11, $0x1, v0  }
0x1e2: {  	vm0 =	vmand vm13, vm12;
	vm1 =	vmand vm1, vm2;
	vm6 =	vmor vm5, vm6  }
0x1e3: {  	v48 =	vld [tilespmem:s19+$0x1000];
	vm12 =	vle.f32 v9, v12;
	v8 =	vadd.s32 v34, v8;
	v39 =	vsel vm0, $0x3F800000, v4  }
0x1e4: {  	v51 =	vld [tilespmem:s19+$0x1080];
	v42 =	vsel vm1, $0x3F800000, v4;
	v44 =	vmin.f32 v9, v10;
	v45 =	vmax.f32 v9, v10  }
0x1e5: {  	vm13 =	vle.f32 v9, v10;
	v57 =	vsel vm12, $0xFFFFFFFF, v0;
	v8 =	vadd.s32 v35, v8  }
0x1e6: {  	v60 =	vsel vm12, $0x1, v0;
	v46 =	vmin.f32 v11, v12;
	v8 =	vadd.s32 v36, v8  }
0x1e7: {  	v47 =	vmax.f32 v11, v12;
	vm11 =	vle.f32 v9, v11;
	vm14 =	veq.s32 v8, $0x2  }
0x1e8: {  	v50 =	vmax.f32 v44, v46;
	v38 =	vsel vm14, $0x3F800000, v4;
	vm14 =	vle.f32 v10, v11  }
0x1e9: {  	v56 =	vsel vm11, $0xFFFFFFFF, v0;
	v58 =	vmax.f32 v48, v51;
	v61 =	vsel vm14, $0xFFFFFFFF, v0;
	v37 =	vpop (erf)  }
0x1ea: {  	v28 =	vimm.s32 $0x0;
	v13 =	vsel vm15, v38, v39;
	v8 =	vmul.f32 $3.000000000e+00, v37  }
0x1eb: {  	vm15 =	vle.f32 v10, v12;
	v38 =	vsel vm13, $0x2, v1;
	v39 =	vsel vm13, $0x3, v2  }
0x1ec: {  	v7 =	vsel vm6, $0x3F800000, v13;
	v14 =	vmul.f32 v8, v62;
	v15 =	vmul.f32 v8, v24  }
0x1ed: {  	v63 =	vsel vm15, $0xFFFFFFFF, v0;
	v16 =	vmul.f32 v8, v29;
	v19 =	vmul.f32 v8, v31  }
0x1ee: {  	v36 =	vsel vm15, $0x1, v0;
	v40 =	vsub.f32 v14, v9;
	v41 =	vsub.f32 v15, v10  }
0x1ef: {  	v62 =	vsel vm14, $0x1, v0;
	v43 =	vsub.f32 v16, v11;
	v49 =	vsub.f32 v19, v12  }
0x1f0: {  	vm12 =	vle.f32 v15, v16;
	vm13 =	vle.f32 v15, v19;
	vm14 =	vle.f32 v16, v19  }
0x1f1: {  	[tilespmem:$0x1FEA0] =	vst v18;
	v17 =	vand.u32 $0x7FFFFFFF, v40;
	v18 =	vand.u32 $0x7FFFFFFF, v41;
	v8 =	vand.u32 $0x7FFFFFFF, v43  }
0x1f2: {  	v24 =	vand.u32 $0x7FFFFFFF, v49;
	v43 =	vsel vm11, $0x2, v3;
	vm11 =	vle.f32 v14, v19  }
0x1f3: {  	vm7 =	vle.f32 v17, $9.000000350e-02;
	vm8 =	vle.f32 v18, $9.000000350e-02;
	v18 =	vmin.f32 v45, v47  }
0x1f4: {  	vm9 =	vle.f32 v8, $9.000000350e-02;
	v8 =	vmin.f32 v44, v46;
	vm10 =	vle.f32 v24, $9.000000350e-02  }
0x1f5: {  	v24 =	vmax.f32 v58, v59;
	v45 =	vadd.s32 v62, v43;
	v46 =	vadd.s32 v36, v60  }
0x1f6: {  	v49 =	vsel vm11, $0x1, v0;
	vm1 =	vmand vm7, vm8;
	v52 =	vmin.f32 v18, v50  }
0x1f7: {  	v18 =	vmax.f32 v18, v50;
	v23 =	vsub.f32 v48, v24;
	v22 =	vsub.f32 v51, v24  }
0x1f8: {  	vm8 =	vle.f32 v11, v12;
	v21 =	vsub.f32 v53, v24;
	v40 =	vsub.f32 v55, v24  }
0x1f9: {  	v48 =	vsel vm11, $0xFFFFFFFF, v0;
	v50 =	vsel vm12, $0xFFFFFFFF, v0;
	v51 =	vsel vm12, $0x1, v0  }
0x1fa: {  	v55 =	vsel vm14, $0xFFFFFFFF, v0;
	vm11 =	veq.f32 v9, $0.0e+00;
	vm12 =	veq.f32 v10, $0.0e+00  }
0x1fb: {  	v54 =	vsub.f32 v8, v52;
	vm1 =	vmand vm9, vm1;
	v17 =	vsub.f32 v18, v52  }
0x1fc: {  	v8 =	vsel vm5, v42, v13;
	v37 =	vsel vm8, $0xFFFFFFFF, v0;
	v18 =	vadd.s32 v56, v38  }
0x1fd: {  	v41 =	vsel vm8, $0x1, v0;
	v42 =	vadd.s32 v61, v39;
	vm9 =	vle.f32 v14, v15  }
0x1fe: {  	v52 =	vsel vm13, $0xFFFFFFFF, v0;
	v56 =	vsel vm14, $0x1, v0;
	v9 =	vsel vm11, $0x1, v0  }
0x1ff: {  	v10 =	vsel vm12, $0x1, v0;
	vm14 =	veq.f32 v12, $0.0e+00;
	v38 =	vimm.s32 $0x0  }
0x200: {  	vm0 =	vmand vm10, vm1;
	v23 =	vmul.f32 $1.442695020e+00, v23;
	v22 =	vmul.f32 $1.442695020e+00, v22  }
0x201: {  	v21 =	vmul.f32 $1.442695020e+00, v21;
	v18 =	vadd.s32 v57, v18;
	v44 =	vmul.f32 $1.442695020e+00, v40  }
0x202: {  	v20 =	vadd.s32 v63, v42;
	vm10 =	vle.f32 v14, v16;
	(erf) = vpow2.f32 v23  }
0x203: {  	v58 =	vsel vm9, $0x2, v1;
	v60 =	vsel vm9, $0x3, v2;
	(erf) = vpow2.f32 v22  }
0x204: {  	v25 =	vadd.s32 v52, v50;
	v31 =	vsel vm14, $0x1, v0;
	v9 =	vadd.s32 v9, v10  }
0x205: {  	v13 =	vand.u32 $0x7FFFFFFF, v54;
	v17 =	vand.u32 $0x7FFFFFFF, v17;
	(erf) = vpow2.f32 v21  }
0x206: {  	v47 =	vsel vm10, $0xFFFFFFFF, v0;
	v54 =	vsel vm13, $0x1, v0;
	v61 =	vsel vm10, $0x2, v3  }
0x207: {  	v25 =	vadd.s32 v60, v25;
	vm13 =	veq.f32 v11, $0.0e+00;
	(erf) = vpow2.f32 v44  }
0x208: {  	v23 =	vadd.s32 v41, v46;
	v14 =	vadd.s32 v48, v47;
	v15 =	vadd.s32 v51, v61  }
0x209: {  	v19 =	vadd.s32 v54, v49;
	vm15 =	vlt.f32 v17, $2.999999930e-02;
	vm8 =	vlt.f32 v13, $2.999999930e-02  }
0x20a: {  	vm10 =	veq.s32 v25, v20;
	v11 =	vsel vm13, $0x1, v0;
	vm6 =	vgt.u32 v25, $0x1  }
0x20b: {  	v22 =	vadd.s32 v37, v45;
	v14 =	vadd.s32 v58, v14;
	v15 =	vadd.s32 v55, v15;
	v53 =	vpop (erf)  }
0x20c: {  	v27 =	vadd.s32 v56, v19;
	v9 =	vadd.s32 v11, v9;
	vm7 =	vmand vm10, vm6;
	v57 =	vpop (erf)  }
0x20d: {  	vm1 =	veq.s32 v15, v22;
	vm2 =	veq.s32 v14, v18;
	v59 =	vadd.f32 v57, v53  }
0x20e: {  	v34 =	vsel vm7, $0x1, v0;
	vm10 =	vgt.u32 v27, $0x1;
	v9 =	vadd.s32 v31, v9;
	v62 =	vpop (erf)  }
0x20f: {  	vm14 =	veq.s32 v27, $0x3;
	vm9 =	vmor vm15, vm1;
	v21 =	vadd.f32 v59, v62  }
0x210: {  	v12 =	vld [tilespmem:s19+$0x4080];
	vm3 =	vmand vm15, vm2;
	vm15 =	vgt.u32 v14, $0x1;
	vm12 =	vmand vm2, vm1;
	v63 =	vpop (erf)  }
0x211: {  	v11 =	vld [tilespmem:s19+$0x4000];
	vm7 =	veq.s32 v9, $0x2;
	vm4 =	vmand vm8, vm9;
	v26 =	vadd.f32 v21, v63  }
0x212: {  	vm8 =	vgt.u32 v15, $0x1;
	vm3 =	vmor vm3, vm4;
	vm4 =	veq.s32 v27, v23  }
0x213: {  	v13 =	vsel vm4, $0xFFFFFFFF, v28;
	vm0 =	vmand vm0, vm3;
	(erf) = vrcp.f32 v26  }
0x214: {  	v19 =	vld [tilespmem:s19+$0x4180];
	vm9 =	vmand vm1, vm8;
	[tilespmem:$0x1FE50] =	vst v13;
	v13 =	vsel vm0, $0xFFFFFFFF, v30;
	vm0 =	vmand vm2, vm15  }
0x215: {  	v18 =	vsel vm12, $0xFFFFFFFF, v38;
	v35 =	vsel vm9, $0x1, v0;
	v33 =	vsel vm0, $0x1, v0  }
0x216: {  	vm11 =	vmand vm4, vm10;
	v43 =	vmin.f32 v11, v12;
	[tilespmem:$0x1FE20] =	vst v13;
	v13 =	vld [tilespmem:s19+$0x4100];
	v10 =	vadd.s32 v34, v33  }
0x217: {  	v44 =	vmax.f32 v11, v12;
	v37 =	vsel vm11, $0x1, v0;
	v10 =	vadd.s32 v35, v10  }
0x218: {  	vm15 =	veq.s32 v9, $0x3;
	vm11 =	vle.f32 v11, v12;
	v10 =	vadd.s32 v37, v10  }
0x219: {  	vm4 =	vmand vm15, vm14;
	vm15 =	vle.f32 v12, v19;
	vm13 =	veq.s32 v10, $0x2  }
0x21a: {  	v61 =	vsel vm15, $0xFFFFFFFF, v0;
	v33 =	vsel vm15, $0x1, v0;
	v10 =	vsel vm13, $0x3F800000, v4  }
0x21b: {  	v47 =	vld [tilespmem:s19+$0x1200];
	v45 =	vmin.f32 v13, v19;
	v46 =	vmax.f32 v13, v19;
	vm12 =	vle.f32 v11, v13  }
0x21c: {  	v49 =	vld [tilespmem:s19+$0x1280];
	vm13 =	vle.f32 v11, v19;
	vm14 =	vle.f32 v12, v13;
	v48 =	vmax.f32 v43, v45;
	v36 =	vpop (erf)  }
0x21d: {  	v54 =	vsel vm12, $0xFFFFFFFF, v0;
	v55 =	vsel vm13, $0xFFFFFFFF, v0;
	v14 =	vmul.f32 $3.000000000e+00, v36  }
0x21e: {  	v56 =	vsel vm13, $0x1, v0;
	v59 =	vsel vm14, $0xFFFFFFFF, v0;
	v60 =	vsel vm14, $0x1, v0  }
0x21f: {  	[tilespmem:$0x1FE60] =	vst v18;
	v36 =	vsel vm11, $0x2, v1;
	v16 =	vmul.f32 v14, v53;
	v18 =	vmul.f32 v14, v57  }
0x220: {  	v26 =	vadd.s32 v54, v36;
	v17 =	vmul.f32 v14, v62;
	v14 =	vmul.f32 v14, v63  }
0x221: {  	v57 =	vmax.f32 v47, v49;
	v62 =	vsel vm11, $0x3, v2;
	v37 =	vadd.s32 v55, v26  }
0x222: {  	v38 =	vadd.s32 v59, v62;
	v39 =	vsub.f32 v16, v11;
	v40 =	vsub.f32 v18, v12  }
0x223: {  	v51 =	vld [tilespmem:s19+$0x1300];
	v41 =	vsub.f32 v17, v13;
	v24 =	vsub.f32 v14, v19;
	vm11 =	vle.f32 v18, v17  }
0x224: {  	v53 =	vld [tilespmem:s19+$0x1380];
	vm13 =	vle.f32 v17, v14;
	v15 =	vand.u32 $0x7FFFFFFF, v39;
	v20 =	vand.u32 $0x7FFFFFFF, v40  }
0x225: {  	v42 =	vand.u32 $0x7FFFFFFF, v41;
	v24 =	vand.u32 $0x7FFFFFFF, v24;
	v39 =	vsel vm12, $0x2, v3  }
0x226: {  	v40 =	vadd.s32 v61, v38;
	vm12 =	vle.f32 v18, v14;
	v61 =	vimm.s32 $0x0  }
0x227: {  	vm5 =	vle.f32 v15, $9.000000350e-02;
	vm6 =	vle.f32 v20, $9.000000350e-02;
	vm8 =	vle.f32 v42, $9.000000350e-02  }
0x228: {  	v20 =	vmin.f32 v44, v46;
	v15 =	vmin.f32 v43, v45;
	vm10 =	vle.f32 v24, $9.000000350e-02  }
0x229: {  	v58 =	vmax.f32 v51, v53;
	v26 =	vadd.s32 v60, v39;
	v42 =	vadd.s32 v33, v56  }
0x22a: {  	v45 =	vsel vm11, $0xFFFFFFFF, v0;
	v46 =	vsel vm11, $0x1, v0;
	v60 =	vimm.s32 $0x0  }
0x22b: {  	vm11 =	veq.f32 v12, $0.0e+00;
	vm1 =	vmand vm5, vm6;
	v50 =	vmin.f32 v20, v48  }
0x22c: {  	v20 =	vmax.f32 v20, v48;
	v29 =	vmax.f32 v57, v58;
	vm5 =	vle.f32 v13, v19  }
0x22d: {  	vm6 =	vle.f32 v16, v17;
	v58 =	vimm.s32 $0x0;
	v12 =	vsel vm11, $0x1, v0  }
0x22e: {  	v52 =	vsub.f32 v15, v50;
	v20 =	vsub.f32 v20, v50;
	v15 =	vsel vm4, $0x3F800000, v4  }
0x22f: {  	vm9 =	vmand vm8, vm1;
	v23 =	vsub.f32 v47, v29;
	v22 =	vsub.f32 v49, v29  }
0x230: {  	v34 =	vsel vm5, $0xFFFFFFFF, v0;
	v35 =	vsel vm5, $0x1, v0;
	v25 =	vsub.f32 v51, v29  }
0x231: {  	v21 =	vsub.f32 v53, v29;
	v43 =	vsel vm6, $0xFFFFFFFF, v0;
	v47 =	vsel vm12, $0x1, v0  }
0x232: {  	v51 =	vsel vm13, $0x1, v0;
	v54 =	vsel vm6, $0x2, v3;
	vm8 =	vmand vm10, vm9  }
0x233: {  	v41 =	vadd.s32 v34, v26;
	v26 =	vadd.s32 v35, v42;
	vm9 =	vle.f32 v16, v18  }
0x234: {  	vm10 =	vle.f32 v16, v14;
	v18 =	vsel vm12, $0xFFFFFFFF, v0;
	v14 =	vsel vm13, $0xFFFFFFFF, v0  }
0x235: {  	v28 =	vadd.s32 v46, v54;
	vm12 =	veq.f32 v13, $0.0e+00;
	vm13 =	veq.f32 v19, $0.0e+00  }
0x236: {  	v24 =	vand.u32 $0x7FFFFFFF, v52;
	v23 =	vmul.f32 $1.442695020e+00, v23;
	v22 =	vmul.f32 $1.442695020e+00, v22  }
0x237: {  	v20 =	vand.u32 $0x7FFFFFFF, v20;
	v63 =	vmul.f32 $1.442695020e+00, v25;
	v21 =	vmul.f32 $1.442695020e+00, v21  }
0x238: {  	v16 =	vsel vm10, $0xFFFFFFFF, v0;
	v44 =	vsel vm10, $0x1, v0;
	(erf) = vpow2.f32 v23  }
0x239: {  	v49 =	vsel vm9, $0x2, v1;
	v53 =	vsel vm9, $0x3, v2;
	(erf) = vpow2.f32 v22  }
0x23a: {  	v18 =	vadd.s32 v18, v45;
	v14 =	vadd.s32 v14, v28;
	vm10 =	veq.f32 v11, $0.0e+00  }
0x23b: {  	v62 =	vsel vm12, $0x1, v0;
	v16 =	vadd.s32 v16, v43;
	(erf) = vpow2.f32 v63  }
0x23c: {  	v27 =	vadd.s32 v47, v44;
	v18 =	vadd.s32 v53, v18;
	vm6 =	veq.s32 v14, v41  }
0x23d: {  	vm14 =	vlt.f32 v20, $2.999999930e-02;
	vm15 =	vlt.f32 v24, $2.999999930e-02;
	(erf) = vpow2.f32 v21  }
0x23e: {  	v11 =	vsel vm10, $0x1, v0;
	v16 =	vadd.s32 v49, v16;
	v27 =	vadd.s32 v51, v27  }
0x23f: {  	vm1 =	veq.s32 v18, v40;
	vm9 =	vmor vm14, vm6;
	v20 =	vsel vm6, $0xFFFFFFFF, v61  }
0x240: {  	v11 =	vadd.s32 v11, v12;
	vm4 =	veq.s32 v16, v37;
	vm5 =	veq.s32 v27, v26  }
0x241: {  	vm2 =	vmand vm15, vm9;
	vm15 =	vgt.u32 v18, $0x1;
	vm9 =	vgt.u32 v14, $0x1;
	v48 =	vpop (erf)  }
0x242: {  	vm11 =	vgt.u32 v27, $0x1;
	v11 =	vadd.s32 v62, v11;
	v37 =	vimm.s32 $0x0;
	v50 =	vpop (erf)  }
0x243: {  	v13 =	vld [tilespmem:s19+$0x4200];
	v23 =	vsel vm4, $0xFFFFFFFF, v58;
	vm0 =	vmand vm14, vm4;
	v52 =	vadd.f32 v50, v48  }
0x244: {  	v43 =	vld [tilespmem:s19+$0x2000];
	v63 =	vsel vm13, $0x1, v0;
	vm14 =	vgt.u32 v16, $0x1;
	vm1 =	vmand vm1, vm15;
	v55 =	vpop (erf)  }
0x245: {  	v47 =	vld [tilespmem:s19+$0x2080];
	vm10 =	vmand vm6, vm9;
	vm12 =	vmand vm5, vm11;
	v56 =	vadd.f32 v52, v55  }
0x246: {  	v14 =	vld [tilespmem:s19+$0x4280];
	[tilespmem:$0x1FE70] =	vst v23;
	v23 =	vsel vm5, $0xFFFFFFFF, v60;
	vm0 =	vmor vm0, vm2;
	vm2 =	vmand vm4, vm14;
	v57 =	vpop (erf)  }
0x247: {  	v24 =	vsel vm10, $0x1, v0;
	v26 =	vsel vm12, $0x1, v0;
	v59 =	vadd.f32 v56, v57  }
0x248: {  	v16 =	vld [tilespmem:s19+$0x4300];
	vm14 =	veq.s32 v27, $0x3;
	[tilespmem:$0x1FE90] =	vst v23;
	v22 =	vsel vm2, $0x1, v0;
	v23 =	vsel vm1, $0x1, v0  }
0x249: {  	vm0 =	vmand vm8, vm0;
	v12 =	vadd.s32 v23, v22;
	(erf) = vrcp.f32 v59  }
0x24a: {  	v54 =	vmax.f32 v43, v47;
	v25 =	vadd.s32 v24, v12;
	v12 =	vadd.s32 v63, v11  }
0x24b: {  	v11 =	vsel vm7, v10, v15;
	v10 =	vsel vm0, $0xFFFFFFFF, v37;
	v42 =	vmin.f32 v13, v14  }
0x24c: {  	v22 =	vld [tilespmem:s19+$0x4380];
	v44 =	vmax.f32 v13, v14;
	v37 =	vimm.s32 $0x0;
	v30 =	vadd.s32 v26, v25  }
0x24d: {  	vm15 =	veq.s32 v12, $0x3;
	vm6 =	veq.s32 v12, $0x2;
	vm12 =	vle.f32 v13, v16  }
0x24e: {  	vm13 =	veq.s32 v30, $0x2;
	vm2 =	vmand vm15, vm14;
	v53 =	vsel vm12, $0xFFFFFFFF, v0  }
0x24f: {  	vm15 =	vle.f32 v14, v16;
	v32 =	vsel vm13, $0x3F800000, v4;
	v33 =	vsel vm2, $0x3F800000, v4  }
0x250: {  	[tilespmem:$0x1FE30] =	vst v10;
	vm13 =	vle.f32 v13, v14;
	v58 =	vsel vm15, $0xFFFFFFFF, v0;
	v10 =	vsel vm6, v32, v33  }
0x251: {  	v45 =	vmin.f32 v16, v22;
	v46 =	vmax.f32 v16, v22;
	vm14 =	vle.f32 v13, v22  }
0x252: {  	v49 =	vld [tilespmem:s19+$0x2100];
	vm4 =	vle.f32 v14, v22;
	vm5 =	vle.f32 v16, v22;
	v63 =	vsel vm13, $0x2, v1;
	v29 =	vpop (erf)  }
0x253: {  	v33 =	vimm.s32 $0x0;
	v24 =	vmin.f32 v44, v46;
	v52 =	vld [tilespmem:s19+$0x2180];
	v31 =	vmul.f32 $3.000000000e+00, v29  }
0x254: {  	v60 =	vsel vm4, $0xFFFFFFFF, v0;
	v61 =	vsel vm4, $0x1, v0;
	v62 =	vsel vm5, $0xFFFFFFFF, v0  }
0x255: {  	v56 =	vsel vm14, $0xFFFFFFFF, v0;
	v59 =	vsel vm15, $0x1, v0;
	v17 =	vmul.f32 v31, v48  }
0x256: {  	vm15 =	veq.f32 v13, $0.0e+00;
	v19 =	vmul.f32 v31, v50;
	v23 =	vmul.f32 v31, v55  }
0x257: {  	v18 =	vmul.f32 v31, v57;
	v48 =	vmax.f32 v42, v45;
	v50 =	vmin.f32 v42, v45  }
0x258: {  	v55 =	vmax.f32 v49, v52;
	v57 =	vsel vm14, $0x1, v0;
	v42 =	vsel vm13, $0x3, v2  }
0x259: {  	v45 =	vsel vm12, $0x2, v3;
	v51 =	vmin.f32 v24, v48;
	v35 =	vsub.f32 v17, v13  }
0x25a: {  	v24 =	vmax.f32 v24, v48;
	v36 =	vsub.f32 v19, v14;
	v40 =	vsub.f32 v23, v16  }
0x25b: {  	v46 =	vadd.s32 v61, v57;
	v28 =	vsub.f32 v18, v22;
	v15 =	vsub.f32 v50, v51  }
0x25c: {  	[tilespmem:$0x1FE80] =	vst v20;
	v20 =	vsub.f32 v24, v51;
	v24 =	vadd.s32 v53, v63;
	vm6 =	vle.f32 v17, v23  }
0x25d: {  	vm7 =	vle.f32 v17, v19;
	vm12 =	vle.f32 v23, v18;
	v13 =	vsel vm15, $0x1, v0  }
0x25e: {  	v24 =	vadd.s32 v56, v24;
	v48 =	vsel vm6, $0xFFFFFFFF, v0;
	v56 =	vsel vm12, $0x1, v0  }
0x25f: {  	v61 =	vsel vm6, $0x2, v3;
	v38 =	vand.u32 $0x7FFFFFFF, v35;
	v39 =	vand.u32 $0x7FFFFFFF, v36  }
0x260: {  	v41 =	vand.u32 $0x7FFFFFFF, v40;
	v28 =	vand.u32 $0x7FFFFFFF, v28;
	v15 =	vand.u32 $0x7FFFFFFF, v15  }
0x261: {  	v20 =	vand.u32 $0x7FFFFFFF, v20;
	vm8 =	vle.f32 v38, $9.000000350e-02;
	vm9 =	vle.f32 v39, $9.000000350e-02  }
0x262: {  	vm10 =	vle.f32 v41, $9.000000350e-02;
	vm11 =	vle.f32 v28, $9.000000350e-02;
	v28 =	vmax.f32 v54, v55  }
0x263: {  	v41 =	vsel vm5, $0x1, v0;
	vm1 =	vlt.f32 v20, $2.999999930e-02;
	vm13 =	vlt.f32 v15, $2.999999930e-02  }
0x264: {  	v38 =	vimm.s32 $0x0;
	v21 =	vsub.f32 v43, v28;
	v27 =	vsub.f32 v47, v28  }
0x265: {  	vm0 =	vmand vm8, vm9;
	v26 =	vsub.f32 v49, v28;
	v25 =	vsub.f32 v52, v28  }
0x266: {  	vm8 =	vle.f32 v17, v18;
	vm9 =	vle.f32 v19, v23;
	vm0 =	vmand vm10, vm0  }
0x267: {  	v17 =	vsel vm8, $0xFFFFFFFF, v0;
	v49 =	vsel vm8, $0x1, v0;
	v50 =	vsel vm9, $0xFFFFFFFF, v0  }
0x268: {  	v51 =	vsel vm9, $0x1, v0;
	vm10 =	vle.f32 v19, v18;
	v18 =	vsel vm12, $0xFFFFFFFF, v0  }
0x269: {  	vm8 =	veq.f32 v16, $0.0e+00;
	vm9 =	veq.f32 v22, $0.0e+00;
	v21 =	vmul.f32 $1.442695020e+00, v21  }
0x26a: {  	vm11 =	vmand vm11, vm0;
	v27 =	vmul.f32 $1.442695020e+00, v27;
	v40 =	vmul.f32 $1.442695020e+00, v26  }
0x26b: {  	v43 =	vmul.f32 $1.442695020e+00, v25;
	v26 =	vadd.s32 v41, v46;
	v53 =	vsel vm10, $0xFFFFFFFF, v0  }
0x26c: {  	v54 =	vsel vm10, $0x1, v0;
	v17 =	vadd.s32 v17, v48;
	v35 =	vsel vm9, $0x1, v0  }
0x26d: {  	v29 =	vadd.s32 v53, v50;
	v28 =	vadd.s32 v54, v49;
	(erf) = vpow2.f32 v21  }
0x26e: {  	v28 =	vadd.s32 v56, v28;
	(erf) = vpow2.f32 v27;
	v27 =	vadd.s32 v58, v42  }
0x26f: {  	v58 =	vsel vm7, $0x2, v1;
	vm12 =	veq.s32 v28, v26;
	(erf) = vpow2.f32 v40  }
0x270: {  	v44 =	vadd.s32 v60, v27;
	v27 =	vadd.s32 v59, v45;
	v59 =	vsel vm7, $0x3, v2  }
0x271: {  	v54 =	vld [tilespmem:s19+$0x2200];
	v17 =	vadd.s32 v58, v17;
	vm7 =	veq.f32 v14, $0.0e+00;
	v16 =	vsel vm12, $0xFFFFFFFF, v37  }
0x272: {  	v56 =	vld [tilespmem:s19+$0x2280];
	(erf) = vpow2.f32 v43;
	v47 =	vadd.s32 v62, v27;
	v27 =	vadd.s32 v59, v29  }
0x273: {  	v62 =	vadd.s32 v51, v61;
	vm5 =	veq.s32 v17, v24;
	v14 =	vsel vm7, $0x1, v0  }
0x274: {  	v58 =	vld [tilespmem:s19+$0x2300];
	vm10 =	vgt.u32 v17, $0x1;
	v18 =	vadd.s32 v18, v62;
	vm0 =	veq.s32 v27, v44  }
0x275: {  	[tilespmem:$0x1FED0] =	vst v16;
	v17 =	vld [tilespmem:s19+$0x5080];
	v16 =	vsel vm5, $0xFFFFFFFF, v38;
	vm3 =	vmand vm5, vm10;
	v13 =	vadd.s32 v13, v14  }
0x276: {  	v59 =	vld [tilespmem:s19+$0x2380];
	vm10 =	veq.s32 v28, $0x3;
	vm6 =	veq.s32 v18, v47;
	v39 =	vsel vm3, $0x1, v0  }
0x277: {  	[tilespmem:$0x1FEB0] =	vst v16;
	v16 =	vld [tilespmem:s19+$0x5000];
	v38 =	vmax.f32 v54, v56;
	vm14 =	vmor vm1, vm6;
	v15 =	vsel vm6, $0xFFFFFFFF, v33  }
0x278: {  	vm2 =	vmand vm13, vm14;
	vm13 =	vgt.u32 v27, $0x1;
	vm14 =	vgt.u32 v18, $0x1  }
0x279: {  	vm1 =	vmand vm1, vm5;
	v18 =	vld [tilespmem:s19+$0x5100];
	vm0 =	vmand vm0, vm13;
	vm15 =	vmand vm6, vm14;
	v52 =	vpop (erf)  }
0x27a: {  	[tilespmem:$0x1FEC0] =	vst v15;
	v15 =	vld [tilespmem:s19+$0x5180];
	vm6 =	vgt.u32 v28, $0x1;
	v40 =	vsel vm0, $0x1, v0;
	v41 =	vsel vm15, $0x1, v0;
	v55 =	vpop (erf)  }
0x27b: {  	vm7 =	vmand vm12, vm6;
	v14 =	vadd.s32 v40, v39;
	v57 =	vadd.f32 v55, v52  }
0x27c: {  	v43 =	vsel vm7, $0x1, v0;
	v50 =	vmin.f32 v16, v17;
	v39 =	vmax.f32 v58, v59;
	v60 =	vpop (erf)  }
0x27d: {  	v14 =	vadd.s32 v41, v14;
	v33 =	vmax.f32 v38, v39;
	v34 =	vadd.f32 v57, v60  }
0x27e: {  	v51 =	vmax.f32 v16, v17;
	v63 =	vpop (erf);
	v14 =	vadd.s32 v43, v14;
	v29 =	vsub.f32 v54, v33  }
0x27f: {  	v53 =	vmax.f32 v18, v15;
	v28 =	vsub.f32 v56, v33;
	v32 =	vadd.f32 v34, v63  }
0x280: {  	v30 =	vsub.f32 v58, v33;
	v27 =	vsub.f32 v59, v33;
	vm9 =	veq.s32 v14, $0x2  }
0x281: {  	v26 =	vmin.f32 v51, v53;
	v45 =	vsel vm9, $0x3F800000, v4;
	(erf) = vrcp.f32 v32  }
0x282: {  	vm9 =	vle.f32 v16, v17;
	v29 =	vmul.f32 $1.442695020e+00, v29;
	v28 =	vmul.f32 $1.442695020e+00, v28  }
0x283: {  	v43 =	vmul.f32 $1.442695020e+00, v30;
	v27 =	vmul.f32 $1.442695020e+00, v27;
	v34 =	vsel vm8, $0x1, v0  }
0x284: {  	vm8 =	vmor vm1, vm2;
	v37 =	vsel vm9, $0x2, v1;
	v13 =	vadd.s32 v34, v13  }
0x285: {  	vm0 =	vmand vm11, vm8;
	vm8 =	vle.f32 v16, v18;
	(erf) = vpow2.f32 v29  }
0x286: {  	vm11 =	vle.f32 v17, v18;
	v13 =	vadd.s32 v35, v13;
	(erf) = vpow2.f32 v28  }
0x287: {  	v62 =	vsel vm8, $0xFFFFFFFF, v0;
	v32 =	vsel vm11, $0xFFFFFFFF, v0;
	v40 =	vsel vm11, $0x1, v0  }
0x288: {  	v41 =	vsel vm8, $0x2, v3;
	vm12 =	veq.s32 v13, $0x3;
	vm15 =	veq.s32 v13, $0x2  }
0x289: {  	v25 =	vadd.s32 v62, v37;
	v35 =	vadd.s32 v40, v41;
	v62 =	vimm.s32 $0x0  }
0x28a: {  	vm2 =	vmand vm12, vm10;
	vm10 =	vle.f32 v16, v15;
	vm12 =	vle.f32 v17, v15;
	v42 =	vpop (erf)  }
0x28b: {  	v46 =	vsel vm2, $0x3F800000, v4;
	(erf) = vpow2.f32 v43;
	v21 =	vmul.f32 $3.000000000e+00, v42  }
0x28c: {  	v31 =	vsel vm10, $0x1, v0;
	v34 =	vsel vm12, $0xFFFFFFFF, v0;
	(erf) = vpow2.f32 v27  }
0x28d: {  	v36 =	vsel vm12, $0x1, v0;
	v19 =	vmul.f32 v21, v52;
	v20 =	vmul.f32 v21, v55  }
0x28e: {  	v43 =	vadd.s32 v36, v31;
	v54 =	vpop (erf);
	v22 =	vmul.f32 v21, v60;
	v21 =	vmul.f32 v21, v63  }
0x28f: {  	v56 =	vpop (erf);
	v52 =	vmin.f32 v18, v15;
	v60 =	vimm.s32 $0x0;
	v63 =	vsel vm10, $0xFFFFFFFF, v0  }
0x290: {  	v59 =	vadd.f32 v56, v54;
	v55 =	vmax.f32 v50, v52;
	v44 =	vsub.f32 v19, v16  }
0x291: {  	v25 =	vadd.s32 v63, v25;
	v23 =	vsub.f32 v20, v17;
	v47 =	vsub.f32 v22, v18  }
0x292: {  	v49 =	vsub.f32 v21, v15;
	v57 =	vmin.f32 v26, v55;
	v26 =	vmax.f32 v26, v55  }
0x293: {  	vm8 =	vle.f32 v20, v22;
	vm10 =	vle.f32 v22, v21;
	v26 =	vsub.f32 v26, v57  }
0x294: {  	v58 =	vsel vm10, $0x1, v0;
	v14 =	vand.u32 $0x7FFFFFFF, v44;
	v23 =	vand.u32 $0x7FFFFFFF, v23  }
0x295: {  	v48 =	vand.u32 $0x7FFFFFFF, v47;
	v44 =	vsel vm9, $0x3, v2;
	vm9 =	vle.f32 v20, v21  }
0x296: {  	vm13 =	vle.f32 v14, $9.000000350e-02;
	vm14 =	vle.f32 v23, $9.000000350e-02;
	vm6 =	vle.f32 v48, $9.000000350e-02  }
0x297: {  	v14 =	vand.u32 $0x7FFFFFFF, v49;
	v23 =	vmin.f32 v50, v52;
	v61 =	vand.u32 $0x7FFFFFFF, v26  }
0x298: {  	v48 =	vsel vm8, $0xFFFFFFFF, v0;
	v49 =	vsel vm8, $0x1, v0;
	v51 =	vsel vm9, $0xFFFFFFFF, v0  }
0x299: {  	vm8 =	veq.f32 v18, $0.0e+00;
	v41 =	vadd.s32 v32, v44;
	vm1 =	vmand vm13, vm14  }
0x29a: {  	vm7 =	vle.f32 v14, $9.000000350e-02;
	v23 =	vsub.f32 v23, v57;
	v14 =	vsel vm0, $0xFFFFFFFF, v60  }
0x29b: {  	vm13 =	vle.f32 v18, v15;
	vm14 =	vle.f32 v19, v21;
	v57 =	vsel vm9, $0x1, v0  }
0x29c: {  	vm11 =	vlt.f32 v61, $2.999999930e-02;
	v61 =	vimm.s32 $0x0;
	v18 =	vsel vm8, $0x1, v0  }
0x29d: {  	vm1 =	vmand vm6, vm1;
	[tilespmem:$0x1FE40] =	vst v14;
	v14 =	vsel vm15, v45, v46;
	v42 =	vsel vm13, $0xFFFFFFFF, v0  }
0x29e: {  	v60 =	vpop (erf);
	v29 =	vsel vm13, $0x1, v0;
	vm15 =	vle.f32 v19, v20;
	v46 =	vsel vm14, $0xFFFFFFFF, v0  }
0x29f: {  	v47 =	vsel vm14, $0x1, v0;
	v63 =	vadd.f32 v59, v60;
	vm4 =	vmand vm7, vm1  }
0x2a0: {  	v23 =	vand.u32 $0x7FFFFFFF, v23;
	v45 =	vadd.s32 v42, v35;
	vm7 =	vle.f32 v19, v22  }
0x2a1: {  	v53 =	vsel vm15, $0x2, v1;
	v22 =	vsel vm10, $0xFFFFFFFF, v0;
	v38 =	vsel vm15, $0x3, v2  }
0x2a2: {  	vm15 =	veq.f32 v16, $0.0e+00;
	v42 =	vadd.s32 v51, v48;
	v44 =	vadd.s32 v57, v47  }
0x2a3: {  	v50 =	vsel vm7, $0xFFFFFFFF, v0;
	v52 =	vsel vm7, $0x2, v3;
	vm13 =	vlt.f32 v23, $2.999999930e-02  }
0x2a4: {  	v16 =	vsel vm15, $0x1, v0;
	vm7 =	veq.f32 v17, $0.0e+00;
	v24 =	vadd.s32 v38, v42  }
0x2a5: {  	v19 =	vadd.s32 v46, v50;
	v55 =	vadd.s32 v49, v52;
	v17 =	vsel vm7, $0x1, v0  }
0x2a6: {  	v46 =	vimm.s32 $0x0;
	vm7 =	veq.f32 v15, $0.0e+00;
	v19 =	vadd.s32 v53, v19  }
0x2a7: {  	v21 =	vadd.s32 v22, v55;
	v22 =	vadd.s32 v58, v44;
	v16 =	vadd.s32 v16, v17  }
0x2a8: {  	v15 =	vsel vm7, $0x1, v0;
	vm5 =	veq.s32 v21, v45;
	vm12 =	veq.s32 v19, v25  }
0x2a9: {  	vm9 =	vgt.u32 v19, $0x1;
	v45 =	vadd.s32 v29, v43;
	v23 =	vsel vm5, $0xFFFFFFFF, v61  }
0x2aa: {  	v39 =	vpop (erf);
	vm15 =	vgt.u32 v22, $0x1;
	v16 =	vadd.s32 v18, v16;
	[tilespmem:$0x1FEE0] =	vst v23;
	v23 =	vsel vm12, $0xFFFFFFFF, v62  }
0x2ab: {  	vm14 =	vmor vm11, vm5;
	vm1 =	vmand vm11, vm12;
	[tilespmem:$0x1FEF0] =	vst v23;
	v23 =	vadd.f32 v63, v39  }
0x2ac: {  	vm10 =	vmand vm12, vm9;
	v16 =	vadd.s32 v15, v16;
	vm9 =	veq.s32 v22, $0x3  }
0x2ad: {  	vm2 =	vmand vm13, vm14;
	v40 =	vsel vm10, $0x1, v0;
	(erf) = vrcp.f32 v23  }
0x2ae: {  	v18 =	vld [tilespmem:s19+$0x5280];
	vm12 =	vgt.u32 v24, $0x1;
	vm13 =	veq.s32 v22, v45;
	v23 =	vadd.s32 v34, v41  }
0x2af: {  	vm14 =	vgt.u32 v21, $0x1;
	v21 =	vld [tilespmem:s19+$0x5380];
	vm11 =	veq.s32 v24, v23;
	v23 =	vsel vm13, $0xFFFFFFFF, v46  }
0x2b0: {  	vm10 =	veq.s32 v16, $0x3;
	vm0 =	vmor vm1, vm2;
	vm1 =	vmand vm11, vm12;
	[tilespmem:$0x1FF00] =	vst v23;
	v23 =	vld [tilespmem:s19+$0x5300]  }
0x2b1: {  	vm5 =	vmand vm5, vm14;
	vm6 =	vmand vm13, vm15;
	v47 =	vsel vm1, $0x1, v0  }
0x2b2: {  	v48 =	vsel vm5, $0x1, v0;
	v49 =	vsel vm6, $0x1, v0;
	v19 =	vadd.s32 v47, v40  }
0x2b3: {  	vm14 =	vmand vm4, vm0;
	vm1 =	vmand vm10, vm9;
	v50 =	vadd.s32 v48, v19;
	v19 =	vld [tilespmem:s19+$0x5200]  }
0x2b4: {  	vm11 =	veq.s32 v16, $0x2;
	v53 =	vsel vm1, $0x3F800000, v4;
	v17 =	vadd.s32 v49, v50  }
0x2b5: {  	vm8 =	veq.s32 v17, $0x2;
	vm7 =	vle.f32 v18, v23;
	v40 =	vmin.f32 v23, v21  }
0x2b6: {  	v41 =	vmax.f32 v23, v21;
	v17 =	vsel vm8, $0x3F800000, v4;
	v62 =	vsel vm7, $0xFFFFFFFF, v0;
	v51 =	vpop (erf)  }
0x2b7: {  	v63 =	vsel vm7, $0x1, v0;
	v15 =	vsel vm11, v17, v53;
	v52 =	vmul.f32 $3.000000000e+00, v51  }
0x2b8: {  	vm9 =	vle.f32 v19, v23;
	v38 =	vmin.f32 v19, v18;
	vm8 =	vle.f32 v19, v21  }
0x2b9: {  	v36 =	vsel vm9, $0xFFFFFFFF, v0;
	v37 =	vsel vm9, $0x2, v3;
	v44 =	vmax.f32 v38, v40  }
0x2ba: {  	v29 =	vmin.f32 v38, v40;
	v20 =	vmul.f32 v52, v54;
	v22 =	vmul.f32 v52, v56  }
0x2bb: {  	v47 =	vsel vm8, $0xFFFFFFFF, v0;
	v54 =	vmul.f32 v52, v60;
	v25 =	vmul.f32 v52, v39  }
0x2bc: {  	v39 =	vmax.f32 v19, v18;
	v24 =	vadd.s32 v63, v37;
	v55 =	vsub.f32 v20, v19  }
0x2bd: {  	v30 =	vmin.f32 v39, v41;
	v56 =	vsub.f32 v22, v18;
	v57 =	vsub.f32 v54, v23  }
0x2be: {  	v60 =	vsub.f32 v25, v21;
	vm11 =	vle.f32 v20, v54;
	v45 =	vmin.f32 v30, v44  }
0x2bf: {  	v30 =	vmax.f32 v30, v44;
	vm7 =	vle.f32 v22, v54;
	vm3 =	vle.f32 v54, v25  }
0x2c0: {  	vm2 =	vle.f32 v20, v22;
	vm9 =	vle.f32 v22, v25;
	v42 =	vsel vm11, $0xFFFFFFFF, v0  }
0x2c1: {  	v43 =	vsel vm11, $0x2, v3;
	v29 =	vsub.f32 v29, v45;
	v30 =	vsub.f32 v30, v45  }
0x2c2: {  	v50 =	vsel vm7, $0x1, v0;
	v53 =	vsel vm3, $0xFFFFFFFF, v0;
	vm11 =	veq.f32 v19, $0.0e+00  }
0x2c3: {  	v58 =	vand.u32 $0x7FFFFFFF, v55;
	v59 =	vand.u32 $0x7FFFFFFF, v56;
	v17 =	vand.u32 $0x7FFFFFFF, v57  }
0x2c4: {  	v38 =	vld [tilespmem:$0x1FE40];
	v61 =	vand.u32 $0x7FFFFFFF, v60;
	v52 =	vadd.s32 v50, v43;
	v56 =	vsel vm7, $0xFFFFFFFF, v0  }
0x2c5: {  	v57 =	vsel vm9, $0x1, v0;
	vm7 =	veq.f32 v21, $0.0e+00;
	vm15 =	vle.f32 v58, $9.000000350e-02  }
0x2c6: {  	vm4 =	vle.f32 v59, $9.000000350e-02;
	vm5 =	vle.f32 v17, $9.000000350e-02;
	vm6 =	vle.f32 v61, $9.000000350e-02  }
0x2c7: {  	v51 =	vand.u32 $0x7FFFFFFF, v29;
	v30 =	vand.u32 $0x7FFFFFFF, v30;
	v29 =	vadd.s32 v53, v52  }
0x2c8: {  	v58 =	vsel vm3, $0x1, v0;
	v59 =	vsel vm2, $0x3, v2;
	v61 =	vsel vm7, $0x1, v0  }
0x2c9: {  	vm3 =	vlt.u32 v9, $0x2;
	vm7 =	vnez.u8 v38;
	vm0 =	vmand vm15, vm4  }
0x2ca: {  	vm4 =	vle.f32 v20, v25;
	v20 =	vsel vm2, $0x2, v1;
	vm12 =	vlt.f32 v51, $2.999999930e-02  }
0x2cb: {  	v25 =	vsel vm9, $0xFFFFFFFF, v0;
	vm0 =	vmand vm5, vm0;
	vm5 =	vle.f32 v19, v18  }
0x2cc: {  	v49 =	vsel vm4, $0xFFFFFFFF, v0;
	v55 =	vsel vm4, $0x1, v0;
	vm4 =	veq.f32 v18, $0.0e+00  }
0x2cd: {  	v19 =	vsel vm11, $0x1, v0;
	v63 =	vadd.s32 v25, v56;
	v25 =	vsel vm8, $0x1, v0  }
0x2ce: {  	vm10 =	vmand vm6, vm0;
	v46 =	vsel vm5, $0x2, v1;
	vm6 =	vle.f32 v23, v21  }
0x2cf: {  	v28 =	vadd.s32 v49, v42;
	vm0 =	vlt.f32 v30, $2.999999930e-02;
	v54 =	vsel vm5, $0x3, v2  }
0x2d0: {  	v60 =	vsel vm4, $0x1, v0;
	vm5 =	veq.f32 v23, $0.0e+00;
	v48 =	vsel vm6, $0xFFFFFFFF, v0  }
0x2d1: {  	v27 =	vadd.s32 v36, v46;
	v20 =	vadd.s32 v20, v28;
	v24 =	vadd.s32 v48, v24  }
0x2d2: {  	v23 =	vsel vm5, $0x1, v0;
	v17 =	vadd.s32 v62, v54;
	vm13 =	veq.s32 v29, v24  }
0x2d3: {  	v19 =	vadd.s32 v19, v60;
	v27 =	vadd.s32 v47, v27;
	vm15 =	vmor vm0, vm13  }
0x2d4: {  	v24 =	vadd.s32 v57, v55;
	vm1 =	vmand vm12, vm15;
	vm12 =	veq.s32 v20, v27  }
0x2d5: {  	v19 =	vadd.s32 v23, v19;
	v22 =	vadd.s32 v58, v24;
	vm0 =	vmand vm0, vm12  }
0x2d6: {  	v30 =	vld [tilespmem:$0x1FE20];
	v27 =	vsel vm6, $0x1, v0;
	vm5 =	vgt.u32 v22, $0x1;
	vm0 =	vmor vm0, vm1  }
0x2d7: {  	vm6 =	vlt.u32 v12, $0x2;
	vm15 =	vmand vm10, vm0;
	vm0 =	vle.f32 v18, v21  }
0x2d8: {  	v21 =	vadd.s32 v59, v63;
	v18 =	vadd.s32 v61, v19;
	vm10 =	veq.s32 v22, $0x3  }
0x2d9: {  	v62 =	vsel vm0, $0xFFFFFFFF, v0;
	vm9 =	vgt.u32 v21, $0x1;
	vm11 =	veq.s32 v18, $0x3  }
0x2da: {  	v26 =	vsel vm0, $0x1, v0;
	v17 =	vadd.s32 v62, v17;
	vm10 =	vmand vm11, vm10  }
0x2db: {  	v28 =	vadd.s32 v26, v25;
	vm11 =	vnez.u8 v30;
	vm1 =	veq.s32 v21, v17  }
0x2dc: {  	vm8 =	vmor vm3, vm11;
	v9 =	vadd.s32 v27, v28;
	v40 =	vsel vm10, $0x3F800000, v4  }
0x2dd: {  	v36 =	vld [tilespmem:$0x1FE30];
	vm2 =	vmand vm1, vm9;
	vm9 =	vgt.u32 v20, $0x1;
	v31 =	vsel vm8, $0x3F800000, v11  }
0x2de: {  	vm1 =	vgt.u32 v29, $0x1;
	vm0 =	vmand vm12, vm9;
	vm9 =	veq.s32 v22, v9  }
0x2df: {  	v33 =	vsel vm2, $0x1, v0;
	v7 =	vadd.f32 v31, v7;
	vm2 =	vlt.u32 v13, $0x2  }
0x2e0: {  	v45 =	vld [tilespmem:$0x1FE70];
	v32 =	vsel vm0, $0x1, v0;
	vm0 =	vmand vm13, vm1;
	vm1 =	vmand vm9, vm5  }
0x2e1: {  	v43 =	vld [tilespmem:$0x1FE60];
	vm5 =	vmor vm2, vm7;
	v34 =	vsel vm0, $0x1, v0;
	v35 =	vsel vm1, $0x1, v0  }
0x2e2: {  	v42 =	vld [tilespmem:$0x1FE50];
	v9 =	vadd.s32 v33, v32;
	vm1 =	vnez.u8 v36;
	v39 =	vsel vm5, $0x3F800000, v14  }
0x2e3: {  	v52 =	vld [tilespmem:$0x1FEC0];
	vm5 =	vlt.u32 v16, $0x2;
	v9 =	vadd.s32 v34, v9;
	vm4 =	vmor vm6, vm1  }
0x2e4: {  	v46 =	vld [tilespmem:$0x1FE80];
	vm0 =	vmor vm5, vm14;
	v37 =	vsel vm4, $0x3F800000, v10;
	v9 =	vadd.s32 v35, v9  }
0x2e5: {  	v51 =	vld [tilespmem:$0x1FEB0];
	vm4 =	vmmov vm14;
	vm14 =	veq.s32 v18, $0x2;
	v41 =	vsel vm0, $0x3F800000, v15  }
0x2e6: {  	v48 =	vld [tilespmem:$0x1FE90];
	vm0 =	vlt.u32 v18, $0x2;
	v7 =	vadd.f32 v37, v7;
	vm8 =	veq.s32 v9, $0x2  }
0x2e7: {  	v49 =	vld [tilespmem:$0x1FEA0];
	vm10 =	vmor vm0, vm15;
	v9 =	vsel vm8, $0x3F800000, v4;
	vm8 =	vnez.u8 v42  }
0x2e8: {  	v54 =	vld [tilespmem:$0x1FED0];
	v7 =	vadd.f32 v39, v7;
	v9 =	vsel vm14, v9, v40;
	vm14 =	vnez.u8 v43  }
0x2e9: {  	v57 =	vld [tilespmem:$0x1FEF0];
	vm8 =	vmand vm8, vm14;
	vm14 =	vnez.u8 v46;
	v47 =	vsel vm10, $0x3F800000, v9  }
0x2ea: {  	v7 =	vadd.f32 v41, v7;
	v44 =	vsel vm8, $0x3F800000, v4;
	vm8 =	vnez.u8 v45  }
0x2eb: {  	v58 =	vld [tilespmem:$0x1FF00];
	vm10 =	vnez.u8 v48;
	vm8 =	vmand vm8, vm14;
	v11 =	vsel vm3, v44, v11  }
0x2ec: {  	v56 =	vld [tilespmem:$0x1FEE0];
	vm14 =	vnez.u8 v49;
	vm3 =	vmand vm10, vm8;
	v7 =	vadd.f32 v47, v7  }
0x2ed: {  	v8 =	vsel vm14, $0x3F800000, v8;
	v11 =	vsel vm11, $0x3F800000, v11;
	vm10 =	vnez.u8 v51  }
0x2ee: {  	vm11 =	vnez.u8 v52;
	vm14 =	vnez.u8 v54;
	vm8 =	vnez.u8 v57  }
0x2ef: {  	v50 =	vsel vm3, $0x3F800000, v4;
	vm3 =	vmand vm10, vm11;
	v8 =	vadd.f32 v11, v8  }
0x2f0: {  	vm10 =	vnez.u8 v58;
	v10 =	vsel vm6, v50, v10;
	v53 =	vmax.f32 v7, $1.000000000e+00  }
0x2f1: {  	vm3 =	vmand vm14, vm3;
	vm6 =	vnez.u8 v56;
	(erf) = vrcp.f32 v53  }
0x2f2: {  	v10 =	vsel vm1, $0x3F800000, v10;
	v55 =	vsel vm3, $0x3F800000, v4;
	vm3 =	vmand vm8, vm6  }
0x2f3: {  	v11 =	vsel vm2, v55, v14;
	vm11 =	vmand vm10, vm3;
	v8 =	vadd.f32 v10, v8  }
0x2f4: {  	vm12 =	vmand vm12, vm13;
	v59 =	vsel vm7, $0x3F800000, v11;
	v60 =	vsel vm11, $0x3F800000, v4  }
0x2f5: {  	vm13 =	vmand vm9, vm12;
	v8 =	vadd.f32 v59, v8;
	v61 =	vsel vm5, v60, v15  }
0x2f6: {  	v62 =	vsel vm13, $0x3F800000, v4;
	v10 =	vsel vm4, $0x3F800000, v61  }
0x2f7: {  	v9 =	vsel vm0, v62, v9;
	v8 =	vadd.f32 v10, v8  }
0x2f8: {  	v9 =	vsel vm15, $0x3F800000, v9  }
0x2f9: {  	p0 =	sne.s32 s17, $0x1F0;
	v8 =	vadd.f32 v9, v8  }
.Ltmp1:
0x2fa: {  	v63 =	vpop (erf);
	(pc) =	sbr.rel @p0 .LBB2_4-.Ltmp1, $4  }
0x2fb: {  	vm14 =	vlt.f32 v7, $0.0e+00;
	vm15 =	vgt.f32 v7, $0.0e+00;
	v7 =	vmul.f32 v63, v8  }
0x2fc: {  	vm0 =	vmor vm15, vm14  }
0x2fd: {  	v8 =	vsel vm0, $0x3F800000, v4;
	v7 =	vnsel vm0, $0x0, v7  }
0x2fe: {  	s18 =	sadd.s32 $0x80, s18;
	s17 =	sadd.s32 $0x10, s17;
	v5 =	vadd.f32 v8, v5;
	v6 =	vadd.f32 v7, v6  }
0x2ff: {  	s0 =	sadd.s32 $0x1, s0  }
0x300: {  	[tilespmem:$0x6000] =	vst v6;
	p0 =	sne.s32 s0, s6  }
.Ltmp2:
0x301: {  	[tilespmem:$0x6080] =	vst v5;
	(pc) =	sbr.rel @p0 .LBB2_1-.Ltmp2, $4  }
0x302: {  	[hbm4b:s5+s2] =	stream.linear.scatter [tilespmem:s31], [sflag:$0x3], $0x100, $0x38;
	[tilespmem:$0x6100] =	vst v63  }
0x303: {  	_ =	swait.ge [sflag:s1], $0x100  }
0x304: {  	[sflag:s1] =	ssyncset.done $0x0  }
0x305: {  	[sflag:s1] =	ssyncadd.s32 $0xFFFFFF00  }
0x306: {  	_ =	sfence.sel $0x180000  }
0x307: {  	[bflag:$0x0] =	sbarrier.arrive $0xFFFF  }
0x308: {  	_ =	strace $0x90000047  }
0x309: {  	s0 =	stileid.u32;
	[bflag:$0x2] =	sbarrier.arrive $0xFFFF  }
0x30a: {  	p0 =	sne.s32 s0, $0x0;
	s0 =	rddreg [dreg:$0x1]  }
0x30b: {  	s0 =	sadd.s32 @!p0 $0x100000, s0  }
0x30c: {  	[sflag:s0] =	ssyncadd.tile.s32 @!p0 $0x1;
	_ =	shalt  }
.Lfunc_end2:
_tile_overlayer_lowered:
.L_overlay_start_2:
0x30d: {  	(tag) =	ssettag $0x2  }
0x30e: {  	s0 =	rddreg [dreg:$0x0];
	s2 =	stileid.u32  }
0x30f: {  	s1 =	rddreg [dreg:$0x1];
	p0 =	sne.s32 s2, $0x0  }
0x310: {  	s3 =	rddreg [dreg:$0x2];
	[bflag:$0x3] =	sbarrier.arrive $0xFFFF;
	s2 =	simm.s32 @!p0 $0x1C03  }
0x311: {  	[timem:s3], [sflag:s2] =	dma.local @!p0 [hbm:s0], s1  }
0x312: {  	s0 =	simm.s32 @!p0 $0x3  }
0x313: {  	_ =	swait.ge @!p0 [sflag:s0], s1  }
0x314: {  	s1 =	ssub.s32 @!p0 $0x0, s1;
	[sflag:s0] =	ssyncset.done @!p0 $0x0  }
0x315: {  	[sflag:s0] =	ssyncadd.s32 @!p0 s1  }
0x316: {  	[bflag:$0x3] =	sbarrier.arrive $0xFFFF  }
0x317: {  	_ =	shalt  }

</sc_bundles>
